<compile_context>
chip_gen: v7x
topology: tpu7x:2x2x1
jax: 0.10.2.dev20260603
libtpu: 0.0.44.dev20260713+nightly
codegen_flags: <defaults>
</compile_context>

<pallas_src>
import jax
import jax.numpy as jnp
from jax import lax
from jax.experimental import pallas as pl
from jax.experimental.pallas import tpu as pltpu
from jax.experimental.pallas import tpu_sc as plsc

B, C, NNEG, V, D = 16384, 20, 10, 1000000, 64
K = C + NNEG
KP = 32
NW = 32
SPW = B // NW
GS = 16
NG = SPW // GS
JB = 10
NJB = K // JB
RPU = GS * JB
IDX_CHUNK = 80
NCHUNK = RPU // IDX_CHUNK


def _gather_start(table_hbm, idx_slice, dst_slice, sem):
    pltpu.async_copy(table_hbm.at[idx_slice], dst_slice, sem)


def _gather_wait(table_hbm, idx_slice, dst_slice, sem):
    pltpu.make_async_copy(table_hbm.at[idx_slice], dst_slice, sem).wait()


def _sc_scores_body(ctx_hbm, neg_hbm, inv_hbm, table_hbm, out_hbm,
                    ctx_v, neg_v, ilist_v, inv_v, rows0, rows1, scores_v,
                    sem0, sem1):
    wid = lax.axis_index("s") * 2 + lax.axis_index("c")
    base = wid * SPW

    pltpu.sync_copy(ctx_hbm.at[pl.ds(base * C, SPW * C)], ctx_v)
    pltpu.sync_copy(neg_hbm.at[pl.ds(base * NNEG, SPW * NNEG)], neg_v)
    pltpu.sync_copy(inv_hbm.at[pl.ds(base * D, SPW * D)], inv_v)

    iota = lax.iota(jnp.int32, 16)
    iotaC = iota * C
    iotaN = iota * NNEG
    iotaJ = iota * JB
    iotaD = iota * D

    for j in range(K):
        jb, jj = divmod(j, JB)

        def s_body(s, _, j=j, jb=jb, jj=jj):
            if j < C:
                raw = plsc.load_gather(ctx_v, [iotaC + (s * (GS * C) + j)])
            else:
                raw = plsc.load_gather(neg_v, [iotaN + (s * (GS * NNEG) + (j - C))])
            tgt = iotaJ + (s * (NJB * RPU) + jb * RPU + jj)
            plsc.store_scatter(ilist_v, [tgt], raw)
            return 0

        lax.fori_loop(0, NG, s_body, 0)

    bufs = (rows0, rows1)
    sems = (sem0, sem1)

    def issue(u, par):
        buf, sem = bufs[par], sems[par]
        for c in range(NCHUNK):
            _gather_start(
                table_hbm,
                ilist_v.at[pl.ds(u * RPU + c * IDX_CHUNK, IDX_CHUNK)],
                buf.at[pl.ds(c * IDX_CHUNK, IDX_CHUNK), :],
                sem)

    def drain(u, par):
        buf, sem = bufs[par], sems[par]
        for c in range(NCHUNK):
            _gather_wait(
                table_hbm,
                ilist_v.at[pl.ds(u * RPU + c * IDX_CHUNK, IDX_CHUNK)],
                buf.at[pl.ds(c * IDX_CHUNK, IDX_CHUNK), :],
                sem)

    pad = jnp.full((16,), 1e9, jnp.float32)
    for r in range(K, KP):
        for s in range(NG):
            scores_v[r, pl.ds(s * GS, GS)] = pad

    zero = jnp.zeros((16,), jnp.float32)

    def unit(g, jb, buf):
        ridx = [iotaJ + i for i in range(JB)]

        @plsc.parallel_loop(0, D, unroll=2, carry=(zero,) * JB)
        def accs(d, accs):
            col = (iota + d) & (D - 1)
            ind = plsc.load_gather(inv_v, [iotaD + g * (GS * D) + col])
            return tuple(
                accs[i] + ind * plsc.load_gather(buf, [ridx[i], col])
                for i in range(JB))

        for i in range(JB):
            j = jb * JB + i
            scores_v[j, pl.ds(g * GS, GS)] = accs[i] if j < C else -accs[i]

    issue(0, 0)

    def g_pair(p, _):
        gbase = p * 2
        for k in range(2 * NJB):
            u = gbase * NJB + k
            g, jb = gbase + k // NJB, k % NJB
            if k < 2 * NJB - 1:
                issue(u + 1, (k + 1) % 2)
            else:
                @pl.when(p < NG // 2 - 1)
                def _():
                    issue(u + 1, 0)
            drain(u, k % 2)
            unit(g, jb, bufs[k % 2])
        return 0

    lax.fori_loop(0, NG // 2, g_pair, 0)

    pltpu.sync_copy(scores_v, out_hbm.at[:, pl.ds(base, SPW)])


@jax.jit
def _sc_scores(ctx_flat, neg_flat, inv_flat, table2):
    mesh = plsc.VectorSubcoreMesh(core_axis_name="c", subcore_axis_name="s")
    return pl.kernel(
        _sc_scores_body,
        mesh=mesh,
        compiler_params=pltpu.CompilerParams(needs_layout_passes=False),
        out_type=jax.ShapeDtypeStruct((KP, B), jnp.float32),
        scratch_types=[
            pltpu.VMEM((SPW * C,), jnp.int32),
            pltpu.VMEM((SPW * NNEG,), jnp.int32),
            pltpu.VMEM((SPW * K,), jnp.int32),
            pltpu.VMEM((SPW * D,), jnp.float32),
            pltpu.VMEM((RPU, 128), jnp.float32),
            pltpu.VMEM((RPU, 128), jnp.float32),
            pltpu.VMEM((KP, SPW), jnp.float32),
            pltpu.SemaphoreType.DMA,
            pltpu.SemaphoreType.DMA,
        ],
    )(ctx_flat, neg_flat, inv_flat, table2)


def _tc_loss_body(scores_ref, out_ref):
    x = scores_ref[...]
    ls = jnp.minimum(x, 0.0) - jnp.log1p(jnp.exp(-jnp.abs(x)))
    out_ref[0, 0] = jnp.sum(ls) * (-1.0 / B)


@jax.jit
def _tc_loss(scores2d):
    return pl.pallas_call(
        _tc_loss_body,
        out_shape=jax.ShapeDtypeStruct((1, 1), jnp.float32),
        out_specs=pl.BlockSpec(memory_space=pltpu.SMEM),
    )(scores2d)


def kernel(in_vectors, contexts, neg_contexts, out_emb):
    tablep = jnp.pad(out_emb, ((0, 0), (0, D)))
    scores = _sc_scores(contexts.reshape(-1), neg_contexts.reshape(-1),
                        in_vectors.reshape(-1), tablep)
    loss = _tc_loss(scores)
    return loss[0, 0]

# --- scband reference (transcript-rebuilt; emitter-appended) ---
"""Pipeline reference for scband-neg-25177098289297 (READ-ONLY COPY).

The authoritative reference and input builder live on the scoring server;
editing this copy changes nothing except your own understanding.
"""

import jax, jax.numpy as jnp
import numpy as np

B, C, NNEG, V, D = 16384, 20, 10, 1000000, 64

def setup_inputs(seed: int = 0) -> dict:
    key = jax.random.key(seed)
    k1, k2, k3 = jax.random.split(key, 3)
    in_vectors = jax.random.normal(k1, (B, 1, D), dtype=jnp.float32)
    contexts = jax.random.randint(k2, (B, C), 0, V, dtype=jnp.int32)
    # Negative samples are drawn externally (the torch module samples from a
    # unigram^0.75 noise table with a numpy RNG inside forward). We materialize
    # the sampled negative ids as an integer input so the computation is
    # deterministic and jit-able.
    neg_contexts = jax.random.randint(k3, (B, NNEG), 0, V, dtype=jnp.int32)
    # out_embeddings weight is zero-initialized in the torch module
    out_emb = jnp.zeros((V, D), dtype=jnp.float32)
    return {"in_vectors": in_vectors, "contexts": contexts,
            "neg_contexts": neg_contexts, "out_emb": out_emb}

def reference(in_vectors, contexts, neg_contexts, out_emb):
    # embedding lookups (gather)
    context_pos_vectors = jnp.take(out_emb, contexts, axis=0)      # [B, C, D]
    context_neg_vectors = jnp.take(out_emb, neg_contexts, axis=0)  # [B, NNEG, D]
    log_sigmoid = jax.nn.log_sigmoid
    pos_score = jnp.sum(in_vectors * context_pos_vectors, axis=-1)  # [B, C]
    neg_score = jnp.sum(in_vectors * context_neg_vectors, axis=-1)  # [B, NNEG]
    loss = jnp.sum(log_sigmoid(pos_score)) + jnp.sum(log_sigmoid(-neg_score))
    return -loss / contexts.shape[0]

if __name__ == "__main__":
    import jax
    _d = setup_inputs()
    print(jax.jit(kernel)(*tuple(_d.values())))

</pallas_src>

<mosaic_0001>
#map = affine_map<(d0, d1) -> (0)>
#map1 = affine_map<(d0, d1) -> (0, 0)>
module attributes {stable_mosaic.version = 14 : i64} {
  func.func @_sc_scores_body(%arg0: i32, %arg1: i32, %arg2: memref<327680xi32, #tpu.memory_space<hbm>>, %arg3: memref<163840xi32, #tpu.memory_space<hbm>>, %arg4: memref<1048576xf32, #tpu.memory_space<hbm>>, %arg5: memref<1000000x128xf32, #tpu.memory_space<hbm>>, %arg6: memref<32x16384xf32, #tpu.memory_space<hbm>>, %arg7: memref<10240xi32, #tpu.memory_space<vmem>>, %arg8: memref<5120xi32, #tpu.memory_space<vmem>>, %arg9: memref<15360xi32, #tpu.memory_space<vmem>>, %arg10: memref<32768xf32, #tpu.memory_space<vmem>>, %arg11: memref<160x128xf32, #tpu.memory_space<vmem>>, %arg12: memref<160x128xf32, #tpu.memory_space<vmem>>, %arg13: memref<32x512xf32, #tpu.memory_space<vmem>>, %arg14: memref<!tpu.dma_semaphore, #tpu.memory_space<semaphore_mem>>, %arg15: memref<!tpu.dma_semaphore, #tpu.memory_space<semaphore_mem>>) attributes {dimension_semantics = [#tpu.dimension_semantics<core_parallel>, #tpu.dimension_semantics<subcore_parallel>], iteration_bounds = array<i64: 2, 16>, scalar_prefetch = 0 : i64, scratch_operands = 9 : i64, tpu.core_type = #tpu.core_type<sc_vector_subcore>, window_params = [{transform_indices = #map}, {transform_indices = #map}, {transform_indices = #map}, {transform_indices = #map1}, {transform_indices = #map1}]} {
    %mul3A = arith.constant 2 : i32
    %mul3A_0 = arith.muli %arg1, %mul3A : i32
    %add3A = arith.addi %mul3A_0, %arg0 : i32
    %mul3A_1 = arith.constant 512 : i32
    %mul3A_2 = arith.muli %add3A, %mul3A_1 : i32
    %mul3A_3 = arith.constant 20 : i32
    %mul3A_4 = arith.muli %mul3A_2, %mul3A_3 : i32
    "tpu.region"() ({
      %run_scoped3A = tpu.sem_alloc : memref<!tpu.dma_semaphore, #tpu.memory_space<semaphore_mem>>
      %dma_start3A_510 = tpu.memref_slice %arg2[%mul3A_4] : memref<327680xi32, #tpu.memory_space<hbm>> -> memref<10240xi32, #tpu.memory_space<hbm>>
      %dma_start3A_511 = tpu.memref_slice %arg2[%mul3A_4] : memref<327680xi32, #tpu.memory_space<hbm>> -> memref<10240xi32, #tpu.memory_space<hbm>>
      tpu.enqueue_dma source(%dma_start3A_511 : memref<10240xi32, #tpu.memory_space<hbm>>) target(%arg7 : memref<10240xi32, #tpu.memory_space<vmem>>) target_semaphore(%run_scoped3A : memref<!tpu.dma_semaphore, #tpu.memory_space<semaphore_mem>>)
      %dma_wait3A = tpu.memref_slice %arg2[%mul3A_4] : memref<327680xi32, #tpu.memory_space<hbm>> -> memref<10240xi32, #tpu.memory_space<hbm>>
      %dma_wait3A_512 = tpu.memref_slice %arg2[%mul3A_4] : memref<327680xi32, #tpu.memory_space<hbm>> -> memref<10240xi32, #tpu.memory_space<hbm>>
      tpu.wait_dma2 semaphore(%run_scoped3A : memref<!tpu.dma_semaphore, #tpu.memory_space<semaphore_mem>>) src(%dma_wait3A_512 : memref<10240xi32, #tpu.memory_space<hbm>>) dst(%arg7 : memref<10240xi32, #tpu.memory_space<vmem>>)
      tpu.yield
    }) : () -> ()
    %mul3A_5 = arith.constant 10 : i32
    %mul3A_6 = arith.muli %mul3A_2, %mul3A_5 : i32
    "tpu.region"() ({
      %run_scoped3A = tpu.sem_alloc : memref<!tpu.dma_semaphore, #tpu.memory_space<semaphore_mem>>
      %dma_start3A_510 = tpu.memref_slice %arg3[%mul3A_6] : memref<163840xi32, #tpu.memory_space<hbm>> -> memref<5120xi32, #tpu.memory_space<hbm>>
      %dma_start3A_511 = tpu.memref_slice %arg3[%mul3A_6] : memref<163840xi32, #tpu.memory_space<hbm>> -> memref<5120xi32, #tpu.memory_space<hbm>>
      tpu.enqueue_dma source(%dma_start3A_511 : memref<5120xi32, #tpu.memory_space<hbm>>) target(%arg8 : memref<5120xi32, #tpu.memory_space<vmem>>) target_semaphore(%run_scoped3A : memref<!tpu.dma_semaphore, #tpu.memory_space<semaphore_mem>>)
      %dma_wait3A = tpu.memref_slice %arg3[%mul3A_6] : memref<163840xi32, #tpu.memory_space<hbm>> -> memref<5120xi32, #tpu.memory_space<hbm>>
      %dma_wait3A_512 = tpu.memref_slice %arg3[%mul3A_6] : memref<163840xi32, #tpu.memory_space<hbm>> -> memref<5120xi32, #tpu.memory_space<hbm>>
      tpu.wait_dma2 semaphore(%run_scoped3A : memref<!tpu.dma_semaphore, #tpu.memory_space<semaphore_mem>>) src(%dma_wait3A_512 : memref<5120xi32, #tpu.memory_space<hbm>>) dst(%arg8 : memref<5120xi32, #tpu.memory_space<vmem>>)
      tpu.yield
    }) : () -> ()
    %mul3A_7 = arith.constant 64 : i32
    %mul3A_8 = arith.muli %mul3A_2, %mul3A_7 : i32
    "tpu.region"() ({
      %run_scoped3A = tpu.sem_alloc : memref<!tpu.dma_semaphore, #tpu.memory_space<semaphore_mem>>
      %dma_start3A_510 = tpu.memref_slice %arg4[%mul3A_8] : memref<1048576xf32, #tpu.memory_space<hbm>> -> memref<32768xf32, #tpu.memory_space<hbm>>
      %dma_start3A_511 = tpu.memref_slice %arg4[%mul3A_8] : memref<1048576xf32, #tpu.memory_space<hbm>> -> memref<32768xf32, #tpu.memory_space<hbm>>
      tpu.enqueue_dma source(%dma_start3A_511 : memref<32768xf32, #tpu.memory_space<hbm>>) target(%arg10 : memref<32768xf32, #tpu.memory_space<vmem>>) target_semaphore(%run_scoped3A : memref<!tpu.dma_semaphore, #tpu.memory_space<semaphore_mem>>)
      %dma_wait3A = tpu.memref_slice %arg4[%mul3A_8] : memref<1048576xf32, #tpu.memory_space<hbm>> -> memref<32768xf32, #tpu.memory_space<hbm>>
      %dma_wait3A_512 = tpu.memref_slice %arg4[%mul3A_8] : memref<1048576xf32, #tpu.memory_space<hbm>> -> memref<32768xf32, #tpu.memory_space<hbm>>
      tpu.wait_dma2 semaphore(%run_scoped3A : memref<!tpu.dma_semaphore, #tpu.memory_space<semaphore_mem>>) src(%dma_wait3A_512 : memref<32768xf32, #tpu.memory_space<hbm>>) dst(%arg10 : memref<32768xf32, #tpu.memory_space<vmem>>)
      tpu.yield
    }) : () -> ()
    %iota3A = tpu.iota {dimensions = array<i32: 0>} : vector<16xi32>
    %mul3A_9 = arith.constant 20 : i32
    %mul3A_10 = vector.broadcast %mul3A_9 : i32 to vector<16xi32>
    %mul3A_11 = arith.muli %iota3A, %mul3A_10 : vector<16xi32>
    %mul3A_12 = arith.constant 10 : i32
    %mul3A_13 = vector.broadcast %mul3A_12 : i32 to vector<16xi32>
    %mul3A_14 = arith.muli %iota3A, %mul3A_13 : vector<16xi32>
    %mul3A_15 = arith.constant 10 : i32
    %mul3A_16 = vector.broadcast %mul3A_15 : i32 to vector<16xi32>
    %mul3A_17 = arith.muli %iota3A, %mul3A_16 : vector<16xi32>
    %mul3A_18 = arith.constant 64 : i32
    %mul3A_19 = vector.broadcast %mul3A_18 : i32 to vector<16xi32>
    %mul3A_20 = arith.muli %iota3A, %mul3A_19 : vector<16xi32>
    %scan3A = arith.constant 0 : i32
    %scan3A_21 = arith.constant 0 : i32
    %scan3A_22 = arith.constant 32 : i32
    %scan3A_23 = arith.addi %scan3A_21, %scan3A_22 : i32
    %scan3A_24 = arith.constant 1 : i32
    %scan3A_25 = scf.for %scan3A_510 = %scan3A_21 to %scan3A_23 step %scan3A_24 iter_args(%scan3A_511 = %scan3A) -> (i32)  : i32 {
      %mul3A_512 = arith.constant 320 : i32
      %mul3A_513 = arith.muli %scan3A_510, %mul3A_512 : i32
      %add3A_514 = arith.constant 0 : i32
      %add3A_515 = arith.addi %mul3A_513, %add3A_514 : i32
      %add3A_516 = vector.broadcast %add3A_515 : i32 to vector<16xi32>
      %add3A_517 = arith.addi %mul3A_11, %add3A_516 : vector<16xi32>
      %gather3A = tpu.vector_load_idx %arg7[%add3A_517] : memref<10240xi32, #tpu.memory_space<vmem>>[vector<16xi32>], vector<16xi32>,
      %mul3A_518 = arith.constant 480 : i32
      %mul3A_519 = arith.muli %scan3A_510, %mul3A_518 : i32
      %add3A_520 = arith.constant 0 : i32
      %add3A_521 = arith.addi %mul3A_519, %add3A_520 : i32
      %add3A_522 = arith.constant 0 : i32
      %add3A_523 = arith.addi %add3A_521, %add3A_522 : i32
      %add3A_524 = vector.broadcast %add3A_523 : i32 to vector<16xi32>
      %add3A_525 = arith.addi %mul3A_17, %add3A_524 : vector<16xi32>
      tpu.vector_store_idx %arg9[%add3A_525], %gather3A : memref<15360xi32, #tpu.memory_space<vmem>>[vector<16xi32>], vector<16xi32>,
      %scan3A_526 = arith.constant 0 : i32
      scf.yield %scan3A_526 : i32
    }
    %scan3A_26 = arith.constant 32 : i32
    %scan3A_27 = arith.constant 0 : i32
    %scan3A_28 = arith.constant 0 : i32
    %scan3A_29 = arith.constant 32 : i32
    %scan3A_30 = arith.addi %scan3A_28, %scan3A_29 : i32
    %scan3A_31 = arith.constant 1 : i32
    %scan3A_32 = scf.for %scan3A_510 = %scan3A_28 to %scan3A_30 step %scan3A_31 iter_args(%scan3A_511 = %scan3A_27) -> (i32)  : i32 {
      %mul3A_512 = arith.constant 320 : i32
      %mul3A_513 = arith.muli %scan3A_510, %mul3A_512 : i32
      %add3A_514 = arith.constant 1 : i32
      %add3A_515 = arith.addi %mul3A_513, %add3A_514 : i32
      %add3A_516 = vector.broadcast %add3A_515 : i32 to vector<16xi32>
      %add3A_517 = arith.addi %mul3A_11, %add3A_516 : vector<16xi32>
      %gather3A = tpu.vector_load_idx %arg7[%add3A_517] : memref<10240xi32, #tpu.memory_space<vmem>>[vector<16xi32>], vector<16xi32>,
      %mul3A_518 = arith.constant 480 : i32
      %mul3A_519 = arith.muli %scan3A_510, %mul3A_518 : i32
      %add3A_520 = arith.constant 0 : i32
      %add3A_521 = arith.addi %mul3A_519, %add3A_520 : i32
      %add3A_522 = arith.constant 1 : i32
      %add3A_523 = arith.addi %add3A_521, %add3A_522 : i32
      %add3A_524 = vector.broadcast %add3A_523 : i32 to vector<16xi32>
      %add3A_525 = arith.addi %mul3A_17, %add3A_524 : vector<16xi32>
      tpu.vector_store_idx %arg9[%add3A_525], %gather3A : memref<15360xi32, #tpu.memory_space<vmem>>[vector<16xi32>], vector<16xi32>,
      %scan3A_526 = arith.constant 0 : i32
      scf.yield %scan3A_526 : i32
    }
    %scan3A_33 = arith.constant 32 : i32
    %scan3A_34 = arith.constant 0 : i32
    %scan3A_35 = arith.constant 0 : i32
    %scan3A_36 = arith.constant 32 : i32
    %scan3A_37 = arith.addi %scan3A_35, %scan3A_36 : i32
    %scan3A_38 = arith.constant 1 : i32
    %scan3A_39 = scf.for %scan3A_510 = %scan3A_35 to %scan3A_37 step %scan3A_38 iter_args(%scan3A_511 = %scan3A_34) -> (i32)  : i32 {
      %mul3A_512 = arith.constant 320 : i32
      %mul3A_513 = arith.muli %scan3A_510, %mul3A_512 : i32
      %add3A_514 = arith.constant 2 : i32
      %add3A_515 = arith.addi %mul3A_513, %add3A_514 : i32
      %add3A_516 = vector.broadcast %add3A_515 : i32 to vector<16xi32>
      %add3A_517 = arith.addi %mul3A_11, %add3A_516 : vector<16xi32>
      %gather3A = tpu.vector_load_idx %arg7[%add3A_517] : memref<10240xi32, #tpu.memory_space<vmem>>[vector<16xi32>], vector<16xi32>,
      %mul3A_518 = arith.constant 480 : i32
      %mul3A_519 = arith.muli %scan3A_510, %mul3A_518 : i32
      %add3A_520 = arith.constant 0 : i32
      %add3A_521 = arith.addi %mul3A_519, %add3A_520 : i32
      %add3A_522 = arith.constant 2 : i32
      %add3A_523 = arith.addi %add3A_521, %add3A_522 : i32
      %add3A_524 = vector.broadcast %add3A_523 : i32 to vector<16xi32>
      %add3A_525 = arith.addi %mul3A_17, %add3A_524 : vector<16xi32>
      tpu.vector_store_idx %arg9[%add3A_525], %gather3A : memref<15360xi32, #tpu.memory_space<vmem>>[vector<16xi32>], vector<16xi32>,
      %scan3A_526 = arith.constant 0 : i32
      scf.yield %scan3A_526 : i32
    }
    %scan3A_40 = arith.constant 32 : i32
    %scan3A_41 = arith.constant 0 : i32
    %scan3A_42 = arith.constant 0 : i32
    %scan3A_43 = arith.constant 32 : i32
    %scan3A_44 = arith.addi %scan3A_42, %scan3A_43 : i32
    %scan3A_45 = arith.constant 1 : i32
    %scan3A_46 = scf.for %scan3A_510 = %scan3A_42 to %scan3A_44 step %scan3A_45 iter_args(%scan3A_511 = %scan3A_41) -> (i32)  : i32 {
      %mul3A_512 = arith.constant 320 : i32
      %mul3A_513 = arith.muli %scan3A_510, %mul3A_512 : i32
      %add3A_514 = arith.constant 3 : i32
      %add3A_515 = arith.addi %mul3A_513, %add3A_514 : i32
      %add3A_516 = vector.broadcast %add3A_515 : i32 to vector<16xi32>
      %add3A_517 = arith.addi %mul3A_11, %add3A_516 : vector<16xi32>
      %gather3A = tpu.vector_load_idx %arg7[%add3A_517] : memref<10240xi32, #tpu.memory_space<vmem>>[vector<16xi32>], vector<16xi32>,
      %mul3A_518 = arith.constant 480 : i32
      %mul3A_519 = arith.muli %scan3A_510, %mul3A_518 : i32
      %add3A_520 = arith.constant 0 : i32
      %add3A_521 = arith.addi %mul3A_519, %add3A_520 : i32
      %add3A_522 = arith.constant 3 : i32
      %add3A_523 = arith.addi %add3A_521, %add3A_522 : i32
      %add3A_524 = vector.broadcast %add3A_523 : i32 to vector<16xi32>
      %add3A_525 = arith.addi %mul3A_17, %add3A_524 : vector<16xi32>
      tpu.vector_store_idx %arg9[%add3A_525], %gather3A : memref<15360xi32, #tpu.memory_space<vmem>>[vector<16xi32>], vector<16xi32>,
      %scan3A_526 = arith.constant 0 : i32
      scf.yield %scan3A_526 : i32
    }
    %scan3A_47 = arith.constant 32 : i32
    %scan3A_48 = arith.constant 0 : i32
    %scan3A_49 = arith.constant 0 : i32
    %scan3A_50 = arith.constant 32 : i32
    %scan3A_51 = arith.addi %scan3A_49, %scan3A_50 : i32
    %scan3A_52 = arith.constant 1 : i32
    %scan3A_53 = scf.for %scan3A_510 = %scan3A_49 to %scan3A_51 step %scan3A_52 iter_args(%scan3A_511 = %scan3A_48) -> (i32)  : i32 {
      %mul3A_512 = arith.constant 320 : i32
      %mul3A_513 = arith.muli %scan3A_510, %mul3A_512 : i32
      %add3A_514 = arith.constant 4 : i32
      %add3A_515 = arith.addi %mul3A_513, %add3A_514 : i32
      %add3A_516 = vector.broadcast %add3A_515 : i32 to vector<16xi32>
      %add3A_517 = arith.addi %mul3A_11, %add3A_516 : vector<16xi32>
      %gather3A = tpu.vector_load_idx %arg7[%add3A_517] : memref<10240xi32, #tpu.memory_space<vmem>>[vector<16xi32>], vector<16xi32>,
      %mul3A_518 = arith.constant 480 : i32
      %mul3A_519 = arith.muli %scan3A_510, %mul3A_518 : i32
      %add3A_520 = arith.constant 0 : i32
      %add3A_521 = arith.addi %mul3A_519, %add3A_520 : i32
      %add3A_522 = arith.constant 4 : i32
      %add3A_523 = arith.addi %add3A_521, %add3A_522 : i32
      %add3A_524 = vector.broadcast %add3A_523 : i32 to vector<16xi32>
      %add3A_525 = arith.addi %mul3A_17, %add3A_524 : vector<16xi32>
      tpu.vector_store_idx %arg9[%add3A_525], %gather3A : memref<15360xi32, #tpu.memory_space<vmem>>[vector<16xi32>], vector<16xi32>,
      %scan3A_526 = arith.constant 0 : i32
      scf.yield %scan3A_526 : i32
    }
    %scan3A_54 = arith.constant 32 : i32
    %scan3A_55 = arith.constant 0 : i32
    %scan3A_56 = arith.constant 0 : i32
    %scan3A_57 = arith.constant 32 : i32
    %scan3A_58 = arith.addi %scan3A_56, %scan3A_57 : i32
    %scan3A_59 = arith.constant 1 : i32
    %scan3A_60 = scf.for %scan3A_510 = %scan3A_56 to %scan3A_58 step %scan3A_59 iter_args(%scan3A_511 = %scan3A_55) -> (i32)  : i32 {
      %mul3A_512 = arith.constant 320 : i32
      %mul3A_513 = arith.muli %scan3A_510, %mul3A_512 : i32
      %add3A_514 = arith.constant 5 : i32
      %add3A_515 = arith.addi %mul3A_513, %add3A_514 : i32
      %add3A_516 = vector.broadcast %add3A_515 : i32 to vector<16xi32>
      %add3A_517 = arith.addi %mul3A_11, %add3A_516 : vector<16xi32>
      %gather3A = tpu.vector_load_idx %arg7[%add3A_517] : memref<10240xi32, #tpu.memory_space<vmem>>[vector<16xi32>], vector<16xi32>,
      %mul3A_518 = arith.constant 480 : i32
      %mul3A_519 = arith.muli %scan3A_510, %mul3A_518 : i32
      %add3A_520 = arith.constant 0 : i32
      %add3A_521 = arith.addi %mul3A_519, %add3A_520 : i32
      %add3A_522 = arith.constant 5 : i32
      %add3A_523 = arith.addi %add3A_521, %add3A_522 : i32
      %add3A_524 = vector.broadcast %add3A_523 : i32 to vector<16xi32>
      %add3A_525 = arith.addi %mul3A_17, %add3A_524 : vector<16xi32>
      tpu.vector_store_idx %arg9[%add3A_525], %gather3A : memref<15360xi32, #tpu.memory_space<vmem>>[vector<16xi32>], vector<16xi32>,
      %scan3A_526 = arith.constant 0 : i32
      scf.yield %scan3A_526 : i32
    }
    %scan3A_61 = arith.constant 32 : i32
    %scan3A_62 = arith.constant 0 : i32
    %scan3A_63 = arith.constant 0 : i32
    %scan3A_64 = arith.constant 32 : i32
    %scan3A_65 = arith.addi %scan3A_63, %scan3A_64 : i32
    %scan3A_66 = arith.constant 1 : i32
    %scan3A_67 = scf.for %scan3A_510 = %scan3A_63 to %scan3A_65 step %scan3A_66 iter_args(%scan3A_511 = %scan3A_62) -> (i32)  : i32 {
      %mul3A_512 = arith.constant 320 : i32
      %mul3A_513 = arith.muli %scan3A_510, %mul3A_512 : i32
      %add3A_514 = arith.constant 6 : i32
      %add3A_515 = arith.addi %mul3A_513, %add3A_514 : i32
      %add3A_516 = vector.broadcast %add3A_515 : i32 to vector<16xi32>
      %add3A_517 = arith.addi %mul3A_11, %add3A_516 : vector<16xi32>
      %gather3A = tpu.vector_load_idx %arg7[%add3A_517] : memref<10240xi32, #tpu.memory_space<vmem>>[vector<16xi32>], vector<16xi32>,
      %mul3A_518 = arith.constant 480 : i32
      %mul3A_519 = arith.muli %scan3A_510, %mul3A_518 : i32
      %add3A_520 = arith.constant 0 : i32
      %add3A_521 = arith.addi %mul3A_519, %add3A_520 : i32
      %add3A_522 = arith.constant 6 : i32
      %add3A_523 = arith.addi %add3A_521, %add3A_522 : i32
      %add3A_524 = vector.broadcast %add3A_523 : i32 to vector<16xi32>
      %add3A_525 = arith.addi %mul3A_17, %add3A_524 : vector<16xi32>
      tpu.vector_store_idx %arg9[%add3A_525], %gather3A : memref<15360xi32, #tpu.memory_space<vmem>>[vector<16xi32>], vector<16xi32>,
      %scan3A_526 = arith.constant 0 : i32
      scf.yield %scan3A_526 : i32
    }
    %scan3A_68 = arith.constant 32 : i32
    %scan3A_69 = arith.constant 0 : i32
    %scan3A_70 = arith.constant 0 : i32
    %scan3A_71 = arith.constant 32 : i32
    %scan3A_72 = arith.addi %scan3A_70, %scan3A_71 : i32
    %scan3A_73 = arith.constant 1 : i32
    %scan3A_74 = scf.for %scan3A_510 = %scan3A_70 to %scan3A_72 step %scan3A_73 iter_args(%scan3A_511 = %scan3A_69) -> (i32)  : i32 {
      %mul3A_512 = arith.constant 320 : i32
      %mul3A_513 = arith.muli %scan3A_510, %mul3A_512 : i32
      %add3A_514 = arith.constant 7 : i32
      %add3A_515 = arith.addi %mul3A_513, %add3A_514 : i32
      %add3A_516 = vector.broadcast %add3A_515 : i32 to vector<16xi32>
      %add3A_517 = arith.addi %mul3A_11, %add3A_516 : vector<16xi32>
      %gather3A = tpu.vector_load_idx %arg7[%add3A_517] : memref<10240xi32, #tpu.memory_space<vmem>>[vector<16xi32>], vector<16xi32>,
      %mul3A_518 = arith.constant 480 : i32
      %mul3A_519 = arith.muli %scan3A_510, %mul3A_518 : i32
      %add3A_520 = arith.constant 0 : i32
      %add3A_521 = arith.addi %mul3A_519, %add3A_520 : i32
      %add3A_522 = arith.constant 7 : i32
      %add3A_523 = arith.addi %add3A_521, %add3A_522 : i32
      %add3A_524 = vector.broadcast %add3A_523 : i32 to vector<16xi32>
      %add3A_525 = arith.addi %mul3A_17, %add3A_524 : vector<16xi32>
      tpu.vector_store_idx %arg9[%add3A_525], %gather3A : memref<15360xi32, #tpu.memory_space<vmem>>[vector<16xi32>], vector<16xi32>,
      %scan3A_526 = arith.constant 0 : i32
      scf.yield %scan3A_526 : i32
    }
    %scan3A_75 = arith.constant 32 : i32
    %scan3A_76 = arith.constant 0 : i32
    %scan3A_77 = arith.constant 0 : i32
    %scan3A_78 = arith.constant 32 : i32
    %scan3A_79 = arith.addi %scan3A_77, %scan3A_78 : i32
    %scan3A_80 = arith.constant 1 : i32
    %scan3A_81 = scf.for %scan3A_510 = %scan3A_77 to %scan3A_79 step %scan3A_80 iter_args(%scan3A_511 = %scan3A_76) -> (i32)  : i32 {
      %mul3A_512 = arith.constant 320 : i32
      %mul3A_513 = arith.muli %scan3A_510, %mul3A_512 : i32
      %add3A_514 = arith.constant 8 : i32
      %add3A_515 = arith.addi %mul3A_513, %add3A_514 : i32
      %add3A_516 = vector.broadcast %add3A_515 : i32 to vector<16xi32>
      %add3A_517 = arith.addi %mul3A_11, %add3A_516 : vector<16xi32>
      %gather3A = tpu.vector_load_idx %arg7[%add3A_517] : memref<10240xi32, #tpu.memory_space<vmem>>[vector<16xi32>], vector<16xi32>,
      %mul3A_518 = arith.constant 480 : i32
      %mul3A_519 = arith.muli %scan3A_510, %mul3A_518 : i32
      %add3A_520 = arith.constant 0 : i32
      %add3A_521 = arith.addi %mul3A_519, %add3A_520 : i32
      %add3A_522 = arith.constant 8 : i32
      %add3A_523 = arith.addi %add3A_521, %add3A_522 : i32
      %add3A_524 = vector.broadcast %add3A_523 : i32 to vector<16xi32>
      %add3A_525 = arith.addi %mul3A_17, %add3A_524 : vector<16xi32>
      tpu.vector_store_idx %arg9[%add3A_525], %gather3A : memref<15360xi32, #tpu.memory_space<vmem>>[vector<16xi32>], vector<16xi32>,
      %scan3A_526 = arith.constant 0 : i32
      scf.yield %scan3A_526 : i32
    }
    %scan3A_82 = arith.constant 32 : i32
    %scan3A_83 = arith.constant 0 : i32
    %scan3A_84 = arith.constant 0 : i32
    %scan3A_85 = arith.constant 32 : i32
    %scan3A_86 = arith.addi %scan3A_84, %scan3A_85 : i32
    %scan3A_87 = arith.constant 1 : i32
    %scan3A_88 = scf.for %scan3A_510 = %scan3A_84 to %scan3A_86 step %scan3A_87 iter_args(%scan3A_511 = %scan3A_83) -> (i32)  : i32 {
      %mul3A_512 = arith.constant 320 : i32
      %mul3A_513 = arith.muli %scan3A_510, %mul3A_512 : i32
      %add3A_514 = arith.constant 9 : i32
      %add3A_515 = arith.addi %mul3A_513, %add3A_514 : i32
      %add3A_516 = vector.broadcast %add3A_515 : i32 to vector<16xi32>
      %add3A_517 = arith.addi %mul3A_11, %add3A_516 : vector<16xi32>
      %gather3A = tpu.vector_load_idx %arg7[%add3A_517] : memref<10240xi32, #tpu.memory_space<vmem>>[vector<16xi32>], vector<16xi32>,
      %mul3A_518 = arith.constant 480 : i32
      %mul3A_519 = arith.muli %scan3A_510, %mul3A_518 : i32
      %add3A_520 = arith.constant 0 : i32
      %add3A_521 = arith.addi %mul3A_519, %add3A_520 : i32
      %add3A_522 = arith.constant 9 : i32
      %add3A_523 = arith.addi %add3A_521, %add3A_522 : i32
      %add3A_524 = vector.broadcast %add3A_523 : i32 to vector<16xi32>
      %add3A_525 = arith.addi %mul3A_17, %add3A_524 : vector<16xi32>
      tpu.vector_store_idx %arg9[%add3A_525], %gather3A : memref<15360xi32, #tpu.memory_space<vmem>>[vector<16xi32>], vector<16xi32>,
      %scan3A_526 = arith.constant 0 : i32
      scf.yield %scan3A_526 : i32
    }
    %scan3A_89 = arith.constant 32 : i32
    %scan3A_90 = arith.constant 0 : i32
    %scan3A_91 = arith.constant 0 : i32
    %scan3A_92 = arith.constant 32 : i32
    %scan3A_93 = arith.addi %scan3A_91, %scan3A_92 : i32
    %scan3A_94 = arith.constant 1 : i32
    %scan3A_95 = scf.for %scan3A_510 = %scan3A_91 to %scan3A_93 step %scan3A_94 iter_args(%scan3A_511 = %scan3A_90) -> (i32)  : i32 {
      %mul3A_512 = arith.constant 320 : i32
      %mul3A_513 = arith.muli %scan3A_510, %mul3A_512 : i32
      %add3A_514 = arith.constant 10 : i32
      %add3A_515 = arith.addi %mul3A_513, %add3A_514 : i32
      %add3A_516 = vector.broadcast %add3A_515 : i32 to vector<16xi32>
      %add3A_517 = arith.addi %mul3A_11, %add3A_516 : vector<16xi32>
      %gather3A = tpu.vector_load_idx %arg7[%add3A_517] : memref<10240xi32, #tpu.memory_space<vmem>>[vector<16xi32>], vector<16xi32>,
      %mul3A_518 = arith.constant 480 : i32
      %mul3A_519 = arith.muli %scan3A_510, %mul3A_518 : i32
      %add3A_520 = arith.constant 160 : i32
      %add3A_521 = arith.addi %mul3A_519, %add3A_520 : i32
      %add3A_522 = arith.constant 0 : i32
      %add3A_523 = arith.addi %add3A_521, %add3A_522 : i32
      %add3A_524 = vector.broadcast %add3A_523 : i32 to vector<16xi32>
      %add3A_525 = arith.addi %mul3A_17, %add3A_524 : vector<16xi32>
      tpu.vector_store_idx %arg9[%add3A_525], %gather3A : memref<15360xi32, #tpu.memory_space<vmem>>[vector<16xi32>], vector<16xi32>,
      %scan3A_526 = arith.constant 0 : i32
      scf.yield %scan3A_526 : i32
    }
    %scan3A_96 = arith.constant 32 : i32
    %scan3A_97 = arith.constant 0 : i32
    %scan3A_98 = arith.constant 0 : i32
    %scan3A_99 = arith.constant 32 : i32
    %scan3A_100 = arith.addi %scan3A_98, %scan3A_99 : i32
    %scan3A_101 = arith.constant 1 : i32
    %scan3A_102 = scf.for %scan3A_510 = %scan3A_98 to %scan3A_100 step %scan3A_101 iter_args(%scan3A_511 = %scan3A_97) -> (i32)  : i32 {
      %mul3A_512 = arith.constant 320 : i32
      %mul3A_513 = arith.muli %scan3A_510, %mul3A_512 : i32
      %add3A_514 = arith.constant 11 : i32
      %add3A_515 = arith.addi %mul3A_513, %add3A_514 : i32
      %add3A_516 = vector.broadcast %add3A_515 : i32 to vector<16xi32>
      %add3A_517 = arith.addi %mul3A_11, %add3A_516 : vector<16xi32>
      %gather3A = tpu.vector_load_idx %arg7[%add3A_517] : memref<10240xi32, #tpu.memory_space<vmem>>[vector<16xi32>], vector<16xi32>,
      %mul3A_518 = arith.constant 480 : i32
      %mul3A_519 = arith.muli %scan3A_510, %mul3A_518 : i32
      %add3A_520 = arith.constant 160 : i32
      %add3A_521 = arith.addi %mul3A_519, %add3A_520 : i32
      %add3A_522 = arith.constant 1 : i32
      %add3A_523 = arith.addi %add3A_521, %add3A_522 : i32
      %add3A_524 = vector.broadcast %add3A_523 : i32 to vector<16xi32>
      %add3A_525 = arith.addi %mul3A_17, %add3A_524 : vector<16xi32>
      tpu.vector_store_idx %arg9[%add3A_525], %gather3A : memref<15360xi32, #tpu.memory_space<vmem>>[vector<16xi32>], vector<16xi32>,
      %scan3A_526 = arith.constant 0 : i32
      scf.yield %scan3A_526 : i32
    }
    %scan3A_103 = arith.constant 32 : i32
    %scan3A_104 = arith.constant 0 : i32
    %scan3A_105 = arith.constant 0 : i32
    %scan3A_106 = arith.constant 32 : i32
    %scan3A_107 = arith.addi %scan3A_105, %scan3A_106 : i32
    %scan3A_108 = arith.constant 1 : i32
    %scan3A_109 = scf.for %scan3A_510 = %scan3A_105 to %scan3A_107 step %scan3A_108 iter_args(%scan3A_511 = %scan3A_104) -> (i32)  : i32 {
      %mul3A_512 = arith.constant 320 : i32
      %mul3A_513 = arith.muli %scan3A_510, %mul3A_512 : i32
      %add3A_514 = arith.constant 12 : i32
      %add3A_515 = arith.addi %mul3A_513, %add3A_514 : i32
      %add3A_516 = vector.broadcast %add3A_515 : i32 to vector<16xi32>
      %add3A_517 = arith.addi %mul3A_11, %add3A_516 : vector<16xi32>
      %gather3A = tpu.vector_load_idx %arg7[%add3A_517] : memref<10240xi32, #tpu.memory_space<vmem>>[vector<16xi32>], vector<16xi32>,
      %mul3A_518 = arith.constant 480 : i32
      %mul3A_519 = arith.muli %scan3A_510, %mul3A_518 : i32
      %add3A_520 = arith.constant 160 : i32
      %add3A_521 = arith.addi %mul3A_519, %add3A_520 : i32
      %add3A_522 = arith.constant 2 : i32
      %add3A_523 = arith.addi %add3A_521, %add3A_522 : i32
      %add3A_524 = vector.broadcast %add3A_523 : i32 to vector<16xi32>
      %add3A_525 = arith.addi %mul3A_17, %add3A_524 : vector<16xi32>
      tpu.vector_store_idx %arg9[%add3A_525], %gather3A : memref<15360xi32, #tpu.memory_space<vmem>>[vector<16xi32>], vector<16xi32>,
      %scan3A_526 = arith.constant 0 : i32
      scf.yield %scan3A_526 : i32
    }
    %scan3A_110 = arith.constant 32 : i32
    %scan3A_111 = arith.constant 0 : i32
    %scan3A_112 = arith.constant 0 : i32
    %scan3A_113 = arith.constant 32 : i32
    %scan3A_114 = arith.addi %scan3A_112, %scan3A_113 : i32
    %scan3A_115 = arith.constant 1 : i32
    %scan3A_116 = scf.for %scan3A_510 = %scan3A_112 to %scan3A_114 step %scan3A_115 iter_args(%scan3A_511 = %scan3A_111) -> (i32)  : i32 {
      %mul3A_512 = arith.constant 320 : i32
      %mul3A_513 = arith.muli %scan3A_510, %mul3A_512 : i32
      %add3A_514 = arith.constant 13 : i32
      %add3A_515 = arith.addi %mul3A_513, %add3A_514 : i32
      %add3A_516 = vector.broadcast %add3A_515 : i32 to vector<16xi32>
      %add3A_517 = arith.addi %mul3A_11, %add3A_516 : vector<16xi32>
      %gather3A = tpu.vector_load_idx %arg7[%add3A_517] : memref<10240xi32, #tpu.memory_space<vmem>>[vector<16xi32>], vector<16xi32>,
      %mul3A_518 = arith.constant 480 : i32
      %mul3A_519 = arith.muli %scan3A_510, %mul3A_518 : i32
      %add3A_520 = arith.constant 160 : i32
      %add3A_521 = arith.addi %mul3A_519, %add3A_520 : i32
      %add3A_522 = arith.constant 3 : i32
      %add3A_523 = arith.addi %add3A_521, %add3A_522 : i32
      %add3A_524 = vector.broadcast %add3A_523 : i32 to vector<16xi32>
      %add3A_525 = arith.addi %mul3A_17, %add3A_524 : vector<16xi32>
      tpu.vector_store_idx %arg9[%add3A_525], %gather3A : memref<15360xi32, #tpu.memory_space<vmem>>[vector<16xi32>], vector<16xi32>,
      %scan3A_526 = arith.constant 0 : i32
      scf.yield %scan3A_526 : i32
    }
    %scan3A_117 = arith.constant 32 : i32
    %scan3A_118 = arith.constant 0 : i32
    %scan3A_119 = arith.constant 0 : i32
    %scan3A_120 = arith.constant 32 : i32
    %scan3A_121 = arith.addi %scan3A_119, %scan3A_120 : i32
    %scan3A_122 = arith.constant 1 : i32
    %scan3A_123 = scf.for %scan3A_510 = %scan3A_119 to %scan3A_121 step %scan3A_122 iter_args(%scan3A_511 = %scan3A_118) -> (i32)  : i32 {
      %mul3A_512 = arith.constant 320 : i32
      %mul3A_513 = arith.muli %scan3A_510, %mul3A_512 : i32
      %add3A_514 = arith.constant 14 : i32
      %add3A_515 = arith.addi %mul3A_513, %add3A_514 : i32
      %add3A_516 = vector.broadcast %add3A_515 : i32 to vector<16xi32>
      %add3A_517 = arith.addi %mul3A_11, %add3A_516 : vector<16xi32>
      %gather3A = tpu.vector_load_idx %arg7[%add3A_517] : memref<10240xi32, #tpu.memory_space<vmem>>[vector<16xi32>], vector<16xi32>,
      %mul3A_518 = arith.constant 480 : i32
      %mul3A_519 = arith.muli %scan3A_510, %mul3A_518 : i32
      %add3A_520 = arith.constant 160 : i32
      %add3A_521 = arith.addi %mul3A_519, %add3A_520 : i32
      %add3A_522 = arith.constant 4 : i32
      %add3A_523 = arith.addi %add3A_521, %add3A_522 : i32
      %add3A_524 = vector.broadcast %add3A_523 : i32 to vector<16xi32>
      %add3A_525 = arith.addi %mul3A_17, %add3A_524 : vector<16xi32>
      tpu.vector_store_idx %arg9[%add3A_525], %gather3A : memref<15360xi32, #tpu.memory_space<vmem>>[vector<16xi32>], vector<16xi32>,
      %scan3A_526 = arith.constant 0 : i32
      scf.yield %scan3A_526 : i32
    }
    %scan3A_124 = arith.constant 32 : i32
    %scan3A_125 = arith.constant 0 : i32
    %scan3A_126 = arith.constant 0 : i32
    %scan3A_127 = arith.constant 32 : i32
    %scan3A_128 = arith.addi %scan3A_126, %scan3A_127 : i32
    %scan3A_129 = arith.constant 1 : i32
    %scan3A_130 = scf.for %scan3A_510 = %scan3A_126 to %scan3A_128 step %scan3A_129 iter_args(%scan3A_511 = %scan3A_125) -> (i32)  : i32 {
      %mul3A_512 = arith.constant 320 : i32
      %mul3A_513 = arith.muli %scan3A_510, %mul3A_512 : i32
      %add3A_514 = arith.constant 15 : i32
      %add3A_515 = arith.addi %mul3A_513, %add3A_514 : i32
      %add3A_516 = vector.broadcast %add3A_515 : i32 to vector<16xi32>
      %add3A_517 = arith.addi %mul3A_11, %add3A_516 : vector<16xi32>
      %gather3A = tpu.vector_load_idx %arg7[%add3A_517] : memref<10240xi32, #tpu.memory_space<vmem>>[vector<16xi32>], vector<16xi32>,
      %mul3A_518 = arith.constant 480 : i32
      %mul3A_519 = arith.muli %scan3A_510, %mul3A_518 : i32
      %add3A_520 = arith.constant 160 : i32
      %add3A_521 = arith.addi %mul3A_519, %add3A_520 : i32
      %add3A_522 = arith.constant 5 : i32
      %add3A_523 = arith.addi %add3A_521, %add3A_522 : i32
      %add3A_524 = vector.broadcast %add3A_523 : i32 to vector<16xi32>
      %add3A_525 = arith.addi %mul3A_17, %add3A_524 : vector<16xi32>
      tpu.vector_store_idx %arg9[%add3A_525], %gather3A : memref<15360xi32, #tpu.memory_space<vmem>>[vector<16xi32>], vector<16xi32>,
      %scan3A_526 = arith.constant 0 : i32
      scf.yield %scan3A_526 : i32
    }
    %scan3A_131 = arith.constant 32 : i32
    %scan3A_132 = arith.constant 0 : i32
    %scan3A_133 = arith.constant 0 : i32
    %scan3A_134 = arith.constant 32 : i32
    %scan3A_135 = arith.addi %scan3A_133, %scan3A_134 : i32
    %scan3A_136 = arith.constant 1 : i32
    %scan3A_137 = scf.for %scan3A_510 = %scan3A_133 to %scan3A_135 step %scan3A_136 iter_args(%scan3A_511 = %scan3A_132) -> (i32)  : i32 {
      %mul3A_512 = arith.constant 320 : i32
      %mul3A_513 = arith.muli %scan3A_510, %mul3A_512 : i32
      %add3A_514 = arith.constant 16 : i32
      %add3A_515 = arith.addi %mul3A_513, %add3A_514 : i32
      %add3A_516 = vector.broadcast %add3A_515 : i32 to vector<16xi32>
      %add3A_517 = arith.addi %mul3A_11, %add3A_516 : vector<16xi32>
      %gather3A = tpu.vector_load_idx %arg7[%add3A_517] : memref<10240xi32, #tpu.memory_space<vmem>>[vector<16xi32>], vector<16xi32>,
      %mul3A_518 = arith.constant 480 : i32
      %mul3A_519 = arith.muli %scan3A_510, %mul3A_518 : i32
      %add3A_520 = arith.constant 160 : i32
      %add3A_521 = arith.addi %mul3A_519, %add3A_520 : i32
      %add3A_522 = arith.constant 6 : i32
      %add3A_523 = arith.addi %add3A_521, %add3A_522 : i32
      %add3A_524 = vector.broadcast %add3A_523 : i32 to vector<16xi32>
      %add3A_525 = arith.addi %mul3A_17, %add3A_524 : vector<16xi32>
      tpu.vector_store_idx %arg9[%add3A_525], %gather3A : memref<15360xi32, #tpu.memory_space<vmem>>[vector<16xi32>], vector<16xi32>,
      %scan3A_526 = arith.constant 0 : i32
      scf.yield %scan3A_526 : i32
    }
    %scan3A_138 = arith.constant 32 : i32
    %scan3A_139 = arith.constant 0 : i32
    %scan3A_140 = arith.constant 0 : i32
    %scan3A_141 = arith.constant 32 : i32
    %scan3A_142 = arith.addi %scan3A_140, %scan3A_141 : i32
    %scan3A_143 = arith.constant 1 : i32
    %scan3A_144 = scf.for %scan3A_510 = %scan3A_140 to %scan3A_142 step %scan3A_143 iter_args(%scan3A_511 = %scan3A_139) -> (i32)  : i32 {
      %mul3A_512 = arith.constant 320 : i32
      %mul3A_513 = arith.muli %scan3A_510, %mul3A_512 : i32
      %add3A_514 = arith.constant 17 : i32
      %add3A_515 = arith.addi %mul3A_513, %add3A_514 : i32
      %add3A_516 = vector.broadcast %add3A_515 : i32 to vector<16xi32>
      %add3A_517 = arith.addi %mul3A_11, %add3A_516 : vector<16xi32>
      %gather3A = tpu.vector_load_idx %arg7[%add3A_517] : memref<10240xi32, #tpu.memory_space<vmem>>[vector<16xi32>], vector<16xi32>,
      %mul3A_518 = arith.constant 480 : i32
      %mul3A_519 = arith.muli %scan3A_510, %mul3A_518 : i32
      %add3A_520 = arith.constant 160 : i32
      %add3A_521 = arith.addi %mul3A_519, %add3A_520 : i32
      %add3A_522 = arith.constant 7 : i32
      %add3A_523 = arith.addi %add3A_521, %add3A_522 : i32
      %add3A_524 = vector.broadcast %add3A_523 : i32 to vector<16xi32>
      %add3A_525 = arith.addi %mul3A_17, %add3A_524 : vector<16xi32>
      tpu.vector_store_idx %arg9[%add3A_525], %gather3A : memref<15360xi32, #tpu.memory_space<vmem>>[vector<16xi32>], vector<16xi32>,
      %scan3A_526 = arith.constant 0 : i32
      scf.yield %scan3A_526 : i32
    }
    %scan3A_145 = arith.constant 32 : i32
    %scan3A_146 = arith.constant 0 : i32
    %scan3A_147 = arith.constant 0 : i32
    %scan3A_148 = arith.constant 32 : i32
    %scan3A_149 = arith.addi %scan3A_147, %scan3A_148 : i32
    %scan3A_150 = arith.constant 1 : i32
    %scan3A_151 = scf.for %scan3A_510 = %scan3A_147 to %scan3A_149 step %scan3A_150 iter_args(%scan3A_511 = %scan3A_146) -> (i32)  : i32 {
      %mul3A_512 = arith.constant 320 : i32
      %mul3A_513 = arith.muli %scan3A_510, %mul3A_512 : i32
      %add3A_514 = arith.constant 18 : i32
      %add3A_515 = arith.addi %mul3A_513, %add3A_514 : i32
      %add3A_516 = vector.broadcast %add3A_515 : i32 to vector<16xi32>
      %add3A_517 = arith.addi %mul3A_11, %add3A_516 : vector<16xi32>
      %gather3A = tpu.vector_load_idx %arg7[%add3A_517] : memref<10240xi32, #tpu.memory_space<vmem>>[vector<16xi32>], vector<16xi32>,
      %mul3A_518 = arith.constant 480 : i32
      %mul3A_519 = arith.muli %scan3A_510, %mul3A_518 : i32
      %add3A_520 = arith.constant 160 : i32
      %add3A_521 = arith.addi %mul3A_519, %add3A_520 : i32
      %add3A_522 = arith.constant 8 : i32
      %add3A_523 = arith.addi %add3A_521, %add3A_522 : i32
      %add3A_524 = vector.broadcast %add3A_523 : i32 to vector<16xi32>
      %add3A_525 = arith.addi %mul3A_17, %add3A_524 : vector<16xi32>
      tpu.vector_store_idx %arg9[%add3A_525], %gather3A : memref<15360xi32, #tpu.memory_space<vmem>>[vector<16xi32>], vector<16xi32>,
      %scan3A_526 = arith.constant 0 : i32
      scf.yield %scan3A_526 : i32
    }
    %scan3A_152 = arith.constant 32 : i32
    %scan3A_153 = arith.constant 0 : i32
    %scan3A_154 = arith.constant 0 : i32
    %scan3A_155 = arith.constant 32 : i32
    %scan3A_156 = arith.addi %scan3A_154, %scan3A_155 : i32
    %scan3A_157 = arith.constant 1 : i32
    %scan3A_158 = scf.for %scan3A_510 = %scan3A_154 to %scan3A_156 step %scan3A_157 iter_args(%scan3A_511 = %scan3A_153) -> (i32)  : i32 {
      %mul3A_512 = arith.constant 320 : i32
      %mul3A_513 = arith.muli %scan3A_510, %mul3A_512 : i32
      %add3A_514 = arith.constant 19 : i32
      %add3A_515 = arith.addi %mul3A_513, %add3A_514 : i32
      %add3A_516 = vector.broadcast %add3A_515 : i32 to vector<16xi32>
      %add3A_517 = arith.addi %mul3A_11, %add3A_516 : vector<16xi32>
      %gather3A = tpu.vector_load_idx %arg7[%add3A_517] : memref<10240xi32, #tpu.memory_space<vmem>>[vector<16xi32>], vector<16xi32>,
      %mul3A_518 = arith.constant 480 : i32
      %mul3A_519 = arith.muli %scan3A_510, %mul3A_518 : i32
      %add3A_520 = arith.constant 160 : i32
      %add3A_521 = arith.addi %mul3A_519, %add3A_520 : i32
      %add3A_522 = arith.constant 9 : i32
      %add3A_523 = arith.addi %add3A_521, %add3A_522 : i32
      %add3A_524 = vector.broadcast %add3A_523 : i32 to vector<16xi32>
      %add3A_525 = arith.addi %mul3A_17, %add3A_524 : vector<16xi32>
      tpu.vector_store_idx %arg9[%add3A_525], %gather3A : memref<15360xi32, #tpu.memory_space<vmem>>[vector<16xi32>], vector<16xi32>,
      %scan3A_526 = arith.constant 0 : i32
      scf.yield %scan3A_526 : i32
    }
    %scan3A_159 = arith.constant 32 : i32
    %scan3A_160 = arith.constant 0 : i32
    %scan3A_161 = arith.constant 0 : i32
    %scan3A_162 = arith.constant 32 : i32
    %scan3A_163 = arith.addi %scan3A_161, %scan3A_162 : i32
    %scan3A_164 = arith.constant 1 : i32
    %scan3A_165 = scf.for %scan3A_510 = %scan3A_161 to %scan3A_163 step %scan3A_164 iter_args(%scan3A_511 = %scan3A_160) -> (i32)  : i32 {
      %mul3A_512 = arith.constant 160 : i32
      %mul3A_513 = arith.muli %scan3A_510, %mul3A_512 : i32
      %add3A_514 = arith.constant 0 : i32
      %add3A_515 = arith.addi %mul3A_513, %add3A_514 : i32
      %add3A_516 = vector.broadcast %add3A_515 : i32 to vector<16xi32>
      %add3A_517 = arith.addi %mul3A_14, %add3A_516 : vector<16xi32>
      %gather3A = tpu.vector_load_idx %arg8[%add3A_517] : memref<5120xi32, #tpu.memory_space<vmem>>[vector<16xi32>], vector<16xi32>,
      %mul3A_518 = arith.constant 480 : i32
      %mul3A_519 = arith.muli %scan3A_510, %mul3A_518 : i32
      %add3A_520 = arith.constant 320 : i32
      %add3A_521 = arith.addi %mul3A_519, %add3A_520 : i32
      %add3A_522 = arith.constant 0 : i32
      %add3A_523 = arith.addi %add3A_521, %add3A_522 : i32
      %add3A_524 = vector.broadcast %add3A_523 : i32 to vector<16xi32>
      %add3A_525 = arith.addi %mul3A_17, %add3A_524 : vector<16xi32>
      tpu.vector_store_idx %arg9[%add3A_525], %gather3A : memref<15360xi32, #tpu.memory_space<vmem>>[vector<16xi32>], vector<16xi32>,
      %scan3A_526 = arith.constant 0 : i32
      scf.yield %scan3A_526 : i32
    }
    %scan3A_166 = arith.constant 32 : i32
    %scan3A_167 = arith.constant 0 : i32
    %scan3A_168 = arith.constant 0 : i32
    %scan3A_169 = arith.constant 32 : i32
    %scan3A_170 = arith.addi %scan3A_168, %scan3A_169 : i32
    %scan3A_171 = arith.constant 1 : i32
    %scan3A_172 = scf.for %scan3A_510 = %scan3A_168 to %scan3A_170 step %scan3A_171 iter_args(%scan3A_511 = %scan3A_167) -> (i32)  : i32 {
      %mul3A_512 = arith.constant 160 : i32
      %mul3A_513 = arith.muli %scan3A_510, %mul3A_512 : i32
      %add3A_514 = arith.constant 1 : i32
      %add3A_515 = arith.addi %mul3A_513, %add3A_514 : i32
      %add3A_516 = vector.broadcast %add3A_515 : i32 to vector<16xi32>
      %add3A_517 = arith.addi %mul3A_14, %add3A_516 : vector<16xi32>
      %gather3A = tpu.vector_load_idx %arg8[%add3A_517] : memref<5120xi32, #tpu.memory_space<vmem>>[vector<16xi32>], vector<16xi32>,
      %mul3A_518 = arith.constant 480 : i32
      %mul3A_519 = arith.muli %scan3A_510, %mul3A_518 : i32
      %add3A_520 = arith.constant 320 : i32
      %add3A_521 = arith.addi %mul3A_519, %add3A_520 : i32
      %add3A_522 = arith.constant 1 : i32
      %add3A_523 = arith.addi %add3A_521, %add3A_522 : i32
      %add3A_524 = vector.broadcast %add3A_523 : i32 to vector<16xi32>
      %add3A_525 = arith.addi %mul3A_17, %add3A_524 : vector<16xi32>
      tpu.vector_store_idx %arg9[%add3A_525], %gather3A : memref<15360xi32, #tpu.memory_space<vmem>>[vector<16xi32>], vector<16xi32>,
      %scan3A_526 = arith.constant 0 : i32
      scf.yield %scan3A_526 : i32
    }
    %scan3A_173 = arith.constant 32 : i32
    %scan3A_174 = arith.constant 0 : i32
    %scan3A_175 = arith.constant 0 : i32
    %scan3A_176 = arith.constant 32 : i32
    %scan3A_177 = arith.addi %scan3A_175, %scan3A_176 : i32
    %scan3A_178 = arith.constant 1 : i32
    %scan3A_179 = scf.for %scan3A_510 = %scan3A_175 to %scan3A_177 step %scan3A_178 iter_args(%scan3A_511 = %scan3A_174) -> (i32)  : i32 {
      %mul3A_512 = arith.constant 160 : i32
      %mul3A_513 = arith.muli %scan3A_510, %mul3A_512 : i32
      %add3A_514 = arith.constant 2 : i32
      %add3A_515 = arith.addi %mul3A_513, %add3A_514 : i32
      %add3A_516 = vector.broadcast %add3A_515 : i32 to vector<16xi32>
      %add3A_517 = arith.addi %mul3A_14, %add3A_516 : vector<16xi32>
      %gather3A = tpu.vector_load_idx %arg8[%add3A_517] : memref<5120xi32, #tpu.memory_space<vmem>>[vector<16xi32>], vector<16xi32>,
      %mul3A_518 = arith.constant 480 : i32
      %mul3A_519 = arith.muli %scan3A_510, %mul3A_518 : i32
      %add3A_520 = arith.constant 320 : i32
      %add3A_521 = arith.addi %mul3A_519, %add3A_520 : i32
      %add3A_522 = arith.constant 2 : i32
      %add3A_523 = arith.addi %add3A_521, %add3A_522 : i32
      %add3A_524 = vector.broadcast %add3A_523 : i32 to vector<16xi32>
      %add3A_525 = arith.addi %mul3A_17, %add3A_524 : vector<16xi32>
      tpu.vector_store_idx %arg9[%add3A_525], %gather3A : memref<15360xi32, #tpu.memory_space<vmem>>[vector<16xi32>], vector<16xi32>,
      %scan3A_526 = arith.constant 0 : i32
      scf.yield %scan3A_526 : i32
    }
    %scan3A_180 = arith.constant 32 : i32
    %scan3A_181 = arith.constant 0 : i32
    %scan3A_182 = arith.constant 0 : i32
    %scan3A_183 = arith.constant 32 : i32
    %scan3A_184 = arith.addi %scan3A_182, %scan3A_183 : i32
    %scan3A_185 = arith.constant 1 : i32
    %scan3A_186 = scf.for %scan3A_510 = %scan3A_182 to %scan3A_184 step %scan3A_185 iter_args(%scan3A_511 = %scan3A_181) -> (i32)  : i32 {
      %mul3A_512 = arith.constant 160 : i32
      %mul3A_513 = arith.muli %scan3A_510, %mul3A_512 : i32
      %add3A_514 = arith.constant 3 : i32
      %add3A_515 = arith.addi %mul3A_513, %add3A_514 : i32
      %add3A_516 = vector.broadcast %add3A_515 : i32 to vector<16xi32>
      %add3A_517 = arith.addi %mul3A_14, %add3A_516 : vector<16xi32>
      %gather3A = tpu.vector_load_idx %arg8[%add3A_517] : memref<5120xi32, #tpu.memory_space<vmem>>[vector<16xi32>], vector<16xi32>,
      %mul3A_518 = arith.constant 480 : i32
      %mul3A_519 = arith.muli %scan3A_510, %mul3A_518 : i32
      %add3A_520 = arith.constant 320 : i32
      %add3A_521 = arith.addi %mul3A_519, %add3A_520 : i32
      %add3A_522 = arith.constant 3 : i32
      %add3A_523 = arith.addi %add3A_521, %add3A_522 : i32
      %add3A_524 = vector.broadcast %add3A_523 : i32 to vector<16xi32>
      %add3A_525 = arith.addi %mul3A_17, %add3A_524 : vector<16xi32>
      tpu.vector_store_idx %arg9[%add3A_525], %gather3A : memref<15360xi32, #tpu.memory_space<vmem>>[vector<16xi32>], vector<16xi32>,
      %scan3A_526 = arith.constant 0 : i32
      scf.yield %scan3A_526 : i32
    }
    %scan3A_187 = arith.constant 32 : i32
    %scan3A_188 = arith.constant 0 : i32
    %scan3A_189 = arith.constant 0 : i32
    %scan3A_190 = arith.constant 32 : i32
    %scan3A_191 = arith.addi %scan3A_189, %scan3A_190 : i32
    %scan3A_192 = arith.constant 1 : i32
    %scan3A_193 = scf.for %scan3A_510 = %scan3A_189 to %scan3A_191 step %scan3A_192 iter_args(%scan3A_511 = %scan3A_188) -> (i32)  : i32 {
      %mul3A_512 = arith.constant 160 : i32
      %mul3A_513 = arith.muli %scan3A_510, %mul3A_512 : i32
      %add3A_514 = arith.constant 4 : i32
      %add3A_515 = arith.addi %mul3A_513, %add3A_514 : i32
      %add3A_516 = vector.broadcast %add3A_515 : i32 to vector<16xi32>
      %add3A_517 = arith.addi %mul3A_14, %add3A_516 : vector<16xi32>
      %gather3A = tpu.vector_load_idx %arg8[%add3A_517] : memref<5120xi32, #tpu.memory_space<vmem>>[vector<16xi32>], vector<16xi32>,
      %mul3A_518 = arith.constant 480 : i32
      %mul3A_519 = arith.muli %scan3A_510, %mul3A_518 : i32
      %add3A_520 = arith.constant 320 : i32
      %add3A_521 = arith.addi %mul3A_519, %add3A_520 : i32
      %add3A_522 = arith.constant 4 : i32
      %add3A_523 = arith.addi %add3A_521, %add3A_522 : i32
      %add3A_524 = vector.broadcast %add3A_523 : i32 to vector<16xi32>
      %add3A_525 = arith.addi %mul3A_17, %add3A_524 : vector<16xi32>
      tpu.vector_store_idx %arg9[%add3A_525], %gather3A : memref<15360xi32, #tpu.memory_space<vmem>>[vector<16xi32>], vector<16xi32>,
      %scan3A_526 = arith.constant 0 : i32
      scf.yield %scan3A_526 : i32
    }
    %scan3A_194 = arith.constant 32 : i32
    %scan3A_195 = arith.constant 0 : i32
    %scan3A_196 = arith.constant 0 : i32
    %scan3A_197 = arith.constant 32 : i32
    %scan3A_198 = arith.addi %scan3A_196, %scan3A_197 : i32
    %scan3A_199 = arith.constant 1 : i32
    %scan3A_200 = scf.for %scan3A_510 = %scan3A_196 to %scan3A_198 step %scan3A_199 iter_args(%scan3A_511 = %scan3A_195) -> (i32)  : i32 {
      %mul3A_512 = arith.constant 160 : i32
      %mul3A_513 = arith.muli %scan3A_510, %mul3A_512 : i32
      %add3A_514 = arith.constant 5 : i32
      %add3A_515 = arith.addi %mul3A_513, %add3A_514 : i32
      %add3A_516 = vector.broadcast %add3A_515 : i32 to vector<16xi32>
      %add3A_517 = arith.addi %mul3A_14, %add3A_516 : vector<16xi32>
      %gather3A = tpu.vector_load_idx %arg8[%add3A_517] : memref<5120xi32, #tpu.memory_space<vmem>>[vector<16xi32>], vector<16xi32>,
      %mul3A_518 = arith.constant 480 : i32
      %mul3A_519 = arith.muli %scan3A_510, %mul3A_518 : i32
      %add3A_520 = arith.constant 320 : i32
      %add3A_521 = arith.addi %mul3A_519, %add3A_520 : i32
      %add3A_522 = arith.constant 5 : i32
      %add3A_523 = arith.addi %add3A_521, %add3A_522 : i32
      %add3A_524 = vector.broadcast %add3A_523 : i32 to vector<16xi32>
      %add3A_525 = arith.addi %mul3A_17, %add3A_524 : vector<16xi32>
      tpu.vector_store_idx %arg9[%add3A_525], %gather3A : memref<15360xi32, #tpu.memory_space<vmem>>[vector<16xi32>], vector<16xi32>,
      %scan3A_526 = arith.constant 0 : i32
      scf.yield %scan3A_526 : i32
    }
    %scan3A_201 = arith.constant 32 : i32
    %scan3A_202 = arith.constant 0 : i32
    %scan3A_203 = arith.constant 0 : i32
    %scan3A_204 = arith.constant 32 : i32
    %scan3A_205 = arith.addi %scan3A_203, %scan3A_204 : i32
    %scan3A_206 = arith.constant 1 : i32
    %scan3A_207 = scf.for %scan3A_510 = %scan3A_203 to %scan3A_205 step %scan3A_206 iter_args(%scan3A_511 = %scan3A_202) -> (i32)  : i32 {
      %mul3A_512 = arith.constant 160 : i32
      %mul3A_513 = arith.muli %scan3A_510, %mul3A_512 : i32
      %add3A_514 = arith.constant 6 : i32
      %add3A_515 = arith.addi %mul3A_513, %add3A_514 : i32
      %add3A_516 = vector.broadcast %add3A_515 : i32 to vector<16xi32>
      %add3A_517 = arith.addi %mul3A_14, %add3A_516 : vector<16xi32>
      %gather3A = tpu.vector_load_idx %arg8[%add3A_517] : memref<5120xi32, #tpu.memory_space<vmem>>[vector<16xi32>], vector<16xi32>,
      %mul3A_518 = arith.constant 480 : i32
      %mul3A_519 = arith.muli %scan3A_510, %mul3A_518 : i32
      %add3A_520 = arith.constant 320 : i32
      %add3A_521 = arith.addi %mul3A_519, %add3A_520 : i32
      %add3A_522 = arith.constant 6 : i32
      %add3A_523 = arith.addi %add3A_521, %add3A_522 : i32
      %add3A_524 = vector.broadcast %add3A_523 : i32 to vector<16xi32>
      %add3A_525 = arith.addi %mul3A_17, %add3A_524 : vector<16xi32>
      tpu.vector_store_idx %arg9[%add3A_525], %gather3A : memref<15360xi32, #tpu.memory_space<vmem>>[vector<16xi32>], vector<16xi32>,
      %scan3A_526 = arith.constant 0 : i32
      scf.yield %scan3A_526 : i32
    }
    %scan3A_208 = arith.constant 32 : i32
    %scan3A_209 = arith.constant 0 : i32
    %scan3A_210 = arith.constant 0 : i32
    %scan3A_211 = arith.constant 32 : i32
    %scan3A_212 = arith.addi %scan3A_210, %scan3A_211 : i32
    %scan3A_213 = arith.constant 1 : i32
    %scan3A_214 = scf.for %scan3A_510 = %scan3A_210 to %scan3A_212 step %scan3A_213 iter_args(%scan3A_511 = %scan3A_209) -> (i32)  : i32 {
      %mul3A_512 = arith.constant 160 : i32
      %mul3A_513 = arith.muli %scan3A_510, %mul3A_512 : i32
      %add3A_514 = arith.constant 7 : i32
      %add3A_515 = arith.addi %mul3A_513, %add3A_514 : i32
      %add3A_516 = vector.broadcast %add3A_515 : i32 to vector<16xi32>
      %add3A_517 = arith.addi %mul3A_14, %add3A_516 : vector<16xi32>
      %gather3A = tpu.vector_load_idx %arg8[%add3A_517] : memref<5120xi32, #tpu.memory_space<vmem>>[vector<16xi32>], vector<16xi32>,
      %mul3A_518 = arith.constant 480 : i32
      %mul3A_519 = arith.muli %scan3A_510, %mul3A_518 : i32
      %add3A_520 = arith.constant 320 : i32
      %add3A_521 = arith.addi %mul3A_519, %add3A_520 : i32
      %add3A_522 = arith.constant 7 : i32
      %add3A_523 = arith.addi %add3A_521, %add3A_522 : i32
      %add3A_524 = vector.broadcast %add3A_523 : i32 to vector<16xi32>
      %add3A_525 = arith.addi %mul3A_17, %add3A_524 : vector<16xi32>
      tpu.vector_store_idx %arg9[%add3A_525], %gather3A : memref<15360xi32, #tpu.memory_space<vmem>>[vector<16xi32>], vector<16xi32>,
      %scan3A_526 = arith.constant 0 : i32
      scf.yield %scan3A_526 : i32
    }
    %scan3A_215 = arith.constant 32 : i32
    %scan3A_216 = arith.constant 0 : i32
    %scan3A_217 = arith.constant 0 : i32
    %scan3A_218 = arith.constant 32 : i32
    %scan3A_219 = arith.addi %scan3A_217, %scan3A_218 : i32
    %scan3A_220 = arith.constant 1 : i32
    %scan3A_221 = scf.for %scan3A_510 = %scan3A_217 to %scan3A_219 step %scan3A_220 iter_args(%scan3A_511 = %scan3A_216) -> (i32)  : i32 {
      %mul3A_512 = arith.constant 160 : i32
      %mul3A_513 = arith.muli %scan3A_510, %mul3A_512 : i32
      %add3A_514 = arith.constant 8 : i32
      %add3A_515 = arith.addi %mul3A_513, %add3A_514 : i32
      %add3A_516 = vector.broadcast %add3A_515 : i32 to vector<16xi32>
      %add3A_517 = arith.addi %mul3A_14, %add3A_516 : vector<16xi32>
      %gather3A = tpu.vector_load_idx %arg8[%add3A_517] : memref<5120xi32, #tpu.memory_space<vmem>>[vector<16xi32>], vector<16xi32>,
      %mul3A_518 = arith.constant 480 : i32
      %mul3A_519 = arith.muli %scan3A_510, %mul3A_518 : i32
      %add3A_520 = arith.constant 320 : i32
      %add3A_521 = arith.addi %mul3A_519, %add3A_520 : i32
      %add3A_522 = arith.constant 8 : i32
      %add3A_523 = arith.addi %add3A_521, %add3A_522 : i32
      %add3A_524 = vector.broadcast %add3A_523 : i32 to vector<16xi32>
      %add3A_525 = arith.addi %mul3A_17, %add3A_524 : vector<16xi32>
      tpu.vector_store_idx %arg9[%add3A_525], %gather3A : memref<15360xi32, #tpu.memory_space<vmem>>[vector<16xi32>], vector<16xi32>,
      %scan3A_526 = arith.constant 0 : i32
      scf.yield %scan3A_526 : i32
    }
    %scan3A_222 = arith.constant 32 : i32
    %scan3A_223 = arith.constant 0 : i32
    %scan3A_224 = arith.constant 0 : i32
    %scan3A_225 = arith.constant 32 : i32
    %scan3A_226 = arith.addi %scan3A_224, %scan3A_225 : i32
    %scan3A_227 = arith.constant 1 : i32
    %scan3A_228 = scf.for %scan3A_510 = %scan3A_224 to %scan3A_226 step %scan3A_227 iter_args(%scan3A_511 = %scan3A_223) -> (i32)  : i32 {
      %mul3A_512 = arith.constant 160 : i32
      %mul3A_513 = arith.muli %scan3A_510, %mul3A_512 : i32
      %add3A_514 = arith.constant 9 : i32
      %add3A_515 = arith.addi %mul3A_513, %add3A_514 : i32
      %add3A_516 = vector.broadcast %add3A_515 : i32 to vector<16xi32>
      %add3A_517 = arith.addi %mul3A_14, %add3A_516 : vector<16xi32>
      %gather3A = tpu.vector_load_idx %arg8[%add3A_517] : memref<5120xi32, #tpu.memory_space<vmem>>[vector<16xi32>], vector<16xi32>,
      %mul3A_518 = arith.constant 480 : i32
      %mul3A_519 = arith.muli %scan3A_510, %mul3A_518 : i32
      %add3A_520 = arith.constant 320 : i32
      %add3A_521 = arith.addi %mul3A_519, %add3A_520 : i32
      %add3A_522 = arith.constant 9 : i32
      %add3A_523 = arith.addi %add3A_521, %add3A_522 : i32
      %add3A_524 = vector.broadcast %add3A_523 : i32 to vector<16xi32>
      %add3A_525 = arith.addi %mul3A_17, %add3A_524 : vector<16xi32>
      tpu.vector_store_idx %arg9[%add3A_525], %gather3A : memref<15360xi32, #tpu.memory_space<vmem>>[vector<16xi32>], vector<16xi32>,
      %scan3A_526 = arith.constant 0 : i32
      scf.yield %scan3A_526 : i32
    }
    %scan3A_229 = arith.constant 32 : i32
    %broadcast_in_dim3A = arith.constant 1.000000e+09 : f32
    %broadcast_in_dim3A_230 = vector.broadcast %broadcast_in_dim3A : f32 to vector<16xf32>
    %swap3A = arith.constant 30 : i32
    %swap3A_231 = arith.index_cast %swap3A : i32 to index
    %swap3A_232 = arith.constant 0 : index
    %swap3A_233 = tpu.vector_load %arg13[%swap3A_231, %swap3A_232] {strides = array<i32>} : memref<32x512xf32, #tpu.memory_space<vmem>>, vector<16xf32>,
    tpu.vector_store %arg13[%swap3A_231, %swap3A_232], %broadcast_in_dim3A_230 {strides = array<i32>} : memref<32x512xf32, #tpu.memory_space<vmem>>, vector<16xf32>,
    %swap3A_234 = arith.constant 30 : i32
    %swap3A_235 = arith.index_cast %swap3A_234 : i32 to index
    %swap3A_236 = arith.constant 16 : index
    %swap3A_237 = tpu.vector_load %arg13[%swap3A_235, %swap3A_236] {strides = array<i32>} : memref<32x512xf32, #tpu.memory_space<vmem>>, vector<16xf32>,
    tpu.vector_store %arg13[%swap3A_235, %swap3A_236], %broadcast_in_dim3A_230 {strides = array<i32>} : memref<32x512xf32, #tpu.memory_space<vmem>>, vector<16xf32>,
    %swap3A_238 = arith.constant 30 : i32
    %swap3A_239 = arith.index_cast %swap3A_238 : i32 to index
    %swap3A_240 = arith.constant 32 : index
    %swap3A_241 = tpu.vector_load %arg13[%swap3A_239, %swap3A_240] {strides = array<i32>} : memref<32x512xf32, #tpu.memory_space<vmem>>, vector<16xf32>,
    tpu.vector_store %arg13[%swap3A_239, %swap3A_240], %broadcast_in_dim3A_230 {strides = array<i32>} : memref<32x512xf32, #tpu.memory_space<vmem>>, vector<16xf32>,
    %swap3A_242 = arith.constant 30 : i32
    %swap3A_243 = arith.index_cast %swap3A_242 : i32 to index
    %swap3A_244 = arith.constant 48 : index
    %swap3A_245 = tpu.vector_load %arg13[%swap3A_243, %swap3A_244] {strides = array<i32>} : memref<32x512xf32, #tpu.memory_space<vmem>>, vector<16xf32>,
    tpu.vector_store %arg13[%swap3A_243, %swap3A_244], %broadcast_in_dim3A_230 {strides = array<i32>} : memref<32x512xf32, #tpu.memory_space<vmem>>, vector<16xf32>,
    %swap3A_246 = arith.constant 30 : i32
    %swap3A_247 = arith.index_cast %swap3A_246 : i32 to index
    %swap3A_248 = arith.constant 64 : index
    %swap3A_249 = tpu.vector_load %arg13[%swap3A_247, %swap3A_248] {strides = array<i32>} : memref<32x512xf32, #tpu.memory_space<vmem>>, vector<16xf32>,
    tpu.vector_store %arg13[%swap3A_247, %swap3A_248], %broadcast_in_dim3A_230 {strides = array<i32>} : memref<32x512xf32, #tpu.memory_space<vmem>>, vector<16xf32>,
    %swap3A_250 = arith.constant 30 : i32
    %swap3A_251 = arith.index_cast %swap3A_250 : i32 to index
    %swap3A_252 = arith.constant 80 : index
    %swap3A_253 = tpu.vector_load %arg13[%swap3A_251, %swap3A_252] {strides = array<i32>} : memref<32x512xf32, #tpu.memory_space<vmem>>, vector<16xf32>,
    tpu.vector_store %arg13[%swap3A_251, %swap3A_252], %broadcast_in_dim3A_230 {strides = array<i32>} : memref<32x512xf32, #tpu.memory_space<vmem>>, vector<16xf32>,
    %swap3A_254 = arith.constant 30 : i32
    %swap3A_255 = arith.index_cast %swap3A_254 : i32 to index
    %swap3A_256 = arith.constant 96 : index
    %swap3A_257 = tpu.vector_load %arg13[%swap3A_255, %swap3A_256] {strides = array<i32>} : memref<32x512xf32, #tpu.memory_space<vmem>>, vector<16xf32>,
    tpu.vector_store %arg13[%swap3A_255, %swap3A_256], %broadcast_in_dim3A_230 {strides = array<i32>} : memref<32x512xf32, #tpu.memory_space<vmem>>, vector<16xf32>,
    %swap3A_258 = arith.constant 30 : i32
    %swap3A_259 = arith.index_cast %swap3A_258 : i32 to index
    %swap3A_260 = arith.constant 112 : index
    %swap3A_261 = tpu.vector_load %arg13[%swap3A_259, %swap3A_260] {strides = array<i32>} : memref<32x512xf32, #tpu.memory_space<vmem>>, vector<16xf32>,
    tpu.vector_store %arg13[%swap3A_259, %swap3A_260], %broadcast_in_dim3A_230 {strides = array<i32>} : memref<32x512xf32, #tpu.memory_space<vmem>>, vector<16xf32>,
    %swap3A_262 = arith.constant 30 : i32
    %swap3A_263 = arith.index_cast %swap3A_262 : i32 to index
    %swap3A_264 = arith.constant 128 : index
    %swap3A_265 = tpu.vector_load %arg13[%swap3A_263, %swap3A_264] {strides = array<i32>} : memref<32x512xf32, #tpu.memory_space<vmem>>, vector<16xf32>,
    tpu.vector_store %arg13[%swap3A_263, %swap3A_264], %broadcast_in_dim3A_230 {strides = array<i32>} : memref<32x512xf32, #tpu.memory_space<vmem>>, vector<16xf32>,
    %swap3A_266 = arith.constant 30 : i32
    %swap3A_267 = arith.index_cast %swap3A_266 : i32 to index
    %swap3A_268 = arith.constant 144 : index
    %swap3A_269 = tpu.vector_load %arg13[%swap3A_267, %swap3A_268] {strides = array<i32>} : memref<32x512xf32, #tpu.memory_space<vmem>>, vector<16xf32>,
    tpu.vector_store %arg13[%swap3A_267, %swap3A_268], %broadcast_in_dim3A_230 {strides = array<i32>} : memref<32x512xf32, #tpu.memory_space<vmem>>, vector<16xf32>,
    %swap3A_270 = arith.constant 30 : i32
    %swap3A_271 = arith.index_cast %swap3A_270 : i32 to index
    %swap3A_272 = arith.constant 160 : index
    %swap3A_273 = tpu.vector_load %arg13[%swap3A_271, %swap3A_272] {strides = array<i32>} : memref<32x512xf32, #tpu.memory_space<vmem>>, vector<16xf32>,
    tpu.vector_store %arg13[%swap3A_271, %swap3A_272], %broadcast_in_dim3A_230 {strides = array<i32>} : memref<32x512xf32, #tpu.memory_space<vmem>>, vector<16xf32>,
    %swap3A_274 = arith.constant 30 : i32
    %swap3A_275 = arith.index_cast %swap3A_274 : i32 to index
    %swap3A_276 = arith.constant 176 : index
    %swap3A_277 = tpu.vector_load %arg13[%swap3A_275, %swap3A_276] {strides = array<i32>} : memref<32x512xf32, #tpu.memory_space<vmem>>, vector<16xf32>,
    tpu.vector_store %arg13[%swap3A_275, %swap3A_276], %broadcast_in_dim3A_230 {strides = array<i32>} : memref<32x512xf32, #tpu.memory_space<vmem>>, vector<16xf32>,
    %swap3A_278 = arith.constant 30 : i32
    %swap3A_279 = arith.index_cast %swap3A_278 : i32 to index
    %swap3A_280 = arith.constant 192 : index
    %swap3A_281 = tpu.vector_load %arg13[%swap3A_279, %swap3A_280] {strides = array<i32>} : memref<32x512xf32, #tpu.memory_space<vmem>>, vector<16xf32>,
    tpu.vector_store %arg13[%swap3A_279, %swap3A_280], %broadcast_in_dim3A_230 {strides = array<i32>} : memref<32x512xf32, #tpu.memory_space<vmem>>, vector<16xf32>,
    %swap3A_282 = arith.constant 30 : i32
    %swap3A_283 = arith.index_cast %swap3A_282 : i32 to index
    %swap3A_284 = arith.constant 208 : index
    %swap3A_285 = tpu.vector_load %arg13[%swap3A_283, %swap3A_284] {strides = array<i32>} : memref<32x512xf32, #tpu.memory_space<vmem>>, vector<16xf32>,
    tpu.vector_store %arg13[%swap3A_283, %swap3A_284], %broadcast_in_dim3A_230 {strides = array<i32>} : memref<32x512xf32, #tpu.memory_space<vmem>>, vector<16xf32>,
    %swap3A_286 = arith.constant 30 : i32
    %swap3A_287 = arith.index_cast %swap3A_286 : i32 to index
    %swap3A_288 = arith.constant 224 : index
    %swap3A_289 = tpu.vector_load %arg13[%swap3A_287, %swap3A_288] {strides = array<i32>} : memref<32x512xf32, #tpu.memory_space<vmem>>, vector<16xf32>,
    tpu.vector_store %arg13[%swap3A_287, %swap3A_288], %broadcast_in_dim3A_230 {strides = array<i32>} : memref<32x512xf32, #tpu.memory_space<vmem>>, vector<16xf32>,
    %swap3A_290 = arith.constant 30 : i32
    %swap3A_291 = arith.index_cast %swap3A_290 : i32 to index
    %swap3A_292 = arith.constant 240 : index
    %swap3A_293 = tpu.vector_load %arg13[%swap3A_291, %swap3A_292] {strides = array<i32>} : memref<32x512xf32, #tpu.memory_space<vmem>>, vector<16xf32>,
    tpu.vector_store %arg13[%swap3A_291, %swap3A_292], %broadcast_in_dim3A_230 {strides = array<i32>} : memref<32x512xf32, #tpu.memory_space<vmem>>, vector<16xf32>,
    %swap3A_294 = arith.constant 30 : i32
    %swap3A_295 = arith.index_cast %swap3A_294 : i32 to index
    %swap3A_296 = arith.constant 256 : index
    %swap3A_297 = tpu.vector_load %arg13[%swap3A_295, %swap3A_296] {strides = array<i32>} : memref<32x512xf32, #tpu.memory_space<vmem>>, vector<16xf32>,
    tpu.vector_store %arg13[%swap3A_295, %swap3A_296], %broadcast_in_dim3A_230 {strides = array<i32>} : memref<32x512xf32, #tpu.memory_space<vmem>>, vector<16xf32>,
    %swap3A_298 = arith.constant 30 : i32
    %swap3A_299 = arith.index_cast %swap3A_298 : i32 to index
    %swap3A_300 = arith.constant 272 : index
    %swap3A_301 = tpu.vector_load %arg13[%swap3A_299, %swap3A_300] {strides = array<i32>} : memref<32x512xf32, #tpu.memory_space<vmem>>, vector<16xf32>,
    tpu.vector_store %arg13[%swap3A_299, %swap3A_300], %broadcast_in_dim3A_230 {strides = array<i32>} : memref<32x512xf32, #tpu.memory_space<vmem>>, vector<16xf32>,
    %swap3A_302 = arith.constant 30 : i32
    %swap3A_303 = arith.index_cast %swap3A_302 : i32 to index
    %swap3A_304 = arith.constant 288 : index
    %swap3A_305 = tpu.vector_load %arg13[%swap3A_303, %swap3A_304] {strides = array<i32>} : memref<32x512xf32, #tpu.memory_space<vmem>>, vector<16xf32>,
    tpu.vector_store %arg13[%swap3A_303, %swap3A_304], %broadcast_in_dim3A_230 {strides = array<i32>} : memref<32x512xf32, #tpu.memory_space<vmem>>, vector<16xf32>,
    %swap3A_306 = arith.constant 30 : i32
    %swap3A_307 = arith.index_cast %swap3A_306 : i32 to index
    %swap3A_308 = arith.constant 304 : index
    %swap3A_309 = tpu.vector_load %arg13[%swap3A_307, %swap3A_308] {strides = array<i32>} : memref<32x512xf32, #tpu.memory_space<vmem>>, vector<16xf32>,
    tpu.vector_store %arg13[%swap3A_307, %swap3A_308], %broadcast_in_dim3A_230 {strides = array<i32>} : memref<32x512xf32, #tpu.memory_space<vmem>>, vector<16xf32>,
    %swap3A_310 = arith.constant 30 : i32
    %swap3A_311 = arith.index_cast %swap3A_310 : i32 to index
    %swap3A_312 = arith.constant 320 : index
    %swap3A_313 = tpu.vector_load %arg13[%swap3A_311, %swap3A_312] {strides = array<i32>} : memref<32x512xf32, #tpu.memory_space<vmem>>, vector<16xf32>,
    tpu.vector_store %arg13[%swap3A_311, %swap3A_312], %broadcast_in_dim3A_230 {strides = array<i32>} : memref<32x512xf32, #tpu.memory_space<vmem>>, vector<16xf32>,
    %swap3A_314 = arith.constant 30 : i32
    %swap3A_315 = arith.index_cast %swap3A_314 : i32 to index
    %swap3A_316 = arith.constant 336 : index
    %swap3A_317 = tpu.vector_load %arg13[%swap3A_315, %swap3A_316] {strides = array<i32>} : memref<32x512xf32, #tpu.memory_space<vmem>>, vector<16xf32>,
    tpu.vector_store %arg13[%swap3A_315, %swap3A_316], %broadcast_in_dim3A_230 {strides = array<i32>} : memref<32x512xf32, #tpu.memory_space<vmem>>, vector<16xf32>,
    %swap3A_318 = arith.constant 30 : i32
    %swap3A_319 = arith.index_cast %swap3A_318 : i32 to index
    %swap3A_320 = arith.constant 352 : index
    %swap3A_321 = tpu.vector_load %arg13[%swap3A_319, %swap3A_320] {strides = array<i32>} : memref<32x512xf32, #tpu.memory_space<vmem>>, vector<16xf32>,
    tpu.vector_store %arg13[%swap3A_319, %swap3A_320], %broadcast_in_dim3A_230 {strides = array<i32>} : memref<32x512xf32, #tpu.memory_space<vmem>>, vector<16xf32>,
    %swap3A_322 = arith.constant 30 : i32
    %swap3A_323 = arith.index_cast %swap3A_322 : i32 to index
    %swap3A_324 = arith.constant 368 : index
    %swap3A_325 = tpu.vector_load %arg13[%swap3A_323, %swap3A_324] {strides = array<i32>} : memref<32x512xf32, #tpu.memory_space<vmem>>, vector<16xf32>,
    tpu.vector_store %arg13[%swap3A_323, %swap3A_324], %broadcast_in_dim3A_230 {strides = array<i32>} : memref<32x512xf32, #tpu.memory_space<vmem>>, vector<16xf32>,
    %swap3A_326 = arith.constant 30 : i32
    %swap3A_327 = arith.index_cast %swap3A_326 : i32 to index
    %swap3A_328 = arith.constant 384 : index
    %swap3A_329 = tpu.vector_load %arg13[%swap3A_327, %swap3A_328] {strides = array<i32>} : memref<32x512xf32, #tpu.memory_space<vmem>>, vector<16xf32>,
    tpu.vector_store %arg13[%swap3A_327, %swap3A_328], %broadcast_in_dim3A_230 {strides = array<i32>} : memref<32x512xf32, #tpu.memory_space<vmem>>, vector<16xf32>,
    %swap3A_330 = arith.constant 30 : i32
    %swap3A_331 = arith.index_cast %swap3A_330 : i32 to index
    %swap3A_332 = arith.constant 400 : index
    %swap3A_333 = tpu.vector_load %arg13[%swap3A_331, %swap3A_332] {strides = array<i32>} : memref<32x512xf32, #tpu.memory_space<vmem>>, vector<16xf32>,
    tpu.vector_store %arg13[%swap3A_331, %swap3A_332], %broadcast_in_dim3A_230 {strides = array<i32>} : memref<32x512xf32, #tpu.memory_space<vmem>>, vector<16xf32>,
    %swap3A_334 = arith.constant 30 : i32
    %swap3A_335 = arith.index_cast %swap3A_334 : i32 to index
    %swap3A_336 = arith.constant 416 : index
    %swap3A_337 = tpu.vector_load %arg13[%swap3A_335, %swap3A_336] {strides = array<i32>} : memref<32x512xf32, #tpu.memory_space<vmem>>, vector<16xf32>,
    tpu.vector_store %arg13[%swap3A_335, %swap3A_336], %broadcast_in_dim3A_230 {strides = array<i32>} : memref<32x512xf32, #tpu.memory_space<vmem>>, vector<16xf32>,
    %swap3A_338 = arith.constant 30 : i32
    %swap3A_339 = arith.index_cast %swap3A_338 : i32 to index
    %swap3A_340 = arith.constant 432 : index
    %swap3A_341 = tpu.vector_load %arg13[%swap3A_339, %swap3A_340] {strides = array<i32>} : memref<32x512xf32, #tpu.memory_space<vmem>>, vector<16xf32>,
    tpu.vector_store %arg13[%swap3A_339, %swap3A_340], %broadcast_in_dim3A_230 {strides = array<i32>} : memref<32x512xf32, #tpu.memory_space<vmem>>, vector<16xf32>,
    %swap3A_342 = arith.constant 30 : i32
    %swap3A_343 = arith.index_cast %swap3A_342 : i32 to index
    %swap3A_344 = arith.constant 448 : index
    %swap3A_345 = tpu.vector_load %arg13[%swap3A_343, %swap3A_344] {strides = array<i32>} : memref<32x512xf32, #tpu.memory_space<vmem>>, vector<16xf32>,
    tpu.vector_store %arg13[%swap3A_343, %swap3A_344], %broadcast_in_dim3A_230 {strides = array<i32>} : memref<32x512xf32, #tpu.memory_space<vmem>>, vector<16xf32>,
    %swap3A_346 = arith.constant 30 : i32
    %swap3A_347 = arith.index_cast %swap3A_346 : i32 to index
    %swap3A_348 = arith.constant 464 : index
    %swap3A_349 = tpu.vector_load %arg13[%swap3A_347, %swap3A_348] {strides = array<i32>} : memref<32x512xf32, #tpu.memory_space<vmem>>, vector<16xf32>,
    tpu.vector_store %arg13[%swap3A_347, %swap3A_348], %broadcast_in_dim3A_230 {strides = array<i32>} : memref<32x512xf32, #tpu.memory_space<vmem>>, vector<16xf32>,
    %swap3A_350 = arith.constant 30 : i32
    %swap3A_351 = arith.index_cast %swap3A_350 : i32 to index
    %swap3A_352 = arith.constant 480 : index
    %swap3A_353 = tpu.vector_load %arg13[%swap3A_351, %swap3A_352] {strides = array<i32>} : memref<32x512xf32, #tpu.memory_space<vmem>>, vector<16xf32>,
    tpu.vector_store %arg13[%swap3A_351, %swap3A_352], %broadcast_in_dim3A_230 {strides = array<i32>} : memref<32x512xf32, #tpu.memory_space<vmem>>, vector<16xf32>,
    %swap3A_354 = arith.constant 30 : i32
    %swap3A_355 = arith.index_cast %swap3A_354 : i32 to index
    %swap3A_356 = arith.constant 496 : index
    %swap3A_357 = tpu.vector_load %arg13[%swap3A_355, %swap3A_356] {strides = array<i32>} : memref<32x512xf32, #tpu.memory_space<vmem>>, vector<16xf32>,
    tpu.vector_store %arg13[%swap3A_355, %swap3A_356], %broadcast_in_dim3A_230 {strides = array<i32>} : memref<32x512xf32, #tpu.memory_space<vmem>>, vector<16xf32>,
    %swap3A_358 = arith.constant 31 : i32
    %swap3A_359 = arith.index_cast %swap3A_358 : i32 to index
    %swap3A_360 = arith.constant 0 : index
    %swap3A_361 = tpu.vector_load %arg13[%swap3A_359, %swap3A_360] {strides = array<i32>} : memref<32x512xf32, #tpu.memory_space<vmem>>, vector<16xf32>,
    tpu.vector_store %arg13[%swap3A_359, %swap3A_360], %broadcast_in_dim3A_230 {strides = array<i32>} : memref<32x512xf32, #tpu.memory_space<vmem>>, vector<16xf32>,
    %swap3A_362 = arith.constant 31 : i32
    %swap3A_363 = arith.index_cast %swap3A_362 : i32 to index
    %swap3A_364 = arith.constant 16 : index
    %swap3A_365 = tpu.vector_load %arg13[%swap3A_363, %swap3A_364] {strides = array<i32>} : memref<32x512xf32, #tpu.memory_space<vmem>>, vector<16xf32>,
    tpu.vector_store %arg13[%swap3A_363, %swap3A_364], %broadcast_in_dim3A_230 {strides = array<i32>} : memref<32x512xf32, #tpu.memory_space<vmem>>, vector<16xf32>,
    %swap3A_366 = arith.constant 31 : i32
    %swap3A_367 = arith.index_cast %swap3A_366 : i32 to index
    %swap3A_368 = arith.constant 32 : index
    %swap3A_369 = tpu.vector_load %arg13[%swap3A_367, %swap3A_368] {strides = array<i32>} : memref<32x512xf32, #tpu.memory_space<vmem>>, vector<16xf32>,
    tpu.vector_store %arg13[%swap3A_367, %swap3A_368], %broadcast_in_dim3A_230 {strides = array<i32>} : memref<32x512xf32, #tpu.memory_space<vmem>>, vector<16xf32>,
    %swap3A_370 = arith.constant 31 : i32
    %swap3A_371 = arith.index_cast %swap3A_370 : i32 to index
    %swap3A_372 = arith.constant 48 : index
    %swap3A_373 = tpu.vector_load %arg13[%swap3A_371, %swap3A_372] {strides = array<i32>} : memref<32x512xf32, #tpu.memory_space<vmem>>, vector<16xf32>,
    tpu.vector_store %arg13[%swap3A_371, %swap3A_372], %broadcast_in_dim3A_230 {strides = array<i32>} : memref<32x512xf32, #tpu.memory_space<vmem>>, vector<16xf32>,
    %swap3A_374 = arith.constant 31 : i32
    %swap3A_375 = arith.index_cast %swap3A_374 : i32 to index
    %swap3A_376 = arith.constant 64 : index
    %swap3A_377 = tpu.vector_load %arg13[%swap3A_375, %swap3A_376] {strides = array<i32>} : memref<32x512xf32, #tpu.memory_space<vmem>>, vector<16xf32>,
    tpu.vector_store %arg13[%swap3A_375, %swap3A_376], %broadcast_in_dim3A_230 {strides = array<i32>} : memref<32x512xf32, #tpu.memory_space<vmem>>, vector<16xf32>,
    %swap3A_378 = arith.constant 31 : i32
    %swap3A_379 = arith.index_cast %swap3A_378 : i32 to index
    %swap3A_380 = arith.constant 80 : index
    %swap3A_381 = tpu.vector_load %arg13[%swap3A_379, %swap3A_380] {strides = array<i32>} : memref<32x512xf32, #tpu.memory_space<vmem>>, vector<16xf32>,
    tpu.vector_store %arg13[%swap3A_379, %swap3A_380], %broadcast_in_dim3A_230 {strides = array<i32>} : memref<32x512xf32, #tpu.memory_space<vmem>>, vector<16xf32>,
    %swap3A_382 = arith.constant 31 : i32
    %swap3A_383 = arith.index_cast %swap3A_382 : i32 to index
    %swap3A_384 = arith.constant 96 : index
    %swap3A_385 = tpu.vector_load %arg13[%swap3A_383, %swap3A_384] {strides = array<i32>} : memref<32x512xf32, #tpu.memory_space<vmem>>, vector<16xf32>,
    tpu.vector_store %arg13[%swap3A_383, %swap3A_384], %broadcast_in_dim3A_230 {strides = array<i32>} : memref<32x512xf32, #tpu.memory_space<vmem>>, vector<16xf32>,
    %swap3A_386 = arith.constant 31 : i32
    %swap3A_387 = arith.index_cast %swap3A_386 : i32 to index
    %swap3A_388 = arith.constant 112 : index
    %swap3A_389 = tpu.vector_load %arg13[%swap3A_387, %swap3A_388] {strides = array<i32>} : memref<32x512xf32, #tpu.memory_space<vmem>>, vector<16xf32>,
    tpu.vector_store %arg13[%swap3A_387, %swap3A_388], %broadcast_in_dim3A_230 {strides = array<i32>} : memref<32x512xf32, #tpu.memory_space<vmem>>, vector<16xf32>,
    %swap3A_390 = arith.constant 31 : i32
    %swap3A_391 = arith.index_cast %swap3A_390 : i32 to index
    %swap3A_392 = arith.constant 128 : index
    %swap3A_393 = tpu.vector_load %arg13[%swap3A_391, %swap3A_392] {strides = array<i32>} : memref<32x512xf32, #tpu.memory_space<vmem>>, vector<16xf32>,
    tpu.vector_store %arg13[%swap3A_391, %swap3A_392], %broadcast_in_dim3A_230 {strides = array<i32>} : memref<32x512xf32, #tpu.memory_space<vmem>>, vector<16xf32>,
    %swap3A_394 = arith.constant 31 : i32
    %swap3A_395 = arith.index_cast %swap3A_394 : i32 to index
    %swap3A_396 = arith.constant 144 : index
    %swap3A_397 = tpu.vector_load %arg13[%swap3A_395, %swap3A_396] {strides = array<i32>} : memref<32x512xf32, #tpu.memory_space<vmem>>, vector<16xf32>,
    tpu.vector_store %arg13[%swap3A_395, %swap3A_396], %broadcast_in_dim3A_230 {strides = array<i32>} : memref<32x512xf32, #tpu.memory_space<vmem>>, vector<16xf32>,
    %swap3A_398 = arith.constant 31 : i32
    %swap3A_399 = arith.index_cast %swap3A_398 : i32 to index
    %swap3A_400 = arith.constant 160 : index
    %swap3A_401 = tpu.vector_load %arg13[%swap3A_399, %swap3A_400] {strides = array<i32>} : memref<32x512xf32, #tpu.memory_space<vmem>>, vector<16xf32>,
    tpu.vector_store %arg13[%swap3A_399, %swap3A_400], %broadcast_in_dim3A_230 {strides = array<i32>} : memref<32x512xf32, #tpu.memory_space<vmem>>, vector<16xf32>,
    %swap3A_402 = arith.constant 31 : i32
    %swap3A_403 = arith.index_cast %swap3A_402 : i32 to index
    %swap3A_404 = arith.constant 176 : index
    %swap3A_405 = tpu.vector_load %arg13[%swap3A_403, %swap3A_404] {strides = array<i32>} : memref<32x512xf32, #tpu.memory_space<vmem>>, vector<16xf32>,
    tpu.vector_store %arg13[%swap3A_403, %swap3A_404], %broadcast_in_dim3A_230 {strides = array<i32>} : memref<32x512xf32, #tpu.memory_space<vmem>>, vector<16xf32>,
    %swap3A_406 = arith.constant 31 : i32
    %swap3A_407 = arith.index_cast %swap3A_406 : i32 to index
    %swap3A_408 = arith.constant 192 : index
    %swap3A_409 = tpu.vector_load %arg13[%swap3A_407, %swap3A_408] {strides = array<i32>} : memref<32x512xf32, #tpu.memory_space<vmem>>, vector<16xf32>,
    tpu.vector_store %arg13[%swap3A_407, %swap3A_408], %broadcast_in_dim3A_230 {strides = array<i32>} : memref<32x512xf32, #tpu.memory_space<vmem>>, vector<16xf32>,
    %swap3A_410 = arith.constant 31 : i32
    %swap3A_411 = arith.index_cast %swap3A_410 : i32 to index
    %swap3A_412 = arith.constant 208 : index
    %swap3A_413 = tpu.vector_load %arg13[%swap3A_411, %swap3A_412] {strides = array<i32>} : memref<32x512xf32, #tpu.memory_space<vmem>>, vector<16xf32>,
    tpu.vector_store %arg13[%swap3A_411, %swap3A_412], %broadcast_in_dim3A_230 {strides = array<i32>} : memref<32x512xf32, #tpu.memory_space<vmem>>, vector<16xf32>,
    %swap3A_414 = arith.constant 31 : i32
    %swap3A_415 = arith.index_cast %swap3A_414 : i32 to index
    %swap3A_416 = arith.constant 224 : index
    %swap3A_417 = tpu.vector_load %arg13[%swap3A_415, %swap3A_416] {strides = array<i32>} : memref<32x512xf32, #tpu.memory_space<vmem>>, vector<16xf32>,
    tpu.vector_store %arg13[%swap3A_415, %swap3A_416], %broadcast_in_dim3A_230 {strides = array<i32>} : memref<32x512xf32, #tpu.memory_space<vmem>>, vector<16xf32>,
    %swap3A_418 = arith.constant 31 : i32
    %swap3A_419 = arith.index_cast %swap3A_418 : i32 to index
    %swap3A_420 = arith.constant 240 : index
    %swap3A_421 = tpu.vector_load %arg13[%swap3A_419, %swap3A_420] {strides = array<i32>} : memref<32x512xf32, #tpu.memory_space<vmem>>, vector<16xf32>,
    tpu.vector_store %arg13[%swap3A_419, %swap3A_420], %broadcast_in_dim3A_230 {strides = array<i32>} : memref<32x512xf32, #tpu.memory_space<vmem>>, vector<16xf32>,
    %swap3A_422 = arith.constant 31 : i32
    %swap3A_423 = arith.index_cast %swap3A_422 : i32 to index
    %swap3A_424 = arith.constant 256 : index
    %swap3A_425 = tpu.vector_load %arg13[%swap3A_423, %swap3A_424] {strides = array<i32>} : memref<32x512xf32, #tpu.memory_space<vmem>>, vector<16xf32>,
    tpu.vector_store %arg13[%swap3A_423, %swap3A_424], %broadcast_in_dim3A_230 {strides = array<i32>} : memref<32x512xf32, #tpu.memory_space<vmem>>, vector<16xf32>,
    %swap3A_426 = arith.constant 31 : i32
    %swap3A_427 = arith.index_cast %swap3A_426 : i32 to index
    %swap3A_428 = arith.constant 272 : index
    %swap3A_429 = tpu.vector_load %arg13[%swap3A_427, %swap3A_428] {strides = array<i32>} : memref<32x512xf32, #tpu.memory_space<vmem>>, vector<16xf32>,
    tpu.vector_store %arg13[%swap3A_427, %swap3A_428], %broadcast_in_dim3A_230 {strides = array<i32>} : memref<32x512xf32, #tpu.memory_space<vmem>>, vector<16xf32>,
    %swap3A_430 = arith.constant 31 : i32
    %swap3A_431 = arith.index_cast %swap3A_430 : i32 to index
    %swap3A_432 = arith.constant 288 : index
    %swap3A_433 = tpu.vector_load %arg13[%swap3A_431, %swap3A_432] {strides = array<i32>} : memref<32x512xf32, #tpu.memory_space<vmem>>, vector<16xf32>,
    tpu.vector_store %arg13[%swap3A_431, %swap3A_432], %broadcast_in_dim3A_230 {strides = array<i32>} : memref<32x512xf32, #tpu.memory_space<vmem>>, vector<16xf32>,
    %swap3A_434 = arith.constant 31 : i32
    %swap3A_435 = arith.index_cast %swap3A_434 : i32 to index
    %swap3A_436 = arith.constant 304 : index
    %swap3A_437 = tpu.vector_load %arg13[%swap3A_435, %swap3A_436] {strides = array<i32>} : memref<32x512xf32, #tpu.memory_space<vmem>>, vector<16xf32>,
    tpu.vector_store %arg13[%swap3A_435, %swap3A_436], %broadcast_in_dim3A_230 {strides = array<i32>} : memref<32x512xf32, #tpu.memory_space<vmem>>, vector<16xf32>,
    %swap3A_438 = arith.constant 31 : i32
    %swap3A_439 = arith.index_cast %swap3A_438 : i32 to index
    %swap3A_440 = arith.constant 320 : index
    %swap3A_441 = tpu.vector_load %arg13[%swap3A_439, %swap3A_440] {strides = array<i32>} : memref<32x512xf32, #tpu.memory_space<vmem>>, vector<16xf32>,
    tpu.vector_store %arg13[%swap3A_439, %swap3A_440], %broadcast_in_dim3A_230 {strides = array<i32>} : memref<32x512xf32, #tpu.memory_space<vmem>>, vector<16xf32>,
    %swap3A_442 = arith.constant 31 : i32
    %swap3A_443 = arith.index_cast %swap3A_442 : i32 to index
    %swap3A_444 = arith.constant 336 : index
    %swap3A_445 = tpu.vector_load %arg13[%swap3A_443, %swap3A_444] {strides = array<i32>} : memref<32x512xf32, #tpu.memory_space<vmem>>, vector<16xf32>,
    tpu.vector_store %arg13[%swap3A_443, %swap3A_444], %broadcast_in_dim3A_230 {strides = array<i32>} : memref<32x512xf32, #tpu.memory_space<vmem>>, vector<16xf32>,
    %swap3A_446 = arith.constant 31 : i32
    %swap3A_447 = arith.index_cast %swap3A_446 : i32 to index
    %swap3A_448 = arith.constant 352 : index
    %swap3A_449 = tpu.vector_load %arg13[%swap3A_447, %swap3A_448] {strides = array<i32>} : memref<32x512xf32, #tpu.memory_space<vmem>>, vector<16xf32>,
    tpu.vector_store %arg13[%swap3A_447, %swap3A_448], %broadcast_in_dim3A_230 {strides = array<i32>} : memref<32x512xf32, #tpu.memory_space<vmem>>, vector<16xf32>,
    %swap3A_450 = arith.constant 31 : i32
    %swap3A_451 = arith.index_cast %swap3A_450 : i32 to index
    %swap3A_452 = arith.constant 368 : index
    %swap3A_453 = tpu.vector_load %arg13[%swap3A_451, %swap3A_452] {strides = array<i32>} : memref<32x512xf32, #tpu.memory_space<vmem>>, vector<16xf32>,
    tpu.vector_store %arg13[%swap3A_451, %swap3A_452], %broadcast_in_dim3A_230 {strides = array<i32>} : memref<32x512xf32, #tpu.memory_space<vmem>>, vector<16xf32>,
    %swap3A_454 = arith.constant 31 : i32
    %swap3A_455 = arith.index_cast %swap3A_454 : i32 to index
    %swap3A_456 = arith.constant 384 : index
    %swap3A_457 = tpu.vector_load %arg13[%swap3A_455, %swap3A_456] {strides = array<i32>} : memref<32x512xf32, #tpu.memory_space<vmem>>, vector<16xf32>,
    tpu.vector_store %arg13[%swap3A_455, %swap3A_456], %broadcast_in_dim3A_230 {strides = array<i32>} : memref<32x512xf32, #tpu.memory_space<vmem>>, vector<16xf32>,
    %swap3A_458 = arith.constant 31 : i32
    %swap3A_459 = arith.index_cast %swap3A_458 : i32 to index
    %swap3A_460 = arith.constant 400 : index
    %swap3A_461 = tpu.vector_load %arg13[%swap3A_459, %swap3A_460] {strides = array<i32>} : memref<32x512xf32, #tpu.memory_space<vmem>>, vector<16xf32>,
    tpu.vector_store %arg13[%swap3A_459, %swap3A_460], %broadcast_in_dim3A_230 {strides = array<i32>} : memref<32x512xf32, #tpu.memory_space<vmem>>, vector<16xf32>,
    %swap3A_462 = arith.constant 31 : i32
    %swap3A_463 = arith.index_cast %swap3A_462 : i32 to index
    %swap3A_464 = arith.constant 416 : index
    %swap3A_465 = tpu.vector_load %arg13[%swap3A_463, %swap3A_464] {strides = array<i32>} : memref<32x512xf32, #tpu.memory_space<vmem>>, vector<16xf32>,
    tpu.vector_store %arg13[%swap3A_463, %swap3A_464], %broadcast_in_dim3A_230 {strides = array<i32>} : memref<32x512xf32, #tpu.memory_space<vmem>>, vector<16xf32>,
    %swap3A_466 = arith.constant 31 : i32
    %swap3A_467 = arith.index_cast %swap3A_466 : i32 to index
    %swap3A_468 = arith.constant 432 : index
    %swap3A_469 = tpu.vector_load %arg13[%swap3A_467, %swap3A_468] {strides = array<i32>} : memref<32x512xf32, #tpu.memory_space<vmem>>, vector<16xf32>,
    tpu.vector_store %arg13[%swap3A_467, %swap3A_468], %broadcast_in_dim3A_230 {strides = array<i32>} : memref<32x512xf32, #tpu.memory_space<vmem>>, vector<16xf32>,
    %swap3A_470 = arith.constant 31 : i32
    %swap3A_471 = arith.index_cast %swap3A_470 : i32 to index
    %swap3A_472 = arith.constant 448 : index
    %swap3A_473 = tpu.vector_load %arg13[%swap3A_471, %swap3A_472] {strides = array<i32>} : memref<32x512xf32, #tpu.memory_space<vmem>>, vector<16xf32>,
    tpu.vector_store %arg13[%swap3A_471, %swap3A_472], %broadcast_in_dim3A_230 {strides = array<i32>} : memref<32x512xf32, #tpu.memory_space<vmem>>, vector<16xf32>,
    %swap3A_474 = arith.constant 31 : i32
    %swap3A_475 = arith.index_cast %swap3A_474 : i32 to index
    %swap3A_476 = arith.constant 464 : index
    %swap3A_477 = tpu.vector_load %arg13[%swap3A_475, %swap3A_476] {strides = array<i32>} : memref<32x512xf32, #tpu.memory_space<vmem>>, vector<16xf32>,
    tpu.vector_store %arg13[%swap3A_475, %swap3A_476], %broadcast_in_dim3A_230 {strides = array<i32>} : memref<32x512xf32, #tpu.memory_space<vmem>>, vector<16xf32>,
    %swap3A_478 = arith.constant 31 : i32
    %swap3A_479 = arith.index_cast %swap3A_478 : i32 to index
    %swap3A_480 = arith.constant 480 : index
    %swap3A_481 = tpu.vector_load %arg13[%swap3A_479, %swap3A_480] {strides = array<i32>} : memref<32x512xf32, #tpu.memory_space<vmem>>, vector<16xf32>,
    tpu.vector_store %arg13[%swap3A_479, %swap3A_480], %broadcast_in_dim3A_230 {strides = array<i32>} : memref<32x512xf32, #tpu.memory_space<vmem>>, vector<16xf32>,
    %swap3A_482 = arith.constant 31 : i32
    %swap3A_483 = arith.index_cast %swap3A_482 : i32 to index
    %swap3A_484 = arith.constant 496 : index
    %swap3A_485 = tpu.vector_load %arg13[%swap3A_483, %swap3A_484] {strides = array<i32>} : memref<32x512xf32, #tpu.memory_space<vmem>>, vector<16xf32>,
    tpu.vector_store %arg13[%swap3A_483, %swap3A_484], %broadcast_in_dim3A_230 {strides = array<i32>} : memref<32x512xf32, #tpu.memory_space<vmem>>, vector<16xf32>,
    %broadcast_in_dim3A_486 = arith.constant 0.000000e+00 : f32
    %broadcast_in_dim3A_487 = vector.broadcast %broadcast_in_dim3A_486 : f32 to vector<16xf32>
    %dma_start3A = arith.constant 0 : i32
    %dma_start3A_488 = arith.constant 0 : i32
    %dma_start3A_489 = tpu.memref_slice %arg11[%dma_start3A, %dma_start3A_488] : memref<160x128xf32, #tpu.memory_space<vmem>> -> memref<80x128xf32, #tpu.memory_space<vmem>>
    %dma_start3A_490 = arith.constant 0 : i32
    %dma_start3A_491 = tpu.memref_slice %arg9[%dma_start3A_490] : memref<15360xi32, #tpu.memory_space<vmem>> -> memref<80xi32, #tpu.memory_space<vmem>>
    %dma_start3A_492 = arith.constant 0 : i32
    %dma_start3A_493 = arith.constant 0 : i32
    %dma_start3A_494 = tpu.memref_slice %arg5[%dma_start3A_492, %dma_start3A_493] : memref<1000000x128xf32, #tpu.memory_space<hbm>> -> memref<1000000x128xf32, #tpu.memory_space<hbm>>
    tpu.enqueue_indirect_dma source(%dma_start3A_494 : memref<1000000x128xf32, #tpu.memory_space<hbm>>) target(%dma_start3A_489 : memref<80x128xf32, #tpu.memory_space<vmem>>) offsets(%dma_start3A_491 : memref<80xi32, #tpu.memory_space<vmem>>) semaphore(%arg14 : memref<!tpu.dma_semaphore, #tpu.memory_space<semaphore_mem>>)
    %dma_start3A_495 = arith.constant 80 : i32
    %dma_start3A_496 = arith.constant 0 : i32
    %dma_start3A_497 = tpu.memref_slice %arg11[%dma_start3A_495, %dma_start3A_496] : memref<160x128xf32, #tpu.memory_space<vmem>> -> memref<80x128xf32, #tpu.memory_space<vmem>>
    %dma_start3A_498 = arith.constant 80 : i32
    %dma_start3A_499 = tpu.memref_slice %arg9[%dma_start3A_498] : memref<15360xi32, #tpu.memory_space<vmem>> -> memref<80xi32, #tpu.memory_space<vmem>>
    %dma_start3A_500 = arith.constant 0 : i32
    %dma_start3A_501 = arith.constant 0 : i32
    %dma_start3A_502 = tpu.memref_slice %arg5[%dma_start3A_500, %dma_start3A_501] : memref<1000000x128xf32, #tpu.memory_space<hbm>> -> memref<1000000x128xf32, #tpu.memory_space<hbm>>
    tpu.enqueue_indirect_dma source(%dma_start3A_502 : memref<1000000x128xf32, #tpu.memory_space<hbm>>) target(%dma_start3A_497 : memref<80x128xf32, #tpu.memory_space<vmem>>) offsets(%dma_start3A_499 : memref<80xi32, #tpu.memory_space<vmem>>) semaphore(%arg14 : memref<!tpu.dma_semaphore, #tpu.memory_space<semaphore_mem>>)
    %scan3A_503 = arith.constant 0 : i32
    %scan3A_504 = arith.constant 0 : i32
    %scan3A_505 = arith.constant 16 : i32
    %scan3A_506 = arith.addi %scan3A_504, %scan3A_505 : i32
    %scan3A_507 = arith.constant 1 : i32
    %scan3A_508 = scf.for %scan3A_510 = %scan3A_504 to %scan3A_506 step %scan3A_507 iter_args(%scan3A_511 = %scan3A_503) -> (i32)  : i32 {
      %mul3A_512 = arith.constant 2 : i32
      %mul3A_513 = arith.muli %scan3A_510, %mul3A_512 : i32
      %mul3A_514 = arith.constant 3 : i32
      %mul3A_515 = arith.muli %mul3A_513, %mul3A_514 : i32
      %add3A_516 = arith.constant 0 : i32
      %add3A_517 = arith.addi %mul3A_515, %add3A_516 : i32
      %add3A_518 = arith.constant 0 : i32
      %add3A_519 = arith.addi %mul3A_513, %add3A_518 : i32
      %add3A_520 = arith.constant 1 : i32
      %add3A_521 = arith.addi %add3A_517, %add3A_520 : i32
      %mul3A_522 = arith.constant 160 : i32
      %mul3A_523 = arith.muli %add3A_521, %mul3A_522 : i32
      %add3A_524 = arith.constant 0 : i32
      %add3A_525 = arith.addi %mul3A_523, %add3A_524 : i32
      %dma_start3A_526 = arith.constant 0 : i32
      %dma_start3A_527 = arith.constant 0 : i32
      %dma_start3A_528 = tpu.memref_slice %arg12[%dma_start3A_526, %dma_start3A_527] : memref<160x128xf32, #tpu.memory_space<vmem>> -> memref<80x128xf32, #tpu.memory_space<vmem>>
      %dma_start3A_529 = tpu.memref_slice %arg9[%add3A_525] : memref<15360xi32, #tpu.memory_space<vmem>> -> memref<80xi32, #tpu.memory_space<vmem>>
      %dma_start3A_530 = arith.constant 0 : i32
      %dma_start3A_531 = arith.constant 0 : i32
      %dma_start3A_532 = tpu.memref_slice %arg5[%dma_start3A_530, %dma_start3A_531] : memref<1000000x128xf32, #tpu.memory_space<hbm>> -> memref<1000000x128xf32, #tpu.memory_space<hbm>>
      tpu.enqueue_indirect_dma source(%dma_start3A_532 : memref<1000000x128xf32, #tpu.memory_space<hbm>>) target(%dma_start3A_528 : memref<80x128xf32, #tpu.memory_space<vmem>>) offsets(%dma_start3A_529 : memref<80xi32, #tpu.memory_space<vmem>>) semaphore(%arg15 : memref<!tpu.dma_semaphore, #tpu.memory_space<semaphore_mem>>)
      %mul3A_533 = arith.constant 160 : i32
      %mul3A_534 = arith.muli %add3A_521, %mul3A_533 : i32
      %add3A_535 = arith.constant 80 : i32
      %add3A_536 = arith.addi %mul3A_534, %add3A_535 : i32
      %dma_start3A_537 = arith.constant 80 : i32
      %dma_start3A_538 = arith.constant 0 : i32
      %dma_start3A_539 = tpu.memref_slice %arg12[%dma_start3A_537, %dma_start3A_538] : memref<160x128xf32, #tpu.memory_space<vmem>> -> memref<80x128xf32, #tpu.memory_space<vmem>>
      %dma_start3A_540 = tpu.memref_slice %arg9[%add3A_536] : memref<15360xi32, #tpu.memory_space<vmem>> -> memref<80xi32, #tpu.memory_space<vmem>>
      %dma_start3A_541 = arith.constant 0 : i32
      %dma_start3A_542 = arith.constant 0 : i32
      %dma_start3A_543 = tpu.memref_slice %arg5[%dma_start3A_541, %dma_start3A_542] : memref<1000000x128xf32, #tpu.memory_space<hbm>> -> memref<1000000x128xf32, #tpu.memory_space<hbm>>
      tpu.enqueue_indirect_dma source(%dma_start3A_543 : memref<1000000x128xf32, #tpu.memory_space<hbm>>) target(%dma_start3A_539 : memref<80x128xf32, #tpu.memory_space<vmem>>) offsets(%dma_start3A_540 : memref<80xi32, #tpu.memory_space<vmem>>) semaphore(%arg15 : memref<!tpu.dma_semaphore, #tpu.memory_space<semaphore_mem>>)
      %mul3A_544 = arith.constant 160 : i32
      %mul3A_545 = arith.muli %add3A_517, %mul3A_544 : i32
      %add3A_546 = arith.constant 0 : i32
      %add3A_547 = arith.addi %mul3A_545, %add3A_546 : i32
      %dma_wait3A = arith.constant 0 : i32
      %dma_wait3A_548 = arith.constant 0 : i32
      %dma_wait3A_549 = tpu.memref_slice %arg11[%dma_wait3A, %dma_wait3A_548] : memref<160x128xf32, #tpu.memory_space<vmem>> -> memref<80x128xf32, #tpu.memory_space<vmem>>
      %dma_wait3A_550 = tpu.memref_slice %arg9[%add3A_547] : memref<15360xi32, #tpu.memory_space<vmem>> -> memref<80xi32, #tpu.memory_space<vmem>>
      %dma_wait3A_551 = arith.constant 0 : i32
      %dma_wait3A_552 = arith.constant 0 : i32
      %dma_wait3A_553 = tpu.memref_slice %arg5[%dma_wait3A_551, %dma_wait3A_552] : memref<1000000x128xf32, #tpu.memory_space<hbm>> -> memref<1000000x128xf32, #tpu.memory_space<hbm>>
      tpu.wait_indirect_dma semaphore(%arg14 : memref<!tpu.dma_semaphore, #tpu.memory_space<semaphore_mem>>) src(%dma_wait3A_553 : memref<1000000x128xf32, #tpu.memory_space<hbm>>) dst(%dma_wait3A_549 : memref<80x128xf32, #tpu.memory_space<vmem>>)
      %mul3A_554 = arith.constant 160 : i32
      %mul3A_555 = arith.muli %add3A_517, %mul3A_554 : i32
      %add3A_556 = arith.constant 80 : i32
      %add3A_557 = arith.addi %mul3A_555, %add3A_556 : i32
      %dma_wait3A_558 = arith.constant 80 : i32
      %dma_wait3A_559 = arith.constant 0 : i32
      %dma_wait3A_560 = tpu.memref_slice %arg11[%dma_wait3A_558, %dma_wait3A_559] : memref<160x128xf32, #tpu.memory_space<vmem>> -> memref<80x128xf32, #tpu.memory_space<vmem>>
      %dma_wait3A_561 = tpu.memref_slice %arg9[%add3A_557] : memref<15360xi32, #tpu.memory_space<vmem>> -> memref<80xi32, #tpu.memory_space<vmem>>
      %dma_wait3A_562 = arith.constant 0 : i32
      %dma_wait3A_563 = arith.constant 0 : i32
      %dma_wait3A_564 = tpu.memref_slice %arg5[%dma_wait3A_562, %dma_wait3A_563] : memref<1000000x128xf32, #tpu.memory_space<hbm>> -> memref<1000000x128xf32, #tpu.memory_space<hbm>>
      tpu.wait_indirect_dma semaphore(%arg14 : memref<!tpu.dma_semaphore, #tpu.memory_space<semaphore_mem>>) src(%dma_wait3A_564 : memref<1000000x128xf32, #tpu.memory_space<hbm>>) dst(%dma_wait3A_560 : memref<80x128xf32, #tpu.memory_space<vmem>>)
      %add3A_565 = arith.constant 0 : i32
      %add3A_566 = vector.broadcast %add3A_565 : i32 to vector<16xi32>
      %add3A_567 = arith.addi %mul3A_17, %add3A_566 : vector<16xi32>
      %add3A_568 = arith.constant 1 : i32
      %add3A_569 = vector.broadcast %add3A_568 : i32 to vector<16xi32>
      %add3A_570 = arith.addi %mul3A_17, %add3A_569 : vector<16xi32>
      %add3A_571 = arith.constant 2 : i32
      %add3A_572 = vector.broadcast %add3A_571 : i32 to vector<16xi32>
      %add3A_573 = arith.addi %mul3A_17, %add3A_572 : vector<16xi32>
      %add3A_574 = arith.constant 3 : i32
      %add3A_575 = vector.broadcast %add3A_574 : i32 to vector<16xi32>
      %add3A_576 = arith.addi %mul3A_17, %add3A_575 : vector<16xi32>
      %add3A_577 = arith.constant 4 : i32
      %add3A_578 = vector.broadcast %add3A_577 : i32 to vector<16xi32>
      %add3A_579 = arith.addi %mul3A_17, %add3A_578 : vector<16xi32>
      %add3A_580 = arith.constant 5 : i32
      %add3A_581 = vector.broadcast %add3A_580 : i32 to vector<16xi32>
      %add3A_582 = arith.addi %mul3A_17, %add3A_581 : vector<16xi32>
      %add3A_583 = arith.constant 6 : i32
      %add3A_584 = vector.broadcast %add3A_583 : i32 to vector<16xi32>
      %add3A_585 = arith.addi %mul3A_17, %add3A_584 : vector<16xi32>
      %add3A_586 = arith.constant 7 : i32
      %add3A_587 = vector.broadcast %add3A_586 : i32 to vector<16xi32>
      %add3A_588 = arith.addi %mul3A_17, %add3A_587 : vector<16xi32>
      %add3A_589 = arith.constant 8 : i32
      %add3A_590 = vector.broadcast %add3A_589 : i32 to vector<16xi32>
      %add3A_591 = arith.addi %mul3A_17, %add3A_590 : vector<16xi32>
      %add3A_592 = arith.constant 9 : i32
      %add3A_593 = vector.broadcast %add3A_592 : i32 to vector<16xi32>
      %add3A_594 = arith.addi %mul3A_17, %add3A_593 : vector<16xi32>
      %parallel_loop3A = arith.constant 0 : i32
      %parallel_loop3A_595 = arith.constant 64 : i32
      %parallel_loop3A_596 = arith.constant 1 : i32
      %parallel_loop3A_597:10 = scf.for %parallel_loop3A_1426 = %parallel_loop3A to %parallel_loop3A_595 step %parallel_loop3A_596 iter_args(%parallel_loop3A_1427 = %broadcast_in_dim3A_487, %parallel_loop3A_1428 = %broadcast_in_dim3A_487, %parallel_loop3A_1429 = %broadcast_in_dim3A_487, %parallel_loop3A_1430 = %broadcast_in_dim3A_487, %parallel_loop3A_1431 = %broadcast_in_dim3A_487, %parallel_loop3A_1432 = %broadcast_in_dim3A_487, %parallel_loop3A_1433 = %broadcast_in_dim3A_487, %parallel_loop3A_1434 = %broadcast_in_dim3A_487, %parallel_loop3A_1435 = %broadcast_in_dim3A_487, %parallel_loop3A_1436 = %broadcast_in_dim3A_487) -> (vector<16xf32>, vector<16xf32>, vector<16xf32>, vector<16xf32>, vector<16xf32>, vector<16xf32>, vector<16xf32>, vector<16xf32>, vector<16xf32>, vector<16xf32>)  : i32 {
        %parallel_loop3A_1437 = vector.broadcast %parallel_loop3A_1426 : i32 to vector<16xi32>
        %parallel_loop3A_1438 = arith.addi %iota3A, %parallel_loop3A_1437 : vector<16xi32>
        %parallel_loop3A_1439 = arith.constant 63 : i32
        %parallel_loop3A_1440 = vector.broadcast %parallel_loop3A_1439 : i32 to vector<16xi32>
        %parallel_loop3A_1441 = arith.andi %parallel_loop3A_1438, %parallel_loop3A_1440 : vector<16xi32>
        %parallel_loop3A_1442 = arith.constant 1024 : i32
        %parallel_loop3A_1443 = arith.muli %add3A_519, %parallel_loop3A_1442 : i32
        %parallel_loop3A_1444 = vector.broadcast %parallel_loop3A_1443 : i32 to vector<16xi32>
        %parallel_loop3A_1445 = arith.addi %mul3A_20, %parallel_loop3A_1444 : vector<16xi32>
        %parallel_loop3A_1446 = arith.addi %parallel_loop3A_1445, %parallel_loop3A_1441 : vector<16xi32>
        %parallel_loop3A_1447 = tpu.vector_load_idx %arg10[%parallel_loop3A_1446] : memref<32768xf32, #tpu.memory_space<vmem>>[vector<16xi32>], vector<16xf32>,
        %parallel_loop3A_1448 = tpu.vector_load_idx %arg11[%add3A_567, %parallel_loop3A_1441] : memref<160x128xf32, #tpu.memory_space<vmem>>[vector<16xi32>, vector<16xi32>], vector<16xf32>,
        %parallel_loop3A_1449 = arith.mulf %parallel_loop3A_1447, %parallel_loop3A_1448 : vector<16xf32>
        %parallel_loop3A_1450 = arith.addf %parallel_loop3A_1427, %parallel_loop3A_1449 : vector<16xf32>
        %parallel_loop3A_1451 = tpu.vector_load_idx %arg11[%add3A_570, %parallel_loop3A_1441] : memref<160x128xf32, #tpu.memory_space<vmem>>[vector<16xi32>, vector<16xi32>], vector<16xf32>,
        %parallel_loop3A_1452 = arith.mulf %parallel_loop3A_1447, %parallel_loop3A_1451 : vector<16xf32>
        %parallel_loop3A_1453 = arith.addf %parallel_loop3A_1428, %parallel_loop3A_1452 : vector<16xf32>
        %parallel_loop3A_1454 = tpu.vector_load_idx %arg11[%add3A_573, %parallel_loop3A_1441] : memref<160x128xf32, #tpu.memory_space<vmem>>[vector<16xi32>, vector<16xi32>], vector<16xf32>,
        %parallel_loop3A_1455 = arith.mulf %parallel_loop3A_1447, %parallel_loop3A_1454 : vector<16xf32>
        %parallel_loop3A_1456 = arith.addf %parallel_loop3A_1429, %parallel_loop3A_1455 : vector<16xf32>
        %parallel_loop3A_1457 = tpu.vector_load_idx %arg11[%add3A_576, %parallel_loop3A_1441] : memref<160x128xf32, #tpu.memory_space<vmem>>[vector<16xi32>, vector<16xi32>], vector<16xf32>,
        %parallel_loop3A_1458 = arith.mulf %parallel_loop3A_1447, %parallel_loop3A_1457 : vector<16xf32>
        %parallel_loop3A_1459 = arith.addf %parallel_loop3A_1430, %parallel_loop3A_1458 : vector<16xf32>
        %parallel_loop3A_1460 = tpu.vector_load_idx %arg11[%add3A_579, %parallel_loop3A_1441] : memref<160x128xf32, #tpu.memory_space<vmem>>[vector<16xi32>, vector<16xi32>], vector<16xf32>,
        %parallel_loop3A_1461 = arith.mulf %parallel_loop3A_1447, %parallel_loop3A_1460 : vector<16xf32>
        %parallel_loop3A_1462 = arith.addf %parallel_loop3A_1431, %parallel_loop3A_1461 : vector<16xf32>
        %parallel_loop3A_1463 = tpu.vector_load_idx %arg11[%add3A_582, %parallel_loop3A_1441] : memref<160x128xf32, #tpu.memory_space<vmem>>[vector<16xi32>, vector<16xi32>], vector<16xf32>,
        %parallel_loop3A_1464 = arith.mulf %parallel_loop3A_1447, %parallel_loop3A_1463 : vector<16xf32>
        %parallel_loop3A_1465 = arith.addf %parallel_loop3A_1432, %parallel_loop3A_1464 : vector<16xf32>
        %parallel_loop3A_1466 = tpu.vector_load_idx %arg11[%add3A_585, %parallel_loop3A_1441] : memref<160x128xf32, #tpu.memory_space<vmem>>[vector<16xi32>, vector<16xi32>], vector<16xf32>,
        %parallel_loop3A_1467 = arith.mulf %parallel_loop3A_1447, %parallel_loop3A_1466 : vector<16xf32>
        %parallel_loop3A_1468 = arith.addf %parallel_loop3A_1433, %parallel_loop3A_1467 : vector<16xf32>
        %parallel_loop3A_1469 = tpu.vector_load_idx %arg11[%add3A_588, %parallel_loop3A_1441] : memref<160x128xf32, #tpu.memory_space<vmem>>[vector<16xi32>, vector<16xi32>], vector<16xf32>,
        %parallel_loop3A_1470 = arith.mulf %parallel_loop3A_1447, %parallel_loop3A_1469 : vector<16xf32>
        %parallel_loop3A_1471 = arith.addf %parallel_loop3A_1434, %parallel_loop3A_1470 : vector<16xf32>
        %parallel_loop3A_1472 = tpu.vector_load_idx %arg11[%add3A_591, %parallel_loop3A_1441] : memref<160x128xf32, #tpu.memory_space<vmem>>[vector<16xi32>, vector<16xi32>], vector<16xf32>,
        %parallel_loop3A_1473 = arith.mulf %parallel_loop3A_1447, %parallel_loop3A_1472 : vector<16xf32>
        %parallel_loop3A_1474 = arith.addf %parallel_loop3A_1435, %parallel_loop3A_1473 : vector<16xf32>
        %parallel_loop3A_1475 = tpu.vector_load_idx %arg11[%add3A_594, %parallel_loop3A_1441] : memref<160x128xf32, #tpu.memory_space<vmem>>[vector<16xi32>, vector<16xi32>], vector<16xf32>,
        %parallel_loop3A_1476 = arith.mulf %parallel_loop3A_1447, %parallel_loop3A_1475 : vector<16xf32>
        %parallel_loop3A_1477 = arith.addf %parallel_loop3A_1436, %parallel_loop3A_1476 : vector<16xf32>
        scf.yield %parallel_loop3A_1450, %parallel_loop3A_1453, %parallel_loop3A_1456, %parallel_loop3A_1459, %parallel_loop3A_1462, %parallel_loop3A_1465, %parallel_loop3A_1468, %parallel_loop3A_1471, %parallel_loop3A_1474, %parallel_loop3A_1477 : vector<16xf32>, vector<16xf32>, vector<16xf32>, vector<16xf32>, vector<16xf32>, vector<16xf32>, vector<16xf32>, vector<16xf32>, vector<16xf32>, vector<16xf32>
      } {sc.loop_unroll_factor = 2 : i64, sc.parallel_access}
      %mul3A_598 = arith.constant 16 : i32
      %mul3A_599 = arith.muli %add3A_519, %mul3A_598 : i32
      %swap3A_600 = arith.constant 0 : i32
      %swap3A_601 = arith.index_cast %swap3A_600 : i32 to index
      %swap3A_602 = arith.index_cast %mul3A_599 : i32 to index
      %swap3A_603 = tpu.vector_load %arg13[%swap3A_601, %swap3A_602] {strides = array<i32>} : memref<32x512xf32, #tpu.memory_space<vmem>>, vector<16xf32>,
      tpu.vector_store %arg13[%swap3A_601, %swap3A_602], %parallel_loop3A_597#0 {strides = array<i32>} : memref<32x512xf32, #tpu.memory_space<vmem>>, vector<16xf32>,
      %mul3A_604 = arith.constant 16 : i32
      %mul3A_605 = arith.muli %add3A_519, %mul3A_604 : i32
      %swap3A_606 = arith.constant 1 : i32
      %swap3A_607 = arith.index_cast %swap3A_606 : i32 to index
      %swap3A_608 = arith.index_cast %mul3A_605 : i32 to index
      %swap3A_609 = tpu.vector_load %arg13[%swap3A_607, %swap3A_608] {strides = array<i32>} : memref<32x512xf32, #tpu.memory_space<vmem>>, vector<16xf32>,
      tpu.vector_store %arg13[%swap3A_607, %swap3A_608], %parallel_loop3A_597#1 {strides = array<i32>} : memref<32x512xf32, #tpu.memory_space<vmem>>, vector<16xf32>,
      %mul3A_610 = arith.constant 16 : i32
      %mul3A_611 = arith.muli %add3A_519, %mul3A_610 : i32
      %swap3A_612 = arith.constant 2 : i32
      %swap3A_613 = arith.index_cast %swap3A_612 : i32 to index
      %swap3A_614 = arith.index_cast %mul3A_611 : i32 to index
      %swap3A_615 = tpu.vector_load %arg13[%swap3A_613, %swap3A_614] {strides = array<i32>} : memref<32x512xf32, #tpu.memory_space<vmem>>, vector<16xf32>,
      tpu.vector_store %arg13[%swap3A_613, %swap3A_614], %parallel_loop3A_597#2 {strides = array<i32>} : memref<32x512xf32, #tpu.memory_space<vmem>>, vector<16xf32>,
      %mul3A_616 = arith.constant 16 : i32
      %mul3A_617 = arith.muli %add3A_519, %mul3A_616 : i32
      %swap3A_618 = arith.constant 3 : i32
      %swap3A_619 = arith.index_cast %swap3A_618 : i32 to index
      %swap3A_620 = arith.index_cast %mul3A_617 : i32 to index
      %swap3A_621 = tpu.vector_load %arg13[%swap3A_619, %swap3A_620] {strides = array<i32>} : memref<32x512xf32, #tpu.memory_space<vmem>>, vector<16xf32>,
      tpu.vector_store %arg13[%swap3A_619, %swap3A_620], %parallel_loop3A_597#3 {strides = array<i32>} : memref<32x512xf32, #tpu.memory_space<vmem>>, vector<16xf32>,
      %mul3A_622 = arith.constant 16 : i32
      %mul3A_623 = arith.muli %add3A_519, %mul3A_622 : i32
      %swap3A_624 = arith.constant 4 : i32
      %swap3A_625 = arith.index_cast %swap3A_624 : i32 to index
      %swap3A_626 = arith.index_cast %mul3A_623 : i32 to index
      %swap3A_627 = tpu.vector_load %arg13[%swap3A_625, %swap3A_626] {strides = array<i32>} : memref<32x512xf32, #tpu.memory_space<vmem>>, vector<16xf32>,
      tpu.vector_store %arg13[%swap3A_625, %swap3A_626], %parallel_loop3A_597#4 {strides = array<i32>} : memref<32x512xf32, #tpu.memory_space<vmem>>, vector<16xf32>,
      %mul3A_628 = arith.constant 16 : i32
      %mul3A_629 = arith.muli %add3A_519, %mul3A_628 : i32
      %swap3A_630 = arith.constant 5 : i32
      %swap3A_631 = arith.index_cast %swap3A_630 : i32 to index
      %swap3A_632 = arith.index_cast %mul3A_629 : i32 to index
      %swap3A_633 = tpu.vector_load %arg13[%swap3A_631, %swap3A_632] {strides = array<i32>} : memref<32x512xf32, #tpu.memory_space<vmem>>, vector<16xf32>,
      tpu.vector_store %arg13[%swap3A_631, %swap3A_632], %parallel_loop3A_597#5 {strides = array<i32>} : memref<32x512xf32, #tpu.memory_space<vmem>>, vector<16xf32>,
      %mul3A_634 = arith.constant 16 : i32
      %mul3A_635 = arith.muli %add3A_519, %mul3A_634 : i32
      %swap3A_636 = arith.constant 6 : i32
      %swap3A_637 = arith.index_cast %swap3A_636 : i32 to index
      %swap3A_638 = arith.index_cast %mul3A_635 : i32 to index
      %swap3A_639 = tpu.vector_load %arg13[%swap3A_637, %swap3A_638] {strides = array<i32>} : memref<32x512xf32, #tpu.memory_space<vmem>>, vector<16xf32>,
      tpu.vector_store %arg13[%swap3A_637, %swap3A_638], %parallel_loop3A_597#6 {strides = array<i32>} : memref<32x512xf32, #tpu.memory_space<vmem>>, vector<16xf32>,
      %mul3A_640 = arith.constant 16 : i32
      %mul3A_641 = arith.muli %add3A_519, %mul3A_640 : i32
      %swap3A_642 = arith.constant 7 : i32
      %swap3A_643 = arith.index_cast %swap3A_642 : i32 to index
      %swap3A_644 = arith.index_cast %mul3A_641 : i32 to index
      %swap3A_645 = tpu.vector_load %arg13[%swap3A_643, %swap3A_644] {strides = array<i32>} : memref<32x512xf32, #tpu.memory_space<vmem>>, vector<16xf32>,
      tpu.vector_store %arg13[%swap3A_643, %swap3A_644], %parallel_loop3A_597#7 {strides = array<i32>} : memref<32x512xf32, #tpu.memory_space<vmem>>, vector<16xf32>,
      %mul3A_646 = arith.constant 16 : i32
      %mul3A_647 = arith.muli %add3A_519, %mul3A_646 : i32
      %swap3A_648 = arith.constant 8 : i32
      %swap3A_649 = arith.index_cast %swap3A_648 : i32 to index
      %swap3A_650 = arith.index_cast %mul3A_647 : i32 to index
      %swap3A_651 = tpu.vector_load %arg13[%swap3A_649, %swap3A_650] {strides = array<i32>} : memref<32x512xf32, #tpu.memory_space<vmem>>, vector<16xf32>,
      tpu.vector_store %arg13[%swap3A_649, %swap3A_650], %parallel_loop3A_597#8 {strides = array<i32>} : memref<32x512xf32, #tpu.memory_space<vmem>>, vector<16xf32>,
      %mul3A_652 = arith.constant 16 : i32
      %mul3A_653 = arith.muli %add3A_519, %mul3A_652 : i32
      %swap3A_654 = arith.constant 9 : i32
      %swap3A_655 = arith.index_cast %swap3A_654 : i32 to index
      %swap3A_656 = arith.index_cast %mul3A_653 : i32 to index
      %swap3A_657 = tpu.vector_load %arg13[%swap3A_655, %swap3A_656] {strides = array<i32>} : memref<32x512xf32, #tpu.memory_space<vmem>>, vector<16xf32>,
      tpu.vector_store %arg13[%swap3A_655, %swap3A_656], %parallel_loop3A_597#9 {strides = array<i32>} : memref<32x512xf32, #tpu.memory_space<vmem>>, vector<16xf32>,
      %mul3A_658 = arith.constant 3 : i32
      %mul3A_659 = arith.muli %mul3A_513, %mul3A_658 : i32
      %add3A_660 = arith.constant 1 : i32
      %add3A_661 = arith.addi %mul3A_659, %add3A_660 : i32
      %add3A_662 = arith.constant 0 : i32
      %add3A_663 = arith.addi %mul3A_513, %add3A_662 : i32
      %add3A_664 = arith.constant 1 : i32
      %add3A_665 = arith.addi %add3A_661, %add3A_664 : i32
      %mul3A_666 = arith.constant 160 : i32
      %mul3A_667 = arith.muli %add3A_665, %mul3A_666 : i32
      %add3A_668 = arith.constant 0 : i32
      %add3A_669 = arith.addi %mul3A_667, %add3A_668 : i32
      %dma_start3A_670 = arith.constant 0 : i32
      %dma_start3A_671 = arith.constant 0 : i32
      %dma_start3A_672 = tpu.memref_slice %arg11[%dma_start3A_670, %dma_start3A_671] : memref<160x128xf32, #tpu.memory_space<vmem>> -> memref<80x128xf32, #tpu.memory_space<vmem>>
      %dma_start3A_673 = tpu.memref_slice %arg9[%add3A_669] : memref<15360xi32, #tpu.memory_space<vmem>> -> memref<80xi32, #tpu.memory_space<vmem>>
      %dma_start3A_674 = arith.constant 0 : i32
      %dma_start3A_675 = arith.constant 0 : i32
      %dma_start3A_676 = tpu.memref_slice %arg5[%dma_start3A_674, %dma_start3A_675] : memref<1000000x128xf32, #tpu.memory_space<hbm>> -> memref<1000000x128xf32, #tpu.memory_space<hbm>>
      tpu.enqueue_indirect_dma source(%dma_start3A_676 : memref<1000000x128xf32, #tpu.memory_space<hbm>>) target(%dma_start3A_672 : memref<80x128xf32, #tpu.memory_space<vmem>>) offsets(%dma_start3A_673 : memref<80xi32, #tpu.memory_space<vmem>>) semaphore(%arg14 : memref<!tpu.dma_semaphore, #tpu.memory_space<semaphore_mem>>)
      %mul3A_677 = arith.constant 160 : i32
      %mul3A_678 = arith.muli %add3A_665, %mul3A_677 : i32
      %add3A_679 = arith.constant 80 : i32
      %add3A_680 = arith.addi %mul3A_678, %add3A_679 : i32
      %dma_start3A_681 = arith.constant 80 : i32
      %dma_start3A_682 = arith.constant 0 : i32
      %dma_start3A_683 = tpu.memref_slice %arg11[%dma_start3A_681, %dma_start3A_682] : memref<160x128xf32, #tpu.memory_space<vmem>> -> memref<80x128xf32, #tpu.memory_space<vmem>>
      %dma_start3A_684 = tpu.memref_slice %arg9[%add3A_680] : memref<15360xi32, #tpu.memory_space<vmem>> -> memref<80xi32, #tpu.memory_space<vmem>>
      %dma_start3A_685 = arith.constant 0 : i32
      %dma_start3A_686 = arith.constant 0 : i32
      %dma_start3A_687 = tpu.memref_slice %arg5[%dma_start3A_685, %dma_start3A_686] : memref<1000000x128xf32, #tpu.memory_space<hbm>> -> memref<1000000x128xf32, #tpu.memory_space<hbm>>
      tpu.enqueue_indirect_dma source(%dma_start3A_687 : memref<1000000x128xf32, #tpu.memory_space<hbm>>) target(%dma_start3A_683 : memref<80x128xf32, #tpu.memory_space<vmem>>) offsets(%dma_start3A_684 : memref<80xi32, #tpu.memory_space<vmem>>) semaphore(%arg14 : memref<!tpu.dma_semaphore, #tpu.memory_space<semaphore_mem>>)
      %mul3A_688 = arith.constant 160 : i32
      %mul3A_689 = arith.muli %add3A_661, %mul3A_688 : i32
      %add3A_690 = arith.constant 0 : i32
      %add3A_691 = arith.addi %mul3A_689, %add3A_690 : i32
      %dma_wait3A_692 = arith.constant 0 : i32
      %dma_wait3A_693 = arith.constant 0 : i32
      %dma_wait3A_694 = tpu.memref_slice %arg12[%dma_wait3A_692, %dma_wait3A_693] : memref<160x128xf32, #tpu.memory_space<vmem>> -> memref<80x128xf32, #tpu.memory_space<vmem>>
      %dma_wait3A_695 = tpu.memref_slice %arg9[%add3A_691] : memref<15360xi32, #tpu.memory_space<vmem>> -> memref<80xi32, #tpu.memory_space<vmem>>
      %dma_wait3A_696 = arith.constant 0 : i32
      %dma_wait3A_697 = arith.constant 0 : i32
      %dma_wait3A_698 = tpu.memref_slice %arg5[%dma_wait3A_696, %dma_wait3A_697] : memref<1000000x128xf32, #tpu.memory_space<hbm>> -> memref<1000000x128xf32, #tpu.memory_space<hbm>>
      tpu.wait_indirect_dma semaphore(%arg15 : memref<!tpu.dma_semaphore, #tpu.memory_space<semaphore_mem>>) src(%dma_wait3A_698 : memref<1000000x128xf32, #tpu.memory_space<hbm>>) dst(%dma_wait3A_694 : memref<80x128xf32, #tpu.memory_space<vmem>>)
      %mul3A_699 = arith.constant 160 : i32
      %mul3A_700 = arith.muli %add3A_661, %mul3A_699 : i32
      %add3A_701 = arith.constant 80 : i32
      %add3A_702 = arith.addi %mul3A_700, %add3A_701 : i32
      %dma_wait3A_703 = arith.constant 80 : i32
      %dma_wait3A_704 = arith.constant 0 : i32
      %dma_wait3A_705 = tpu.memref_slice %arg12[%dma_wait3A_703, %dma_wait3A_704] : memref<160x128xf32, #tpu.memory_space<vmem>> -> memref<80x128xf32, #tpu.memory_space<vmem>>
      %dma_wait3A_706 = tpu.memref_slice %arg9[%add3A_702] : memref<15360xi32, #tpu.memory_space<vmem>> -> memref<80xi32, #tpu.memory_space<vmem>>
      %dma_wait3A_707 = arith.constant 0 : i32
      %dma_wait3A_708 = arith.constant 0 : i32
      %dma_wait3A_709 = tpu.memref_slice %arg5[%dma_wait3A_707, %dma_wait3A_708] : memref<1000000x128xf32, #tpu.memory_space<hbm>> -> memref<1000000x128xf32, #tpu.memory_space<hbm>>
      tpu.wait_indirect_dma semaphore(%arg15 : memref<!tpu.dma_semaphore, #tpu.memory_space<semaphore_mem>>) src(%dma_wait3A_709 : memref<1000000x128xf32, #tpu.memory_space<hbm>>) dst(%dma_wait3A_705 : memref<80x128xf32, #tpu.memory_space<vmem>>)
      %add3A_710 = arith.constant 0 : i32
      %add3A_711 = vector.broadcast %add3A_710 : i32 to vector<16xi32>
      %add3A_712 = arith.addi %mul3A_17, %add3A_711 : vector<16xi32>
      %add3A_713 = arith.constant 1 : i32
      %add3A_714 = vector.broadcast %add3A_713 : i32 to vector<16xi32>
      %add3A_715 = arith.addi %mul3A_17, %add3A_714 : vector<16xi32>
      %add3A_716 = arith.constant 2 : i32
      %add3A_717 = vector.broadcast %add3A_716 : i32 to vector<16xi32>
      %add3A_718 = arith.addi %mul3A_17, %add3A_717 : vector<16xi32>
      %add3A_719 = arith.constant 3 : i32
      %add3A_720 = vector.broadcast %add3A_719 : i32 to vector<16xi32>
      %add3A_721 = arith.addi %mul3A_17, %add3A_720 : vector<16xi32>
      %add3A_722 = arith.constant 4 : i32
      %add3A_723 = vector.broadcast %add3A_722 : i32 to vector<16xi32>
      %add3A_724 = arith.addi %mul3A_17, %add3A_723 : vector<16xi32>
      %add3A_725 = arith.constant 5 : i32
      %add3A_726 = vector.broadcast %add3A_725 : i32 to vector<16xi32>
      %add3A_727 = arith.addi %mul3A_17, %add3A_726 : vector<16xi32>
      %add3A_728 = arith.constant 6 : i32
      %add3A_729 = vector.broadcast %add3A_728 : i32 to vector<16xi32>
      %add3A_730 = arith.addi %mul3A_17, %add3A_729 : vector<16xi32>
      %add3A_731 = arith.constant 7 : i32
      %add3A_732 = vector.broadcast %add3A_731 : i32 to vector<16xi32>
      %add3A_733 = arith.addi %mul3A_17, %add3A_732 : vector<16xi32>
      %add3A_734 = arith.constant 8 : i32
      %add3A_735 = vector.broadcast %add3A_734 : i32 to vector<16xi32>
      %add3A_736 = arith.addi %mul3A_17, %add3A_735 : vector<16xi32>
      %add3A_737 = arith.constant 9 : i32
      %add3A_738 = vector.broadcast %add3A_737 : i32 to vector<16xi32>
      %add3A_739 = arith.addi %mul3A_17, %add3A_738 : vector<16xi32>
      %parallel_loop3A_740 = arith.constant 0 : i32
      %parallel_loop3A_741 = arith.constant 64 : i32
      %parallel_loop3A_742 = arith.constant 1 : i32
      %parallel_loop3A_743:10 = scf.for %parallel_loop3A_1426 = %parallel_loop3A_740 to %parallel_loop3A_741 step %parallel_loop3A_742 iter_args(%parallel_loop3A_1427 = %broadcast_in_dim3A_487, %parallel_loop3A_1428 = %broadcast_in_dim3A_487, %parallel_loop3A_1429 = %broadcast_in_dim3A_487, %parallel_loop3A_1430 = %broadcast_in_dim3A_487, %parallel_loop3A_1431 = %broadcast_in_dim3A_487, %parallel_loop3A_1432 = %broadcast_in_dim3A_487, %parallel_loop3A_1433 = %broadcast_in_dim3A_487, %parallel_loop3A_1434 = %broadcast_in_dim3A_487, %parallel_loop3A_1435 = %broadcast_in_dim3A_487, %parallel_loop3A_1436 = %broadcast_in_dim3A_487) -> (vector<16xf32>, vector<16xf32>, vector<16xf32>, vector<16xf32>, vector<16xf32>, vector<16xf32>, vector<16xf32>, vector<16xf32>, vector<16xf32>, vector<16xf32>)  : i32 {
        %parallel_loop3A_1437 = vector.broadcast %parallel_loop3A_1426 : i32 to vector<16xi32>
        %parallel_loop3A_1438 = arith.addi %iota3A, %parallel_loop3A_1437 : vector<16xi32>
        %parallel_loop3A_1439 = arith.constant 63 : i32
        %parallel_loop3A_1440 = vector.broadcast %parallel_loop3A_1439 : i32 to vector<16xi32>
        %parallel_loop3A_1441 = arith.andi %parallel_loop3A_1438, %parallel_loop3A_1440 : vector<16xi32>
        %parallel_loop3A_1442 = arith.constant 1024 : i32
        %parallel_loop3A_1443 = arith.muli %add3A_663, %parallel_loop3A_1442 : i32
        %parallel_loop3A_1444 = vector.broadcast %parallel_loop3A_1443 : i32 to vector<16xi32>
        %parallel_loop3A_1445 = arith.addi %mul3A_20, %parallel_loop3A_1444 : vector<16xi32>
        %parallel_loop3A_1446 = arith.addi %parallel_loop3A_1445, %parallel_loop3A_1441 : vector<16xi32>
        %parallel_loop3A_1447 = tpu.vector_load_idx %arg10[%parallel_loop3A_1446] : memref<32768xf32, #tpu.memory_space<vmem>>[vector<16xi32>], vector<16xf32>,
        %parallel_loop3A_1448 = tpu.vector_load_idx %arg12[%add3A_712, %parallel_loop3A_1441] : memref<160x128xf32, #tpu.memory_space<vmem>>[vector<16xi32>, vector<16xi32>], vector<16xf32>,
        %parallel_loop3A_1449 = arith.mulf %parallel_loop3A_1447, %parallel_loop3A_1448 : vector<16xf32>
        %parallel_loop3A_1450 = arith.addf %parallel_loop3A_1427, %parallel_loop3A_1449 : vector<16xf32>
        %parallel_loop3A_1451 = tpu.vector_load_idx %arg12[%add3A_715, %parallel_loop3A_1441] : memref<160x128xf32, #tpu.memory_space<vmem>>[vector<16xi32>, vector<16xi32>], vector<16xf32>,
        %parallel_loop3A_1452 = arith.mulf %parallel_loop3A_1447, %parallel_loop3A_1451 : vector<16xf32>
        %parallel_loop3A_1453 = arith.addf %parallel_loop3A_1428, %parallel_loop3A_1452 : vector<16xf32>
        %parallel_loop3A_1454 = tpu.vector_load_idx %arg12[%add3A_718, %parallel_loop3A_1441] : memref<160x128xf32, #tpu.memory_space<vmem>>[vector<16xi32>, vector<16xi32>], vector<16xf32>,
        %parallel_loop3A_1455 = arith.mulf %parallel_loop3A_1447, %parallel_loop3A_1454 : vector<16xf32>
        %parallel_loop3A_1456 = arith.addf %parallel_loop3A_1429, %parallel_loop3A_1455 : vector<16xf32>
        %parallel_loop3A_1457 = tpu.vector_load_idx %arg12[%add3A_721, %parallel_loop3A_1441] : memref<160x128xf32, #tpu.memory_space<vmem>>[vector<16xi32>, vector<16xi32>], vector<16xf32>,
        %parallel_loop3A_1458 = arith.mulf %parallel_loop3A_1447, %parallel_loop3A_1457 : vector<16xf32>
        %parallel_loop3A_1459 = arith.addf %parallel_loop3A_1430, %parallel_loop3A_1458 : vector<16xf32>
        %parallel_loop3A_1460 = tpu.vector_load_idx %arg12[%add3A_724, %parallel_loop3A_1441] : memref<160x128xf32, #tpu.memory_space<vmem>>[vector<16xi32>, vector<16xi32>], vector<16xf32>,
        %parallel_loop3A_1461 = arith.mulf %parallel_loop3A_1447, %parallel_loop3A_1460 : vector<16xf32>
        %parallel_loop3A_1462 = arith.addf %parallel_loop3A_1431, %parallel_loop3A_1461 : vector<16xf32>
        %parallel_loop3A_1463 = tpu.vector_load_idx %arg12[%add3A_727, %parallel_loop3A_1441] : memref<160x128xf32, #tpu.memory_space<vmem>>[vector<16xi32>, vector<16xi32>], vector<16xf32>,
        %parallel_loop3A_1464 = arith.mulf %parallel_loop3A_1447, %parallel_loop3A_1463 : vector<16xf32>
        %parallel_loop3A_1465 = arith.addf %parallel_loop3A_1432, %parallel_loop3A_1464 : vector<16xf32>
        %parallel_loop3A_1466 = tpu.vector_load_idx %arg12[%add3A_730, %parallel_loop3A_1441] : memref<160x128xf32, #tpu.memory_space<vmem>>[vector<16xi32>, vector<16xi32>], vector<16xf32>,
        %parallel_loop3A_1467 = arith.mulf %parallel_loop3A_1447, %parallel_loop3A_1466 : vector<16xf32>
        %parallel_loop3A_1468 = arith.addf %parallel_loop3A_1433, %parallel_loop3A_1467 : vector<16xf32>
        %parallel_loop3A_1469 = tpu.vector_load_idx %arg12[%add3A_733, %parallel_loop3A_1441] : memref<160x128xf32, #tpu.memory_space<vmem>>[vector<16xi32>, vector<16xi32>], vector<16xf32>,
        %parallel_loop3A_1470 = arith.mulf %parallel_loop3A_1447, %parallel_loop3A_1469 : vector<16xf32>
        %parallel_loop3A_1471 = arith.addf %parallel_loop3A_1434, %parallel_loop3A_1470 : vector<16xf32>
        %parallel_loop3A_1472 = tpu.vector_load_idx %arg12[%add3A_736, %parallel_loop3A_1441] : memref<160x128xf32, #tpu.memory_space<vmem>>[vector<16xi32>, vector<16xi32>], vector<16xf32>,
        %parallel_loop3A_1473 = arith.mulf %parallel_loop3A_1447, %parallel_loop3A_1472 : vector<16xf32>
        %parallel_loop3A_1474 = arith.addf %parallel_loop3A_1435, %parallel_loop3A_1473 : vector<16xf32>
        %parallel_loop3A_1475 = tpu.vector_load_idx %arg12[%add3A_739, %parallel_loop3A_1441] : memref<160x128xf32, #tpu.memory_space<vmem>>[vector<16xi32>, vector<16xi32>], vector<16xf32>,
        %parallel_loop3A_1476 = arith.mulf %parallel_loop3A_1447, %parallel_loop3A_1475 : vector<16xf32>
        %parallel_loop3A_1477 = arith.addf %parallel_loop3A_1436, %parallel_loop3A_1476 : vector<16xf32>
        scf.yield %parallel_loop3A_1450, %parallel_loop3A_1453, %parallel_loop3A_1456, %parallel_loop3A_1459, %parallel_loop3A_1462, %parallel_loop3A_1465, %parallel_loop3A_1468, %parallel_loop3A_1471, %parallel_loop3A_1474, %parallel_loop3A_1477 : vector<16xf32>, vector<16xf32>, vector<16xf32>, vector<16xf32>, vector<16xf32>, vector<16xf32>, vector<16xf32>, vector<16xf32>, vector<16xf32>, vector<16xf32>
      } {sc.loop_unroll_factor = 2 : i64, sc.parallel_access}
      %mul3A_744 = arith.constant 16 : i32
      %mul3A_745 = arith.muli %add3A_663, %mul3A_744 : i32
      %swap3A_746 = arith.constant 10 : i32
      %swap3A_747 = arith.index_cast %swap3A_746 : i32 to index
      %swap3A_748 = arith.index_cast %mul3A_745 : i32 to index
      %swap3A_749 = tpu.vector_load %arg13[%swap3A_747, %swap3A_748] {strides = array<i32>} : memref<32x512xf32, #tpu.memory_space<vmem>>, vector<16xf32>,
      tpu.vector_store %arg13[%swap3A_747, %swap3A_748], %parallel_loop3A_743#0 {strides = array<i32>} : memref<32x512xf32, #tpu.memory_space<vmem>>, vector<16xf32>,
      %mul3A_750 = arith.constant 16 : i32
      %mul3A_751 = arith.muli %add3A_663, %mul3A_750 : i32
      %swap3A_752 = arith.constant 11 : i32
      %swap3A_753 = arith.index_cast %swap3A_752 : i32 to index
      %swap3A_754 = arith.index_cast %mul3A_751 : i32 to index
      %swap3A_755 = tpu.vector_load %arg13[%swap3A_753, %swap3A_754] {strides = array<i32>} : memref<32x512xf32, #tpu.memory_space<vmem>>, vector<16xf32>,
      tpu.vector_store %arg13[%swap3A_753, %swap3A_754], %parallel_loop3A_743#1 {strides = array<i32>} : memref<32x512xf32, #tpu.memory_space<vmem>>, vector<16xf32>,
      %mul3A_756 = arith.constant 16 : i32
      %mul3A_757 = arith.muli %add3A_663, %mul3A_756 : i32
      %swap3A_758 = arith.constant 12 : i32
      %swap3A_759 = arith.index_cast %swap3A_758 : i32 to index
      %swap3A_760 = arith.index_cast %mul3A_757 : i32 to index
      %swap3A_761 = tpu.vector_load %arg13[%swap3A_759, %swap3A_760] {strides = array<i32>} : memref<32x512xf32, #tpu.memory_space<vmem>>, vector<16xf32>,
      tpu.vector_store %arg13[%swap3A_759, %swap3A_760], %parallel_loop3A_743#2 {strides = array<i32>} : memref<32x512xf32, #tpu.memory_space<vmem>>, vector<16xf32>,
      %mul3A_762 = arith.constant 16 : i32
      %mul3A_763 = arith.muli %add3A_663, %mul3A_762 : i32
      %swap3A_764 = arith.constant 13 : i32
      %swap3A_765 = arith.index_cast %swap3A_764 : i32 to index
      %swap3A_766 = arith.index_cast %mul3A_763 : i32 to index
      %swap3A_767 = tpu.vector_load %arg13[%swap3A_765, %swap3A_766] {strides = array<i32>} : memref<32x512xf32, #tpu.memory_space<vmem>>, vector<16xf32>,
      tpu.vector_store %arg13[%swap3A_765, %swap3A_766], %parallel_loop3A_743#3 {strides = array<i32>} : memref<32x512xf32, #tpu.memory_space<vmem>>, vector<16xf32>,
      %mul3A_768 = arith.constant 16 : i32
      %mul3A_769 = arith.muli %add3A_663, %mul3A_768 : i32
      %swap3A_770 = arith.constant 14 : i32
      %swap3A_771 = arith.index_cast %swap3A_770 : i32 to index
      %swap3A_772 = arith.index_cast %mul3A_769 : i32 to index
      %swap3A_773 = tpu.vector_load %arg13[%swap3A_771, %swap3A_772] {strides = array<i32>} : memref<32x512xf32, #tpu.memory_space<vmem>>, vector<16xf32>,
      tpu.vector_store %arg13[%swap3A_771, %swap3A_772], %parallel_loop3A_743#4 {strides = array<i32>} : memref<32x512xf32, #tpu.memory_space<vmem>>, vector<16xf32>,
      %mul3A_774 = arith.constant 16 : i32
      %mul3A_775 = arith.muli %add3A_663, %mul3A_774 : i32
      %swap3A_776 = arith.constant 15 : i32
      %swap3A_777 = arith.index_cast %swap3A_776 : i32 to index
      %swap3A_778 = arith.index_cast %mul3A_775 : i32 to index
      %swap3A_779 = tpu.vector_load %arg13[%swap3A_777, %swap3A_778] {strides = array<i32>} : memref<32x512xf32, #tpu.memory_space<vmem>>, vector<16xf32>,
      tpu.vector_store %arg13[%swap3A_777, %swap3A_778], %parallel_loop3A_743#5 {strides = array<i32>} : memref<32x512xf32, #tpu.memory_space<vmem>>, vector<16xf32>,
      %mul3A_780 = arith.constant 16 : i32
      %mul3A_781 = arith.muli %add3A_663, %mul3A_780 : i32
      %swap3A_782 = arith.constant 16 : i32
      %swap3A_783 = arith.index_cast %swap3A_782 : i32 to index
      %swap3A_784 = arith.index_cast %mul3A_781 : i32 to index
      %swap3A_785 = tpu.vector_load %arg13[%swap3A_783, %swap3A_784] {strides = array<i32>} : memref<32x512xf32, #tpu.memory_space<vmem>>, vector<16xf32>,
      tpu.vector_store %arg13[%swap3A_783, %swap3A_784], %parallel_loop3A_743#6 {strides = array<i32>} : memref<32x512xf32, #tpu.memory_space<vmem>>, vector<16xf32>,
      %mul3A_786 = arith.constant 16 : i32
      %mul3A_787 = arith.muli %add3A_663, %mul3A_786 : i32
      %swap3A_788 = arith.constant 17 : i32
      %swap3A_789 = arith.index_cast %swap3A_788 : i32 to index
      %swap3A_790 = arith.index_cast %mul3A_787 : i32 to index
      %swap3A_791 = tpu.vector_load %arg13[%swap3A_789, %swap3A_790] {strides = array<i32>} : memref<32x512xf32, #tpu.memory_space<vmem>>, vector<16xf32>,
      tpu.vector_store %arg13[%swap3A_789, %swap3A_790], %parallel_loop3A_743#7 {strides = array<i32>} : memref<32x512xf32, #tpu.memory_space<vmem>>, vector<16xf32>,
      %mul3A_792 = arith.constant 16 : i32
      %mul3A_793 = arith.muli %add3A_663, %mul3A_792 : i32
      %swap3A_794 = arith.constant 18 : i32
      %swap3A_795 = arith.index_cast %swap3A_794 : i32 to index
      %swap3A_796 = arith.index_cast %mul3A_793 : i32 to index
      %swap3A_797 = tpu.vector_load %arg13[%swap3A_795, %swap3A_796] {strides = array<i32>} : memref<32x512xf32, #tpu.memory_space<vmem>>, vector<16xf32>,
      tpu.vector_store %arg13[%swap3A_795, %swap3A_796], %parallel_loop3A_743#8 {strides = array<i32>} : memref<32x512xf32, #tpu.memory_space<vmem>>, vector<16xf32>,
      %mul3A_798 = arith.constant 16 : i32
      %mul3A_799 = arith.muli %add3A_663, %mul3A_798 : i32
      %swap3A_800 = arith.constant 19 : i32
      %swap3A_801 = arith.index_cast %swap3A_800 : i32 to index
      %swap3A_802 = arith.index_cast %mul3A_799 : i32 to index
      %swap3A_803 = tpu.vector_load %arg13[%swap3A_801, %swap3A_802] {strides = array<i32>} : memref<32x512xf32, #tpu.memory_space<vmem>>, vector<16xf32>,
      tpu.vector_store %arg13[%swap3A_801, %swap3A_802], %parallel_loop3A_743#9 {strides = array<i32>} : memref<32x512xf32, #tpu.memory_space<vmem>>, vector<16xf32>,
      %mul3A_804 = arith.constant 3 : i32
      %mul3A_805 = arith.muli %mul3A_513, %mul3A_804 : i32
      %add3A_806 = arith.constant 2 : i32
      %add3A_807 = arith.addi %mul3A_805, %add3A_806 : i32
      %add3A_808 = arith.constant 0 : i32
      %add3A_809 = arith.addi %mul3A_513, %add3A_808 : i32
      %add3A_810 = arith.constant 1 : i32
      %add3A_811 = arith.addi %add3A_807, %add3A_810 : i32
      %mul3A_812 = arith.constant 160 : i32
      %mul3A_813 = arith.muli %add3A_811, %mul3A_812 : i32
      %add3A_814 = arith.constant 0 : i32
      %add3A_815 = arith.addi %mul3A_813, %add3A_814 : i32
      %dma_start3A_816 = arith.constant 0 : i32
      %dma_start3A_817 = arith.constant 0 : i32
      %dma_start3A_818 = tpu.memref_slice %arg12[%dma_start3A_816, %dma_start3A_817] : memref<160x128xf32, #tpu.memory_space<vmem>> -> memref<80x128xf32, #tpu.memory_space<vmem>>
      %dma_start3A_819 = tpu.memref_slice %arg9[%add3A_815] : memref<15360xi32, #tpu.memory_space<vmem>> -> memref<80xi32, #tpu.memory_space<vmem>>
      %dma_start3A_820 = arith.constant 0 : i32
      %dma_start3A_821 = arith.constant 0 : i32
      %dma_start3A_822 = tpu.memref_slice %arg5[%dma_start3A_820, %dma_start3A_821] : memref<1000000x128xf32, #tpu.memory_space<hbm>> -> memref<1000000x128xf32, #tpu.memory_space<hbm>>
      tpu.enqueue_indirect_dma source(%dma_start3A_822 : memref<1000000x128xf32, #tpu.memory_space<hbm>>) target(%dma_start3A_818 : memref<80x128xf32, #tpu.memory_space<vmem>>) offsets(%dma_start3A_819 : memref<80xi32, #tpu.memory_space<vmem>>) semaphore(%arg15 : memref<!tpu.dma_semaphore, #tpu.memory_space<semaphore_mem>>)
      %mul3A_823 = arith.constant 160 : i32
      %mul3A_824 = arith.muli %add3A_811, %mul3A_823 : i32
      %add3A_825 = arith.constant 80 : i32
      %add3A_826 = arith.addi %mul3A_824, %add3A_825 : i32
      %dma_start3A_827 = arith.constant 80 : i32
      %dma_start3A_828 = arith.constant 0 : i32
      %dma_start3A_829 = tpu.memref_slice %arg12[%dma_start3A_827, %dma_start3A_828] : memref<160x128xf32, #tpu.memory_space<vmem>> -> memref<80x128xf32, #tpu.memory_space<vmem>>
      %dma_start3A_830 = tpu.memref_slice %arg9[%add3A_826] : memref<15360xi32, #tpu.memory_space<vmem>> -> memref<80xi32, #tpu.memory_space<vmem>>
      %dma_start3A_831 = arith.constant 0 : i32
      %dma_start3A_832 = arith.constant 0 : i32
      %dma_start3A_833 = tpu.memref_slice %arg5[%dma_start3A_831, %dma_start3A_832] : memref<1000000x128xf32, #tpu.memory_space<hbm>> -> memref<1000000x128xf32, #tpu.memory_space<hbm>>
      tpu.enqueue_indirect_dma source(%dma_start3A_833 : memref<1000000x128xf32, #tpu.memory_space<hbm>>) target(%dma_start3A_829 : memref<80x128xf32, #tpu.memory_space<vmem>>) offsets(%dma_start3A_830 : memref<80xi32, #tpu.memory_space<vmem>>) semaphore(%arg15 : memref<!tpu.dma_semaphore, #tpu.memory_space<semaphore_mem>>)
      %mul3A_834 = arith.constant 160 : i32
      %mul3A_835 = arith.muli %add3A_807, %mul3A_834 : i32
      %add3A_836 = arith.constant 0 : i32
      %add3A_837 = arith.addi %mul3A_835, %add3A_836 : i32
      %dma_wait3A_838 = arith.constant 0 : i32
      %dma_wait3A_839 = arith.constant 0 : i32
      %dma_wait3A_840 = tpu.memref_slice %arg11[%dma_wait3A_838, %dma_wait3A_839] : memref<160x128xf32, #tpu.memory_space<vmem>> -> memref<80x128xf32, #tpu.memory_space<vmem>>
      %dma_wait3A_841 = tpu.memref_slice %arg9[%add3A_837] : memref<15360xi32, #tpu.memory_space<vmem>> -> memref<80xi32, #tpu.memory_space<vmem>>
      %dma_wait3A_842 = arith.constant 0 : i32
      %dma_wait3A_843 = arith.constant 0 : i32
      %dma_wait3A_844 = tpu.memref_slice %arg5[%dma_wait3A_842, %dma_wait3A_843] : memref<1000000x128xf32, #tpu.memory_space<hbm>> -> memref<1000000x128xf32, #tpu.memory_space<hbm>>
      tpu.wait_indirect_dma semaphore(%arg14 : memref<!tpu.dma_semaphore, #tpu.memory_space<semaphore_mem>>) src(%dma_wait3A_844 : memref<1000000x128xf32, #tpu.memory_space<hbm>>) dst(%dma_wait3A_840 : memref<80x128xf32, #tpu.memory_space<vmem>>)
      %mul3A_845 = arith.constant 160 : i32
      %mul3A_846 = arith.muli %add3A_807, %mul3A_845 : i32
      %add3A_847 = arith.constant 80 : i32
      %add3A_848 = arith.addi %mul3A_846, %add3A_847 : i32
      %dma_wait3A_849 = arith.constant 80 : i32
      %dma_wait3A_850 = arith.constant 0 : i32
      %dma_wait3A_851 = tpu.memref_slice %arg11[%dma_wait3A_849, %dma_wait3A_850] : memref<160x128xf32, #tpu.memory_space<vmem>> -> memref<80x128xf32, #tpu.memory_space<vmem>>
      %dma_wait3A_852 = tpu.memref_slice %arg9[%add3A_848] : memref<15360xi32, #tpu.memory_space<vmem>> -> memref<80xi32, #tpu.memory_space<vmem>>
      %dma_wait3A_853 = arith.constant 0 : i32
      %dma_wait3A_854 = arith.constant 0 : i32
      %dma_wait3A_855 = tpu.memref_slice %arg5[%dma_wait3A_853, %dma_wait3A_854] : memref<1000000x128xf32, #tpu.memory_space<hbm>> -> memref<1000000x128xf32, #tpu.memory_space<hbm>>
      tpu.wait_indirect_dma semaphore(%arg14 : memref<!tpu.dma_semaphore, #tpu.memory_space<semaphore_mem>>) src(%dma_wait3A_855 : memref<1000000x128xf32, #tpu.memory_space<hbm>>) dst(%dma_wait3A_851 : memref<80x128xf32, #tpu.memory_space<vmem>>)
      %add3A_856 = arith.constant 0 : i32
      %add3A_857 = vector.broadcast %add3A_856 : i32 to vector<16xi32>
      %add3A_858 = arith.addi %mul3A_17, %add3A_857 : vector<16xi32>
      %add3A_859 = arith.constant 1 : i32
      %add3A_860 = vector.broadcast %add3A_859 : i32 to vector<16xi32>
      %add3A_861 = arith.addi %mul3A_17, %add3A_860 : vector<16xi32>
      %add3A_862 = arith.constant 2 : i32
      %add3A_863 = vector.broadcast %add3A_862 : i32 to vector<16xi32>
      %add3A_864 = arith.addi %mul3A_17, %add3A_863 : vector<16xi32>
      %add3A_865 = arith.constant 3 : i32
      %add3A_866 = vector.broadcast %add3A_865 : i32 to vector<16xi32>
      %add3A_867 = arith.addi %mul3A_17, %add3A_866 : vector<16xi32>
      %add3A_868 = arith.constant 4 : i32
      %add3A_869 = vector.broadcast %add3A_868 : i32 to vector<16xi32>
      %add3A_870 = arith.addi %mul3A_17, %add3A_869 : vector<16xi32>
      %add3A_871 = arith.constant 5 : i32
      %add3A_872 = vector.broadcast %add3A_871 : i32 to vector<16xi32>
      %add3A_873 = arith.addi %mul3A_17, %add3A_872 : vector<16xi32>
      %add3A_874 = arith.constant 6 : i32
      %add3A_875 = vector.broadcast %add3A_874 : i32 to vector<16xi32>
      %add3A_876 = arith.addi %mul3A_17, %add3A_875 : vector<16xi32>
      %add3A_877 = arith.constant 7 : i32
      %add3A_878 = vector.broadcast %add3A_877 : i32 to vector<16xi32>
      %add3A_879 = arith.addi %mul3A_17, %add3A_878 : vector<16xi32>
      %add3A_880 = arith.constant 8 : i32
      %add3A_881 = vector.broadcast %add3A_880 : i32 to vector<16xi32>
      %add3A_882 = arith.addi %mul3A_17, %add3A_881 : vector<16xi32>
      %add3A_883 = arith.constant 9 : i32
      %add3A_884 = vector.broadcast %add3A_883 : i32 to vector<16xi32>
      %add3A_885 = arith.addi %mul3A_17, %add3A_884 : vector<16xi32>
      %parallel_loop3A_886 = arith.constant 0 : i32
      %parallel_loop3A_887 = arith.constant 64 : i32
      %parallel_loop3A_888 = arith.constant 1 : i32
      %parallel_loop3A_889:10 = scf.for %parallel_loop3A_1426 = %parallel_loop3A_886 to %parallel_loop3A_887 step %parallel_loop3A_888 iter_args(%parallel_loop3A_1427 = %broadcast_in_dim3A_487, %parallel_loop3A_1428 = %broadcast_in_dim3A_487, %parallel_loop3A_1429 = %broadcast_in_dim3A_487, %parallel_loop3A_1430 = %broadcast_in_dim3A_487, %parallel_loop3A_1431 = %broadcast_in_dim3A_487, %parallel_loop3A_1432 = %broadcast_in_dim3A_487, %parallel_loop3A_1433 = %broadcast_in_dim3A_487, %parallel_loop3A_1434 = %broadcast_in_dim3A_487, %parallel_loop3A_1435 = %broadcast_in_dim3A_487, %parallel_loop3A_1436 = %broadcast_in_dim3A_487) -> (vector<16xf32>, vector<16xf32>, vector<16xf32>, vector<16xf32>, vector<16xf32>, vector<16xf32>, vector<16xf32>, vector<16xf32>, vector<16xf32>, vector<16xf32>)  : i32 {
        %parallel_loop3A_1437 = vector.broadcast %parallel_loop3A_1426 : i32 to vector<16xi32>
        %parallel_loop3A_1438 = arith.addi %iota3A, %parallel_loop3A_1437 : vector<16xi32>
        %parallel_loop3A_1439 = arith.constant 63 : i32
        %parallel_loop3A_1440 = vector.broadcast %parallel_loop3A_1439 : i32 to vector<16xi32>
        %parallel_loop3A_1441 = arith.andi %parallel_loop3A_1438, %parallel_loop3A_1440 : vector<16xi32>
        %parallel_loop3A_1442 = arith.constant 1024 : i32
        %parallel_loop3A_1443 = arith.muli %add3A_809, %parallel_loop3A_1442 : i32
        %parallel_loop3A_1444 = vector.broadcast %parallel_loop3A_1443 : i32 to vector<16xi32>
        %parallel_loop3A_1445 = arith.addi %mul3A_20, %parallel_loop3A_1444 : vector<16xi32>
        %parallel_loop3A_1446 = arith.addi %parallel_loop3A_1445, %parallel_loop3A_1441 : vector<16xi32>
        %parallel_loop3A_1447 = tpu.vector_load_idx %arg10[%parallel_loop3A_1446] : memref<32768xf32, #tpu.memory_space<vmem>>[vector<16xi32>], vector<16xf32>,
        %parallel_loop3A_1448 = tpu.vector_load_idx %arg11[%add3A_858, %parallel_loop3A_1441] : memref<160x128xf32, #tpu.memory_space<vmem>>[vector<16xi32>, vector<16xi32>], vector<16xf32>,
        %parallel_loop3A_1449 = arith.mulf %parallel_loop3A_1447, %parallel_loop3A_1448 : vector<16xf32>
        %parallel_loop3A_1450 = arith.addf %parallel_loop3A_1427, %parallel_loop3A_1449 : vector<16xf32>
        %parallel_loop3A_1451 = tpu.vector_load_idx %arg11[%add3A_861, %parallel_loop3A_1441] : memref<160x128xf32, #tpu.memory_space<vmem>>[vector<16xi32>, vector<16xi32>], vector<16xf32>,
        %parallel_loop3A_1452 = arith.mulf %parallel_loop3A_1447, %parallel_loop3A_1451 : vector<16xf32>
        %parallel_loop3A_1453 = arith.addf %parallel_loop3A_1428, %parallel_loop3A_1452 : vector<16xf32>
        %parallel_loop3A_1454 = tpu.vector_load_idx %arg11[%add3A_864, %parallel_loop3A_1441] : memref<160x128xf32, #tpu.memory_space<vmem>>[vector<16xi32>, vector<16xi32>], vector<16xf32>,
        %parallel_loop3A_1455 = arith.mulf %parallel_loop3A_1447, %parallel_loop3A_1454 : vector<16xf32>
        %parallel_loop3A_1456 = arith.addf %parallel_loop3A_1429, %parallel_loop3A_1455 : vector<16xf32>
        %parallel_loop3A_1457 = tpu.vector_load_idx %arg11[%add3A_867, %parallel_loop3A_1441] : memref<160x128xf32, #tpu.memory_space<vmem>>[vector<16xi32>, vector<16xi32>], vector<16xf32>,
        %parallel_loop3A_1458 = arith.mulf %parallel_loop3A_1447, %parallel_loop3A_1457 : vector<16xf32>
        %parallel_loop3A_1459 = arith.addf %parallel_loop3A_1430, %parallel_loop3A_1458 : vector<16xf32>
        %parallel_loop3A_1460 = tpu.vector_load_idx %arg11[%add3A_870, %parallel_loop3A_1441] : memref<160x128xf32, #tpu.memory_space<vmem>>[vector<16xi32>, vector<16xi32>], vector<16xf32>,
        %parallel_loop3A_1461 = arith.mulf %parallel_loop3A_1447, %parallel_loop3A_1460 : vector<16xf32>
        %parallel_loop3A_1462 = arith.addf %parallel_loop3A_1431, %parallel_loop3A_1461 : vector<16xf32>
        %parallel_loop3A_1463 = tpu.vector_load_idx %arg11[%add3A_873, %parallel_loop3A_1441] : memref<160x128xf32, #tpu.memory_space<vmem>>[vector<16xi32>, vector<16xi32>], vector<16xf32>,
        %parallel_loop3A_1464 = arith.mulf %parallel_loop3A_1447, %parallel_loop3A_1463 : vector<16xf32>
        %parallel_loop3A_1465 = arith.addf %parallel_loop3A_1432, %parallel_loop3A_1464 : vector<16xf32>
        %parallel_loop3A_1466 = tpu.vector_load_idx %arg11[%add3A_876, %parallel_loop3A_1441] : memref<160x128xf32, #tpu.memory_space<vmem>>[vector<16xi32>, vector<16xi32>], vector<16xf32>,
        %parallel_loop3A_1467 = arith.mulf %parallel_loop3A_1447, %parallel_loop3A_1466 : vector<16xf32>
        %parallel_loop3A_1468 = arith.addf %parallel_loop3A_1433, %parallel_loop3A_1467 : vector<16xf32>
        %parallel_loop3A_1469 = tpu.vector_load_idx %arg11[%add3A_879, %parallel_loop3A_1441] : memref<160x128xf32, #tpu.memory_space<vmem>>[vector<16xi32>, vector<16xi32>], vector<16xf32>,
        %parallel_loop3A_1470 = arith.mulf %parallel_loop3A_1447, %parallel_loop3A_1469 : vector<16xf32>
        %parallel_loop3A_1471 = arith.addf %parallel_loop3A_1434, %parallel_loop3A_1470 : vector<16xf32>
        %parallel_loop3A_1472 = tpu.vector_load_idx %arg11[%add3A_882, %parallel_loop3A_1441] : memref<160x128xf32, #tpu.memory_space<vmem>>[vector<16xi32>, vector<16xi32>], vector<16xf32>,
        %parallel_loop3A_1473 = arith.mulf %parallel_loop3A_1447, %parallel_loop3A_1472 : vector<16xf32>
        %parallel_loop3A_1474 = arith.addf %parallel_loop3A_1435, %parallel_loop3A_1473 : vector<16xf32>
        %parallel_loop3A_1475 = tpu.vector_load_idx %arg11[%add3A_885, %parallel_loop3A_1441] : memref<160x128xf32, #tpu.memory_space<vmem>>[vector<16xi32>, vector<16xi32>], vector<16xf32>,
        %parallel_loop3A_1476 = arith.mulf %parallel_loop3A_1447, %parallel_loop3A_1475 : vector<16xf32>
        %parallel_loop3A_1477 = arith.addf %parallel_loop3A_1436, %parallel_loop3A_1476 : vector<16xf32>
        scf.yield %parallel_loop3A_1450, %parallel_loop3A_1453, %parallel_loop3A_1456, %parallel_loop3A_1459, %parallel_loop3A_1462, %parallel_loop3A_1465, %parallel_loop3A_1468, %parallel_loop3A_1471, %parallel_loop3A_1474, %parallel_loop3A_1477 : vector<16xf32>, vector<16xf32>, vector<16xf32>, vector<16xf32>, vector<16xf32>, vector<16xf32>, vector<16xf32>, vector<16xf32>, vector<16xf32>, vector<16xf32>
      } {sc.loop_unroll_factor = 2 : i64, sc.parallel_access}
      %neg3A = arith.constant 0.000000e+00 : f32
      %neg3A_890 = vector.broadcast %neg3A : f32 to vector<16xf32>
      %neg3A_891 = arith.subf %neg3A_890, %parallel_loop3A_889#0 : vector<16xf32>
      %mul3A_892 = arith.constant 16 : i32
      %mul3A_893 = arith.muli %add3A_809, %mul3A_892 : i32
      %swap3A_894 = arith.constant 20 : i32
      %swap3A_895 = arith.index_cast %swap3A_894 : i32 to index
      %swap3A_896 = arith.index_cast %mul3A_893 : i32 to index
      %swap3A_897 = tpu.vector_load %arg13[%swap3A_895, %swap3A_896] {strides = array<i32>} : memref<32x512xf32, #tpu.memory_space<vmem>>, vector<16xf32>,
      tpu.vector_store %arg13[%swap3A_895, %swap3A_896], %neg3A_891 {strides = array<i32>} : memref<32x512xf32, #tpu.memory_space<vmem>>, vector<16xf32>,
      %neg3A_898 = arith.constant 0.000000e+00 : f32
      %neg3A_899 = vector.broadcast %neg3A_898 : f32 to vector<16xf32>
      %neg3A_900 = arith.subf %neg3A_899, %parallel_loop3A_889#1 : vector<16xf32>
      %mul3A_901 = arith.constant 16 : i32
      %mul3A_902 = arith.muli %add3A_809, %mul3A_901 : i32
      %swap3A_903 = arith.constant 21 : i32
      %swap3A_904 = arith.index_cast %swap3A_903 : i32 to index
      %swap3A_905 = arith.index_cast %mul3A_902 : i32 to index
      %swap3A_906 = tpu.vector_load %arg13[%swap3A_904, %swap3A_905] {strides = array<i32>} : memref<32x512xf32, #tpu.memory_space<vmem>>, vector<16xf32>,
      tpu.vector_store %arg13[%swap3A_904, %swap3A_905], %neg3A_900 {strides = array<i32>} : memref<32x512xf32, #tpu.memory_space<vmem>>, vector<16xf32>,
      %neg3A_907 = arith.constant 0.000000e+00 : f32
      %neg3A_908 = vector.broadcast %neg3A_907 : f32 to vector<16xf32>
      %neg3A_909 = arith.subf %neg3A_908, %parallel_loop3A_889#2 : vector<16xf32>
      %mul3A_910 = arith.constant 16 : i32
      %mul3A_911 = arith.muli %add3A_809, %mul3A_910 : i32
      %swap3A_912 = arith.constant 22 : i32
      %swap3A_913 = arith.index_cast %swap3A_912 : i32 to index
      %swap3A_914 = arith.index_cast %mul3A_911 : i32 to index
      %swap3A_915 = tpu.vector_load %arg13[%swap3A_913, %swap3A_914] {strides = array<i32>} : memref<32x512xf32, #tpu.memory_space<vmem>>, vector<16xf32>,
      tpu.vector_store %arg13[%swap3A_913, %swap3A_914], %neg3A_909 {strides = array<i32>} : memref<32x512xf32, #tpu.memory_space<vmem>>, vector<16xf32>,
      %neg3A_916 = arith.constant 0.000000e+00 : f32
      %neg3A_917 = vector.broadcast %neg3A_916 : f32 to vector<16xf32>
      %neg3A_918 = arith.subf %neg3A_917, %parallel_loop3A_889#3 : vector<16xf32>
      %mul3A_919 = arith.constant 16 : i32
      %mul3A_920 = arith.muli %add3A_809, %mul3A_919 : i32
      %swap3A_921 = arith.constant 23 : i32
      %swap3A_922 = arith.index_cast %swap3A_921 : i32 to index
      %swap3A_923 = arith.index_cast %mul3A_920 : i32 to index
      %swap3A_924 = tpu.vector_load %arg13[%swap3A_922, %swap3A_923] {strides = array<i32>} : memref<32x512xf32, #tpu.memory_space<vmem>>, vector<16xf32>,
      tpu.vector_store %arg13[%swap3A_922, %swap3A_923], %neg3A_918 {strides = array<i32>} : memref<32x512xf32, #tpu.memory_space<vmem>>, vector<16xf32>,
      %neg3A_925 = arith.constant 0.000000e+00 : f32
      %neg3A_926 = vector.broadcast %neg3A_925 : f32 to vector<16xf32>
      %neg3A_927 = arith.subf %neg3A_926, %parallel_loop3A_889#4 : vector<16xf32>
      %mul3A_928 = arith.constant 16 : i32
      %mul3A_929 = arith.muli %add3A_809, %mul3A_928 : i32
      %swap3A_930 = arith.constant 24 : i32
      %swap3A_931 = arith.index_cast %swap3A_930 : i32 to index
      %swap3A_932 = arith.index_cast %mul3A_929 : i32 to index
      %swap3A_933 = tpu.vector_load %arg13[%swap3A_931, %swap3A_932] {strides = array<i32>} : memref<32x512xf32, #tpu.memory_space<vmem>>, vector<16xf32>,
      tpu.vector_store %arg13[%swap3A_931, %swap3A_932], %neg3A_927 {strides = array<i32>} : memref<32x512xf32, #tpu.memory_space<vmem>>, vector<16xf32>,
      %neg3A_934 = arith.constant 0.000000e+00 : f32
      %neg3A_935 = vector.broadcast %neg3A_934 : f32 to vector<16xf32>
      %neg3A_936 = arith.subf %neg3A_935, %parallel_loop3A_889#5 : vector<16xf32>
      %mul3A_937 = arith.constant 16 : i32
      %mul3A_938 = arith.muli %add3A_809, %mul3A_937 : i32
      %swap3A_939 = arith.constant 25 : i32
      %swap3A_940 = arith.index_cast %swap3A_939 : i32 to index
      %swap3A_941 = arith.index_cast %mul3A_938 : i32 to index
      %swap3A_942 = tpu.vector_load %arg13[%swap3A_940, %swap3A_941] {strides = array<i32>} : memref<32x512xf32, #tpu.memory_space<vmem>>, vector<16xf32>,
      tpu.vector_store %arg13[%swap3A_940, %swap3A_941], %neg3A_936 {strides = array<i32>} : memref<32x512xf32, #tpu.memory_space<vmem>>, vector<16xf32>,
      %neg3A_943 = arith.constant 0.000000e+00 : f32
      %neg3A_944 = vector.broadcast %neg3A_943 : f32 to vector<16xf32>
      %neg3A_945 = arith.subf %neg3A_944, %parallel_loop3A_889#6 : vector<16xf32>
      %mul3A_946 = arith.constant 16 : i32
      %mul3A_947 = arith.muli %add3A_809, %mul3A_946 : i32
      %swap3A_948 = arith.constant 26 : i32
      %swap3A_949 = arith.index_cast %swap3A_948 : i32 to index
      %swap3A_950 = arith.index_cast %mul3A_947 : i32 to index
      %swap3A_951 = tpu.vector_load %arg13[%swap3A_949, %swap3A_950] {strides = array<i32>} : memref<32x512xf32, #tpu.memory_space<vmem>>, vector<16xf32>,
      tpu.vector_store %arg13[%swap3A_949, %swap3A_950], %neg3A_945 {strides = array<i32>} : memref<32x512xf32, #tpu.memory_space<vmem>>, vector<16xf32>,
      %neg3A_952 = arith.constant 0.000000e+00 : f32
      %neg3A_953 = vector.broadcast %neg3A_952 : f32 to vector<16xf32>
      %neg3A_954 = arith.subf %neg3A_953, %parallel_loop3A_889#7 : vector<16xf32>
      %mul3A_955 = arith.constant 16 : i32
      %mul3A_956 = arith.muli %add3A_809, %mul3A_955 : i32
      %swap3A_957 = arith.constant 27 : i32
      %swap3A_958 = arith.index_cast %swap3A_957 : i32 to index
      %swap3A_959 = arith.index_cast %mul3A_956 : i32 to index
      %swap3A_960 = tpu.vector_load %arg13[%swap3A_958, %swap3A_959] {strides = array<i32>} : memref<32x512xf32, #tpu.memory_space<vmem>>, vector<16xf32>,
      tpu.vector_store %arg13[%swap3A_958, %swap3A_959], %neg3A_954 {strides = array<i32>} : memref<32x512xf32, #tpu.memory_space<vmem>>, vector<16xf32>,
      %neg3A_961 = arith.constant 0.000000e+00 : f32
      %neg3A_962 = vector.broadcast %neg3A_961 : f32 to vector<16xf32>
      %neg3A_963 = arith.subf %neg3A_962, %parallel_loop3A_889#8 : vector<16xf32>
      %mul3A_964 = arith.constant 16 : i32
      %mul3A_965 = arith.muli %add3A_809, %mul3A_964 : i32
      %swap3A_966 = arith.constant 28 : i32
      %swap3A_967 = arith.index_cast %swap3A_966 : i32 to index
      %swap3A_968 = arith.index_cast %mul3A_965 : i32 to index
      %swap3A_969 = tpu.vector_load %arg13[%swap3A_967, %swap3A_968] {strides = array<i32>} : memref<32x512xf32, #tpu.memory_space<vmem>>, vector<16xf32>,
      tpu.vector_store %arg13[%swap3A_967, %swap3A_968], %neg3A_963 {strides = array<i32>} : memref<32x512xf32, #tpu.memory_space<vmem>>, vector<16xf32>,
      %neg3A_970 = arith.constant 0.000000e+00 : f32
      %neg3A_971 = vector.broadcast %neg3A_970 : f32 to vector<16xf32>
      %neg3A_972 = arith.subf %neg3A_971, %parallel_loop3A_889#9 : vector<16xf32>
      %mul3A_973 = arith.constant 16 : i32
      %mul3A_974 = arith.muli %add3A_809, %mul3A_973 : i32
      %swap3A_975 = arith.constant 29 : i32
      %swap3A_976 = arith.index_cast %swap3A_975 : i32 to index
      %swap3A_977 = arith.index_cast %mul3A_974 : i32 to index
      %swap3A_978 = tpu.vector_load %arg13[%swap3A_976, %swap3A_977] {strides = array<i32>} : memref<32x512xf32, #tpu.memory_space<vmem>>, vector<16xf32>,
      tpu.vector_store %arg13[%swap3A_976, %swap3A_977], %neg3A_972 {strides = array<i32>} : memref<32x512xf32, #tpu.memory_space<vmem>>, vector<16xf32>,
      %mul3A_979 = arith.constant 3 : i32
      %mul3A_980 = arith.muli %mul3A_513, %mul3A_979 : i32
      %add3A_981 = arith.constant 3 : i32
      %add3A_982 = arith.addi %mul3A_980, %add3A_981 : i32
      %add3A_983 = arith.constant 1 : i32
      %add3A_984 = arith.addi %mul3A_513, %add3A_983 : i32
      %add3A_985 = arith.constant 1 : i32
      %add3A_986 = arith.addi %add3A_982, %add3A_985 : i32
      %mul3A_987 = arith.constant 160 : i32
      %mul3A_988 = arith.muli %add3A_986, %mul3A_987 : i32
      %add3A_989 = arith.constant 0 : i32
      %add3A_990 = arith.addi %mul3A_988, %add3A_989 : i32
      %dma_start3A_991 = arith.constant 0 : i32
      %dma_start3A_992 = arith.constant 0 : i32
      %dma_start3A_993 = tpu.memref_slice %arg11[%dma_start3A_991, %dma_start3A_992] : memref<160x128xf32, #tpu.memory_space<vmem>> -> memref<80x128xf32, #tpu.memory_space<vmem>>
      %dma_start3A_994 = tpu.memref_slice %arg9[%add3A_990] : memref<15360xi32, #tpu.memory_space<vmem>> -> memref<80xi32, #tpu.memory_space<vmem>>
      %dma_start3A_995 = arith.constant 0 : i32
      %dma_start3A_996 = arith.constant 0 : i32
      %dma_start3A_997 = tpu.memref_slice %arg5[%dma_start3A_995, %dma_start3A_996] : memref<1000000x128xf32, #tpu.memory_space<hbm>> -> memref<1000000x128xf32, #tpu.memory_space<hbm>>
      tpu.enqueue_indirect_dma source(%dma_start3A_997 : memref<1000000x128xf32, #tpu.memory_space<hbm>>) target(%dma_start3A_993 : memref<80x128xf32, #tpu.memory_space<vmem>>) offsets(%dma_start3A_994 : memref<80xi32, #tpu.memory_space<vmem>>) semaphore(%arg14 : memref<!tpu.dma_semaphore, #tpu.memory_space<semaphore_mem>>)
      %mul3A_998 = arith.constant 160 : i32
      %mul3A_999 = arith.muli %add3A_986, %mul3A_998 : i32
      %add3A_1000 = arith.constant 80 : i32
      %add3A_1001 = arith.addi %mul3A_999, %add3A_1000 : i32
      %dma_start3A_1002 = arith.constant 80 : i32
      %dma_start3A_1003 = arith.constant 0 : i32
      %dma_start3A_1004 = tpu.memref_slice %arg11[%dma_start3A_1002, %dma_start3A_1003] : memref<160x128xf32, #tpu.memory_space<vmem>> -> memref<80x128xf32, #tpu.memory_space<vmem>>
      %dma_start3A_1005 = tpu.memref_slice %arg9[%add3A_1001] : memref<15360xi32, #tpu.memory_space<vmem>> -> memref<80xi32, #tpu.memory_space<vmem>>
      %dma_start3A_1006 = arith.constant 0 : i32
      %dma_start3A_1007 = arith.constant 0 : i32
      %dma_start3A_1008 = tpu.memref_slice %arg5[%dma_start3A_1006, %dma_start3A_1007] : memref<1000000x128xf32, #tpu.memory_space<hbm>> -> memref<1000000x128xf32, #tpu.memory_space<hbm>>
      tpu.enqueue_indirect_dma source(%dma_start3A_1008 : memref<1000000x128xf32, #tpu.memory_space<hbm>>) target(%dma_start3A_1004 : memref<80x128xf32, #tpu.memory_space<vmem>>) offsets(%dma_start3A_1005 : memref<80xi32, #tpu.memory_space<vmem>>) semaphore(%arg14 : memref<!tpu.dma_semaphore, #tpu.memory_space<semaphore_mem>>)
      %mul3A_1009 = arith.constant 160 : i32
      %mul3A_1010 = arith.muli %add3A_982, %mul3A_1009 : i32
      %add3A_1011 = arith.constant 0 : i32
      %add3A_1012 = arith.addi %mul3A_1010, %add3A_1011 : i32
      %dma_wait3A_1013 = arith.constant 0 : i32
      %dma_wait3A_1014 = arith.constant 0 : i32
      %dma_wait3A_1015 = tpu.memref_slice %arg12[%dma_wait3A_1013, %dma_wait3A_1014] : memref<160x128xf32, #tpu.memory_space<vmem>> -> memref<80x128xf32, #tpu.memory_space<vmem>>
      %dma_wait3A_1016 = tpu.memref_slice %arg9[%add3A_1012] : memref<15360xi32, #tpu.memory_space<vmem>> -> memref<80xi32, #tpu.memory_space<vmem>>
      %dma_wait3A_1017 = arith.constant 0 : i32
      %dma_wait3A_1018 = arith.constant 0 : i32
      %dma_wait3A_1019 = tpu.memref_slice %arg5[%dma_wait3A_1017, %dma_wait3A_1018] : memref<1000000x128xf32, #tpu.memory_space<hbm>> -> memref<1000000x128xf32, #tpu.memory_space<hbm>>
      tpu.wait_indirect_dma semaphore(%arg15 : memref<!tpu.dma_semaphore, #tpu.memory_space<semaphore_mem>>) src(%dma_wait3A_1019 : memref<1000000x128xf32, #tpu.memory_space<hbm>>) dst(%dma_wait3A_1015 : memref<80x128xf32, #tpu.memory_space<vmem>>)
      %mul3A_1020 = arith.constant 160 : i32
      %mul3A_1021 = arith.muli %add3A_982, %mul3A_1020 : i32
      %add3A_1022 = arith.constant 80 : i32
      %add3A_1023 = arith.addi %mul3A_1021, %add3A_1022 : i32
      %dma_wait3A_1024 = arith.constant 80 : i32
      %dma_wait3A_1025 = arith.constant 0 : i32
      %dma_wait3A_1026 = tpu.memref_slice %arg12[%dma_wait3A_1024, %dma_wait3A_1025] : memref<160x128xf32, #tpu.memory_space<vmem>> -> memref<80x128xf32, #tpu.memory_space<vmem>>
      %dma_wait3A_1027 = tpu.memref_slice %arg9[%add3A_1023] : memref<15360xi32, #tpu.memory_space<vmem>> -> memref<80xi32, #tpu.memory_space<vmem>>
      %dma_wait3A_1028 = arith.constant 0 : i32
      %dma_wait3A_1029 = arith.constant 0 : i32
      %dma_wait3A_1030 = tpu.memref_slice %arg5[%dma_wait3A_1028, %dma_wait3A_1029] : memref<1000000x128xf32, #tpu.memory_space<hbm>> -> memref<1000000x128xf32, #tpu.memory_space<hbm>>
      tpu.wait_indirect_dma semaphore(%arg15 : memref<!tpu.dma_semaphore, #tpu.memory_space<semaphore_mem>>) src(%dma_wait3A_1030 : memref<1000000x128xf32, #tpu.memory_space<hbm>>) dst(%dma_wait3A_1026 : memref<80x128xf32, #tpu.memory_space<vmem>>)
      %add3A_1031 = arith.constant 0 : i32
      %add3A_1032 = vector.broadcast %add3A_1031 : i32 to vector<16xi32>
      %add3A_1033 = arith.addi %mul3A_17, %add3A_1032 : vector<16xi32>
      %add3A_1034 = arith.constant 1 : i32
      %add3A_1035 = vector.broadcast %add3A_1034 : i32 to vector<16xi32>
      %add3A_1036 = arith.addi %mul3A_17, %add3A_1035 : vector<16xi32>
      %add3A_1037 = arith.constant 2 : i32
      %add3A_1038 = vector.broadcast %add3A_1037 : i32 to vector<16xi32>
      %add3A_1039 = arith.addi %mul3A_17, %add3A_1038 : vector<16xi32>
      %add3A_1040 = arith.constant 3 : i32
      %add3A_1041 = vector.broadcast %add3A_1040 : i32 to vector<16xi32>
      %add3A_1042 = arith.addi %mul3A_17, %add3A_1041 : vector<16xi32>
      %add3A_1043 = arith.constant 4 : i32
      %add3A_1044 = vector.broadcast %add3A_1043 : i32 to vector<16xi32>
      %add3A_1045 = arith.addi %mul3A_17, %add3A_1044 : vector<16xi32>
      %add3A_1046 = arith.constant 5 : i32
      %add3A_1047 = vector.broadcast %add3A_1046 : i32 to vector<16xi32>
      %add3A_1048 = arith.addi %mul3A_17, %add3A_1047 : vector<16xi32>
      %add3A_1049 = arith.constant 6 : i32
      %add3A_1050 = vector.broadcast %add3A_1049 : i32 to vector<16xi32>
      %add3A_1051 = arith.addi %mul3A_17, %add3A_1050 : vector<16xi32>
      %add3A_1052 = arith.constant 7 : i32
      %add3A_1053 = vector.broadcast %add3A_1052 : i32 to vector<16xi32>
      %add3A_1054 = arith.addi %mul3A_17, %add3A_1053 : vector<16xi32>
      %add3A_1055 = arith.constant 8 : i32
      %add3A_1056 = vector.broadcast %add3A_1055 : i32 to vector<16xi32>
      %add3A_1057 = arith.addi %mul3A_17, %add3A_1056 : vector<16xi32>
      %add3A_1058 = arith.constant 9 : i32
      %add3A_1059 = vector.broadcast %add3A_1058 : i32 to vector<16xi32>
      %add3A_1060 = arith.addi %mul3A_17, %add3A_1059 : vector<16xi32>
      %parallel_loop3A_1061 = arith.constant 0 : i32
      %parallel_loop3A_1062 = arith.constant 64 : i32
      %parallel_loop3A_1063 = arith.constant 1 : i32
      %parallel_loop3A_1064:10 = scf.for %parallel_loop3A_1426 = %parallel_loop3A_1061 to %parallel_loop3A_1062 step %parallel_loop3A_1063 iter_args(%parallel_loop3A_1427 = %broadcast_in_dim3A_487, %parallel_loop3A_1428 = %broadcast_in_dim3A_487, %parallel_loop3A_1429 = %broadcast_in_dim3A_487, %parallel_loop3A_1430 = %broadcast_in_dim3A_487, %parallel_loop3A_1431 = %broadcast_in_dim3A_487, %parallel_loop3A_1432 = %broadcast_in_dim3A_487, %parallel_loop3A_1433 = %broadcast_in_dim3A_487, %parallel_loop3A_1434 = %broadcast_in_dim3A_487, %parallel_loop3A_1435 = %broadcast_in_dim3A_487, %parallel_loop3A_1436 = %broadcast_in_dim3A_487) -> (vector<16xf32>, vector<16xf32>, vector<16xf32>, vector<16xf32>, vector<16xf32>, vector<16xf32>, vector<16xf32>, vector<16xf32>, vector<16xf32>, vector<16xf32>)  : i32 {
        %parallel_loop3A_1437 = vector.broadcast %parallel_loop3A_1426 : i32 to vector<16xi32>
        %parallel_loop3A_1438 = arith.addi %iota3A, %parallel_loop3A_1437 : vector<16xi32>
        %parallel_loop3A_1439 = arith.constant 63 : i32
        %parallel_loop3A_1440 = vector.broadcast %parallel_loop3A_1439 : i32 to vector<16xi32>
        %parallel_loop3A_1441 = arith.andi %parallel_loop3A_1438, %parallel_loop3A_1440 : vector<16xi32>
        %parallel_loop3A_1442 = arith.constant 1024 : i32
        %parallel_loop3A_1443 = arith.muli %add3A_984, %parallel_loop3A_1442 : i32
        %parallel_loop3A_1444 = vector.broadcast %parallel_loop3A_1443 : i32 to vector<16xi32>
        %parallel_loop3A_1445 = arith.addi %mul3A_20, %parallel_loop3A_1444 : vector<16xi32>
        %parallel_loop3A_1446 = arith.addi %parallel_loop3A_1445, %parallel_loop3A_1441 : vector<16xi32>
        %parallel_loop3A_1447 = tpu.vector_load_idx %arg10[%parallel_loop3A_1446] : memref<32768xf32, #tpu.memory_space<vmem>>[vector<16xi32>], vector<16xf32>,
        %parallel_loop3A_1448 = tpu.vector_load_idx %arg12[%add3A_1033, %parallel_loop3A_1441] : memref<160x128xf32, #tpu.memory_space<vmem>>[vector<16xi32>, vector<16xi32>], vector<16xf32>,
        %parallel_loop3A_1449 = arith.mulf %parallel_loop3A_1447, %parallel_loop3A_1448 : vector<16xf32>
        %parallel_loop3A_1450 = arith.addf %parallel_loop3A_1427, %parallel_loop3A_1449 : vector<16xf32>
        %parallel_loop3A_1451 = tpu.vector_load_idx %arg12[%add3A_1036, %parallel_loop3A_1441] : memref<160x128xf32, #tpu.memory_space<vmem>>[vector<16xi32>, vector<16xi32>], vector<16xf32>,
        %parallel_loop3A_1452 = arith.mulf %parallel_loop3A_1447, %parallel_loop3A_1451 : vector<16xf32>
        %parallel_loop3A_1453 = arith.addf %parallel_loop3A_1428, %parallel_loop3A_1452 : vector<16xf32>
        %parallel_loop3A_1454 = tpu.vector_load_idx %arg12[%add3A_1039, %parallel_loop3A_1441] : memref<160x128xf32, #tpu.memory_space<vmem>>[vector<16xi32>, vector<16xi32>], vector<16xf32>,
        %parallel_loop3A_1455 = arith.mulf %parallel_loop3A_1447, %parallel_loop3A_1454 : vector<16xf32>
        %parallel_loop3A_1456 = arith.addf %parallel_loop3A_1429, %parallel_loop3A_1455 : vector<16xf32>
        %parallel_loop3A_1457 = tpu.vector_load_idx %arg12[%add3A_1042, %parallel_loop3A_1441] : memref<160x128xf32, #tpu.memory_space<vmem>>[vector<16xi32>, vector<16xi32>], vector<16xf32>,
        %parallel_loop3A_1458 = arith.mulf %parallel_loop3A_1447, %parallel_loop3A_1457 : vector<16xf32>
        %parallel_loop3A_1459 = arith.addf %parallel_loop3A_1430, %parallel_loop3A_1458 : vector<16xf32>
        %parallel_loop3A_1460 = tpu.vector_load_idx %arg12[%add3A_1045, %parallel_loop3A_1441] : memref<160x128xf32, #tpu.memory_space<vmem>>[vector<16xi32>, vector<16xi32>], vector<16xf32>,
        %parallel_loop3A_1461 = arith.mulf %parallel_loop3A_1447, %parallel_loop3A_1460 : vector<16xf32>
        %parallel_loop3A_1462 = arith.addf %parallel_loop3A_1431, %parallel_loop3A_1461 : vector<16xf32>
        %parallel_loop3A_1463 = tpu.vector_load_idx %arg12[%add3A_1048, %parallel_loop3A_1441] : memref<160x128xf32, #tpu.memory_space<vmem>>[vector<16xi32>, vector<16xi32>], vector<16xf32>,
        %parallel_loop3A_1464 = arith.mulf %parallel_loop3A_1447, %parallel_loop3A_1463 : vector<16xf32>
        %parallel_loop3A_1465 = arith.addf %parallel_loop3A_1432, %parallel_loop3A_1464 : vector<16xf32>
        %parallel_loop3A_1466 = tpu.vector_load_idx %arg12[%add3A_1051, %parallel_loop3A_1441] : memref<160x128xf32, #tpu.memory_space<vmem>>[vector<16xi32>, vector<16xi32>], vector<16xf32>,
        %parallel_loop3A_1467 = arith.mulf %parallel_loop3A_1447, %parallel_loop3A_1466 : vector<16xf32>
        %parallel_loop3A_1468 = arith.addf %parallel_loop3A_1433, %parallel_loop3A_1467 : vector<16xf32>
        %parallel_loop3A_1469 = tpu.vector_load_idx %arg12[%add3A_1054, %parallel_loop3A_1441] : memref<160x128xf32, #tpu.memory_space<vmem>>[vector<16xi32>, vector<16xi32>], vector<16xf32>,
        %parallel_loop3A_1470 = arith.mulf %parallel_loop3A_1447, %parallel_loop3A_1469 : vector<16xf32>
        %parallel_loop3A_1471 = arith.addf %parallel_loop3A_1434, %parallel_loop3A_1470 : vector<16xf32>
        %parallel_loop3A_1472 = tpu.vector_load_idx %arg12[%add3A_1057, %parallel_loop3A_1441] : memref<160x128xf32, #tpu.memory_space<vmem>>[vector<16xi32>, vector<16xi32>], vector<16xf32>,
        %parallel_loop3A_1473 = arith.mulf %parallel_loop3A_1447, %parallel_loop3A_1472 : vector<16xf32>
        %parallel_loop3A_1474 = arith.addf %parallel_loop3A_1435, %parallel_loop3A_1473 : vector<16xf32>
        %parallel_loop3A_1475 = tpu.vector_load_idx %arg12[%add3A_1060, %parallel_loop3A_1441] : memref<160x128xf32, #tpu.memory_space<vmem>>[vector<16xi32>, vector<16xi32>], vector<16xf32>,
        %parallel_loop3A_1476 = arith.mulf %parallel_loop3A_1447, %parallel_loop3A_1475 : vector<16xf32>
        %parallel_loop3A_1477 = arith.addf %parallel_loop3A_1436, %parallel_loop3A_1476 : vector<16xf32>
        scf.yield %parallel_loop3A_1450, %parallel_loop3A_1453, %parallel_loop3A_1456, %parallel_loop3A_1459, %parallel_loop3A_1462, %parallel_loop3A_1465, %parallel_loop3A_1468, %parallel_loop3A_1471, %parallel_loop3A_1474, %parallel_loop3A_1477 : vector<16xf32>, vector<16xf32>, vector<16xf32>, vector<16xf32>, vector<16xf32>, vector<16xf32>, vector<16xf32>, vector<16xf32>, vector<16xf32>, vector<16xf32>
      } {sc.loop_unroll_factor = 2 : i64, sc.parallel_access}
      %mul3A_1065 = arith.constant 16 : i32
      %mul3A_1066 = arith.muli %add3A_984, %mul3A_1065 : i32
      %swap3A_1067 = arith.constant 0 : i32
      %swap3A_1068 = arith.index_cast %swap3A_1067 : i32 to index
      %swap3A_1069 = arith.index_cast %mul3A_1066 : i32 to index
      %swap3A_1070 = tpu.vector_load %arg13[%swap3A_1068, %swap3A_1069] {strides = array<i32>} : memref<32x512xf32, #tpu.memory_space<vmem>>, vector<16xf32>,
      tpu.vector_store %arg13[%swap3A_1068, %swap3A_1069], %parallel_loop3A_1064#0 {strides = array<i32>} : memref<32x512xf32, #tpu.memory_space<vmem>>, vector<16xf32>,
      %mul3A_1071 = arith.constant 16 : i32
      %mul3A_1072 = arith.muli %add3A_984, %mul3A_1071 : i32
      %swap3A_1073 = arith.constant 1 : i32
      %swap3A_1074 = arith.index_cast %swap3A_1073 : i32 to index
      %swap3A_1075 = arith.index_cast %mul3A_1072 : i32 to index
      %swap3A_1076 = tpu.vector_load %arg13[%swap3A_1074, %swap3A_1075] {strides = array<i32>} : memref<32x512xf32, #tpu.memory_space<vmem>>, vector<16xf32>,
      tpu.vector_store %arg13[%swap3A_1074, %swap3A_1075], %parallel_loop3A_1064#1 {strides = array<i32>} : memref<32x512xf32, #tpu.memory_space<vmem>>, vector<16xf32>,
      %mul3A_1077 = arith.constant 16 : i32
      %mul3A_1078 = arith.muli %add3A_984, %mul3A_1077 : i32
      %swap3A_1079 = arith.constant 2 : i32
      %swap3A_1080 = arith.index_cast %swap3A_1079 : i32 to index
      %swap3A_1081 = arith.index_cast %mul3A_1078 : i32 to index
      %swap3A_1082 = tpu.vector_load %arg13[%swap3A_1080, %swap3A_1081] {strides = array<i32>} : memref<32x512xf32, #tpu.memory_space<vmem>>, vector<16xf32>,
      tpu.vector_store %arg13[%swap3A_1080, %swap3A_1081], %parallel_loop3A_1064#2 {strides = array<i32>} : memref<32x512xf32, #tpu.memory_space<vmem>>, vector<16xf32>,
      %mul3A_1083 = arith.constant 16 : i32
      %mul3A_1084 = arith.muli %add3A_984, %mul3A_1083 : i32
      %swap3A_1085 = arith.constant 3 : i32
      %swap3A_1086 = arith.index_cast %swap3A_1085 : i32 to index
      %swap3A_1087 = arith.index_cast %mul3A_1084 : i32 to index
      %swap3A_1088 = tpu.vector_load %arg13[%swap3A_1086, %swap3A_1087] {strides = array<i32>} : memref<32x512xf32, #tpu.memory_space<vmem>>, vector<16xf32>,
      tpu.vector_store %arg13[%swap3A_1086, %swap3A_1087], %parallel_loop3A_1064#3 {strides = array<i32>} : memref<32x512xf32, #tpu.memory_space<vmem>>, vector<16xf32>,
      %mul3A_1089 = arith.constant 16 : i32
      %mul3A_1090 = arith.muli %add3A_984, %mul3A_1089 : i32
      %swap3A_1091 = arith.constant 4 : i32
      %swap3A_1092 = arith.index_cast %swap3A_1091 : i32 to index
      %swap3A_1093 = arith.index_cast %mul3A_1090 : i32 to index
      %swap3A_1094 = tpu.vector_load %arg13[%swap3A_1092, %swap3A_1093] {strides = array<i32>} : memref<32x512xf32, #tpu.memory_space<vmem>>, vector<16xf32>,
      tpu.vector_store %arg13[%swap3A_1092, %swap3A_1093], %parallel_loop3A_1064#4 {strides = array<i32>} : memref<32x512xf32, #tpu.memory_space<vmem>>, vector<16xf32>,
      %mul3A_1095 = arith.constant 16 : i32
      %mul3A_1096 = arith.muli %add3A_984, %mul3A_1095 : i32
      %swap3A_1097 = arith.constant 5 : i32
      %swap3A_1098 = arith.index_cast %swap3A_1097 : i32 to index
      %swap3A_1099 = arith.index_cast %mul3A_1096 : i32 to index
      %swap3A_1100 = tpu.vector_load %arg13[%swap3A_1098, %swap3A_1099] {strides = array<i32>} : memref<32x512xf32, #tpu.memory_space<vmem>>, vector<16xf32>,
      tpu.vector_store %arg13[%swap3A_1098, %swap3A_1099], %parallel_loop3A_1064#5 {strides = array<i32>} : memref<32x512xf32, #tpu.memory_space<vmem>>, vector<16xf32>,
      %mul3A_1101 = arith.constant 16 : i32
      %mul3A_1102 = arith.muli %add3A_984, %mul3A_1101 : i32
      %swap3A_1103 = arith.constant 6 : i32
      %swap3A_1104 = arith.index_cast %swap3A_1103 : i32 to index
      %swap3A_1105 = arith.index_cast %mul3A_1102 : i32 to index
      %swap3A_1106 = tpu.vector_load %arg13[%swap3A_1104, %swap3A_1105] {strides = array<i32>} : memref<32x512xf32, #tpu.memory_space<vmem>>, vector<16xf32>,
      tpu.vector_store %arg13[%swap3A_1104, %swap3A_1105], %parallel_loop3A_1064#6 {strides = array<i32>} : memref<32x512xf32, #tpu.memory_space<vmem>>, vector<16xf32>,
      %mul3A_1107 = arith.constant 16 : i32
      %mul3A_1108 = arith.muli %add3A_984, %mul3A_1107 : i32
      %swap3A_1109 = arith.constant 7 : i32
      %swap3A_1110 = arith.index_cast %swap3A_1109 : i32 to index
      %swap3A_1111 = arith.index_cast %mul3A_1108 : i32 to index
      %swap3A_1112 = tpu.vector_load %arg13[%swap3A_1110, %swap3A_1111] {strides = array<i32>} : memref<32x512xf32, #tpu.memory_space<vmem>>, vector<16xf32>,
      tpu.vector_store %arg13[%swap3A_1110, %swap3A_1111], %parallel_loop3A_1064#7 {strides = array<i32>} : memref<32x512xf32, #tpu.memory_space<vmem>>, vector<16xf32>,
      %mul3A_1113 = arith.constant 16 : i32
      %mul3A_1114 = arith.muli %add3A_984, %mul3A_1113 : i32
      %swap3A_1115 = arith.constant 8 : i32
      %swap3A_1116 = arith.index_cast %swap3A_1115 : i32 to index
      %swap3A_1117 = arith.index_cast %mul3A_1114 : i32 to index
      %swap3A_1118 = tpu.vector_load %arg13[%swap3A_1116, %swap3A_1117] {strides = array<i32>} : memref<32x512xf32, #tpu.memory_space<vmem>>, vector<16xf32>,
      tpu.vector_store %arg13[%swap3A_1116, %swap3A_1117], %parallel_loop3A_1064#8 {strides = array<i32>} : memref<32x512xf32, #tpu.memory_space<vmem>>, vector<16xf32>,
      %mul3A_1119 = arith.constant 16 : i32
      %mul3A_1120 = arith.muli %add3A_984, %mul3A_1119 : i32
      %swap3A_1121 = arith.constant 9 : i32
      %swap3A_1122 = arith.index_cast %swap3A_1121 : i32 to index
      %swap3A_1123 = arith.index_cast %mul3A_1120 : i32 to index
      %swap3A_1124 = tpu.vector_load %arg13[%swap3A_1122, %swap3A_1123] {strides = array<i32>} : memref<32x512xf32, #tpu.memory_space<vmem>>, vector<16xf32>,
      tpu.vector_store %arg13[%swap3A_1122, %swap3A_1123], %parallel_loop3A_1064#9 {strides = array<i32>} : memref<32x512xf32, #tpu.memory_space<vmem>>, vector<16xf32>,
      %mul3A_1125 = arith.constant 3 : i32
      %mul3A_1126 = arith.muli %mul3A_513, %mul3A_1125 : i32
      %add3A_1127 = arith.constant 4 : i32
      %add3A_1128 = arith.addi %mul3A_1126, %add3A_1127 : i32
      %add3A_1129 = arith.constant 1 : i32
      %add3A_1130 = arith.addi %mul3A_513, %add3A_1129 : i32
      %add3A_1131 = arith.constant 1 : i32
      %add3A_1132 = arith.addi %add3A_1128, %add3A_1131 : i32
      %mul3A_1133 = arith.constant 160 : i32
      %mul3A_1134 = arith.muli %add3A_1132, %mul3A_1133 : i32
      %add3A_1135 = arith.constant 0 : i32
      %add3A_1136 = arith.addi %mul3A_1134, %add3A_1135 : i32
      %dma_start3A_1137 = arith.constant 0 : i32
      %dma_start3A_1138 = arith.constant 0 : i32
      %dma_start3A_1139 = tpu.memref_slice %arg12[%dma_start3A_1137, %dma_start3A_1138] : memref<160x128xf32, #tpu.memory_space<vmem>> -> memref<80x128xf32, #tpu.memory_space<vmem>>
      %dma_start3A_1140 = tpu.memref_slice %arg9[%add3A_1136] : memref<15360xi32, #tpu.memory_space<vmem>> -> memref<80xi32, #tpu.memory_space<vmem>>
      %dma_start3A_1141 = arith.constant 0 : i32
      %dma_start3A_1142 = arith.constant 0 : i32
      %dma_start3A_1143 = tpu.memref_slice %arg5[%dma_start3A_1141, %dma_start3A_1142] : memref<1000000x128xf32, #tpu.memory_space<hbm>> -> memref<1000000x128xf32, #tpu.memory_space<hbm>>
      tpu.enqueue_indirect_dma source(%dma_start3A_1143 : memref<1000000x128xf32, #tpu.memory_space<hbm>>) target(%dma_start3A_1139 : memref<80x128xf32, #tpu.memory_space<vmem>>) offsets(%dma_start3A_1140 : memref<80xi32, #tpu.memory_space<vmem>>) semaphore(%arg15 : memref<!tpu.dma_semaphore, #tpu.memory_space<semaphore_mem>>)
      %mul3A_1144 = arith.constant 160 : i32
      %mul3A_1145 = arith.muli %add3A_1132, %mul3A_1144 : i32
      %add3A_1146 = arith.constant 80 : i32
      %add3A_1147 = arith.addi %mul3A_1145, %add3A_1146 : i32
      %dma_start3A_1148 = arith.constant 80 : i32
      %dma_start3A_1149 = arith.constant 0 : i32
      %dma_start3A_1150 = tpu.memref_slice %arg12[%dma_start3A_1148, %dma_start3A_1149] : memref<160x128xf32, #tpu.memory_space<vmem>> -> memref<80x128xf32, #tpu.memory_space<vmem>>
      %dma_start3A_1151 = tpu.memref_slice %arg9[%add3A_1147] : memref<15360xi32, #tpu.memory_space<vmem>> -> memref<80xi32, #tpu.memory_space<vmem>>
      %dma_start3A_1152 = arith.constant 0 : i32
      %dma_start3A_1153 = arith.constant 0 : i32
      %dma_start3A_1154 = tpu.memref_slice %arg5[%dma_start3A_1152, %dma_start3A_1153] : memref<1000000x128xf32, #tpu.memory_space<hbm>> -> memref<1000000x128xf32, #tpu.memory_space<hbm>>
      tpu.enqueue_indirect_dma source(%dma_start3A_1154 : memref<1000000x128xf32, #tpu.memory_space<hbm>>) target(%dma_start3A_1150 : memref<80x128xf32, #tpu.memory_space<vmem>>) offsets(%dma_start3A_1151 : memref<80xi32, #tpu.memory_space<vmem>>) semaphore(%arg15 : memref<!tpu.dma_semaphore, #tpu.memory_space<semaphore_mem>>)
      %mul3A_1155 = arith.constant 160 : i32
      %mul3A_1156 = arith.muli %add3A_1128, %mul3A_1155 : i32
      %add3A_1157 = arith.constant 0 : i32
      %add3A_1158 = arith.addi %mul3A_1156, %add3A_1157 : i32
      %dma_wait3A_1159 = arith.constant 0 : i32
      %dma_wait3A_1160 = arith.constant 0 : i32
      %dma_wait3A_1161 = tpu.memref_slice %arg11[%dma_wait3A_1159, %dma_wait3A_1160] : memref<160x128xf32, #tpu.memory_space<vmem>> -> memref<80x128xf32, #tpu.memory_space<vmem>>
      %dma_wait3A_1162 = tpu.memref_slice %arg9[%add3A_1158] : memref<15360xi32, #tpu.memory_space<vmem>> -> memref<80xi32, #tpu.memory_space<vmem>>
      %dma_wait3A_1163 = arith.constant 0 : i32
      %dma_wait3A_1164 = arith.constant 0 : i32
      %dma_wait3A_1165 = tpu.memref_slice %arg5[%dma_wait3A_1163, %dma_wait3A_1164] : memref<1000000x128xf32, #tpu.memory_space<hbm>> -> memref<1000000x128xf32, #tpu.memory_space<hbm>>
      tpu.wait_indirect_dma semaphore(%arg14 : memref<!tpu.dma_semaphore, #tpu.memory_space<semaphore_mem>>) src(%dma_wait3A_1165 : memref<1000000x128xf32, #tpu.memory_space<hbm>>) dst(%dma_wait3A_1161 : memref<80x128xf32, #tpu.memory_space<vmem>>)
      %mul3A_1166 = arith.constant 160 : i32
      %mul3A_1167 = arith.muli %add3A_1128, %mul3A_1166 : i32
      %add3A_1168 = arith.constant 80 : i32
      %add3A_1169 = arith.addi %mul3A_1167, %add3A_1168 : i32
      %dma_wait3A_1170 = arith.constant 80 : i32
      %dma_wait3A_1171 = arith.constant 0 : i32
      %dma_wait3A_1172 = tpu.memref_slice %arg11[%dma_wait3A_1170, %dma_wait3A_1171] : memref<160x128xf32, #tpu.memory_space<vmem>> -> memref<80x128xf32, #tpu.memory_space<vmem>>
      %dma_wait3A_1173 = tpu.memref_slice %arg9[%add3A_1169] : memref<15360xi32, #tpu.memory_space<vmem>> -> memref<80xi32, #tpu.memory_space<vmem>>
      %dma_wait3A_1174 = arith.constant 0 : i32
      %dma_wait3A_1175 = arith.constant 0 : i32
      %dma_wait3A_1176 = tpu.memref_slice %arg5[%dma_wait3A_1174, %dma_wait3A_1175] : memref<1000000x128xf32, #tpu.memory_space<hbm>> -> memref<1000000x128xf32, #tpu.memory_space<hbm>>
      tpu.wait_indirect_dma semaphore(%arg14 : memref<!tpu.dma_semaphore, #tpu.memory_space<semaphore_mem>>) src(%dma_wait3A_1176 : memref<1000000x128xf32, #tpu.memory_space<hbm>>) dst(%dma_wait3A_1172 : memref<80x128xf32, #tpu.memory_space<vmem>>)
      %add3A_1177 = arith.constant 0 : i32
      %add3A_1178 = vector.broadcast %add3A_1177 : i32 to vector<16xi32>
      %add3A_1179 = arith.addi %mul3A_17, %add3A_1178 : vector<16xi32>
      %add3A_1180 = arith.constant 1 : i32
      %add3A_1181 = vector.broadcast %add3A_1180 : i32 to vector<16xi32>
      %add3A_1182 = arith.addi %mul3A_17, %add3A_1181 : vector<16xi32>
      %add3A_1183 = arith.constant 2 : i32
      %add3A_1184 = vector.broadcast %add3A_1183 : i32 to vector<16xi32>
      %add3A_1185 = arith.addi %mul3A_17, %add3A_1184 : vector<16xi32>
      %add3A_1186 = arith.constant 3 : i32
      %add3A_1187 = vector.broadcast %add3A_1186 : i32 to vector<16xi32>
      %add3A_1188 = arith.addi %mul3A_17, %add3A_1187 : vector<16xi32>
      %add3A_1189 = arith.constant 4 : i32
      %add3A_1190 = vector.broadcast %add3A_1189 : i32 to vector<16xi32>
      %add3A_1191 = arith.addi %mul3A_17, %add3A_1190 : vector<16xi32>
      %add3A_1192 = arith.constant 5 : i32
      %add3A_1193 = vector.broadcast %add3A_1192 : i32 to vector<16xi32>
      %add3A_1194 = arith.addi %mul3A_17, %add3A_1193 : vector<16xi32>
      %add3A_1195 = arith.constant 6 : i32
      %add3A_1196 = vector.broadcast %add3A_1195 : i32 to vector<16xi32>
      %add3A_1197 = arith.addi %mul3A_17, %add3A_1196 : vector<16xi32>
      %add3A_1198 = arith.constant 7 : i32
      %add3A_1199 = vector.broadcast %add3A_1198 : i32 to vector<16xi32>
      %add3A_1200 = arith.addi %mul3A_17, %add3A_1199 : vector<16xi32>
      %add3A_1201 = arith.constant 8 : i32
      %add3A_1202 = vector.broadcast %add3A_1201 : i32 to vector<16xi32>
      %add3A_1203 = arith.addi %mul3A_17, %add3A_1202 : vector<16xi32>
      %add3A_1204 = arith.constant 9 : i32
      %add3A_1205 = vector.broadcast %add3A_1204 : i32 to vector<16xi32>
      %add3A_1206 = arith.addi %mul3A_17, %add3A_1205 : vector<16xi32>
      %parallel_loop3A_1207 = arith.constant 0 : i32
      %parallel_loop3A_1208 = arith.constant 64 : i32
      %parallel_loop3A_1209 = arith.constant 1 : i32
      %parallel_loop3A_1210:10 = scf.for %parallel_loop3A_1426 = %parallel_loop3A_1207 to %parallel_loop3A_1208 step %parallel_loop3A_1209 iter_args(%parallel_loop3A_1427 = %broadcast_in_dim3A_487, %parallel_loop3A_1428 = %broadcast_in_dim3A_487, %parallel_loop3A_1429 = %broadcast_in_dim3A_487, %parallel_loop3A_1430 = %broadcast_in_dim3A_487, %parallel_loop3A_1431 = %broadcast_in_dim3A_487, %parallel_loop3A_1432 = %broadcast_in_dim3A_487, %parallel_loop3A_1433 = %broadcast_in_dim3A_487, %parallel_loop3A_1434 = %broadcast_in_dim3A_487, %parallel_loop3A_1435 = %broadcast_in_dim3A_487, %parallel_loop3A_1436 = %broadcast_in_dim3A_487) -> (vector<16xf32>, vector<16xf32>, vector<16xf32>, vector<16xf32>, vector<16xf32>, vector<16xf32>, vector<16xf32>, vector<16xf32>, vector<16xf32>, vector<16xf32>)  : i32 {
        %parallel_loop3A_1437 = vector.broadcast %parallel_loop3A_1426 : i32 to vector<16xi32>
        %parallel_loop3A_1438 = arith.addi %iota3A, %parallel_loop3A_1437 : vector<16xi32>
        %parallel_loop3A_1439 = arith.constant 63 : i32
        %parallel_loop3A_1440 = vector.broadcast %parallel_loop3A_1439 : i32 to vector<16xi32>
        %parallel_loop3A_1441 = arith.andi %parallel_loop3A_1438, %parallel_loop3A_1440 : vector<16xi32>
        %parallel_loop3A_1442 = arith.constant 1024 : i32
        %parallel_loop3A_1443 = arith.muli %add3A_1130, %parallel_loop3A_1442 : i32
        %parallel_loop3A_1444 = vector.broadcast %parallel_loop3A_1443 : i32 to vector<16xi32>
        %parallel_loop3A_1445 = arith.addi %mul3A_20, %parallel_loop3A_1444 : vector<16xi32>
        %parallel_loop3A_1446 = arith.addi %parallel_loop3A_1445, %parallel_loop3A_1441 : vector<16xi32>
        %parallel_loop3A_1447 = tpu.vector_load_idx %arg10[%parallel_loop3A_1446] : memref<32768xf32, #tpu.memory_space<vmem>>[vector<16xi32>], vector<16xf32>,
        %parallel_loop3A_1448 = tpu.vector_load_idx %arg11[%add3A_1179, %parallel_loop3A_1441] : memref<160x128xf32, #tpu.memory_space<vmem>>[vector<16xi32>, vector<16xi32>], vector<16xf32>,
        %parallel_loop3A_1449 = arith.mulf %parallel_loop3A_1447, %parallel_loop3A_1448 : vector<16xf32>
        %parallel_loop3A_1450 = arith.addf %parallel_loop3A_1427, %parallel_loop3A_1449 : vector<16xf32>
        %parallel_loop3A_1451 = tpu.vector_load_idx %arg11[%add3A_1182, %parallel_loop3A_1441] : memref<160x128xf32, #tpu.memory_space<vmem>>[vector<16xi32>, vector<16xi32>], vector<16xf32>,
        %parallel_loop3A_1452 = arith.mulf %parallel_loop3A_1447, %parallel_loop3A_1451 : vector<16xf32>
        %parallel_loop3A_1453 = arith.addf %parallel_loop3A_1428, %parallel_loop3A_1452 : vector<16xf32>
        %parallel_loop3A_1454 = tpu.vector_load_idx %arg11[%add3A_1185, %parallel_loop3A_1441] : memref<160x128xf32, #tpu.memory_space<vmem>>[vector<16xi32>, vector<16xi32>], vector<16xf32>,
        %parallel_loop3A_1455 = arith.mulf %parallel_loop3A_1447, %parallel_loop3A_1454 : vector<16xf32>
        %parallel_loop3A_1456 = arith.addf %parallel_loop3A_1429, %parallel_loop3A_1455 : vector<16xf32>
        %parallel_loop3A_1457 = tpu.vector_load_idx %arg11[%add3A_1188, %parallel_loop3A_1441] : memref<160x128xf32, #tpu.memory_space<vmem>>[vector<16xi32>, vector<16xi32>], vector<16xf32>,
        %parallel_loop3A_1458 = arith.mulf %parallel_loop3A_1447, %parallel_loop3A_1457 : vector<16xf32>
        %parallel_loop3A_1459 = arith.addf %parallel_loop3A_1430, %parallel_loop3A_1458 : vector<16xf32>
        %parallel_loop3A_1460 = tpu.vector_load_idx %arg11[%add3A_1191, %parallel_loop3A_1441] : memref<160x128xf32, #tpu.memory_space<vmem>>[vector<16xi32>, vector<16xi32>], vector<16xf32>,
        %parallel_loop3A_1461 = arith.mulf %parallel_loop3A_1447, %parallel_loop3A_1460 : vector<16xf32>
        %parallel_loop3A_1462 = arith.addf %parallel_loop3A_1431, %parallel_loop3A_1461 : vector<16xf32>
        %parallel_loop3A_1463 = tpu.vector_load_idx %arg11[%add3A_1194, %parallel_loop3A_1441] : memref<160x128xf32, #tpu.memory_space<vmem>>[vector<16xi32>, vector<16xi32>], vector<16xf32>,
        %parallel_loop3A_1464 = arith.mulf %parallel_loop3A_1447, %parallel_loop3A_1463 : vector<16xf32>
        %parallel_loop3A_1465 = arith.addf %parallel_loop3A_1432, %parallel_loop3A_1464 : vector<16xf32>
        %parallel_loop3A_1466 = tpu.vector_load_idx %arg11[%add3A_1197, %parallel_loop3A_1441] : memref<160x128xf32, #tpu.memory_space<vmem>>[vector<16xi32>, vector<16xi32>], vector<16xf32>,
        %parallel_loop3A_1467 = arith.mulf %parallel_loop3A_1447, %parallel_loop3A_1466 : vector<16xf32>
        %parallel_loop3A_1468 = arith.addf %parallel_loop3A_1433, %parallel_loop3A_1467 : vector<16xf32>
        %parallel_loop3A_1469 = tpu.vector_load_idx %arg11[%add3A_1200, %parallel_loop3A_1441] : memref<160x128xf32, #tpu.memory_space<vmem>>[vector<16xi32>, vector<16xi32>], vector<16xf32>,
        %parallel_loop3A_1470 = arith.mulf %parallel_loop3A_1447, %parallel_loop3A_1469 : vector<16xf32>
        %parallel_loop3A_1471 = arith.addf %parallel_loop3A_1434, %parallel_loop3A_1470 : vector<16xf32>
        %parallel_loop3A_1472 = tpu.vector_load_idx %arg11[%add3A_1203, %parallel_loop3A_1441] : memref<160x128xf32, #tpu.memory_space<vmem>>[vector<16xi32>, vector<16xi32>], vector<16xf32>,
        %parallel_loop3A_1473 = arith.mulf %parallel_loop3A_1447, %parallel_loop3A_1472 : vector<16xf32>
        %parallel_loop3A_1474 = arith.addf %parallel_loop3A_1435, %parallel_loop3A_1473 : vector<16xf32>
        %parallel_loop3A_1475 = tpu.vector_load_idx %arg11[%add3A_1206, %parallel_loop3A_1441] : memref<160x128xf32, #tpu.memory_space<vmem>>[vector<16xi32>, vector<16xi32>], vector<16xf32>,
        %parallel_loop3A_1476 = arith.mulf %parallel_loop3A_1447, %parallel_loop3A_1475 : vector<16xf32>
        %parallel_loop3A_1477 = arith.addf %parallel_loop3A_1436, %parallel_loop3A_1476 : vector<16xf32>
        scf.yield %parallel_loop3A_1450, %parallel_loop3A_1453, %parallel_loop3A_1456, %parallel_loop3A_1459, %parallel_loop3A_1462, %parallel_loop3A_1465, %parallel_loop3A_1468, %parallel_loop3A_1471, %parallel_loop3A_1474, %parallel_loop3A_1477 : vector<16xf32>, vector<16xf32>, vector<16xf32>, vector<16xf32>, vector<16xf32>, vector<16xf32>, vector<16xf32>, vector<16xf32>, vector<16xf32>, vector<16xf32>
      } {sc.loop_unroll_factor = 2 : i64, sc.parallel_access}
      %mul3A_1211 = arith.constant 16 : i32
      %mul3A_1212 = arith.muli %add3A_1130, %mul3A_1211 : i32
      %swap3A_1213 = arith.constant 10 : i32
      %swap3A_1214 = arith.index_cast %swap3A_1213 : i32 to index
      %swap3A_1215 = arith.index_cast %mul3A_1212 : i32 to index
      %swap3A_1216 = tpu.vector_load %arg13[%swap3A_1214, %swap3A_1215] {strides = array<i32>} : memref<32x512xf32, #tpu.memory_space<vmem>>, vector<16xf32>,
      tpu.vector_store %arg13[%swap3A_1214, %swap3A_1215], %parallel_loop3A_1210#0 {strides = array<i32>} : memref<32x512xf32, #tpu.memory_space<vmem>>, vector<16xf32>,
      %mul3A_1217 = arith.constant 16 : i32
      %mul3A_1218 = arith.muli %add3A_1130, %mul3A_1217 : i32
      %swap3A_1219 = arith.constant 11 : i32
      %swap3A_1220 = arith.index_cast %swap3A_1219 : i32 to index
      %swap3A_1221 = arith.index_cast %mul3A_1218 : i32 to index
      %swap3A_1222 = tpu.vector_load %arg13[%swap3A_1220, %swap3A_1221] {strides = array<i32>} : memref<32x512xf32, #tpu.memory_space<vmem>>, vector<16xf32>,
      tpu.vector_store %arg13[%swap3A_1220, %swap3A_1221], %parallel_loop3A_1210#1 {strides = array<i32>} : memref<32x512xf32, #tpu.memory_space<vmem>>, vector<16xf32>,
      %mul3A_1223 = arith.constant 16 : i32
      %mul3A_1224 = arith.muli %add3A_1130, %mul3A_1223 : i32
      %swap3A_1225 = arith.constant 12 : i32
      %swap3A_1226 = arith.index_cast %swap3A_1225 : i32 to index
      %swap3A_1227 = arith.index_cast %mul3A_1224 : i32 to index
      %swap3A_1228 = tpu.vector_load %arg13[%swap3A_1226, %swap3A_1227] {strides = array<i32>} : memref<32x512xf32, #tpu.memory_space<vmem>>, vector<16xf32>,
      tpu.vector_store %arg13[%swap3A_1226, %swap3A_1227], %parallel_loop3A_1210#2 {strides = array<i32>} : memref<32x512xf32, #tpu.memory_space<vmem>>, vector<16xf32>,
      %mul3A_1229 = arith.constant 16 : i32
      %mul3A_1230 = arith.muli %add3A_1130, %mul3A_1229 : i32
      %swap3A_1231 = arith.constant 13 : i32
      %swap3A_1232 = arith.index_cast %swap3A_1231 : i32 to index
      %swap3A_1233 = arith.index_cast %mul3A_1230 : i32 to index
      %swap3A_1234 = tpu.vector_load %arg13[%swap3A_1232, %swap3A_1233] {strides = array<i32>} : memref<32x512xf32, #tpu.memory_space<vmem>>, vector<16xf32>,
      tpu.vector_store %arg13[%swap3A_1232, %swap3A_1233], %parallel_loop3A_1210#3 {strides = array<i32>} : memref<32x512xf32, #tpu.memory_space<vmem>>, vector<16xf32>,
      %mul3A_1235 = arith.constant 16 : i32
      %mul3A_1236 = arith.muli %add3A_1130, %mul3A_1235 : i32
      %swap3A_1237 = arith.constant 14 : i32
      %swap3A_1238 = arith.index_cast %swap3A_1237 : i32 to index
      %swap3A_1239 = arith.index_cast %mul3A_1236 : i32 to index
      %swap3A_1240 = tpu.vector_load %arg13[%swap3A_1238, %swap3A_1239] {strides = array<i32>} : memref<32x512xf32, #tpu.memory_space<vmem>>, vector<16xf32>,
      tpu.vector_store %arg13[%swap3A_1238, %swap3A_1239], %parallel_loop3A_1210#4 {strides = array<i32>} : memref<32x512xf32, #tpu.memory_space<vmem>>, vector<16xf32>,
      %mul3A_1241 = arith.constant 16 : i32
      %mul3A_1242 = arith.muli %add3A_1130, %mul3A_1241 : i32
      %swap3A_1243 = arith.constant 15 : i32
      %swap3A_1244 = arith.index_cast %swap3A_1243 : i32 to index
      %swap3A_1245 = arith.index_cast %mul3A_1242 : i32 to index
      %swap3A_1246 = tpu.vector_load %arg13[%swap3A_1244, %swap3A_1245] {strides = array<i32>} : memref<32x512xf32, #tpu.memory_space<vmem>>, vector<16xf32>,
      tpu.vector_store %arg13[%swap3A_1244, %swap3A_1245], %parallel_loop3A_1210#5 {strides = array<i32>} : memref<32x512xf32, #tpu.memory_space<vmem>>, vector<16xf32>,
      %mul3A_1247 = arith.constant 16 : i32
      %mul3A_1248 = arith.muli %add3A_1130, %mul3A_1247 : i32
      %swap3A_1249 = arith.constant 16 : i32
      %swap3A_1250 = arith.index_cast %swap3A_1249 : i32 to index
      %swap3A_1251 = arith.index_cast %mul3A_1248 : i32 to index
      %swap3A_1252 = tpu.vector_load %arg13[%swap3A_1250, %swap3A_1251] {strides = array<i32>} : memref<32x512xf32, #tpu.memory_space<vmem>>, vector<16xf32>,
      tpu.vector_store %arg13[%swap3A_1250, %swap3A_1251], %parallel_loop3A_1210#6 {strides = array<i32>} : memref<32x512xf32, #tpu.memory_space<vmem>>, vector<16xf32>,
      %mul3A_1253 = arith.constant 16 : i32
      %mul3A_1254 = arith.muli %add3A_1130, %mul3A_1253 : i32
      %swap3A_1255 = arith.constant 17 : i32
      %swap3A_1256 = arith.index_cast %swap3A_1255 : i32 to index
      %swap3A_1257 = arith.index_cast %mul3A_1254 : i32 to index
      %swap3A_1258 = tpu.vector_load %arg13[%swap3A_1256, %swap3A_1257] {strides = array<i32>} : memref<32x512xf32, #tpu.memory_space<vmem>>, vector<16xf32>,
      tpu.vector_store %arg13[%swap3A_1256, %swap3A_1257], %parallel_loop3A_1210#7 {strides = array<i32>} : memref<32x512xf32, #tpu.memory_space<vmem>>, vector<16xf32>,
      %mul3A_1259 = arith.constant 16 : i32
      %mul3A_1260 = arith.muli %add3A_1130, %mul3A_1259 : i32
      %swap3A_1261 = arith.constant 18 : i32
      %swap3A_1262 = arith.index_cast %swap3A_1261 : i32 to index
      %swap3A_1263 = arith.index_cast %mul3A_1260 : i32 to index
      %swap3A_1264 = tpu.vector_load %arg13[%swap3A_1262, %swap3A_1263] {strides = array<i32>} : memref<32x512xf32, #tpu.memory_space<vmem>>, vector<16xf32>,
      tpu.vector_store %arg13[%swap3A_1262, %swap3A_1263], %parallel_loop3A_1210#8 {strides = array<i32>} : memref<32x512xf32, #tpu.memory_space<vmem>>, vector<16xf32>,
      %mul3A_1265 = arith.constant 16 : i32
      %mul3A_1266 = arith.muli %add3A_1130, %mul3A_1265 : i32
      %swap3A_1267 = arith.constant 19 : i32
      %swap3A_1268 = arith.index_cast %swap3A_1267 : i32 to index
      %swap3A_1269 = arith.index_cast %mul3A_1266 : i32 to index
      %swap3A_1270 = tpu.vector_load %arg13[%swap3A_1268, %swap3A_1269] {strides = array<i32>} : memref<32x512xf32, #tpu.memory_space<vmem>>, vector<16xf32>,
      tpu.vector_store %arg13[%swap3A_1268, %swap3A_1269], %parallel_loop3A_1210#9 {strides = array<i32>} : memref<32x512xf32, #tpu.memory_space<vmem>>, vector<16xf32>,
      %mul3A_1271 = arith.constant 3 : i32
      %mul3A_1272 = arith.muli %mul3A_513, %mul3A_1271 : i32
      %add3A_1273 = arith.constant 5 : i32
      %add3A_1274 = arith.addi %mul3A_1272, %add3A_1273 : i32
      %add3A_1275 = arith.constant 1 : i32
      %add3A_1276 = arith.addi %mul3A_513, %add3A_1275 : i32
      %lt3A = arith.constant 15 : i32
      %lt3A_1277 = arith.cmpi slt, %scan3A_510, %lt3A : i32
      %convert_element_type3A = arith.extui %lt3A_1277 : i1 to i32
      %cond3A = arith.constant 0 : i32
      %cond3A_1278 = arith.cmpi ne, %convert_element_type3A, %cond3A : i32
      scf.if %cond3A_1278 {
        %add3A_1426 = arith.constant 1 : i32
        %add3A_1427 = arith.addi %add3A_1274, %add3A_1426 : i32
        %mul3A_1428 = arith.constant 160 : i32
        %mul3A_1429 = arith.muli %add3A_1427, %mul3A_1428 : i32
        %add3A_1430 = arith.constant 0 : i32
        %add3A_1431 = arith.addi %mul3A_1429, %add3A_1430 : i32
        %dma_start3A_1432 = arith.constant 0 : i32
        %dma_start3A_1433 = arith.constant 0 : i32
        %dma_start3A_1434 = tpu.memref_slice %arg11[%dma_start3A_1432, %dma_start3A_1433] : memref<160x128xf32, #tpu.memory_space<vmem>> -> memref<80x128xf32, #tpu.memory_space<vmem>>
        %dma_start3A_1435 = tpu.memref_slice %arg9[%add3A_1431] : memref<15360xi32, #tpu.memory_space<vmem>> -> memref<80xi32, #tpu.memory_space<vmem>>
        %dma_start3A_1436 = arith.constant 0 : i32
        %dma_start3A_1437 = arith.constant 0 : i32
        %dma_start3A_1438 = tpu.memref_slice %arg5[%dma_start3A_1436, %dma_start3A_1437] : memref<1000000x128xf32, #tpu.memory_space<hbm>> -> memref<1000000x128xf32, #tpu.memory_space<hbm>>
        tpu.enqueue_indirect_dma source(%dma_start3A_1438 : memref<1000000x128xf32, #tpu.memory_space<hbm>>) target(%dma_start3A_1434 : memref<80x128xf32, #tpu.memory_space<vmem>>) offsets(%dma_start3A_1435 : memref<80xi32, #tpu.memory_space<vmem>>) semaphore(%arg14 : memref<!tpu.dma_semaphore, #tpu.memory_space<semaphore_mem>>)
        %mul3A_1439 = arith.constant 160 : i32
        %mul3A_1440 = arith.muli %add3A_1427, %mul3A_1439 : i32
        %add3A_1441 = arith.constant 80 : i32
        %add3A_1442 = arith.addi %mul3A_1440, %add3A_1441 : i32
        %dma_start3A_1443 = arith.constant 80 : i32
        %dma_start3A_1444 = arith.constant 0 : i32
        %dma_start3A_1445 = tpu.memref_slice %arg11[%dma_start3A_1443, %dma_start3A_1444] : memref<160x128xf32, #tpu.memory_space<vmem>> -> memref<80x128xf32, #tpu.memory_space<vmem>>
        %dma_start3A_1446 = tpu.memref_slice %arg9[%add3A_1442] : memref<15360xi32, #tpu.memory_space<vmem>> -> memref<80xi32, #tpu.memory_space<vmem>>
        %dma_start3A_1447 = arith.constant 0 : i32
        %dma_start3A_1448 = arith.constant 0 : i32
        %dma_start3A_1449 = tpu.memref_slice %arg5[%dma_start3A_1447, %dma_start3A_1448] : memref<1000000x128xf32, #tpu.memory_space<hbm>> -> memref<1000000x128xf32, #tpu.memory_space<hbm>>
        tpu.enqueue_indirect_dma source(%dma_start3A_1449 : memref<1000000x128xf32, #tpu.memory_space<hbm>>) target(%dma_start3A_1445 : memref<80x128xf32, #tpu.memory_space<vmem>>) offsets(%dma_start3A_1446 : memref<80xi32, #tpu.memory_space<vmem>>) semaphore(%arg14 : memref<!tpu.dma_semaphore, #tpu.memory_space<semaphore_mem>>)
      } else {
      }
      %mul3A_1279 = arith.constant 160 : i32
      %mul3A_1280 = arith.muli %add3A_1274, %mul3A_1279 : i32
      %add3A_1281 = arith.constant 0 : i32
      %add3A_1282 = arith.addi %mul3A_1280, %add3A_1281 : i32
      %dma_wait3A_1283 = arith.constant 0 : i32
      %dma_wait3A_1284 = arith.constant 0 : i32
      %dma_wait3A_1285 = tpu.memref_slice %arg12[%dma_wait3A_1283, %dma_wait3A_1284] : memref<160x128xf32, #tpu.memory_space<vmem>> -> memref<80x128xf32, #tpu.memory_space<vmem>>
      %dma_wait3A_1286 = tpu.memref_slice %arg9[%add3A_1282] : memref<15360xi32, #tpu.memory_space<vmem>> -> memref<80xi32, #tpu.memory_space<vmem>>
      %dma_wait3A_1287 = arith.constant 0 : i32
      %dma_wait3A_1288 = arith.constant 0 : i32
      %dma_wait3A_1289 = tpu.memref_slice %arg5[%dma_wait3A_1287, %dma_wait3A_1288] : memref<1000000x128xf32, #tpu.memory_space<hbm>> -> memref<1000000x128xf32, #tpu.memory_space<hbm>>
      tpu.wait_indirect_dma semaphore(%arg15 : memref<!tpu.dma_semaphore, #tpu.memory_space<semaphore_mem>>) src(%dma_wait3A_1289 : memref<1000000x128xf32, #tpu.memory_space<hbm>>) dst(%dma_wait3A_1285 : memref<80x128xf32, #tpu.memory_space<vmem>>)
      %mul3A_1290 = arith.constant 160 : i32
      %mul3A_1291 = arith.muli %add3A_1274, %mul3A_1290 : i32
      %add3A_1292 = arith.constant 80 : i32
      %add3A_1293 = arith.addi %mul3A_1291, %add3A_1292 : i32
      %dma_wait3A_1294 = arith.constant 80 : i32
      %dma_wait3A_1295 = arith.constant 0 : i32
      %dma_wait3A_1296 = tpu.memref_slice %arg12[%dma_wait3A_1294, %dma_wait3A_1295] : memref<160x128xf32, #tpu.memory_space<vmem>> -> memref<80x128xf32, #tpu.memory_space<vmem>>
      %dma_wait3A_1297 = tpu.memref_slice %arg9[%add3A_1293] : memref<15360xi32, #tpu.memory_space<vmem>> -> memref<80xi32, #tpu.memory_space<vmem>>
      %dma_wait3A_1298 = arith.constant 0 : i32
      %dma_wait3A_1299 = arith.constant 0 : i32
      %dma_wait3A_1300 = tpu.memref_slice %arg5[%dma_wait3A_1298, %dma_wait3A_1299] : memref<1000000x128xf32, #tpu.memory_space<hbm>> -> memref<1000000x128xf32, #tpu.memory_space<hbm>>
      tpu.wait_indirect_dma semaphore(%arg15 : memref<!tpu.dma_semaphore, #tpu.memory_space<semaphore_mem>>) src(%dma_wait3A_1300 : memref<1000000x128xf32, #tpu.memory_space<hbm>>) dst(%dma_wait3A_1296 : memref<80x128xf32, #tpu.memory_space<vmem>>)
      %add3A_1301 = arith.constant 0 : i32
      %add3A_1302 = vector.broadcast %add3A_1301 : i32 to vector<16xi32>
      %add3A_1303 = arith.addi %mul3A_17, %add3A_1302 : vector<16xi32>
      %add3A_1304 = arith.constant 1 : i32
      %add3A_1305 = vector.broadcast %add3A_1304 : i32 to vector<16xi32>
      %add3A_1306 = arith.addi %mul3A_17, %add3A_1305 : vector<16xi32>
      %add3A_1307 = arith.constant 2 : i32
      %add3A_1308 = vector.broadcast %add3A_1307 : i32 to vector<16xi32>
      %add3A_1309 = arith.addi %mul3A_17, %add3A_1308 : vector<16xi32>
      %add3A_1310 = arith.constant 3 : i32
      %add3A_1311 = vector.broadcast %add3A_1310 : i32 to vector<16xi32>
      %add3A_1312 = arith.addi %mul3A_17, %add3A_1311 : vector<16xi32>
      %add3A_1313 = arith.constant 4 : i32
      %add3A_1314 = vector.broadcast %add3A_1313 : i32 to vector<16xi32>
      %add3A_1315 = arith.addi %mul3A_17, %add3A_1314 : vector<16xi32>
      %add3A_1316 = arith.constant 5 : i32
      %add3A_1317 = vector.broadcast %add3A_1316 : i32 to vector<16xi32>
      %add3A_1318 = arith.addi %mul3A_17, %add3A_1317 : vector<16xi32>
      %add3A_1319 = arith.constant 6 : i32
      %add3A_1320 = vector.broadcast %add3A_1319 : i32 to vector<16xi32>
      %add3A_1321 = arith.addi %mul3A_17, %add3A_1320 : vector<16xi32>
      %add3A_1322 = arith.constant 7 : i32
      %add3A_1323 = vector.broadcast %add3A_1322 : i32 to vector<16xi32>
      %add3A_1324 = arith.addi %mul3A_17, %add3A_1323 : vector<16xi32>
      %add3A_1325 = arith.constant 8 : i32
      %add3A_1326 = vector.broadcast %add3A_1325 : i32 to vector<16xi32>
      %add3A_1327 = arith.addi %mul3A_17, %add3A_1326 : vector<16xi32>
      %add3A_1328 = arith.constant 9 : i32
      %add3A_1329 = vector.broadcast %add3A_1328 : i32 to vector<16xi32>
      %add3A_1330 = arith.addi %mul3A_17, %add3A_1329 : vector<16xi32>
      %parallel_loop3A_1331 = arith.constant 0 : i32
      %parallel_loop3A_1332 = arith.constant 64 : i32
      %parallel_loop3A_1333 = arith.constant 1 : i32
      %parallel_loop3A_1334:10 = scf.for %parallel_loop3A_1426 = %parallel_loop3A_1331 to %parallel_loop3A_1332 step %parallel_loop3A_1333 iter_args(%parallel_loop3A_1427 = %broadcast_in_dim3A_487, %parallel_loop3A_1428 = %broadcast_in_dim3A_487, %parallel_loop3A_1429 = %broadcast_in_dim3A_487, %parallel_loop3A_1430 = %broadcast_in_dim3A_487, %parallel_loop3A_1431 = %broadcast_in_dim3A_487, %parallel_loop3A_1432 = %broadcast_in_dim3A_487, %parallel_loop3A_1433 = %broadcast_in_dim3A_487, %parallel_loop3A_1434 = %broadcast_in_dim3A_487, %parallel_loop3A_1435 = %broadcast_in_dim3A_487, %parallel_loop3A_1436 = %broadcast_in_dim3A_487) -> (vector<16xf32>, vector<16xf32>, vector<16xf32>, vector<16xf32>, vector<16xf32>, vector<16xf32>, vector<16xf32>, vector<16xf32>, vector<16xf32>, vector<16xf32>)  : i32 {
        %parallel_loop3A_1437 = vector.broadcast %parallel_loop3A_1426 : i32 to vector<16xi32>
        %parallel_loop3A_1438 = arith.addi %iota3A, %parallel_loop3A_1437 : vector<16xi32>
        %parallel_loop3A_1439 = arith.constant 63 : i32
        %parallel_loop3A_1440 = vector.broadcast %parallel_loop3A_1439 : i32 to vector<16xi32>
        %parallel_loop3A_1441 = arith.andi %parallel_loop3A_1438, %parallel_loop3A_1440 : vector<16xi32>
        %parallel_loop3A_1442 = arith.constant 1024 : i32
        %parallel_loop3A_1443 = arith.muli %add3A_1276, %parallel_loop3A_1442 : i32
        %parallel_loop3A_1444 = vector.broadcast %parallel_loop3A_1443 : i32 to vector<16xi32>
        %parallel_loop3A_1445 = arith.addi %mul3A_20, %parallel_loop3A_1444 : vector<16xi32>
        %parallel_loop3A_1446 = arith.addi %parallel_loop3A_1445, %parallel_loop3A_1441 : vector<16xi32>
        %parallel_loop3A_1447 = tpu.vector_load_idx %arg10[%parallel_loop3A_1446] : memref<32768xf32, #tpu.memory_space<vmem>>[vector<16xi32>], vector<16xf32>,
        %parallel_loop3A_1448 = tpu.vector_load_idx %arg12[%add3A_1303, %parallel_loop3A_1441] : memref<160x128xf32, #tpu.memory_space<vmem>>[vector<16xi32>, vector<16xi32>], vector<16xf32>,
        %parallel_loop3A_1449 = arith.mulf %parallel_loop3A_1447, %parallel_loop3A_1448 : vector<16xf32>
        %parallel_loop3A_1450 = arith.addf %parallel_loop3A_1427, %parallel_loop3A_1449 : vector<16xf32>
        %parallel_loop3A_1451 = tpu.vector_load_idx %arg12[%add3A_1306, %parallel_loop3A_1441] : memref<160x128xf32, #tpu.memory_space<vmem>>[vector<16xi32>, vector<16xi32>], vector<16xf32>,
        %parallel_loop3A_1452 = arith.mulf %parallel_loop3A_1447, %parallel_loop3A_1451 : vector<16xf32>
        %parallel_loop3A_1453 = arith.addf %parallel_loop3A_1428, %parallel_loop3A_1452 : vector<16xf32>
        %parallel_loop3A_1454 = tpu.vector_load_idx %arg12[%add3A_1309, %parallel_loop3A_1441] : memref<160x128xf32, #tpu.memory_space<vmem>>[vector<16xi32>, vector<16xi32>], vector<16xf32>,
        %parallel_loop3A_1455 = arith.mulf %parallel_loop3A_1447, %parallel_loop3A_1454 : vector<16xf32>
        %parallel_loop3A_1456 = arith.addf %parallel_loop3A_1429, %parallel_loop3A_1455 : vector<16xf32>
        %parallel_loop3A_1457 = tpu.vector_load_idx %arg12[%add3A_1312, %parallel_loop3A_1441] : memref<160x128xf32, #tpu.memory_space<vmem>>[vector<16xi32>, vector<16xi32>], vector<16xf32>,
        %parallel_loop3A_1458 = arith.mulf %parallel_loop3A_1447, %parallel_loop3A_1457 : vector<16xf32>
        %parallel_loop3A_1459 = arith.addf %parallel_loop3A_1430, %parallel_loop3A_1458 : vector<16xf32>
        %parallel_loop3A_1460 = tpu.vector_load_idx %arg12[%add3A_1315, %parallel_loop3A_1441] : memref<160x128xf32, #tpu.memory_space<vmem>>[vector<16xi32>, vector<16xi32>], vector<16xf32>,
        %parallel_loop3A_1461 = arith.mulf %parallel_loop3A_1447, %parallel_loop3A_1460 : vector<16xf32>
        %parallel_loop3A_1462 = arith.addf %parallel_loop3A_1431, %parallel_loop3A_1461 : vector<16xf32>
        %parallel_loop3A_1463 = tpu.vector_load_idx %arg12[%add3A_1318, %parallel_loop3A_1441] : memref<160x128xf32, #tpu.memory_space<vmem>>[vector<16xi32>, vector<16xi32>], vector<16xf32>,
        %parallel_loop3A_1464 = arith.mulf %parallel_loop3A_1447, %parallel_loop3A_1463 : vector<16xf32>
        %parallel_loop3A_1465 = arith.addf %parallel_loop3A_1432, %parallel_loop3A_1464 : vector<16xf32>
        %parallel_loop3A_1466 = tpu.vector_load_idx %arg12[%add3A_1321, %parallel_loop3A_1441] : memref<160x128xf32, #tpu.memory_space<vmem>>[vector<16xi32>, vector<16xi32>], vector<16xf32>,
        %parallel_loop3A_1467 = arith.mulf %parallel_loop3A_1447, %parallel_loop3A_1466 : vector<16xf32>
        %parallel_loop3A_1468 = arith.addf %parallel_loop3A_1433, %parallel_loop3A_1467 : vector<16xf32>
        %parallel_loop3A_1469 = tpu.vector_load_idx %arg12[%add3A_1324, %parallel_loop3A_1441] : memref<160x128xf32, #tpu.memory_space<vmem>>[vector<16xi32>, vector<16xi32>], vector<16xf32>,
        %parallel_loop3A_1470 = arith.mulf %parallel_loop3A_1447, %parallel_loop3A_1469 : vector<16xf32>
        %parallel_loop3A_1471 = arith.addf %parallel_loop3A_1434, %parallel_loop3A_1470 : vector<16xf32>
        %parallel_loop3A_1472 = tpu.vector_load_idx %arg12[%add3A_1327, %parallel_loop3A_1441] : memref<160x128xf32, #tpu.memory_space<vmem>>[vector<16xi32>, vector<16xi32>], vector<16xf32>,
        %parallel_loop3A_1473 = arith.mulf %parallel_loop3A_1447, %parallel_loop3A_1472 : vector<16xf32>
        %parallel_loop3A_1474 = arith.addf %parallel_loop3A_1435, %parallel_loop3A_1473 : vector<16xf32>
        %parallel_loop3A_1475 = tpu.vector_load_idx %arg12[%add3A_1330, %parallel_loop3A_1441] : memref<160x128xf32, #tpu.memory_space<vmem>>[vector<16xi32>, vector<16xi32>], vector<16xf32>,
        %parallel_loop3A_1476 = arith.mulf %parallel_loop3A_1447, %parallel_loop3A_1475 : vector<16xf32>
        %parallel_loop3A_1477 = arith.addf %parallel_loop3A_1436, %parallel_loop3A_1476 : vector<16xf32>
        scf.yield %parallel_loop3A_1450, %parallel_loop3A_1453, %parallel_loop3A_1456, %parallel_loop3A_1459, %parallel_loop3A_1462, %parallel_loop3A_1465, %parallel_loop3A_1468, %parallel_loop3A_1471, %parallel_loop3A_1474, %parallel_loop3A_1477 : vector<16xf32>, vector<16xf32>, vector<16xf32>, vector<16xf32>, vector<16xf32>, vector<16xf32>, vector<16xf32>, vector<16xf32>, vector<16xf32>, vector<16xf32>
      } {sc.loop_unroll_factor = 2 : i64, sc.parallel_access}
      %neg3A_1335 = arith.constant 0.000000e+00 : f32
      %neg3A_1336 = vector.broadcast %neg3A_1335 : f32 to vector<16xf32>
      %neg3A_1337 = arith.subf %neg3A_1336, %parallel_loop3A_1334#0 : vector<16xf32>
      %mul3A_1338 = arith.constant 16 : i32
      %mul3A_1339 = arith.muli %add3A_1276, %mul3A_1338 : i32
      %swap3A_1340 = arith.constant 20 : i32
      %swap3A_1341 = arith.index_cast %swap3A_1340 : i32 to index
      %swap3A_1342 = arith.index_cast %mul3A_1339 : i32 to index
      %swap3A_1343 = tpu.vector_load %arg13[%swap3A_1341, %swap3A_1342] {strides = array<i32>} : memref<32x512xf32, #tpu.memory_space<vmem>>, vector<16xf32>,
      tpu.vector_store %arg13[%swap3A_1341, %swap3A_1342], %neg3A_1337 {strides = array<i32>} : memref<32x512xf32, #tpu.memory_space<vmem>>, vector<16xf32>,
      %neg3A_1344 = arith.constant 0.000000e+00 : f32
      %neg3A_1345 = vector.broadcast %neg3A_1344 : f32 to vector<16xf32>
      %neg3A_1346 = arith.subf %neg3A_1345, %parallel_loop3A_1334#1 : vector<16xf32>
      %mul3A_1347 = arith.constant 16 : i32
      %mul3A_1348 = arith.muli %add3A_1276, %mul3A_1347 : i32
      %swap3A_1349 = arith.constant 21 : i32
      %swap3A_1350 = arith.index_cast %swap3A_1349 : i32 to index
      %swap3A_1351 = arith.index_cast %mul3A_1348 : i32 to index
      %swap3A_1352 = tpu.vector_load %arg13[%swap3A_1350, %swap3A_1351] {strides = array<i32>} : memref<32x512xf32, #tpu.memory_space<vmem>>, vector<16xf32>,
      tpu.vector_store %arg13[%swap3A_1350, %swap3A_1351], %neg3A_1346 {strides = array<i32>} : memref<32x512xf32, #tpu.memory_space<vmem>>, vector<16xf32>,
      %neg3A_1353 = arith.constant 0.000000e+00 : f32
      %neg3A_1354 = vector.broadcast %neg3A_1353 : f32 to vector<16xf32>
      %neg3A_1355 = arith.subf %neg3A_1354, %parallel_loop3A_1334#2 : vector<16xf32>
      %mul3A_1356 = arith.constant 16 : i32
      %mul3A_1357 = arith.muli %add3A_1276, %mul3A_1356 : i32
      %swap3A_1358 = arith.constant 22 : i32
      %swap3A_1359 = arith.index_cast %swap3A_1358 : i32 to index
      %swap3A_1360 = arith.index_cast %mul3A_1357 : i32 to index
      %swap3A_1361 = tpu.vector_load %arg13[%swap3A_1359, %swap3A_1360] {strides = array<i32>} : memref<32x512xf32, #tpu.memory_space<vmem>>, vector<16xf32>,
      tpu.vector_store %arg13[%swap3A_1359, %swap3A_1360], %neg3A_1355 {strides = array<i32>} : memref<32x512xf32, #tpu.memory_space<vmem>>, vector<16xf32>,
      %neg3A_1362 = arith.constant 0.000000e+00 : f32
      %neg3A_1363 = vector.broadcast %neg3A_1362 : f32 to vector<16xf32>
      %neg3A_1364 = arith.subf %neg3A_1363, %parallel_loop3A_1334#3 : vector<16xf32>
      %mul3A_1365 = arith.constant 16 : i32
      %mul3A_1366 = arith.muli %add3A_1276, %mul3A_1365 : i32
      %swap3A_1367 = arith.constant 23 : i32
      %swap3A_1368 = arith.index_cast %swap3A_1367 : i32 to index
      %swap3A_1369 = arith.index_cast %mul3A_1366 : i32 to index
      %swap3A_1370 = tpu.vector_load %arg13[%swap3A_1368, %swap3A_1369] {strides = array<i32>} : memref<32x512xf32, #tpu.memory_space<vmem>>, vector<16xf32>,
      tpu.vector_store %arg13[%swap3A_1368, %swap3A_1369], %neg3A_1364 {strides = array<i32>} : memref<32x512xf32, #tpu.memory_space<vmem>>, vector<16xf32>,
      %neg3A_1371 = arith.constant 0.000000e+00 : f32
      %neg3A_1372 = vector.broadcast %neg3A_1371 : f32 to vector<16xf32>
      %neg3A_1373 = arith.subf %neg3A_1372, %parallel_loop3A_1334#4 : vector<16xf32>
      %mul3A_1374 = arith.constant 16 : i32
      %mul3A_1375 = arith.muli %add3A_1276, %mul3A_1374 : i32
      %swap3A_1376 = arith.constant 24 : i32
      %swap3A_1377 = arith.index_cast %swap3A_1376 : i32 to index
      %swap3A_1378 = arith.index_cast %mul3A_1375 : i32 to index
      %swap3A_1379 = tpu.vector_load %arg13[%swap3A_1377, %swap3A_1378] {strides = array<i32>} : memref<32x512xf32, #tpu.memory_space<vmem>>, vector<16xf32>,
      tpu.vector_store %arg13[%swap3A_1377, %swap3A_1378], %neg3A_1373 {strides = array<i32>} : memref<32x512xf32, #tpu.memory_space<vmem>>, vector<16xf32>,
      %neg3A_1380 = arith.constant 0.000000e+00 : f32
      %neg3A_1381 = vector.broadcast %neg3A_1380 : f32 to vector<16xf32>
      %neg3A_1382 = arith.subf %neg3A_1381, %parallel_loop3A_1334#5 : vector<16xf32>
      %mul3A_1383 = arith.constant 16 : i32
      %mul3A_1384 = arith.muli %add3A_1276, %mul3A_1383 : i32
      %swap3A_1385 = arith.constant 25 : i32
      %swap3A_1386 = arith.index_cast %swap3A_1385 : i32 to index
      %swap3A_1387 = arith.index_cast %mul3A_1384 : i32 to index
      %swap3A_1388 = tpu.vector_load %arg13[%swap3A_1386, %swap3A_1387] {strides = array<i32>} : memref<32x512xf32, #tpu.memory_space<vmem>>, vector<16xf32>,
      tpu.vector_store %arg13[%swap3A_1386, %swap3A_1387], %neg3A_1382 {strides = array<i32>} : memref<32x512xf32, #tpu.memory_space<vmem>>, vector<16xf32>,
      %neg3A_1389 = arith.constant 0.000000e+00 : f32
      %neg3A_1390 = vector.broadcast %neg3A_1389 : f32 to vector<16xf32>
      %neg3A_1391 = arith.subf %neg3A_1390, %parallel_loop3A_1334#6 : vector<16xf32>
      %mul3A_1392 = arith.constant 16 : i32
      %mul3A_1393 = arith.muli %add3A_1276, %mul3A_1392 : i32
      %swap3A_1394 = arith.constant 26 : i32
      %swap3A_1395 = arith.index_cast %swap3A_1394 : i32 to index
      %swap3A_1396 = arith.index_cast %mul3A_1393 : i32 to index
      %swap3A_1397 = tpu.vector_load %arg13[%swap3A_1395, %swap3A_1396] {strides = array<i32>} : memref<32x512xf32, #tpu.memory_space<vmem>>, vector<16xf32>,
      tpu.vector_store %arg13[%swap3A_1395, %swap3A_1396], %neg3A_1391 {strides = array<i32>} : memref<32x512xf32, #tpu.memory_space<vmem>>, vector<16xf32>,
      %neg3A_1398 = arith.constant 0.000000e+00 : f32
      %neg3A_1399 = vector.broadcast %neg3A_1398 : f32 to vector<16xf32>
      %neg3A_1400 = arith.subf %neg3A_1399, %parallel_loop3A_1334#7 : vector<16xf32>
      %mul3A_1401 = arith.constant 16 : i32
      %mul3A_1402 = arith.muli %add3A_1276, %mul3A_1401 : i32
      %swap3A_1403 = arith.constant 27 : i32
      %swap3A_1404 = arith.index_cast %swap3A_1403 : i32 to index
      %swap3A_1405 = arith.index_cast %mul3A_1402 : i32 to index
      %swap3A_1406 = tpu.vector_load %arg13[%swap3A_1404, %swap3A_1405] {strides = array<i32>} : memref<32x512xf32, #tpu.memory_space<vmem>>, vector<16xf32>,
      tpu.vector_store %arg13[%swap3A_1404, %swap3A_1405], %neg3A_1400 {strides = array<i32>} : memref<32x512xf32, #tpu.memory_space<vmem>>, vector<16xf32>,
      %neg3A_1407 = arith.constant 0.000000e+00 : f32
      %neg3A_1408 = vector.broadcast %neg3A_1407 : f32 to vector<16xf32>
      %neg3A_1409 = arith.subf %neg3A_1408, %parallel_loop3A_1334#8 : vector<16xf32>
      %mul3A_1410 = arith.constant 16 : i32
      %mul3A_1411 = arith.muli %add3A_1276, %mul3A_1410 : i32
      %swap3A_1412 = arith.constant 28 : i32
      %swap3A_1413 = arith.index_cast %swap3A_1412 : i32 to index
      %swap3A_1414 = arith.index_cast %mul3A_1411 : i32 to index
      %swap3A_1415 = tpu.vector_load %arg13[%swap3A_1413, %swap3A_1414] {strides = array<i32>} : memref<32x512xf32, #tpu.memory_space<vmem>>, vector<16xf32>,
      tpu.vector_store %arg13[%swap3A_1413, %swap3A_1414], %neg3A_1409 {strides = array<i32>} : memref<32x512xf32, #tpu.memory_space<vmem>>, vector<16xf32>,
      %neg3A_1416 = arith.constant 0.000000e+00 : f32
      %neg3A_1417 = vector.broadcast %neg3A_1416 : f32 to vector<16xf32>
      %neg3A_1418 = arith.subf %neg3A_1417, %parallel_loop3A_1334#9 : vector<16xf32>
      %mul3A_1419 = arith.constant 16 : i32
      %mul3A_1420 = arith.muli %add3A_1276, %mul3A_1419 : i32
      %swap3A_1421 = arith.constant 29 : i32
      %swap3A_1422 = arith.index_cast %swap3A_1421 : i32 to index
      %swap3A_1423 = arith.index_cast %mul3A_1420 : i32 to index
      %swap3A_1424 = tpu.vector_load %arg13[%swap3A_1422, %swap3A_1423] {strides = array<i32>} : memref<32x512xf32, #tpu.memory_space<vmem>>, vector<16xf32>,
      tpu.vector_store %arg13[%swap3A_1422, %swap3A_1423], %neg3A_1418 {strides = array<i32>} : memref<32x512xf32, #tpu.memory_space<vmem>>, vector<16xf32>,
      %scan3A_1425 = arith.constant 0 : i32
      scf.yield %scan3A_1425 : i32
    }
    %scan3A_509 = arith.constant 16 : i32
    "tpu.region"() ({
      %run_scoped3A = tpu.sem_alloc : memref<!tpu.dma_semaphore, #tpu.memory_space<semaphore_mem>>
      %dma_start3A_510 = arith.constant 0 : i32
      %dma_start3A_511 = tpu.memref_slice %arg6[%dma_start3A_510, %mul3A_2] : memref<32x16384xf32, #tpu.memory_space<hbm>> -> memref<32x512xf32, #tpu.memory_space<hbm>>
      %dma_start3A_512 = arith.constant 0 : i32
      %dma_start3A_513 = tpu.memref_slice %arg6[%dma_start3A_512, %mul3A_2] : memref<32x16384xf32, #tpu.memory_space<hbm>> -> memref<32x512xf32, #tpu.memory_space<hbm>>
      tpu.enqueue_dma source(%arg13 : memref<32x512xf32, #tpu.memory_space<vmem>>) target(%dma_start3A_513 : memref<32x512xf32, #tpu.memory_space<hbm>>) target_semaphore(%run_scoped3A : memref<!tpu.dma_semaphore, #tpu.memory_space<semaphore_mem>>)
      %dma_wait3A = arith.constant 0 : i32
      %dma_wait3A_514 = tpu.memref_slice %arg6[%dma_wait3A, %mul3A_2] : memref<32x16384xf32, #tpu.memory_space<hbm>> -> memref<32x512xf32, #tpu.memory_space<hbm>>
      %dma_wait3A_515 = arith.constant 0 : i32
      %dma_wait3A_516 = tpu.memref_slice %arg6[%dma_wait3A_515, %mul3A_2] : memref<32x16384xf32, #tpu.memory_space<hbm>> -> memref<32x512xf32, #tpu.memory_space<hbm>>
      tpu.wait_dma2 semaphore(%run_scoped3A : memref<!tpu.dma_semaphore, #tpu.memory_space<semaphore_mem>>) src(%arg13 : memref<32x512xf32, #tpu.memory_space<vmem>>) dst(%dma_wait3A_516 : memref<32x512xf32, #tpu.memory_space<hbm>>)
      tpu.yield
    }) : () -> ()
    return
  }
}

</mosaic_0001>

<sc_bundles>
// kernel: _sc_scores.3.cloned.1.call-start
scs
__scs_entry_jumppad:
0x0: {  	(pc) =	sbr.rel $0x88, $3  }
0x1: {  	(tag) =	ssettag $0x0;
	lr =	simm.s32 $0x1  }
0x2: {  	[smem:$0x3F9D] =	sst lr;
	_ =	strace $0xD0000000  }
0x3: {  	_ = 	snop  }
0x4: {  	_ = 	snop  }
0x5: {  	_ = 	snop  }
0x6: {  	_ = 	snop  }
0x7: {  	_ = 	snop  }
__scs_overlays_trampoline_lowered:
0x8: {  	[smem:$0x3FAC] =	sst s0  }
0x9: {  	[smem:$0x3FAD] =	sst s1  }
0xa: {  	[smem:$0x3FAE] =	sst s2  }
0xb: {  	[smem:$0x3FAF] =	sst s3  }
0xc: {  	[smem:$0x3FB0] =	sst s4  }
0xd: {  	[smem:$0x3FB1] =	sst s5  }
0xe: {  	[smem:$0x3FB2] =	sst s6  }
0xf: {  	[smem:$0x3FB3] =	sst s7  }
0x10: {  	[smem:$0x3FB4] =	sst s8  }
0x11: {  	[smem:$0x3FB5] =	sst s9;
	s0 =	simm.s32 @!p0 $0x0  }
0x12: {  	s1 =	sld [smem:$0x3F9B];
	s0 =	simm.s32 @p0 $0x1  }
0x13: {  	[smem:$0x3FB6] =	sst s0;
	s0 =	simm.s32 @!p1 $0x0  }
0x14: {  	s2 =	sld [smem:$0x3F9A];
	s0 =	simm.s32 @p1 $0x1  }
0x15: {  	[smem:$0x3FB7] =	sst s0;
	s0 =	simm.s32 @!p2 $0x0  }
0x16: {  	s3 =	sld [smem:$0x3FDB];
	s0 =	simm.s32 @p2 $0x1  }
0x17: {  	s4 =	simm.s32 $0x1BF5;
	[smem:$0x3FB9] =	sst s0  }
0x18: {  	s0 =	sld [smem:$0x3F9C];
	_ =	swait.ge [sflag:s4], $0x0  }
0x19: {  	s7 =	sld [smem:$0x3F9D]  }
0x1a: {  	s8 =	sadd.s32 $0xFFFFE003, lr  }
0x1b: {  	s9 =	sadd.s32 $0xFFFFFEF7, lr;
	s5 =	simm.s32 $0xFFFFFFFF;
	p2 =	slt.u32 s8, $0xFFFFF086  }
0x1c: {  	p1 =	slt.u32 s9, $0xF7A;
	s5 =	simm.s32 @!p2 $0x0  }
0x1d: {  	s5 =	simm.s32 @p1 $0x1;
	p0 =	seq.s32 s7, s2  }
0x1e: {  	s7 =	smul.u32 @!p0 $0xF7A, s2;
	p2 =	seq.s32 @!p0 s5, $0x0  }
0x1f: {  	s9 =	smul.u32 $0xF7A, s1;
	s8 =	simm.s32 @!p0 $0x1BF5;
	p2 =	por !p2, p0  }
0x20: {  	[sflag:s8] =	ssyncset.s32 @!p0 $0xFFFFF086;
	s6 =	sadd.s32 @!p0 s3, s7;
	s7 =	simm.s32 @!p0 $0x108  }
0x21: {  	s3 =	sadd.s32 s3, s9;
	s6 =	sadd.s32 @!p0 $0x88, s6;
	s7 =	simm.s32 @p2 $0x1082  }
0x22: {  	[simem:s7], [sflag:s8] =	dma.local @!p0 [hbm:s6], $0xF7A  }
0x23: {  	s9 =	sor.u32 $0xD0000000, s2;
	s6 =	simm.s32 $0x108;
	_ =	swait.ge @!p0 [sflag:s8], $0x0  }
0x24: {  	s3 =	sadd.s32 $0x88, s3;
	s6 =	simm.s32 @!p1 $0x1082;
	[sflag:s4] =	ssyncset.s32 $0xFFFFF086  }
0x25: {  	[simem:s6], [sflag:s4] =	dma.local [hbm:s3], $0xF7A  }
0x26: {  	[smem:$0x3F9D] =	sst s1;
	(tag) =	ssettag s2;
	_ =	strace s9  }
0x27: {  	s1 =	sld [smem:$0x3FAD]  }
0x28: {  	s2 =	sld [smem:$0x3FAE]  }
0x29: {  	s4 =	sld [smem:$0x3FB0]  }
0x2a: {  	p0 =	seq.s32 s5, $0x0;
	s5 =	sld [smem:$0x3FB1]  }
0x2b: {  	s6 =	sld [smem:$0x3FB2]  }
0x2c: {  	s7 =	sld [smem:$0x3FB3]  }
0x2d: {  	s3 =	simm.s32 $0x108;
	s8 =	sld [smem:$0x3FB4]  }
0x2e: {  	s3 =	simm.s32 @!p0 $0x1082;
	s9 =	sld [smem:$0x3FB5]  }
0x2f: {  	lr =	sadd.s32 s0, s3;
	s0 =	sld [smem:$0x3FAC]  }
0x30: {  	s3 =	sld [smem:$0x3FAF]  }
0x31: {  	[smem:$0x3FB8] =	sst s10  }
0x32: {  	s10 =	sld [smem:$0x3FB6];
	_ =	sdelay $0x3  }
0x33: {  	p0 =	seq.s32 s10, $0x1;
	s10 =	sld [smem:$0x3FB8];
	_ =	sdelay $0x3  }
0x34: {  	[smem:$0x3FB8] =	sst s10  }
0x35: {  	s10 =	sld [smem:$0x3FB7];
	_ =	sdelay $0x3  }
0x36: {  	p1 =	seq.s32 s10, $0x1;
	s10 =	sld [smem:$0x3FB8];
	_ =	sdelay $0x3  }
0x37: {  	[smem:$0x3FB8] =	sst s10  }
0x38: {  	s10 =	sld [smem:$0x3FB9]  }
0x39: {  	_ = 	snop;
	(pc) =	sbr.ind lr, $3  }
0x3a: {  	_ = 	snop  }
0x3b: {  	_ = 	snop  }
0x3c: {  	p2 =	seq.s32 s10, $0x1;
	s10 =	sld [smem:$0x3FB8]  }
0x3d: {  	_ =	shalt  }
0x3e: {  	_ =	shalt  }
0x3f: {  	_ =	shalt  }
0x40: {  	_ =	shalt  }
0x41: {  	_ =	shalt  }
0x42: {  	_ =	shalt  }
0x43: {  	_ =	shalt  }
0x44: {  	_ =	shalt  }
0x45: {  	_ =	shalt  }
0x46: {  	_ =	shalt  }
0x47: {  	_ =	shalt  }
0x48: {  	_ =	shalt  }
0x49: {  	_ =	shalt  }
0x4a: {  	_ =	shalt  }
0x4b: {  	_ =	shalt  }
0x4c: {  	_ =	shalt  }
0x4d: {  	_ =	shalt  }
0x4e: {  	_ =	shalt  }
0x4f: {  	_ =	shalt  }
0x50: {  	_ =	shalt  }
0x51: {  	_ =	shalt  }
0x52: {  	_ =	shalt  }
0x53: {  	_ =	shalt  }
0x54: {  	_ =	shalt  }
0x55: {  	_ =	shalt  }
0x56: {  	_ =	shalt  }
0x57: {  	_ =	shalt  }
0x58: {  	_ =	shalt  }
0x59: {  	_ =	shalt  }
0x5a: {  	_ =	shalt  }
0x5b: {  	_ =	shalt  }
0x5c: {  	_ =	shalt  }
0x5d: {  	_ =	shalt  }
0x5e: {  	_ =	shalt  }
0x5f: {  	_ =	shalt  }
0x60: {  	_ =	shalt  }
0x61: {  	_ =	shalt  }
0x62: {  	_ =	shalt  }
0x63: {  	_ =	shalt  }
0x64: {  	_ =	shalt  }
0x65: {  	_ =	shalt  }
0x66: {  	_ =	shalt  }
0x67: {  	_ =	shalt  }
0x68: {  	_ =	shalt  }
0x69: {  	_ =	shalt  }
0x6a: {  	_ =	shalt  }
0x6b: {  	_ =	shalt  }
0x6c: {  	_ =	shalt  }
0x6d: {  	_ =	shalt  }
0x6e: {  	_ =	shalt  }
0x6f: {  	_ =	shalt  }
0x70: {  	_ =	shalt  }
0x71: {  	_ =	shalt  }
0x72: {  	_ =	shalt  }
0x73: {  	_ =	shalt  }
0x74: {  	_ =	shalt  }
0x75: {  	_ =	shalt  }
0x76: {  	_ =	shalt  }
0x77: {  	_ =	shalt  }
0x78: {  	_ =	shalt  }
0x79: {  	_ =	shalt  }
0x7a: {  	_ =	shalt  }
0x7b: {  	_ =	shalt  }
0x7c: {  	_ =	shalt  }
0x7d: {  	_ =	shalt  }
0x7e: {  	_ =	shalt  }
0x7f: {  	_ =	shalt  }
0x80: {  	_ =	shalt  }
0x81: {  	_ =	shalt  }
0x82: {  	_ =	shalt  }
0x83: {  	_ =	shalt  }
0x84: {  	_ =	shalt  }
0x85: {  	_ =	shalt  }
0x86: {  	_ =	shalt  }
0x87: {  	_ =	shalt  }
.Lfunc_end0:
.L_simem_size_0:
called_computation_lowered:
.L_overlay_start_0:
0x88: {  	s2 =	sld [smem:$0x3FD9]  }
0x89: {  	s3 =	sld [smem:$0x3FFE];
	_ =	sdelay $0x1  }
0x8a: {  	s1 =	srdreg.scid  }
0x8b: {  	s0 =	sand.u32 $0x1, s1  }
0x8c: {  	s18 =	sshll.u32 s0, $0xA;
	s2 =	sadd.s32 s3, s2  }
0x8d: {  	s2 =	sadd.s32 s2, s18  }
0x8e: {  	[smem:$0x3FC4] =	sst s2  }
0x8f: {  	_ = 	snop  }
0x90: {  	s2 =	sld [smem:$0x3FC9]  }
0x91: {  	s19 =	sld [smem:$0x3FC8]  }
0x92: {  	s4 =	sld [smem:$0x3FC7]  }
0x93: {  	s5 =	sld [smem:$0x3FC6]  }
0x94: {  	s6 =	sld [smem:$0x3FD0];
	(tm) =	ssettm $0x1  }
0x95: {  	s7 =	sld [smem:$0x3FFB];
	_ =	sdelay $0x3  }
0x96: {  	_ =	strace s7  }
0x97: {  	s7 =	sld [smem:$0x3FFC];
	_ =	sdelay $0x3  }
0x98: {  	_ =	strace s7  }
0x99: {  	s7 =	sld [smem:$0x3FFD];
	_ =	sdelay $0x3  }
0x9a: {  	_ =	strace s7  }
0x9b: {  	_ =	strace $0x8FFFFFFF  }
0x9c: {  	s20 =	sld [smem:$0x3FDB];
	_ =	sdelay $0x1  }
0x9d: {  	s8 =	simm.s32 $_scs_section_size  }
0x9e: {  	s9 =	simm.s32 $_size__tile_overlayer_lowered;
	s10 =	simm.s32 $_tile_overlayer_lowered  }
0x9f: {  	s23 =	simm.s32 $0x1BFF;
	s22 =	sshll.u32 s10, $0x1;
	s7 =	sadd.s32 s8, s20  }
0xa0: {  	s11 =	simm.s32 $0x0;
	s21 =	sshll.u32 s9, $0x1;
	s9 =	sadd.s32 s22, s7  }
0xa1: {  	[timem:s11], [sflag:s23] =	dma.local [hbm:s9], s21  }
0xa2: {  	_ =	swait.ge [sflag:s23], s21  }
0xa3: {  	s8 =	ssub.s32 $0x0, s21;
	[sflag:s23] =	ssyncset.done $0x0  }
0xa4: {  	[sflag:s23] =	ssyncadd.s32 s8;
	_ =	sdelay $0x1  }
0xa5: {  	s24 =	simm.s32 $0x1B8B  }
0xa6: {  	_ =	swait.ge [sflag:s24], $0x1  }
0xa7: {  	[sflag:s24] =	ssyncset.done $0x0  }
0xa8: {  	s25 =	simm.s32 $0x1B8E;
	[sflag:s24] =	ssyncadd.s32 $0xFFFFFFFF  }
0xa9: {  	s26 =	simm.s32 $execute0_lowered;
	[smem:$0x3FD2] =	sst s25  }
0xaa: {  	s8 =	sshll.u32 s26, $0x1;
	_ =	strace $0x80000046;
	[dreg:$0x1] =	wrdreg $0xFFFFFFFF  }
0xab: {  	s28 =	simm.s32 $_size_execute0_lowered;
	s7 =	sadd.s32 s7, s8;
	[dreg:$0x0] =	wrdreg $0x0  }
0xac: {  	s8 =	sshll.u32 s28, $0x1;
	[dreg:$0x2] =	wrdreg s7  }
0xad: {  	[dreg:$0x3] =	wrdreg s8  }
0xae: {  	[dreg:$0x4] =	wrdreg $0xC0  }
0xaf: {  	_ =	task [dreg:s11], $0x5FFFF  }
0xb0: {  	[dreg:$0x1] =	wrdreg $0xFFFFFFFF  }
0xb1: {  	[dreg:$0x0] =	wrdreg $0x60  }
0xb2: {  	[dreg:$0x2] =	wrdreg s2  }
0xb3: {  	[dreg:$0x3] =	wrdreg s19  }
0xb4: {  	[dreg:$0x4] =	wrdreg s4  }
0xb5: {  	[dreg:$0x5] =	wrdreg s5  }
0xb6: {  	[dreg:$0x6] =	wrdreg s6  }
0xb7: {  	[dreg:$0x7] =	wrdreg $0x9  }
0xb8: {  	_ =	task.clear_ibuf [dreg:s11], $0x8FFFF;
	_ =	strace $0x90000046  }
0xb9: {  	s29 =	simm.s32 $0x9;
	_ =	strace $0x80000048  }
0xba: {  	_ =	swait.ge [sflag:s29], $0x1  }
0xbb: {  	[sflag:s29] =	ssyncadd.s32 $0xFFFFFFFF  }
0xbc: {  	_ =	strace $0x90000048  }
0xbd: {  	_ =	sfence  }
0xbe: {  	s30 =	sld [smem:$0x0];
	_ =	sdelay $0x2  }
0xbf: {  	s31 =	sshll.u32 s1, $0xD;
	s1 =	sshrl.u32 s1, $0x2  }
0xc0: {  	s3 =	sand.u32 $0x4000, s31;
	s1 =	sadd.s32 s1, s30  }
0xc1: {  	s0 =	sor.u32 s3, s0;
	s1 =	sshll.u32 s1, $0x11  }
0xc2: {  	s0 =	sor.u32 s1, s0  }
0xc3: {  	s0 =	sadd.s32 $0x8F2B, s0  }
0xc4: {  	[sflag:s0] =	ssyncadd.remote.s32 $0x1  }
0xc5: {  	_ =	sfence.sel $0xFFFF  }
0xc6: {  	[dreg:$0x0] =	wrdreg $0xFFFFFFFF;
	(pc) =	sbr.abs _section_cstart, $3  }
0xc7: {  	[dreg:$0x1] =	wrdreg $0xFFFFFFFF  }
0xc8: {  	_ =	task.clear_ibuf [dreg:s11], $0x2FFFF;
	_ =	strace $0x9FFFFFFF  }
0xc9: {  	(tm) =	ssettm $0x7FFFFFFF  }
tec
execute0_lowered:
.L_overlay_start_1:
0x0: {  	(tag) =	ssettag $0x1  }
0x1: {  	s0 =	rddreg [dreg:$0x0]  }
0x2: {  	s1 =	rddreg [dreg:$0x1]  }
0x3: {  	s2 =	rddreg [dreg:$0x2]  }
0x4: {  	s21 =	rddreg [dreg:$0x3];
	s3 =	srdreg.scid  }
0x5: {  	s6 =	stileid.u32;
	s4 =	rddreg [dreg:$0x4]  }
0x6: {  	s11 =	simm.s32 $0x7800;
	s12 =	simm.s32 $0x3C00;
	s22 =	simm.s32 $0x50  }
0x7: {  	s14 =	simm.s32 $0xF800;
	s5 =	sand.u32 $0x1, s3;
	s6 =	sshll.u32 s6, $0x1  }
0x8: {  	s17 =	simm.s32 $0x14800;
	s19 =	simm.s32 $0x1;
	s6 =	sor.u32 s5, s6  }
0x9: {  	s20 =	simm.s32 $0x2;
	s3 =	simm.s32 $0x0;
	s7 =	smul.u32 $0x500, s6  }
0xa: {  	[smem:$0x7FF] =	sst s3;
	s5 =	ssub.s32 $0x2, s5;
	s9 =	smul.u32 $0x280, s6  }
0xb: {  	v0 =	vlaneseq.u32;
	_ =	strace $0x80000047;
	s8 =	sshrl.u32 s5, $0x1;
	s0 =	sadd.s32 s0, s7  }
0xc: {  	v1 =	vimm.f32 $1.000000000e+09;
	v2 =	vmul.u32 $0x500, v0;
	s5 =	ssub.s32 s5, s8;
	s1 =	sadd.s32 s1, s9;
	[dreg:$0x6] =	wrdreg s0  }
0xd: {  	v3 =	vmul.u32 $0x14, v0;
	v4 =	vmul.u32 $0xA, v0;
	v5 =	vmul.u32 $0x40, v0;
	s29 =	sshll.u32 s6, $0xC;
	s31 =	smax.u32 s5, $0x1;
	[dreg:$0x7] =	wrdreg s1  }
0xe: {  	s30 =	sshll.u32 s6, $0x9;
	v6 =	vor.u32 $0x80, v2;
	v7 =	vadd.s32 $0x100, v2;
	v8 =	vadd.s32 $0x180, v2;
	s0 =	sadd.s32 s2, s29;
	[dreg:$0xa] =	wrdreg s31  }
0xf: {  	v9 =	vadd.s32 $0x200, v2;
	v10 =	vadd.s32 $0x280, v2;
	v11 =	vadd.s32 $0x300, v2;
	s9 =	simm.s32 $0x2800;
	[dreg:$0x8] =	wrdreg s0;
	s0 =	sadd.s32 s4, s30  }
0x10: {  	v12 =	vadd.s32 $0x380, v2;
	v13 =	vadd.s32 $0x400, v2;
	v14 =	vadd.s32 $0x480, v2;
	s1 =	simm.s32 $0x3;
	s2 =	simm.s32 $0x0;
	[dreg:$0x9] =	wrdreg s0  }
.LBB2_1:
0x11: {  	s0 =	rddreg [dreg:$0x6]  }
0x12: {  	[tilespmem:s3], [sflag:$0x3] =	stream.linear.gather [hbm4b:s0+s3], $0x2800, $0x38;
	[tilespmem:$0x1D800] =	vst v63  }
0x13: {  	_ =	swait.ge [sflag:s1], $0x2800  }
0x14: {  	[sflag:s1] =	ssyncset.done $0x0  }
0x15: {  	s29 =	rddreg [dreg:$0x7];
	[sflag:s1] =	ssyncadd.s32 $0xFFFFD800  }
0x16: {  	[tilespmem:s9], [sflag:$0x3] =	stream.linear.gather [hbm4b:s29+s3], $0x1400, $0x38;
	[tilespmem:$0x1D800] =	vst v63  }
0x17: {  	_ =	swait.ge [sflag:s1], $0x1400  }
0x18: {  	[sflag:s1] =	ssyncset.done $0x0  }
0x19: {  	v15 =	vadd.s32 s3, v3;
	s30 =	rddreg [dreg:$0x8];
	[sflag:s1] =	ssyncadd.s32 $0xFFFFEC00  }
0x1a: {  	[tilespmem:s11], [sflag:$0x3] =	stream.linear.gather [hbm4b:s30+s3], $0x8000, $0x38;
	[tilespmem:$0x1D800] =	vst v63  }
0x1b: {  	_ =	swait.ge [sflag:s1], $0x8000  }
0x1c: {  	[sflag:s1] =	ssyncset.done $0x0  }
0x1d: {  	[sflag:s1] =	ssyncadd.s32 $0xFFFF8000  }
0x1e: {  	s31 =	simm.s32 $0x140;
	v17 =	vadd.s32 s3, v4;
	v15 =	vld.idx.msk [tilespmem:v15+s3+$0x0], $0xffff  }
0x1f: {  	v16 =	vadd.s32 s31, v3;
	s0 =	simm.s32 $0x0;
	s1 =	simm.s32 $0x280  }
.LBB2_2:
0x20: {  	p0 =	sne.s32 s1, $0x26C0;
	_ =	sdelay $0x1  }
.Ltmp0:
0x21: {  	(pc) =	sbr.rel @p0 .LBB2_2-.Ltmp0, $4  }
0x22: {  	[tilespmem:v17+s12+$0x0] =	vst.idx.msk $0xffff, v15  }
0x23: {  	s0 =	sadd.s32 $0x1E0, s0;
	v15 =	vld.idx.msk [tilespmem:v16+s3+$0x0], $0xffff  }
0x24: {  	v17 =	vadd.s32 s0, v4  }
0x25: {  	v16 =	vadd.s32 s1, v3;
	s1 =	sadd.s32 $0x140, s1  }
0x26: {  	_ =	sdelay $0x3  }
0x27: {  	s0 =	sadd.s32 $0x1E0, s0;
	[tilespmem:v17+s12+$0x0] =	vst.idx.msk $0xffff, v15  }
0x28: {  	v15 =	vld.idx.msk [tilespmem:v16+s3+$0x0], $0xffff;
	v16 =	vadd.s32 s0, v4;
	s0 =	simm.s32 $0x1  }
0x29: {  	v17 =	vadd.s32 s0, v3;
	_ =	sdelay $0x3  }
0x2a: {  	[tilespmem:v16+s12+$0x0] =	vst.idx.msk $0xffff, v15  }
0x2b: {  	s1 =	simm.s32 $0x141;
	v15 =	vld.idx.msk [tilespmem:v17+s3+$0x0], $0xffff;
	v17 =	vadd.s32 s0, v4  }
0x2c: {  	v16 =	vadd.s32 s1, v3;
	s1 =	simm.s32 $0x281  }
.LBB2_4:
0x2d: {  	p0 =	sne.s32 s1, $0x26C1;
	_ =	sdelay $0x1  }
.Ltmp1:
0x2e: {  	(pc) =	sbr.rel @p0 .LBB2_4-.Ltmp1, $4  }
0x2f: {  	[tilespmem:v17+s12+$0x0] =	vst.idx.msk $0xffff, v15  }
0x30: {  	s0 =	sadd.s32 $0x1E0, s0;
	v15 =	vld.idx.msk [tilespmem:v16+s3+$0x0], $0xffff  }
0x31: {  	v17 =	vadd.s32 s0, v4  }
0x32: {  	v16 =	vadd.s32 s1, v3;
	s1 =	sadd.s32 $0x140, s1  }
0x33: {  	_ =	sdelay $0x3  }
0x34: {  	s0 =	sadd.s32 $0x1E0, s0;
	[tilespmem:v17+s12+$0x0] =	vst.idx.msk $0xffff, v15  }
0x35: {  	v15 =	vld.idx.msk [tilespmem:v16+s3+$0x0], $0xffff;
	v16 =	vadd.s32 s0, v4;
	s0 =	simm.s32 $0x2  }
0x36: {  	v17 =	vadd.s32 s0, v3;
	_ =	sdelay $0x3  }
0x37: {  	[tilespmem:v16+s12+$0x0] =	vst.idx.msk $0xffff, v15  }
0x38: {  	s1 =	simm.s32 $0x142;
	v15 =	vld.idx.msk [tilespmem:v17+s3+$0x0], $0xffff;
	v17 =	vadd.s32 s0, v4  }
0x39: {  	v16 =	vadd.s32 s1, v3;
	s1 =	simm.s32 $0x282  }
.LBB2_6:
0x3a: {  	p0 =	sne.s32 s1, $0x26C2;
	_ =	sdelay $0x1  }
.Ltmp2:
0x3b: {  	(pc) =	sbr.rel @p0 .LBB2_6-.Ltmp2, $4  }
0x3c: {  	[tilespmem:v17+s12+$0x0] =	vst.idx.msk $0xffff, v15  }
0x3d: {  	s0 =	sadd.s32 $0x1E0, s0;
	v15 =	vld.idx.msk [tilespmem:v16+s3+$0x0], $0xffff  }
0x3e: {  	v17 =	vadd.s32 s0, v4  }
0x3f: {  	v16 =	vadd.s32 s1, v3;
	s1 =	sadd.s32 $0x140, s1  }
0x40: {  	_ =	sdelay $0x3  }
0x41: {  	s0 =	sadd.s32 $0x1E0, s0;
	[tilespmem:v17+s12+$0x0] =	vst.idx.msk $0xffff, v15  }
0x42: {  	v15 =	vld.idx.msk [tilespmem:v16+s3+$0x0], $0xffff;
	v16 =	vadd.s32 s0, v4;
	s0 =	simm.s32 $0x3  }
0x43: {  	v17 =	vadd.s32 s0, v3;
	_ =	sdelay $0x3  }
0x44: {  	[tilespmem:v16+s12+$0x0] =	vst.idx.msk $0xffff, v15  }
0x45: {  	s1 =	simm.s32 $0x143;
	v15 =	vld.idx.msk [tilespmem:v17+s3+$0x0], $0xffff;
	v17 =	vadd.s32 s0, v4  }
0x46: {  	v16 =	vadd.s32 s1, v3;
	s1 =	simm.s32 $0x283  }
.LBB2_8:
0x47: {  	p0 =	sne.s32 s1, $0x26C3;
	_ =	sdelay $0x1  }
.Ltmp3:
0x48: {  	(pc) =	sbr.rel @p0 .LBB2_8-.Ltmp3, $4  }
0x49: {  	[tilespmem:v17+s12+$0x0] =	vst.idx.msk $0xffff, v15  }
0x4a: {  	s0 =	sadd.s32 $0x1E0, s0;
	v15 =	vld.idx.msk [tilespmem:v16+s3+$0x0], $0xffff  }
0x4b: {  	v17 =	vadd.s32 s0, v4  }
0x4c: {  	v16 =	vadd.s32 s1, v3;
	s1 =	sadd.s32 $0x140, s1  }
0x4d: {  	_ =	sdelay $0x3  }
0x4e: {  	s0 =	sadd.s32 $0x1E0, s0;
	[tilespmem:v17+s12+$0x0] =	vst.idx.msk $0xffff, v15  }
0x4f: {  	v15 =	vld.idx.msk [tilespmem:v16+s3+$0x0], $0xffff;
	v16 =	vadd.s32 s0, v4;
	s0 =	simm.s32 $0x4  }
0x50: {  	v17 =	vadd.s32 s0, v3;
	_ =	sdelay $0x3  }
0x51: {  	[tilespmem:v16+s12+$0x0] =	vst.idx.msk $0xffff, v15  }
0x52: {  	s1 =	simm.s32 $0x144;
	v15 =	vld.idx.msk [tilespmem:v17+s3+$0x0], $0xffff;
	v17 =	vadd.s32 s0, v4  }
0x53: {  	v16 =	vadd.s32 s1, v3;
	s1 =	simm.s32 $0x284  }
.LBB2_10:
0x54: {  	p0 =	sne.s32 s1, $0x26C4;
	_ =	sdelay $0x1  }
.Ltmp4:
0x55: {  	(pc) =	sbr.rel @p0 .LBB2_10-.Ltmp4, $4  }
0x56: {  	[tilespmem:v17+s12+$0x0] =	vst.idx.msk $0xffff, v15  }
0x57: {  	s0 =	sadd.s32 $0x1E0, s0;
	v15 =	vld.idx.msk [tilespmem:v16+s3+$0x0], $0xffff  }
0x58: {  	v17 =	vadd.s32 s0, v4  }
0x59: {  	v16 =	vadd.s32 s1, v3;
	s1 =	sadd.s32 $0x140, s1  }
0x5a: {  	_ =	sdelay $0x3  }
0x5b: {  	s0 =	sadd.s32 $0x1E0, s0;
	[tilespmem:v17+s12+$0x0] =	vst.idx.msk $0xffff, v15  }
0x5c: {  	v15 =	vld.idx.msk [tilespmem:v16+s3+$0x0], $0xffff;
	v16 =	vadd.s32 s0, v4;
	s0 =	simm.s32 $0x5  }
0x5d: {  	v17 =	vadd.s32 s0, v3;
	_ =	sdelay $0x3  }
0x5e: {  	[tilespmem:v16+s12+$0x0] =	vst.idx.msk $0xffff, v15  }
0x5f: {  	s1 =	simm.s32 $0x145;
	v15 =	vld.idx.msk [tilespmem:v17+s3+$0x0], $0xffff;
	v17 =	vadd.s32 s0, v4  }
0x60: {  	v16 =	vadd.s32 s1, v3;
	s1 =	simm.s32 $0x285  }
.LBB2_12:
0x61: {  	p0 =	sne.s32 s1, $0x26C5;
	_ =	sdelay $0x1  }
.Ltmp5:
0x62: {  	(pc) =	sbr.rel @p0 .LBB2_12-.Ltmp5, $4  }
0x63: {  	[tilespmem:v17+s12+$0x0] =	vst.idx.msk $0xffff, v15  }
0x64: {  	s0 =	sadd.s32 $0x1E0, s0;
	v15 =	vld.idx.msk [tilespmem:v16+s3+$0x0], $0xffff  }
0x65: {  	v17 =	vadd.s32 s0, v4  }
0x66: {  	v16 =	vadd.s32 s1, v3;
	s1 =	sadd.s32 $0x140, s1  }
0x67: {  	_ =	sdelay $0x3  }
0x68: {  	s0 =	sadd.s32 $0x1E0, s0;
	[tilespmem:v17+s12+$0x0] =	vst.idx.msk $0xffff, v15  }
0x69: {  	v15 =	vld.idx.msk [tilespmem:v16+s3+$0x0], $0xffff;
	v16 =	vadd.s32 s0, v4;
	s0 =	simm.s32 $0x6  }
0x6a: {  	v17 =	vadd.s32 s0, v3;
	_ =	sdelay $0x3  }
0x6b: {  	[tilespmem:v16+s12+$0x0] =	vst.idx.msk $0xffff, v15  }
0x6c: {  	s1 =	simm.s32 $0x146;
	v15 =	vld.idx.msk [tilespmem:v17+s3+$0x0], $0xffff;
	v17 =	vadd.s32 s0, v4  }
0x6d: {  	v16 =	vadd.s32 s1, v3;
	s1 =	simm.s32 $0x286  }
.LBB2_14:
0x6e: {  	p0 =	sne.s32 s1, $0x26C6;
	_ =	sdelay $0x1  }
.Ltmp6:
0x6f: {  	(pc) =	sbr.rel @p0 .LBB2_14-.Ltmp6, $4  }
0x70: {  	[tilespmem:v17+s12+$0x0] =	vst.idx.msk $0xffff, v15  }
0x71: {  	s0 =	sadd.s32 $0x1E0, s0;
	v15 =	vld.idx.msk [tilespmem:v16+s3+$0x0], $0xffff  }
0x72: {  	v17 =	vadd.s32 s0, v4  }
0x73: {  	v16 =	vadd.s32 s1, v3;
	s1 =	sadd.s32 $0x140, s1  }
0x74: {  	_ =	sdelay $0x3  }
0x75: {  	s0 =	sadd.s32 $0x1E0, s0;
	[tilespmem:v17+s12+$0x0] =	vst.idx.msk $0xffff, v15  }
0x76: {  	v15 =	vld.idx.msk [tilespmem:v16+s3+$0x0], $0xffff;
	v16 =	vadd.s32 s0, v4;
	s0 =	simm.s32 $0x7  }
0x77: {  	v17 =	vadd.s32 s0, v3;
	_ =	sdelay $0x3  }
0x78: {  	[tilespmem:v16+s12+$0x0] =	vst.idx.msk $0xffff, v15  }
0x79: {  	s1 =	simm.s32 $0x147;
	v15 =	vld.idx.msk [tilespmem:v17+s3+$0x0], $0xffff;
	v17 =	vadd.s32 s0, v4  }
0x7a: {  	v16 =	vadd.s32 s1, v3;
	s1 =	simm.s32 $0x287  }
.LBB2_16:
0x7b: {  	p0 =	sne.s32 s1, $0x26C7;
	_ =	sdelay $0x1  }
.Ltmp7:
0x7c: {  	(pc) =	sbr.rel @p0 .LBB2_16-.Ltmp7, $4  }
0x7d: {  	[tilespmem:v17+s12+$0x0] =	vst.idx.msk $0xffff, v15  }
0x7e: {  	s0 =	sadd.s32 $0x1E0, s0;
	v15 =	vld.idx.msk [tilespmem:v16+s3+$0x0], $0xffff  }
0x7f: {  	v17 =	vadd.s32 s0, v4  }
0x80: {  	v16 =	vadd.s32 s1, v3;
	s1 =	sadd.s32 $0x140, s1  }
0x81: {  	_ =	sdelay $0x3  }
0x82: {  	s0 =	sadd.s32 $0x1E0, s0;
	[tilespmem:v17+s12+$0x0] =	vst.idx.msk $0xffff, v15  }
0x83: {  	v15 =	vld.idx.msk [tilespmem:v16+s3+$0x0], $0xffff;
	v16 =	vadd.s32 s0, v4;
	s0 =	simm.s32 $0x8  }
0x84: {  	v17 =	vadd.s32 s0, v3;
	_ =	sdelay $0x3  }
0x85: {  	[tilespmem:v16+s12+$0x0] =	vst.idx.msk $0xffff, v15  }
0x86: {  	s1 =	simm.s32 $0x148;
	v15 =	vld.idx.msk [tilespmem:v17+s3+$0x0], $0xffff;
	v17 =	vadd.s32 s0, v4  }
0x87: {  	v16 =	vadd.s32 s1, v3;
	s1 =	simm.s32 $0x288  }
.LBB2_18:
0x88: {  	p0 =	sne.s32 s1, $0x26C8;
	_ =	sdelay $0x1  }
.Ltmp8:
0x89: {  	(pc) =	sbr.rel @p0 .LBB2_18-.Ltmp8, $4  }
0x8a: {  	[tilespmem:v17+s12+$0x0] =	vst.idx.msk $0xffff, v15  }
0x8b: {  	s0 =	sadd.s32 $0x1E0, s0;
	v15 =	vld.idx.msk [tilespmem:v16+s3+$0x0], $0xffff  }
0x8c: {  	v17 =	vadd.s32 s0, v4  }
0x8d: {  	v16 =	vadd.s32 s1, v3;
	s1 =	sadd.s32 $0x140, s1  }
0x8e: {  	_ =	sdelay $0x3  }
0x8f: {  	s0 =	sadd.s32 $0x1E0, s0;
	[tilespmem:v17+s12+$0x0] =	vst.idx.msk $0xffff, v15  }
0x90: {  	v15 =	vld.idx.msk [tilespmem:v16+s3+$0x0], $0xffff;
	v16 =	vadd.s32 s0, v4;
	s0 =	simm.s32 $0x9  }
0x91: {  	v17 =	vadd.s32 s0, v3;
	_ =	sdelay $0x3  }
0x92: {  	[tilespmem:v16+s12+$0x0] =	vst.idx.msk $0xffff, v15  }
0x93: {  	s1 =	simm.s32 $0x149;
	v15 =	vld.idx.msk [tilespmem:v17+s3+$0x0], $0xffff;
	v17 =	vadd.s32 s0, v4  }
0x94: {  	v16 =	vadd.s32 s1, v3;
	s1 =	simm.s32 $0x289  }
.LBB2_20:
0x95: {  	p0 =	sne.s32 s1, $0x26C9;
	_ =	sdelay $0x1  }
.Ltmp9:
0x96: {  	(pc) =	sbr.rel @p0 .LBB2_20-.Ltmp9, $4  }
0x97: {  	[tilespmem:v17+s12+$0x0] =	vst.idx.msk $0xffff, v15  }
0x98: {  	s0 =	sadd.s32 $0x1E0, s0;
	v15 =	vld.idx.msk [tilespmem:v16+s3+$0x0], $0xffff  }
0x99: {  	v17 =	vadd.s32 s0, v4  }
0x9a: {  	v16 =	vadd.s32 s1, v3;
	s1 =	sadd.s32 $0x140, s1  }
0x9b: {  	_ =	sdelay $0x3  }
0x9c: {  	s0 =	sadd.s32 $0x1E0, s0;
	[tilespmem:v17+s12+$0x0] =	vst.idx.msk $0xffff, v15  }
0x9d: {  	s31 =	simm.s32 $0xA;
	v15 =	vld.idx.msk [tilespmem:v16+s3+$0x0], $0xffff;
	v16 =	vadd.s32 s0, v4  }
0x9e: {  	v17 =	vadd.s32 s31, v3;
	_ =	sdelay $0x3  }
0x9f: {  	s0 =	simm.s32 $0xA0;
	[tilespmem:v16+s12+$0x0] =	vst.idx.msk $0xffff, v15  }
0xa0: {  	s1 =	simm.s32 $0x14A;
	v15 =	vld.idx.msk [tilespmem:v17+s3+$0x0], $0xffff;
	v17 =	vadd.s32 s0, v4  }
0xa1: {  	v16 =	vadd.s32 s1, v3;
	s1 =	simm.s32 $0x28A  }
.LBB2_22:
0xa2: {  	p0 =	sne.s32 s1, $0x26CA;
	_ =	sdelay $0x1  }
.Ltmp10:
0xa3: {  	(pc) =	sbr.rel @p0 .LBB2_22-.Ltmp10, $4  }
0xa4: {  	[tilespmem:v17+s12+$0x0] =	vst.idx.msk $0xffff, v15  }
0xa5: {  	s0 =	sadd.s32 $0x1E0, s0;
	v15 =	vld.idx.msk [tilespmem:v16+s3+$0x0], $0xffff  }
0xa6: {  	v17 =	vadd.s32 s0, v4  }
0xa7: {  	v16 =	vadd.s32 s1, v3;
	s1 =	sadd.s32 $0x140, s1  }
0xa8: {  	_ =	sdelay $0x3  }
0xa9: {  	s0 =	sadd.s32 $0x1E0, s0;
	[tilespmem:v17+s12+$0x0] =	vst.idx.msk $0xffff, v15  }
0xaa: {  	s31 =	simm.s32 $0xB;
	v15 =	vld.idx.msk [tilespmem:v16+s3+$0x0], $0xffff;
	v16 =	vadd.s32 s0, v4  }
0xab: {  	v17 =	vadd.s32 s31, v3;
	_ =	sdelay $0x3  }
0xac: {  	s0 =	simm.s32 $0xA1;
	[tilespmem:v16+s12+$0x0] =	vst.idx.msk $0xffff, v15  }
0xad: {  	s1 =	simm.s32 $0x14B;
	v15 =	vld.idx.msk [tilespmem:v17+s3+$0x0], $0xffff;
	v17 =	vadd.s32 s0, v4  }
0xae: {  	v16 =	vadd.s32 s1, v3;
	s1 =	simm.s32 $0x28B  }
.LBB2_24:
0xaf: {  	p0 =	sne.s32 s1, $0x26CB;
	_ =	sdelay $0x1  }
.Ltmp11:
0xb0: {  	(pc) =	sbr.rel @p0 .LBB2_24-.Ltmp11, $4  }
0xb1: {  	[tilespmem:v17+s12+$0x0] =	vst.idx.msk $0xffff, v15  }
0xb2: {  	s0 =	sadd.s32 $0x1E0, s0;
	v15 =	vld.idx.msk [tilespmem:v16+s3+$0x0], $0xffff  }
0xb3: {  	v17 =	vadd.s32 s0, v4  }
0xb4: {  	v16 =	vadd.s32 s1, v3;
	s1 =	sadd.s32 $0x140, s1  }
0xb5: {  	_ =	sdelay $0x3  }
0xb6: {  	s0 =	sadd.s32 $0x1E0, s0;
	[tilespmem:v17+s12+$0x0] =	vst.idx.msk $0xffff, v15  }
0xb7: {  	s31 =	simm.s32 $0xC;
	v15 =	vld.idx.msk [tilespmem:v16+s3+$0x0], $0xffff;
	v16 =	vadd.s32 s0, v4  }
0xb8: {  	v17 =	vadd.s32 s31, v3;
	_ =	sdelay $0x3  }
0xb9: {  	s0 =	simm.s32 $0xA2;
	[tilespmem:v16+s12+$0x0] =	vst.idx.msk $0xffff, v15  }
0xba: {  	s1 =	simm.s32 $0x14C;
	v15 =	vld.idx.msk [tilespmem:v17+s3+$0x0], $0xffff;
	v17 =	vadd.s32 s0, v4  }
0xbb: {  	v16 =	vadd.s32 s1, v3;
	s1 =	simm.s32 $0x28C  }
.LBB2_26:
0xbc: {  	p0 =	sne.s32 s1, $0x26CC;
	_ =	sdelay $0x1  }
.Ltmp12:
0xbd: {  	(pc) =	sbr.rel @p0 .LBB2_26-.Ltmp12, $4  }
0xbe: {  	[tilespmem:v17+s12+$0x0] =	vst.idx.msk $0xffff, v15  }
0xbf: {  	s0 =	sadd.s32 $0x1E0, s0;
	v15 =	vld.idx.msk [tilespmem:v16+s3+$0x0], $0xffff  }
0xc0: {  	v17 =	vadd.s32 s0, v4  }
0xc1: {  	v16 =	vadd.s32 s1, v3;
	s1 =	sadd.s32 $0x140, s1  }
0xc2: {  	_ =	sdelay $0x3  }
0xc3: {  	s0 =	sadd.s32 $0x1E0, s0;
	[tilespmem:v17+s12+$0x0] =	vst.idx.msk $0xffff, v15  }
0xc4: {  	s31 =	simm.s32 $0xD;
	v15 =	vld.idx.msk [tilespmem:v16+s3+$0x0], $0xffff;
	v16 =	vadd.s32 s0, v4  }
0xc5: {  	v17 =	vadd.s32 s31, v3;
	_ =	sdelay $0x3  }
0xc6: {  	s0 =	simm.s32 $0xA3;
	[tilespmem:v16+s12+$0x0] =	vst.idx.msk $0xffff, v15  }
0xc7: {  	s1 =	simm.s32 $0x14D;
	v15 =	vld.idx.msk [tilespmem:v17+s3+$0x0], $0xffff;
	v17 =	vadd.s32 s0, v4  }
0xc8: {  	v16 =	vadd.s32 s1, v3;
	s1 =	simm.s32 $0x28D  }
.LBB2_28:
0xc9: {  	p0 =	sne.s32 s1, $0x26CD;
	_ =	sdelay $0x1  }
.Ltmp13:
0xca: {  	(pc) =	sbr.rel @p0 .LBB2_28-.Ltmp13, $4  }
0xcb: {  	[tilespmem:v17+s12+$0x0] =	vst.idx.msk $0xffff, v15  }
0xcc: {  	s0 =	sadd.s32 $0x1E0, s0;
	v15 =	vld.idx.msk [tilespmem:v16+s3+$0x0], $0xffff  }
0xcd: {  	v17 =	vadd.s32 s0, v4  }
0xce: {  	v16 =	vadd.s32 s1, v3;
	s1 =	sadd.s32 $0x140, s1  }
0xcf: {  	_ =	sdelay $0x3  }
0xd0: {  	s0 =	sadd.s32 $0x1E0, s0;
	[tilespmem:v17+s12+$0x0] =	vst.idx.msk $0xffff, v15  }
0xd1: {  	s31 =	simm.s32 $0xE;
	v15 =	vld.idx.msk [tilespmem:v16+s3+$0x0], $0xffff;
	v16 =	vadd.s32 s0, v4  }
0xd2: {  	v17 =	vadd.s32 s31, v3;
	_ =	sdelay $0x3  }
0xd3: {  	s0 =	simm.s32 $0xA4;
	[tilespmem:v16+s12+$0x0] =	vst.idx.msk $0xffff, v15  }
0xd4: {  	s1 =	simm.s32 $0x14E;
	v15 =	vld.idx.msk [tilespmem:v17+s3+$0x0], $0xffff;
	v17 =	vadd.s32 s0, v4  }
0xd5: {  	v16 =	vadd.s32 s1, v3;
	s1 =	simm.s32 $0x28E  }
.LBB2_30:
0xd6: {  	p0 =	sne.s32 s1, $0x26CE;
	_ =	sdelay $0x1  }
.Ltmp14:
0xd7: {  	(pc) =	sbr.rel @p0 .LBB2_30-.Ltmp14, $4  }
0xd8: {  	[tilespmem:v17+s12+$0x0] =	vst.idx.msk $0xffff, v15  }
0xd9: {  	s0 =	sadd.s32 $0x1E0, s0;
	v15 =	vld.idx.msk [tilespmem:v16+s3+$0x0], $0xffff  }
0xda: {  	v17 =	vadd.s32 s0, v4  }
0xdb: {  	v16 =	vadd.s32 s1, v3;
	s1 =	sadd.s32 $0x140, s1  }
0xdc: {  	_ =	sdelay $0x3  }
0xdd: {  	s0 =	sadd.s32 $0x1E0, s0;
	[tilespmem:v17+s12+$0x0] =	vst.idx.msk $0xffff, v15  }
0xde: {  	s31 =	simm.s32 $0xF;
	v15 =	vld.idx.msk [tilespmem:v16+s3+$0x0], $0xffff;
	v16 =	vadd.s32 s0, v4  }
0xdf: {  	v17 =	vadd.s32 s31, v3;
	_ =	sdelay $0x3  }
0xe0: {  	s0 =	simm.s32 $0xA5;
	[tilespmem:v16+s12+$0x0] =	vst.idx.msk $0xffff, v15  }
0xe1: {  	s1 =	simm.s32 $0x14F;
	v15 =	vld.idx.msk [tilespmem:v17+s3+$0x0], $0xffff;
	v17 =	vadd.s32 s0, v4  }
0xe2: {  	v16 =	vadd.s32 s1, v3;
	s1 =	simm.s32 $0x28F  }
.LBB2_32:
0xe3: {  	p0 =	sne.s32 s1, $0x26CF;
	_ =	sdelay $0x1  }
.Ltmp15:
0xe4: {  	(pc) =	sbr.rel @p0 .LBB2_32-.Ltmp15, $4  }
0xe5: {  	[tilespmem:v17+s12+$0x0] =	vst.idx.msk $0xffff, v15  }
0xe6: {  	s0 =	sadd.s32 $0x1E0, s0;
	v15 =	vld.idx.msk [tilespmem:v16+s3+$0x0], $0xffff  }
0xe7: {  	v17 =	vadd.s32 s0, v4  }
0xe8: {  	v16 =	vadd.s32 s1, v3;
	s1 =	sadd.s32 $0x140, s1  }
0xe9: {  	_ =	sdelay $0x3  }
0xea: {  	s0 =	sadd.s32 $0x1E0, s0;
	[tilespmem:v17+s12+$0x0] =	vst.idx.msk $0xffff, v15  }
0xeb: {  	s31 =	simm.s32 $0x10;
	v15 =	vld.idx.msk [tilespmem:v16+s3+$0x0], $0xffff;
	v16 =	vadd.s32 s0, v4  }
0xec: {  	v17 =	vadd.s32 s31, v3;
	_ =	sdelay $0x3  }
0xed: {  	s0 =	simm.s32 $0xA6;
	[tilespmem:v16+s12+$0x0] =	vst.idx.msk $0xffff, v15  }
0xee: {  	s1 =	simm.s32 $0x150;
	v15 =	vld.idx.msk [tilespmem:v17+s3+$0x0], $0xffff;
	v17 =	vadd.s32 s0, v4  }
0xef: {  	v16 =	vadd.s32 s1, v3;
	s1 =	simm.s32 $0x290  }
.LBB2_34:
0xf0: {  	p0 =	sne.s32 s1, $0x26D0;
	_ =	sdelay $0x1  }
.Ltmp16:
0xf1: {  	(pc) =	sbr.rel @p0 .LBB2_34-.Ltmp16, $4  }
0xf2: {  	[tilespmem:v17+s12+$0x0] =	vst.idx.msk $0xffff, v15  }
0xf3: {  	s0 =	sadd.s32 $0x1E0, s0;
	v15 =	vld.idx.msk [tilespmem:v16+s3+$0x0], $0xffff  }
0xf4: {  	v17 =	vadd.s32 s0, v4  }
0xf5: {  	v16 =	vadd.s32 s1, v3;
	s1 =	sadd.s32 $0x140, s1  }
0xf6: {  	_ =	sdelay $0x3  }
0xf7: {  	s0 =	sadd.s32 $0x1E0, s0;
	[tilespmem:v17+s12+$0x0] =	vst.idx.msk $0xffff, v15  }
0xf8: {  	s31 =	simm.s32 $0x11;
	v15 =	vld.idx.msk [tilespmem:v16+s3+$0x0], $0xffff;
	v16 =	vadd.s32 s0, v4  }
0xf9: {  	v17 =	vadd.s32 s31, v3;
	_ =	sdelay $0x3  }
0xfa: {  	s0 =	simm.s32 $0xA7;
	[tilespmem:v16+s12+$0x0] =	vst.idx.msk $0xffff, v15  }
0xfb: {  	s1 =	simm.s32 $0x151;
	v15 =	vld.idx.msk [tilespmem:v17+s3+$0x0], $0xffff;
	v17 =	vadd.s32 s0, v4  }
0xfc: {  	v16 =	vadd.s32 s1, v3;
	s1 =	simm.s32 $0x291  }
.LBB2_36:
0xfd: {  	p0 =	sne.s32 s1, $0x26D1;
	_ =	sdelay $0x1  }
.Ltmp17:
0xfe: {  	(pc) =	sbr.rel @p0 .LBB2_36-.Ltmp17, $4  }
0xff: {  	[tilespmem:v17+s12+$0x0] =	vst.idx.msk $0xffff, v15  }
0x100: {  	s0 =	sadd.s32 $0x1E0, s0;
	v15 =	vld.idx.msk [tilespmem:v16+s3+$0x0], $0xffff  }
0x101: {  	v17 =	vadd.s32 s0, v4  }
0x102: {  	v16 =	vadd.s32 s1, v3;
	s1 =	sadd.s32 $0x140, s1  }
0x103: {  	_ =	sdelay $0x3  }
0x104: {  	s0 =	sadd.s32 $0x1E0, s0;
	[tilespmem:v17+s12+$0x0] =	vst.idx.msk $0xffff, v15  }
0x105: {  	s31 =	simm.s32 $0x12;
	v15 =	vld.idx.msk [tilespmem:v16+s3+$0x0], $0xffff;
	v16 =	vadd.s32 s0, v4  }
0x106: {  	v17 =	vadd.s32 s31, v3;
	_ =	sdelay $0x3  }
0x107: {  	s0 =	simm.s32 $0xA8;
	[tilespmem:v16+s12+$0x0] =	vst.idx.msk $0xffff, v15  }
0x108: {  	s1 =	simm.s32 $0x152;
	v15 =	vld.idx.msk [tilespmem:v17+s3+$0x0], $0xffff;
	v17 =	vadd.s32 s0, v4  }
0x109: {  	[dreg:$0xb] =	wrdreg s2;
	v16 =	vadd.s32 s1, v3;
	s1 =	simm.s32 $0x292  }
.LBB2_38:
0x10a: {  	p0 =	sne.s32 s1, $0x26D2;
	_ =	sdelay $0x1  }
.Ltmp18:
0x10b: {  	(pc) =	sbr.rel @p0 .LBB2_38-.Ltmp18, $4  }
0x10c: {  	[tilespmem:v17+s12+$0x0] =	vst.idx.msk $0xffff, v15  }
0x10d: {  	s0 =	sadd.s32 $0x1E0, s0;
	v15 =	vld.idx.msk [tilespmem:v16+s3+$0x0], $0xffff  }
0x10e: {  	v17 =	vadd.s32 s0, v4  }
0x10f: {  	v16 =	vadd.s32 s1, v3;
	s1 =	sadd.s32 $0x140, s1  }
0x110: {  	_ =	sdelay $0x3  }
0x111: {  	s0 =	sadd.s32 $0x1E0, s0;
	[tilespmem:v17+s12+$0x0] =	vst.idx.msk $0xffff, v15  }
0x112: {  	s31 =	simm.s32 $0x13;
	v15 =	vld.idx.msk [tilespmem:v16+s3+$0x0], $0xffff;
	v16 =	vadd.s32 s0, v4  }
0x113: {  	v17 =	vadd.s32 s31, v3;
	_ =	sdelay $0x3  }
0x114: {  	s1 =	simm.s32 $0x0;
	s0 =	simm.s32 $0xA9;
	[tilespmem:v16+s12+$0x0] =	vst.idx.msk $0xffff, v15  }
0x115: {  	s2 =	simm.s32 $0x153;
	v15 =	vld.idx.msk [tilespmem:v17+s1+$0x0], $0xffff;
	v17 =	vadd.s32 s0, v4  }
0x116: {  	v16 =	vadd.s32 s2, v3;
	s2 =	simm.s32 $0x293  }
.LBB2_40:
0x117: {  	p0 =	sne.s32 s2, $0x26D3;
	_ =	sdelay $0x1  }
.Ltmp19:
0x118: {  	(pc) =	sbr.rel @p0 .LBB2_40-.Ltmp19, $4  }
0x119: {  	[tilespmem:v17+s12+$0x0] =	vst.idx.msk $0xffff, v15  }
0x11a: {  	s0 =	sadd.s32 $0x1E0, s0;
	v15 =	vld.idx.msk [tilespmem:v16+s1+$0x0], $0xffff  }
0x11b: {  	v17 =	vadd.s32 s0, v4  }
0x11c: {  	v16 =	vadd.s32 s2, v3;
	s2 =	sadd.s32 $0x140, s2  }
0x11d: {  	_ =	sdelay $0x3  }
0x11e: {  	s1 =	simm.s32 $0x0;
	s0 =	sadd.s32 $0x1E0, s0;
	[tilespmem:v17+s12+$0x0] =	vst.idx.msk $0xffff, v15  }
0x11f: {  	v15 =	vld.idx.msk [tilespmem:v16+s1+$0x0], $0xffff;
	v16 =	vadd.s32 s0, v4  }
0x120: {  	v17 =	vadd.s32 s1, v4;
	_ =	sdelay $0x3  }
0x121: {  	s2 =	simm.s32 $0x140;
	[tilespmem:v16+s12+$0x0] =	vst.idx.msk $0xffff, v15  }
0x122: {  	s1 =	simm.s32 $0xA0;
	v16 =	vadd.s32 s2, v4;
	v15 =	vld.idx.msk [tilespmem:v17+s9+$0x0], $0xffff  }
0x123: {  	s0 =	simm.s32 $0x320;
	s2 =	simm.s32 $0x500;
	v17 =	vadd.s32 s1, v4  }
.LBB2_42:
0x124: {  	p0 =	sne.s32 s2, $0x3B60;
	_ =	sdelay $0x1  }
.Ltmp20:
0x125: {  	(pc) =	sbr.rel @p0 .LBB2_42-.Ltmp20, $4  }
0x126: {  	[tilespmem:v16+s12+$0x0] =	vst.idx.msk $0xffff, v15  }
0x127: {  	v15 =	vld.idx.msk [tilespmem:v17+s9+$0x0], $0xffff  }
0x128: {  	s1 =	sadd.s32 $0xA0, s1;
	v16 =	vadd.s32 s0, v4;
	s0 =	smov.u32 s2  }
0x129: {  	s2 =	sadd.s32 $0x1E0, s2;
	v17 =	vadd.s32 s1, v4  }
0x12a: {  	_ =	sdelay $0x3  }
0x12b: {  	[tilespmem:v16+s12+$0x0] =	vst.idx.msk $0xffff, v15  }
0x12c: {  	s31 =	simm.s32 $0x1;
	v16 =	vadd.s32 s0, v4;
	v15 =	vld.idx.msk [tilespmem:v17+s9+$0x0], $0xffff  }
0x12d: {  	v17 =	vadd.s32 s31, v4;
	_ =	sdelay $0x3  }
0x12e: {  	s0 =	simm.s32 $0x141;
	[tilespmem:v16+s12+$0x0] =	vst.idx.msk $0xffff, v15  }
0x12f: {  	s1 =	simm.s32 $0xA1;
	v15 =	vld.idx.msk [tilespmem:v17+s9+$0x0], $0xffff;
	v17 =	vadd.s32 s0, v4  }
0x130: {  	v16 =	vadd.s32 s1, v4;
	s1 =	simm.s32 $0x141  }
.LBB2_44:
0x131: {  	p0 =	sne.s32 s1, $0x1361;
	_ =	sdelay $0x1  }
.Ltmp21:
0x132: {  	(pc) =	sbr.rel @p0 .LBB2_44-.Ltmp21, $4  }
0x133: {  	[tilespmem:v17+s12+$0x0] =	vst.idx.msk $0xffff, v15  }
0x134: {  	s0 =	sadd.s32 $0x1E0, s0;
	v15 =	vld.idx.msk [tilespmem:v16+s9+$0x0], $0xffff  }
0x135: {  	v17 =	vadd.s32 s0, v4  }
0x136: {  	v16 =	vadd.s32 s1, v4;
	s1 =	sadd.s32 $0xA0, s1  }
0x137: {  	_ =	sdelay $0x3  }
0x138: {  	s0 =	sadd.s32 $0x1E0, s0;
	[tilespmem:v17+s12+$0x0] =	vst.idx.msk $0xffff, v15  }
0x139: {  	s31 =	simm.s32 $0x2;
	v15 =	vld.idx.msk [tilespmem:v16+s9+$0x0], $0xffff;
	v16 =	vadd.s32 s0, v4  }
0x13a: {  	v17 =	vadd.s32 s31, v4;
	_ =	sdelay $0x3  }
0x13b: {  	s0 =	simm.s32 $0x142;
	[tilespmem:v16+s12+$0x0] =	vst.idx.msk $0xffff, v15  }
0x13c: {  	s1 =	simm.s32 $0xA2;
	v15 =	vld.idx.msk [tilespmem:v17+s9+$0x0], $0xffff;
	v17 =	vadd.s32 s0, v4  }
0x13d: {  	v16 =	vadd.s32 s1, v4;
	s1 =	simm.s32 $0x142  }
.LBB2_46:
0x13e: {  	p0 =	sne.s32 s1, $0x1362;
	_ =	sdelay $0x1  }
.Ltmp22:
0x13f: {  	(pc) =	sbr.rel @p0 .LBB2_46-.Ltmp22, $4  }
0x140: {  	[tilespmem:v17+s12+$0x0] =	vst.idx.msk $0xffff, v15  }
0x141: {  	s0 =	sadd.s32 $0x1E0, s0;
	v15 =	vld.idx.msk [tilespmem:v16+s9+$0x0], $0xffff  }
0x142: {  	v17 =	vadd.s32 s0, v4  }
0x143: {  	v16 =	vadd.s32 s1, v4;
	s1 =	sadd.s32 $0xA0, s1  }
0x144: {  	_ =	sdelay $0x3  }
0x145: {  	s0 =	sadd.s32 $0x1E0, s0;
	[tilespmem:v17+s12+$0x0] =	vst.idx.msk $0xffff, v15  }
0x146: {  	s31 =	simm.s32 $0x3;
	v15 =	vld.idx.msk [tilespmem:v16+s9+$0x0], $0xffff;
	v16 =	vadd.s32 s0, v4  }
0x147: {  	v17 =	vadd.s32 s31, v4;
	_ =	sdelay $0x3  }
0x148: {  	s0 =	simm.s32 $0x143;
	[tilespmem:v16+s12+$0x0] =	vst.idx.msk $0xffff, v15  }
0x149: {  	s1 =	simm.s32 $0xA3;
	v15 =	vld.idx.msk [tilespmem:v17+s9+$0x0], $0xffff;
	v17 =	vadd.s32 s0, v4  }
0x14a: {  	v16 =	vadd.s32 s1, v4;
	s1 =	simm.s32 $0x143  }
.LBB2_48:
0x14b: {  	p0 =	sne.s32 s1, $0x1363;
	_ =	sdelay $0x1  }
.Ltmp23:
0x14c: {  	(pc) =	sbr.rel @p0 .LBB2_48-.Ltmp23, $4  }
0x14d: {  	[tilespmem:v17+s12+$0x0] =	vst.idx.msk $0xffff, v15  }
0x14e: {  	s0 =	sadd.s32 $0x1E0, s0;
	v15 =	vld.idx.msk [tilespmem:v16+s9+$0x0], $0xffff  }
0x14f: {  	v17 =	vadd.s32 s0, v4  }
0x150: {  	v16 =	vadd.s32 s1, v4;
	s1 =	sadd.s32 $0xA0, s1  }
0x151: {  	_ =	sdelay $0x3  }
0x152: {  	s0 =	sadd.s32 $0x1E0, s0;
	[tilespmem:v17+s12+$0x0] =	vst.idx.msk $0xffff, v15  }
0x153: {  	s31 =	simm.s32 $0x4;
	v15 =	vld.idx.msk [tilespmem:v16+s9+$0x0], $0xffff;
	v16 =	vadd.s32 s0, v4  }
0x154: {  	v17 =	vadd.s32 s31, v4;
	_ =	sdelay $0x3  }
0x155: {  	s0 =	simm.s32 $0x144;
	[tilespmem:v16+s12+$0x0] =	vst.idx.msk $0xffff, v15  }
0x156: {  	s1 =	simm.s32 $0xA4;
	v15 =	vld.idx.msk [tilespmem:v17+s9+$0x0], $0xffff;
	v17 =	vadd.s32 s0, v4  }
0x157: {  	v16 =	vadd.s32 s1, v4;
	s1 =	simm.s32 $0x144  }
.LBB2_50:
0x158: {  	p0 =	sne.s32 s1, $0x1364;
	_ =	sdelay $0x1  }
.Ltmp24:
0x159: {  	(pc) =	sbr.rel @p0 .LBB2_50-.Ltmp24, $4  }
0x15a: {  	[tilespmem:v17+s12+$0x0] =	vst.idx.msk $0xffff, v15  }
0x15b: {  	s0 =	sadd.s32 $0x1E0, s0;
	v15 =	vld.idx.msk [tilespmem:v16+s9+$0x0], $0xffff  }
0x15c: {  	v17 =	vadd.s32 s0, v4  }
0x15d: {  	v16 =	vadd.s32 s1, v4;
	s1 =	sadd.s32 $0xA0, s1  }
0x15e: {  	_ =	sdelay $0x3  }
0x15f: {  	s0 =	sadd.s32 $0x1E0, s0;
	[tilespmem:v17+s12+$0x0] =	vst.idx.msk $0xffff, v15  }
0x160: {  	s31 =	simm.s32 $0x5;
	v15 =	vld.idx.msk [tilespmem:v16+s9+$0x0], $0xffff;
	v16 =	vadd.s32 s0, v4  }
0x161: {  	v17 =	vadd.s32 s31, v4;
	_ =	sdelay $0x3  }
0x162: {  	s0 =	simm.s32 $0x145;
	[tilespmem:v16+s12+$0x0] =	vst.idx.msk $0xffff, v15  }
0x163: {  	s1 =	simm.s32 $0xA5;
	v15 =	vld.idx.msk [tilespmem:v17+s9+$0x0], $0xffff;
	v17 =	vadd.s32 s0, v4  }
0x164: {  	v16 =	vadd.s32 s1, v4;
	s1 =	simm.s32 $0x145  }
.LBB2_52:
0x165: {  	p0 =	sne.s32 s1, $0x1365;
	_ =	sdelay $0x1  }
.Ltmp25:
0x166: {  	(pc) =	sbr.rel @p0 .LBB2_52-.Ltmp25, $4  }
0x167: {  	[tilespmem:v17+s12+$0x0] =	vst.idx.msk $0xffff, v15  }
0x168: {  	s0 =	sadd.s32 $0x1E0, s0;
	v15 =	vld.idx.msk [tilespmem:v16+s9+$0x0], $0xffff  }
0x169: {  	v17 =	vadd.s32 s0, v4  }
0x16a: {  	v16 =	vadd.s32 s1, v4;
	s1 =	sadd.s32 $0xA0, s1  }
0x16b: {  	_ =	sdelay $0x3  }
0x16c: {  	s0 =	sadd.s32 $0x1E0, s0;
	[tilespmem:v17+s12+$0x0] =	vst.idx.msk $0xffff, v15  }
0x16d: {  	s31 =	simm.s32 $0x6;
	v15 =	vld.idx.msk [tilespmem:v16+s9+$0x0], $0xffff;
	v16 =	vadd.s32 s0, v4  }
0x16e: {  	v17 =	vadd.s32 s31, v4;
	_ =	sdelay $0x3  }
0x16f: {  	s0 =	simm.s32 $0x146;
	[tilespmem:v16+s12+$0x0] =	vst.idx.msk $0xffff, v15  }
0x170: {  	s1 =	simm.s32 $0xA6;
	v15 =	vld.idx.msk [tilespmem:v17+s9+$0x0], $0xffff;
	v17 =	vadd.s32 s0, v4  }
0x171: {  	v16 =	vadd.s32 s1, v4;
	s1 =	simm.s32 $0x146  }
.LBB2_54:
0x172: {  	p0 =	sne.s32 s1, $0x1366;
	_ =	sdelay $0x1  }
.Ltmp26:
0x173: {  	(pc) =	sbr.rel @p0 .LBB2_54-.Ltmp26, $4  }
0x174: {  	[tilespmem:v17+s12+$0x0] =	vst.idx.msk $0xffff, v15  }
0x175: {  	s0 =	sadd.s32 $0x1E0, s0;
	v15 =	vld.idx.msk [tilespmem:v16+s9+$0x0], $0xffff  }
0x176: {  	v17 =	vadd.s32 s0, v4  }
0x177: {  	v16 =	vadd.s32 s1, v4;
	s1 =	sadd.s32 $0xA0, s1  }
0x178: {  	_ =	sdelay $0x3  }
0x179: {  	s0 =	sadd.s32 $0x1E0, s0;
	[tilespmem:v17+s12+$0x0] =	vst.idx.msk $0xffff, v15  }
0x17a: {  	s31 =	simm.s32 $0x7;
	v15 =	vld.idx.msk [tilespmem:v16+s9+$0x0], $0xffff;
	v16 =	vadd.s32 s0, v4  }
0x17b: {  	v17 =	vadd.s32 s31, v4;
	_ =	sdelay $0x3  }
0x17c: {  	s0 =	simm.s32 $0x147;
	[tilespmem:v16+s12+$0x0] =	vst.idx.msk $0xffff, v15  }
0x17d: {  	s1 =	simm.s32 $0xA7;
	v15 =	vld.idx.msk [tilespmem:v17+s9+$0x0], $0xffff;
	v17 =	vadd.s32 s0, v4  }
0x17e: {  	v16 =	vadd.s32 s1, v4;
	s1 =	simm.s32 $0x147  }
.LBB2_56:
0x17f: {  	p0 =	sne.s32 s1, $0x1367;
	_ =	sdelay $0x1  }
.Ltmp27:
0x180: {  	(pc) =	sbr.rel @p0 .LBB2_56-.Ltmp27, $4  }
0x181: {  	[tilespmem:v17+s12+$0x0] =	vst.idx.msk $0xffff, v15  }
0x182: {  	s0 =	sadd.s32 $0x1E0, s0;
	v15 =	vld.idx.msk [tilespmem:v16+s9+$0x0], $0xffff  }
0x183: {  	v17 =	vadd.s32 s0, v4  }
0x184: {  	v16 =	vadd.s32 s1, v4;
	s1 =	sadd.s32 $0xA0, s1  }
0x185: {  	_ =	sdelay $0x3  }
0x186: {  	s0 =	sadd.s32 $0x1E0, s0;
	[tilespmem:v17+s12+$0x0] =	vst.idx.msk $0xffff, v15  }
0x187: {  	s31 =	simm.s32 $0x8;
	v15 =	vld.idx.msk [tilespmem:v16+s9+$0x0], $0xffff;
	v16 =	vadd.s32 s0, v4  }
0x188: {  	v17 =	vadd.s32 s31, v4;
	_ =	sdelay $0x3  }
0x189: {  	s0 =	simm.s32 $0x148;
	[tilespmem:v16+s12+$0x0] =	vst.idx.msk $0xffff, v15  }
0x18a: {  	s1 =	simm.s32 $0xA8;
	v15 =	vld.idx.msk [tilespmem:v17+s9+$0x0], $0xffff;
	v17 =	vadd.s32 s0, v4  }
0x18b: {  	v16 =	vadd.s32 s1, v4;
	s1 =	simm.s32 $0x148  }
.LBB2_58:
0x18c: {  	p0 =	sne.s32 s1, $0x1368;
	_ =	sdelay $0x1  }
.Ltmp28:
0x18d: {  	(pc) =	sbr.rel @p0 .LBB2_58-.Ltmp28, $4  }
0x18e: {  	[tilespmem:v17+s12+$0x0] =	vst.idx.msk $0xffff, v15  }
0x18f: {  	s0 =	sadd.s32 $0x1E0, s0;
	v15 =	vld.idx.msk [tilespmem:v16+s9+$0x0], $0xffff  }
0x190: {  	v17 =	vadd.s32 s0, v4  }
0x191: {  	v16 =	vadd.s32 s1, v4;
	s1 =	sadd.s32 $0xA0, s1  }
0x192: {  	_ =	sdelay $0x3  }
0x193: {  	s0 =	sadd.s32 $0x1E0, s0;
	[tilespmem:v17+s12+$0x0] =	vst.idx.msk $0xffff, v15  }
0x194: {  	s31 =	simm.s32 $0x9;
	v15 =	vld.idx.msk [tilespmem:v16+s9+$0x0], $0xffff;
	v16 =	vadd.s32 s0, v4  }
0x195: {  	v17 =	vadd.s32 s31, v4;
	_ =	sdelay $0x3  }
0x196: {  	s0 =	simm.s32 $0x149;
	[tilespmem:v16+s12+$0x0] =	vst.idx.msk $0xffff, v15  }
0x197: {  	s1 =	simm.s32 $0xA9;
	v15 =	vld.idx.msk [tilespmem:v17+s9+$0x0], $0xffff;
	v17 =	vadd.s32 s0, v4  }
0x198: {  	v16 =	vadd.s32 s1, v4;
	s1 =	simm.s32 $0x149  }
.LBB2_60:
0x199: {  	p0 =	sne.s32 s1, $0x1369;
	_ =	sdelay $0x1  }
.Ltmp29:
0x19a: {  	(pc) =	sbr.rel @p0 .LBB2_60-.Ltmp29, $4  }
0x19b: {  	[tilespmem:v17+s12+$0x0] =	vst.idx.msk $0xffff, v15  }
0x19c: {  	s0 =	sadd.s32 $0x1E0, s0;
	v15 =	vld.idx.msk [tilespmem:v16+s9+$0x0], $0xffff  }
0x19d: {  	v17 =	vadd.s32 s0, v4  }
0x19e: {  	v16 =	vadd.s32 s1, v4;
	s1 =	sadd.s32 $0xA0, s1  }
0x19f: {  	_ =	sdelay $0x3  }
0x1a0: {  	s0 =	sadd.s32 $0x1E0, s0;
	[tilespmem:v17+s12+$0x0] =	vst.idx.msk $0xffff, v15  }
0x1a1: {  	v63 =	vadd.s32 s0, v4;
	v15 =	vld.idx.msk [tilespmem:v16+s9+$0x0], $0xffff;
	_ =	sdelay $0x4  }
0x1a2: {  	[tilespmem:v63+s12+$0x0] =	vst.idx.msk $0xffff, v15  }
0x1a3: {  	[tilespmem:$0x1CB00] =	vst v1  }
0x1a4: {  	[tilespmem:$0x1CB10] =	vst v1  }
0x1a5: {  	[tilespmem:$0x1CB20] =	vst v1  }
0x1a6: {  	[tilespmem:$0x1CB30] =	vst v1  }
0x1a7: {  	[tilespmem:$0x1CB40] =	vst v1  }
0x1a8: {  	[tilespmem:$0x1CB50] =	vst v1  }
0x1a9: {  	[tilespmem:$0x1CB60] =	vst v1  }
0x1aa: {  	[tilespmem:$0x1CB70] =	vst v1  }
0x1ab: {  	[tilespmem:$0x1CF00] =	vst v1  }
0x1ac: {  	[tilespmem:$0x1CF10] =	vst v1  }
0x1ad: {  	[tilespmem:$0x1CF20] =	vst v1  }
0x1ae: {  	[tilespmem:$0x1CF30] =	vst v1  }
0x1af: {  	[tilespmem:$0x1CF40] =	vst v1  }
0x1b0: {  	[tilespmem:$0x1CF50] =	vst v1  }
0x1b1: {  	[tilespmem:$0x1CF60] =	vst v1  }
0x1b2: {  	[tilespmem:$0x1CF70] =	vst v1  }
0x1b3: {  	[tilespmem:$0x1D300] =	vst v1  }
0x1b4: {  	[tilespmem:$0x1D310] =	vst v1  }
0x1b5: {  	[tilespmem:$0x1D320] =	vst v1  }
0x1b6: {  	[tilespmem:$0x1D330] =	vst v1  }
0x1b7: {  	[tilespmem:$0x1D340] =	vst v1  }
0x1b8: {  	[tilespmem:$0x1D350] =	vst v1  }
0x1b9: {  	[tilespmem:$0x1D360] =	vst v1  }
0x1ba: {  	[tilespmem:$0x1D370] =	vst v1  }
0x1bb: {  	[tilespmem:$0x1D700] =	vst v1  }
0x1bc: {  	[tilespmem:$0x1D710] =	vst v1  }
0x1bd: {  	[tilespmem:$0x1D720] =	vst v1  }
0x1be: {  	[tilespmem:$0x1D730] =	vst v1  }
0x1bf: {  	[tilespmem:$0x1D740] =	vst v1  }
0x1c0: {  	[tilespmem:$0x1D750] =	vst v1  }
0x1c1: {  	[tilespmem:$0x1D760] =	vst v1  }
0x1c2: {  	[tilespmem:$0x1D770] =	vst v1  }
0x1c3: {  	[tilespmem:$0x1CB80] =	vst v1  }
0x1c4: {  	[tilespmem:$0x1CB90] =	vst v1  }
0x1c5: {  	[tilespmem:$0x1CBA0] =	vst v1  }
0x1c6: {  	[tilespmem:$0x1CBB0] =	vst v1  }
0x1c7: {  	[tilespmem:$0x1CBC0] =	vst v1  }
0x1c8: {  	[tilespmem:$0x1CBD0] =	vst v1  }
0x1c9: {  	[tilespmem:$0x1CBE0] =	vst v1  }
0x1ca: {  	[tilespmem:$0x1CBF0] =	vst v1  }
0x1cb: {  	[tilespmem:$0x1CF80] =	vst v1  }
0x1cc: {  	[tilespmem:$0x1CF90] =	vst v1  }
0x1cd: {  	[tilespmem:$0x1CFA0] =	vst v1  }
0x1ce: {  	[tilespmem:$0x1CFB0] =	vst v1  }
0x1cf: {  	[tilespmem:$0x1CFC0] =	vst v1  }
0x1d0: {  	[tilespmem:$0x1CFD0] =	vst v1  }
0x1d1: {  	[tilespmem:$0x1CFE0] =	vst v1  }
0x1d2: {  	[tilespmem:$0x1CFF0] =	vst v1  }
0x1d3: {  	[tilespmem:$0x1D380] =	vst v1  }
0x1d4: {  	[tilespmem:$0x1D390] =	vst v1  }
0x1d5: {  	[tilespmem:$0x1D3A0] =	vst v1  }
0x1d6: {  	[tilespmem:$0x1D3B0] =	vst v1  }
0x1d7: {  	[tilespmem:$0x1D3C0] =	vst v1  }
0x1d8: {  	[tilespmem:$0x1D3D0] =	vst v1  }
0x1d9: {  	[tilespmem:$0x1D3E0] =	vst v1  }
0x1da: {  	[tilespmem:$0x1D3F0] =	vst v1  }
0x1db: {  	[tilespmem:$0x1D780] =	vst v1  }
0x1dc: {  	[tilespmem:$0x1D790] =	vst v1  }
0x1dd: {  	[tilespmem:$0x1D7A0] =	vst v1  }
0x1de: {  	[tilespmem:$0x1D7B0] =	vst v1  }
0x1df: {  	[tilespmem:$0x1D7C0] =	vst v1  }
0x1e0: {  	[tilespmem:$0x1D7D0] =	vst v1  }
0x1e1: {  	[tilespmem:$0x1D7E0] =	vst v1  }
0x1e2: {  	[tilespmem:$0x1D7F0] =	vst v1  }
0x1e3: {  	[tilespmem:s14], [sflag:$0x1] =	stream.indirect.gather [hbm4b:s21+s22], $0x80, s12, s22, $0xb8;
	[tilespmem:$0x1D800] =	vst v63  }
0x1e4: {  	s31 =	simm.s32 $0x3C50;
	s1 =	simm.s32 $0x12000;
	s26 =	simm.s32 $0x0  }
0x1e5: {  	[tilespmem:s1], [sflag:$0x1] =	stream.indirect.gather [hbm4b:s21+s22], $0x80, s31, s22, $0xb8;
	[tilespmem:$0x1D800] =	vst v63  }
.LBB2_62:
0x1e6: {  	s0 =	smul.u32 $0xF00, s26;
	_ =	sdelay $0x1  }
0x1e7: {  	s28 =	sshra.s32 s0, $0x2  }
0x1e8: {  	s1 =	simm.s32 $0x17000;
	s0 =	sadd.s32 $0x3CA0, s28  }
0x1e9: {  	[tilespmem:s17], [sflag:$0x2] =	stream.indirect.gather [hbm4b:s21+s22], $0x80, s0, s22, $0xb8;
	[tilespmem:$0x1D800] =	vst v63  }
0x1ea: {  	s24 =	sshll.u32 s26, $0xB;
	s25 =	simm.s32 $0x0;
	s23 =	sadd.s32 $0x3CF0, s28  }
0x1eb: {  	v16 =	vadd.s32 s25, v0;
	[tilespmem:s1], [sflag:$0x2] =	stream.indirect.gather [hbm4b:s21+s22], $0x80, s23, s22, $0xb8;
	[tilespmem:$0x1D800] =	vst v63  }
0x1ec: {  	v15 =	vor.u32 s24, v5;
	v16 =	vand.u32 $0x3F, v16;
	_ =	swait.ge [sflag:s19], $0x2800  }
0x1ed: {  	v17 =	vor.u32 v16, v15;
	[sflag:s19] =	ssyncset.done $0x0  }
0x1ee: {  	v18 =	vor.u32 v2, v16;
	[sflag:s19] =	ssyncadd.s32 $0xFFFFD800  }
0x1ef: {  	v19 =	vor.u32 v6, v16;
	_ =	swait.ge [sflag:s19], $0x2800  }
0x1f0: {  	s29 =	simm.s32 $0x1;
	v20 =	vor.u32 v10, v16;
	[sflag:s19] =	ssyncset.done $0x0  }
0x1f1: {  	v21 =	vadd.s32 s29, v0;
	v22 =	vor.u32 v11, v16;
	[sflag:s19] =	ssyncadd.s32 $0xFFFFD800  }
0x1f2: {  	v21 =	vand.u32 $0x3F, v21;
	v23 =	vor.u32 v13, v16;
	v30 =	vld.idx.msk [tilespmem:v17+s11+$0x0], $0xffff  }
0x1f3: {  	v24 =	vor.u32 v21, v15;
	v18 =	vld.idx.msk [tilespmem:v18+s14+$0x0], $0xffff  }
0x1f4: {  	v27 =	vor.u32 v13, v21;
	v19 =	vld.idx.msk [tilespmem:v19+s14+$0x0], $0xffff  }
0x1f5: {  	v38 =	vor.u32 v12, v21;
	v20 =	vld.idx.msk [tilespmem:v20+s14+$0x0], $0xffff  }
0x1f6: {  	v33 =	vor.u32 v6, v21;
	v22 =	vld.idx.msk [tilespmem:v22+s14+$0x0], $0xffff  }
0x1f7: {  	v25 =	vor.u32 v7, v16;
	v23 =	vld.idx.msk [tilespmem:v23+s14+$0x0], $0xffff  }
0x1f8: {  	v17 =	vor.u32 v9, v21;
	v51 =	vld.idx.msk [tilespmem:v24+s11+$0x0], $0xffff  }
0x1f9: {  	v27 =	vld.idx.msk [tilespmem:v27+s14+$0x0], $0xffff  }
0x1fa: {  	v26 =	vor.u32 v12, v16;
	v28 =	vor.u32 v14, v21;
	v38 =	vld.idx.msk [tilespmem:v38+s14+$0x0], $0xffff  }
0x1fb: {  	v31 =	vor.u32 v8, v16;
	v32 =	vor.u32 v10, v21;
	v34 =	vor.u32 v14, v16;
	v33 =	vld.idx.msk [tilespmem:v33+s14+$0x0], $0xffff  }
0x1fc: {  	v35 =	vor.u32 v8, v21;
	v36 =	vor.u32 v7, v21;
	v37 =	vor.u32 v2, v21;
	v25 =	vld.idx.msk [tilespmem:v25+s14+$0x0], $0xffff  }
0x1fd: {  	v24 =	vor.u32 v9, v16;
	v29 =	vld.idx.msk [tilespmem:v17+s14+$0x0], $0xffff;
	v18 =	vmul.f32 v18, v30;
	v16 =	vmul.f32 v20, v30  }
0x1fe: {  	v21 =	vor.u32 v11, v21;
	v19 =	vmul.f32 v19, v30;
	v23 =	vmul.f32 v23, v30  }
0x1ff: {  	s30 =	simm.s32 $0x3;
	v26 =	vld.idx.msk [tilespmem:v26+s14+$0x0], $0xffff;
	v17 =	vimm.f32 $0.0e+00;
	v22 =	vmul.f32 v22, v30;
	v52 =	vmul.f32 v27, v51  }
0x200: {  	v20 =	vld.idx.msk [tilespmem:v28+s14+$0x0], $0xffff;
	v28 =	vadd.s32 s30, v0;
	v38 =	vmul.f32 v38, v51;
	v33 =	vmul.f32 v33, v51  }
0x201: {  	s31 =	simm.s32 $0x2;
	v49 =	vand.u32 $0x3F, v28;
	v39 =	vadd.f32 v18, v17;
	v18 =	vld.idx.msk [tilespmem:v31+s14+$0x0], $0xffff;
	v41 =	vadd.f32 v19, v17  }
0x202: {  	v19 =	vld.idx.msk [tilespmem:v24+s14+$0x0], $0xffff;
	v24 =	vmul.f32 v25, v30;
	v25 =	vmul.f32 v29, v51;
	v29 =	vadd.s32 s31, v0  }
0x203: {  	v21 =	vld.idx.msk [tilespmem:v21+s14+$0x0], $0xffff;
	v50 =	vadd.f32 v23, v17;
	v40 =	vadd.f32 v22, v17;
	v62 =	vand.u32 $0x3F, v29  }
0x204: {  	v35 =	vld.idx.msk [tilespmem:v35+s14+$0x0], $0xffff;
	v22 =	vmul.f32 v26, v30;
	v55 =	vor.u32 v49, v15;
	v27 =	vor.u32 v62, v15  }
0x205: {  	v23 =	vld.idx.msk [tilespmem:v36+s14+$0x0], $0xffff;
	v57 =	vor.u32 v9, v49;
	v28 =	vor.u32 v6, v49;
	v63 =	vor.u32 v2, v62  }
0x206: {  	v53 =	vld.idx.msk [tilespmem:v32+s14+$0x0], $0xffff;
	v47 =	vor.u32 v13, v49;
	v32 =	vor.u32 v14, v49;
	v43 =	vor.u32 v6, v62  }
0x207: {  	v34 =	vld.idx.msk [tilespmem:v34+s14+$0x0], $0xffff;
	v26 =	vmul.f32 v18, v30;
	v18 =	vmul.f32 v19, v30;
	v19 =	vor.u32 v10, v62  }
0x208: {  	v31 =	vld.idx.msk [tilespmem:v37+s14+$0x0], $0xffff;
	v42 =	vadd.f32 v22, v17;
	v58 =	vmul.f32 v21, v51;
	v44 =	vor.u32 v11, v62  }
0x209: {  	v29 =	vadd.f32 v24, v17;
	v45 =	vor.u32 v13, v62;
	v46 =	vadd.f32 v18, v17;
	v18 =	vld.idx.msk [tilespmem:v27+s11+$0x0], $0xffff  }
0x20a: {  	v48 =	vor.u32 v7, v62;
	v24 =	vor.u32 v8, v62;
	v23 =	vmul.f32 v23, v51;
	v56 =	vld.idx.msk [tilespmem:v63+s14+$0x0], $0xffff  }
0x20b: {  	v22 =	vor.u32 v9, v62;
	v54 =	vor.u32 v12, v62;
	v40 =	vadd.f32 v58, v40;
	v37 =	vld.idx.msk [tilespmem:v43+s14+$0x0], $0xffff  }
0x20c: {  	v30 =	vmul.f32 v34, v30;
	v34 =	vor.u32 v11, v49;
	v23 =	vadd.f32 v23, v29;
	v43 =	vld.idx.msk [tilespmem:v19+s14+$0x0], $0xffff  }
0x20d: {  	v29 =	vmul.f32 v35, v51;
	v35 =	vor.u32 v8, v49;
	v27 =	vmul.f32 v31, v51;
	v36 =	vld.idx.msk [tilespmem:v44+s14+$0x0], $0xffff  }
0x20e: {  	v31 =	vmul.f32 v20, v51;
	v20 =	vor.u32 v10, v49;
	v19 =	vadd.f32 v25, v46;
	v46 =	vld.idx.msk [tilespmem:v45+s14+$0x0], $0xffff  }
0x20f: {  	v25 =	vadd.f32 v38, v42;
	v42 =	vor.u32 v2, v49;
	v45 =	vor.u32 v7, v49;
	v48 =	vld.idx.msk [tilespmem:v48+s14+$0x0], $0xffff  }
0x210: {  	v38 =	vor.u32 v12, v49;
	v49 =	vadd.f32 v33, v41;
	v33 =	vadd.f32 v52, v50;
	v41 =	vld.idx.msk [tilespmem:v54+s14+$0x0], $0xffff  }
0x211: {  	v21 =	vor.u32 v14, v62;
	v52 =	vadd.f32 v30, v17;
	v44 =	vadd.f32 v27, v39;
	v39 =	vld.idx.msk [tilespmem:v57+s14+$0x0], $0xffff  }
0x212: {  	s0 =	simm.s32 $0x4;
	v51 =	vmul.f32 v53, v51;
	v30 =	vimm.f32 $0.0e+00;
	v27 =	vld.idx.msk [tilespmem:v55+s11+$0x0], $0xffff;
	v50 =	vmul.f32 v56, v18  }
.LBB2_63:
0x213: {  	p0 =	slt.u32 s0, $0x3E;
	v47 =	vld.idx.msk [tilespmem:v47+s14+$0x0], $0xffff;
	v17 =	vadd.f32 v26, v17;
	v26 =	vadd.f32 v16, v30;
	v16 =	vmul.f32 v43, v18;
	s1 =	smov.u32 s0;
	s0 =	sadd.s32 $0x2, s0  }
0x214: {  	v37 =	vmul.f32 v37, v18;
	v43 =	vmul.f32 v46, v18;
	s2 =	sadd.s32 $0x1, s1;
	v32 =	vld.idx.msk [tilespmem:v32+s14+$0x0], $0xffff;
	v52 =	vadd.f32 v31, v52  }
0x215: {  	v44 =	vadd.f32 v50, v44;
	v50 =	vmovc v18;
	v31 =	vadd.s32 s2, v0;
	v24 =	vld.idx.msk [tilespmem:v24+s14+$0x0], $0xffff;
	v30 =	vadd.f32 v51, v26  }
0x216: {  	v49 =	vadd.f32 v37, v49;
	v17 =	vadd.f32 v29, v17;
	v18 =	vld.idx.msk [tilespmem:v22+s14+$0x0], $0xffff;
	v22 =	vmul.f32 v36, v50  }
0x217: {  	v33 =	vadd.f32 v43, v33;
	v39 =	vmul.f32 v39, v27;
	v26 =	vmul.f32 v48, v50;
	v29 =	vld.idx.msk [tilespmem:v45+s14+$0x0], $0xffff  }
0x218: {  	v51 =	vmovc v27;
	v36 =	vadd.s32 s1, v0;
	v40 =	vadd.f32 v22, v40;
	v22 =	vmul.f32 v41, v50;
	v35 =	vld.idx.msk [tilespmem:v35+s14+$0x0], $0xffff  }
0x219: {  	v27 =	vand.u32 $0x3F, v36;
	v23 =	vadd.f32 v26, v23;
	v41 =	vmul.f32 v47, v51;
	v36 =	vld.idx.msk [tilespmem:v42+s14+$0x0], $0xffff  }
0x21a: {  	v37 =	vor.u32 v27, v15;
	v42 =	vor.u32 v2, v27;
	v25 =	vadd.f32 v22, v25;
	v38 =	vld.idx.msk [tilespmem:v38+s14+$0x0], $0xffff  }
0x21b: {  	v43 =	vor.u32 v6, v27;
	v48 =	vor.u32 v7, v27;
	v26 =	vmul.f32 v24, v50;
	v34 =	vld.idx.msk [tilespmem:v34+s14+$0x0], $0xffff  }
0x21c: {  	v24 =	vor.u32 v8, v27;
	v22 =	vor.u32 v9, v27;
	v18 =	vmul.f32 v18, v50;
	v45 =	vld.idx.msk [tilespmem:v28+s14+$0x0], $0xffff  }
0x21d: {  	v46 =	vor.u32 v11, v27;
	v28 =	vor.u32 v10, v27;
	v29 =	vmul.f32 v29, v51;
	v53 =	vld.idx.msk [tilespmem:v20+s14+$0x0], $0xffff  }
0x21e: {  	v54 =	vor.u32 v12, v27;
	v55 =	vor.u32 v13, v27;
	v19 =	vadd.f32 v18, v19;
	v56 =	vld.idx.msk [tilespmem:v21+s14+$0x0], $0xffff  }
0x21f: {  	v57 =	vand.u32 $0x3F, v31;
	v31 =	vmul.f32 v32, v51;
	v58 =	vmul.f32 v36, v51;
	v18 =	vld.idx.msk [tilespmem:v37+s11+$0x0], $0xffff  }
0x220: {  	v60 =	vor.u32 v57, v15;
	v61 =	vor.u32 v9, v57;
	v23 =	vadd.f32 v29, v23;
	v59 =	vld.idx.msk [tilespmem:v42+s14+$0x0], $0xffff  }
0x221: {  	v20 =	vor.u32 v10, v57;
	v29 =	vmul.f32 v35, v51;
	v38 =	vmul.f32 v38, v51;
	v37 =	vld.idx.msk [tilespmem:v43+s14+$0x0], $0xffff  }
0x222: {  	v47 =	vor.u32 v13, v57;
	v34 =	vmul.f32 v34, v51;
	v43 =	vld.idx.msk [tilespmem:v28+s14+$0x0], $0xffff;
	v28 =	vor.u32 v6, v57  }
0x223: {  	v32 =	vor.u32 v14, v57;
	v21 =	vor.u32 v14, v27;
	v19 =	vadd.f32 v39, v19;
	v36 =	vld.idx.msk [tilespmem:v46+s14+$0x0], $0xffff  }
.Ltmp30:
0x224: {  	v35 =	vor.u32 v8, v57;
	v44 =	vadd.f32 v58, v44;
	v25 =	vadd.f32 v38, v25;
	v46 =	vld.idx.msk [tilespmem:v55+s14+$0x0], $0xffff;
	(pc) =	sbr.rel @p0 .LBB2_63-.Ltmp30, $4  }
0x225: {  	v42 =	vor.u32 v2, v57;
	v40 =	vadd.f32 v34, v40;
	v55 =	vmul.f32 v45, v51;
	v39 =	vld.idx.msk [tilespmem:v61+s14+$0x0], $0xffff  }
0x226: {  	v38 =	vor.u32 v12, v57;
	v56 =	vmul.f32 v56, v50;
	v45 =	vor.u32 v7, v57;
	v27 =	vld.idx.msk [tilespmem:v60+s11+$0x0], $0xffff  }
0x227: {  	v33 =	vadd.f32 v41, v33;
	v34 =	vor.u32 v11, v57;
	v49 =	vadd.f32 v55, v49;
	v48 =	vld.idx.msk [tilespmem:v48+s14+$0x0], $0xffff  }
0x228: {  	v51 =	vmul.f32 v53, v51;
	v50 =	vmul.f32 v59, v18;
	v52 =	vadd.f32 v56, v52;
	v41 =	vld.idx.msk [tilespmem:v54+s14+$0x0], $0xffff  }
0x229: {  	_ =	sdelay $0x3  }
0x22a: {  	v24 =	vld.idx.msk [tilespmem:v24+s14+$0x0], $0xffff  }
0x22b: {  	v22 =	vld.idx.msk [tilespmem:v22+s14+$0x0], $0xffff  }
0x22c: {  	v42 =	vld.idx.msk [tilespmem:v42+s14+$0x0], $0xffff  }
0x22d: {  	v17 =	vadd.f32 v26, v17;
	v26 =	vld.idx.msk [tilespmem:v28+s14+$0x0], $0xffff  }
0x22e: {  	v43 =	vmul.f32 v43, v18;
	v16 =	vadd.f32 v16, v30;
	v59 =	vld.idx.msk [tilespmem:v45+s14+$0x0], $0xffff  }
0x22f: {  	v28 =	vmul.f32 v37, v18;
	v30 =	vmul.f32 v46, v18;
	v35 =	vld.idx.msk [tilespmem:v35+s14+$0x0], $0xffff;
	v31 =	vadd.f32 v31, v52  }
0x230: {  	v36 =	vmul.f32 v36, v18;
	v20 =	vld.idx.msk [tilespmem:v20+s14+$0x0], $0xffff;
	v44 =	vadd.f32 v50, v44;
	v16 =	vadd.f32 v51, v16  }
0x231: {  	v47 =	vld.idx.msk [tilespmem:v47+s14+$0x0], $0xffff;
	v28 =	vadd.f32 v28, v49;
	v17 =	vadd.f32 v29, v17;
	v29 =	vmul.f32 v48, v18  }
0x232: {  	v38 =	vld.idx.msk [tilespmem:v38+s14+$0x0], $0xffff;
	s29 =	sshll.u32 s26, $0x8;
	v16 =	vadd.f32 v43, v16;
	v60 =	vmul.f32 v42, v27;
	v24 =	vmul.f32 v24, v18  }
0x233: {  	s1 =	sshll.u32 s26, $0x5;
	s31 =	sand.u32 $0xC00, s29;
	v23 =	vadd.f32 v29, v23;
	v29 =	vld.idx.msk [tilespmem:v34+s14+$0x0], $0xffff;
	v26 =	vmul.f32 v26, v27;
	v22 =	vmul.f32 v22, v18  }
0x234: {  	v21 =	vld.idx.msk [tilespmem:v21+s14+$0x0], $0xffff;
	s0 =	sand.u32 $0x60, s1;
	s2 =	sadd.s32 $0x19800, s31;
	v61 =	vmul.f32 v59, v27;
	v35 =	vmul.f32 v35, v27;
	v62 =	vadd.f32 v60, v44  }
0x235: {  	v32 =	vld.idx.msk [tilespmem:v32+s14+$0x0], $0xffff;
	[dreg:$0xc] =	wrdreg s2;
	s2 =	sor.u32 s0, s2;
	v20 =	vmul.f32 v20, v27;
	v26 =	vadd.f32 v26, v28;
	v17 =	vadd.f32 v24, v17  }
0x236: {  	v24 =	vmul.f32 v41, v18;
	v19 =	vadd.f32 v22, v19;
	v22 =	vadd.f32 v61, v23;
	[tilespmem:s2+$0x0] =	vst v62  }
0x237: {  	v39 =	vmul.f32 v39, v27;
	v36 =	vadd.f32 v36, v40;
	v16 =	vadd.f32 v20, v16;
	[tilespmem:s2+$0x80] =	vst v26  }
0x238: {  	v17 =	vadd.f32 v35, v17;
	v23 =	vadd.f32 v24, v25;
	[tilespmem:s2+$0x100] =	vst v22;
	v24 =	vmul.f32 v29, v27  }
0x239: {  	v18 =	vmul.f32 v21, v18;
	v19 =	vadd.f32 v39, v19;
	v22 =	vmul.f32 v38, v27;
	[tilespmem:s2+$0x280] =	vst v16  }
0x23a: {  	s4 =	sor.u32 s0, s29;
	v20 =	vmul.f32 v47, v27;
	[tilespmem:s2+$0x180] =	vst v17;
	v17 =	vadd.f32 v30, v33;
	v21 =	vadd.f32 v24, v36  }
0x23b: {  	s1 =	sor.u32 s29, s1;
	s6 =	sor.u32 $0x300, s4;
	v18 =	vadd.f32 v18, v31;
	[tilespmem:s2+$0x200] =	vst v19;
	v19 =	vmul.f32 v32, v27;
	v22 =	vadd.f32 v22, v23  }
0x23c: {  	s1 =	sor.u32 $0x380, s1;
	s7 =	sadd.s32 $0x1A800, s31;
	v16 =	vadd.f32 v20, v17;
	[tilespmem:s6+$0x19800] =	vst v21  }
0x23d: {  	s10 =	sadd.s32 $0x1A880, s31;
	s8 =	sor.u32 s0, s7;
	v17 =	vadd.f32 v19, v18;
	[tilespmem:s1+$0x19800] =	vst v22  }
0x23e: {  	s13 =	sor.u32 s0, s10;
	[tilespmem:s8+$0x0] =	vst v16  }
0x23f: {  	s15 =	sadd.s32 $0x3D40, s28;
	s16 =	sadd.s32 $0x3D90, s28;
	[dreg:$0xd] =	wrdreg s7;
	[tilespmem:s13+$0x0] =	vst v17  }
0x240: {  	[tilespmem:s14], [sflag:$0x1] =	stream.indirect.gather [hbm4b:s21+s22], $0x80, s15, s22, $0xb8;
	[tilespmem:$0x1D800] =	vst v63  }
0x241: {  	s18 =	simm.s32 $0x0;
	s23 =	simm.s32 $0x12000;
	[dreg:$0x10] =	wrdreg s10  }
0x242: {  	v16 =	vadd.s32 s18, v0;
	[tilespmem:s23], [sflag:$0x1] =	stream.indirect.gather [hbm4b:s21+s22], $0x80, s16, s22, $0xb8;
	[tilespmem:$0x1D800] =	vst v63  }
0x243: {  	v16 =	vand.u32 $0x3F, v16;
	_ =	swait.ge [sflag:s20], $0x2800  }
0x244: {  	v17 =	vor.u32 v16, v15;
	[sflag:s20] =	ssyncset.done $0x0  }
0x245: {  	v18 =	vor.u32 v2, v16;
	[sflag:s20] =	ssyncadd.s32 $0xFFFFD800  }
0x246: {  	v19 =	vor.u32 v6, v16;
	_ =	swait.ge [sflag:s20], $0x2800  }
0x247: {  	s24 =	simm.s32 $0x1;
	v20 =	vor.u32 v10, v16;
	[sflag:s20] =	ssyncset.done $0x0  }
0x248: {  	v21 =	vadd.s32 s24, v0;
	v22 =	vor.u32 v11, v16;
	[sflag:s20] =	ssyncadd.s32 $0xFFFFD800  }
0x249: {  	v21 =	vand.u32 $0x3F, v21;
	v23 =	vor.u32 v13, v16;
	v30 =	vld.idx.msk [tilespmem:v17+s11+$0x0], $0xffff  }
0x24a: {  	v24 =	vor.u32 v21, v15;
	v18 =	vld.idx.msk [tilespmem:v18+s17+$0x0], $0xffff  }
0x24b: {  	v25 =	vor.u32 v7, v16;
	v19 =	vld.idx.msk [tilespmem:v19+s17+$0x0], $0xffff  }
0x24c: {  	v27 =	vor.u32 v13, v21;
	v20 =	vld.idx.msk [tilespmem:v20+s17+$0x0], $0xffff  }
0x24d: {  	v26 =	vor.u32 v12, v16;
	v22 =	vld.idx.msk [tilespmem:v22+s17+$0x0], $0xffff  }
0x24e: {  	v17 =	vor.u32 v9, v21;
	v23 =	vld.idx.msk [tilespmem:v23+s17+$0x0], $0xffff  }
0x24f: {  	v57 =	vor.u32 v8, v21;
	v51 =	vld.idx.msk [tilespmem:v24+s11+$0x0], $0xffff  }
0x250: {  	v28 =	vor.u32 v14, v21;
	v63 =	vor.u32 v10, v21;
	v25 =	vld.idx.msk [tilespmem:v25+s17+$0x0], $0xffff  }
0x251: {  	v56 =	vor.u32 v6, v21;
	v58 =	vor.u32 v7, v21;
	v60 =	vor.u32 v12, v21;
	v27 =	vld.idx.msk [tilespmem:v27+s17+$0x0], $0xffff  }
0x252: {  	v59 =	vor.u32 v2, v21;
	v31 =	vor.u32 v8, v16;
	v24 =	vor.u32 v9, v16;
	v26 =	vld.idx.msk [tilespmem:v26+s17+$0x0], $0xffff  }
0x253: {  	v34 =	vor.u32 v14, v16;
	v21 =	vor.u32 v11, v21;
	v29 =	vld.idx.msk [tilespmem:v17+s17+$0x0], $0xffff;
	v18 =	vmul.f32 v18, v30  }
0x254: {  	s25 =	simm.s32 $0x3;
	v35 =	vld.idx.msk [tilespmem:v57+s17+$0x0], $0xffff;
	v17 =	vimm.f32 $0.0e+00;
	v16 =	vmul.f32 v20, v30;
	v19 =	vmul.f32 v19, v30  }
0x255: {  	v20 =	vld.idx.msk [tilespmem:v28+s17+$0x0], $0xffff;
	v23 =	vmul.f32 v23, v30;
	v28 =	vadd.s32 s25, v0;
	v22 =	vmul.f32 v22, v30  }
0x256: {  	v38 =	vld.idx.msk [tilespmem:v60+s17+$0x0], $0xffff;
	v52 =	vmul.f32 v27, v51;
	v55 =	vand.u32 $0x3F, v28;
	v39 =	vadd.f32 v18, v17  }
0x257: {  	s30 =	simm.s32 $0x2;
	v41 =	vadd.f32 v19, v17;
	v19 =	vld.idx.msk [tilespmem:v24+s17+$0x0], $0xffff;
	v24 =	vmul.f32 v25, v30;
	v50 =	vadd.f32 v23, v17  }
0x258: {  	v18 =	vld.idx.msk [tilespmem:v31+s17+$0x0], $0xffff;
	v40 =	vadd.f32 v22, v17;
	v25 =	vmul.f32 v29, v51;
	v29 =	vadd.s32 s30, v0  }
0x259: {  	v45 =	vld.idx.msk [tilespmem:v56+s17+$0x0], $0xffff;
	v22 =	vmul.f32 v26, v30;
	v56 =	vor.u32 v55, v15;
	v36 =	vand.u32 $0x3F, v29  }
0x25a: {  	v23 =	vld.idx.msk [tilespmem:v58+s17+$0x0], $0xffff;
	v58 =	vor.u32 v9, v55;
	v28 =	vor.u32 v6, v55;
	v27 =	vor.u32 v36, v15  }
0x25b: {  	v53 =	vld.idx.msk [tilespmem:v63+s17+$0x0], $0xffff;
	v47 =	vor.u32 v13, v55;
	v33 =	vor.u32 v14, v55;
	v37 =	vor.u32 v2, v36  }
0x25c: {  	v60 =	vld.idx.msk [tilespmem:v34+s17+$0x0], $0xffff;
	v34 =	vor.u32 v8, v55;
	v42 =	vadd.f32 v22, v17;
	v61 =	vor.u32 v6, v36  }
0x25d: {  	v31 =	vld.idx.msk [tilespmem:v59+s17+$0x0], $0xffff;
	v26 =	vmul.f32 v18, v30;
	v18 =	vmul.f32 v19, v30;
	v62 =	vor.u32 v10, v36  }
0x25e: {  	v21 =	vld.idx.msk [tilespmem:v21+s17+$0x0], $0xffff;
	v29 =	vadd.f32 v24, v17;
	v48 =	vor.u32 v7, v36;
	v44 =	vor.u32 v11, v36  }
0x25f: {  	v19 =	vmul.f32 v23, v51;
	v32 =	vor.u32 v13, v36;
	v63 =	vadd.f32 v18, v17;
	v18 =	vld.idx.msk [tilespmem:v27+s11+$0x0], $0xffff  }
0x260: {  	v24 =	vor.u32 v8, v36;
	v22 =	vor.u32 v9, v36;
	v54 =	vor.u32 v12, v36;
	v57 =	vld.idx.msk [tilespmem:v37+s17+$0x0], $0xffff  }
0x261: {  	v30 =	vmul.f32 v60, v30;
	v23 =	vadd.f32 v19, v29;
	v19 =	vor.u32 v10, v55;
	v37 =	vld.idx.msk [tilespmem:v61+s17+$0x0], $0xffff  }
0x262: {  	v29 =	vmul.f32 v35, v51;
	v35 =	vor.u32 v11, v55;
	v27 =	vmul.f32 v31, v51;
	v43 =	vld.idx.msk [tilespmem:v62+s17+$0x0], $0xffff  }
0x263: {  	v31 =	vmul.f32 v20, v51;
	v62 =	vmul.f32 v21, v51;
	v21 =	vor.u32 v14, v36;
	v36 =	vld.idx.msk [tilespmem:v44+s17+$0x0], $0xffff  }
0x264: {  	v61 =	vmul.f32 v38, v51;
	v20 =	vadd.f32 v25, v63;
	v46 =	vld.idx.msk [tilespmem:v32+s17+$0x0], $0xffff;
	v63 =	vmul.f32 v45, v51  }
0x265: {  	v45 =	vor.u32 v7, v55;
	v38 =	vor.u32 v12, v55;
	v48 =	vld.idx.msk [tilespmem:v48+s17+$0x0], $0xffff;
	v32 =	vadd.f32 v52, v50  }
0x266: {  	v52 =	vadd.f32 v30, v17;
	v51 =	vmul.f32 v53, v51;
	v44 =	vadd.f32 v27, v39;
	v39 =	vld.idx.msk [tilespmem:v58+s17+$0x0], $0xffff  }
0x267: {  	v30 =	vimm.f32 $0.0e+00;
	v25 =	vadd.f32 v61, v42;
	v42 =	vor.u32 v2, v55;
	v27 =	vld.idx.msk [tilespmem:v56+s11+$0x0], $0xffff  }
0x268: {  	s1 =	simm.s32 $0x4;
	v40 =	vadd.f32 v62, v40;
	v49 =	vadd.f32 v63, v41;
	v41 =	vld.idx.msk [tilespmem:v54+s17+$0x0], $0xffff;
	v50 =	vmul.f32 v57, v18  }
.LBB2_65:
0x269: {  	p0 =	slt.u32 s1, $0x3E;
	v47 =	vld.idx.msk [tilespmem:v47+s17+$0x0], $0xffff;
	v17 =	vadd.f32 v26, v17;
	v26 =	vadd.f32 v16, v30;
	v16 =	vmul.f32 v43, v18;
	s2 =	smov.u32 s1;
	s1 =	sadd.s32 $0x2, s1  }
0x26a: {  	v37 =	vmul.f32 v37, v18;
	v43 =	vmul.f32 v46, v18;
	s4 =	sadd.s32 $0x1, s2;
	v33 =	vld.idx.msk [tilespmem:v33+s17+$0x0], $0xffff;
	v52 =	vadd.f32 v31, v52  }
0x26b: {  	v44 =	vadd.f32 v50, v44;
	v50 =	vmovc v18;
	v31 =	vadd.s32 s4, v0;
	v24 =	vld.idx.msk [tilespmem:v24+s17+$0x0], $0xffff;
	v30 =	vadd.f32 v51, v26  }
0x26c: {  	v49 =	vadd.f32 v37, v49;
	v17 =	vadd.f32 v29, v17;
	v18 =	vld.idx.msk [tilespmem:v22+s17+$0x0], $0xffff;
	v22 =	vmul.f32 v36, v50  }
0x26d: {  	v32 =	vadd.f32 v43, v32;
	v39 =	vmul.f32 v39, v27;
	v26 =	vmul.f32 v48, v50;
	v29 =	vld.idx.msk [tilespmem:v45+s17+$0x0], $0xffff  }
0x26e: {  	v51 =	vmovc v27;
	v36 =	vadd.s32 s2, v0;
	v40 =	vadd.f32 v22, v40;
	v22 =	vmul.f32 v41, v50;
	v34 =	vld.idx.msk [tilespmem:v34+s17+$0x0], $0xffff  }
0x26f: {  	v27 =	vand.u32 $0x3F, v36;
	v23 =	vadd.f32 v26, v23;
	v41 =	vmul.f32 v47, v51;
	v36 =	vld.idx.msk [tilespmem:v42+s17+$0x0], $0xffff  }
0x270: {  	v37 =	vor.u32 v27, v15;
	v42 =	vor.u32 v2, v27;
	v25 =	vadd.f32 v22, v25;
	v38 =	vld.idx.msk [tilespmem:v38+s17+$0x0], $0xffff  }
0x271: {  	v43 =	vor.u32 v6, v27;
	v48 =	vor.u32 v7, v27;
	v26 =	vmul.f32 v24, v50;
	v35 =	vld.idx.msk [tilespmem:v35+s17+$0x0], $0xffff  }
0x272: {  	v24 =	vor.u32 v8, v27;
	v22 =	vor.u32 v9, v27;
	v18 =	vmul.f32 v18, v50;
	v45 =	vld.idx.msk [tilespmem:v28+s17+$0x0], $0xffff  }
0x273: {  	v46 =	vor.u32 v11, v27;
	v28 =	vor.u32 v10, v27;
	v29 =	vmul.f32 v29, v51;
	v53 =	vld.idx.msk [tilespmem:v19+s17+$0x0], $0xffff  }
0x274: {  	v54 =	vor.u32 v12, v27;
	v55 =	vor.u32 v13, v27;
	v20 =	vadd.f32 v18, v20;
	v56 =	vld.idx.msk [tilespmem:v21+s17+$0x0], $0xffff  }
0x275: {  	v57 =	vand.u32 $0x3F, v31;
	v31 =	vmul.f32 v33, v51;
	v58 =	vmul.f32 v36, v51;
	v18 =	vld.idx.msk [tilespmem:v37+s11+$0x0], $0xffff  }
0x276: {  	v60 =	vor.u32 v57, v15;
	v61 =	vor.u32 v9, v57;
	v23 =	vadd.f32 v29, v23;
	v59 =	vld.idx.msk [tilespmem:v42+s17+$0x0], $0xffff  }
0x277: {  	v19 =	vor.u32 v10, v57;
	v29 =	vmul.f32 v34, v51;
	v38 =	vmul.f32 v38, v51;
	v37 =	vld.idx.msk [tilespmem:v43+s17+$0x0], $0xffff  }
0x278: {  	v47 =	vor.u32 v13, v57;
	v35 =	vmul.f32 v35, v51;
	v43 =	vld.idx.msk [tilespmem:v28+s17+$0x0], $0xffff;
	v28 =	vor.u32 v6, v57  }
0x279: {  	v33 =	vor.u32 v14, v57;
	v21 =	vor.u32 v14, v27;
	v20 =	vadd.f32 v39, v20;
	v36 =	vld.idx.msk [tilespmem:v46+s17+$0x0], $0xffff  }
.Ltmp31:
0x27a: {  	v34 =	vor.u32 v8, v57;
	v44 =	vadd.f32 v58, v44;
	v25 =	vadd.f32 v38, v25;
	v46 =	vld.idx.msk [tilespmem:v55+s17+$0x0], $0xffff;
	(pc) =	sbr.rel @p0 .LBB2_65-.Ltmp31, $4  }
0x27b: {  	v42 =	vor.u32 v2, v57;
	v40 =	vadd.f32 v35, v40;
	v55 =	vmul.f32 v45, v51;
	v39 =	vld.idx.msk [tilespmem:v61+s17+$0x0], $0xffff  }
0x27c: {  	v38 =	vor.u32 v12, v57;
	v56 =	vmul.f32 v56, v50;
	v45 =	vor.u32 v7, v57;
	v27 =	vld.idx.msk [tilespmem:v60+s11+$0x0], $0xffff  }
0x27d: {  	v32 =	vadd.f32 v41, v32;
	v35 =	vor.u32 v11, v57;
	v49 =	vadd.f32 v55, v49;
	v48 =	vld.idx.msk [tilespmem:v48+s17+$0x0], $0xffff  }
0x27e: {  	v51 =	vmul.f32 v53, v51;
	v50 =	vmul.f32 v59, v18;
	v52 =	vadd.f32 v56, v52;
	v41 =	vld.idx.msk [tilespmem:v54+s17+$0x0], $0xffff  }
0x27f: {  	_ =	sdelay $0x3  }
0x280: {  	v47 =	vld.idx.msk [tilespmem:v47+s17+$0x0], $0xffff  }
0x281: {  	v24 =	vld.idx.msk [tilespmem:v24+s17+$0x0], $0xffff  }
0x282: {  	v22 =	vld.idx.msk [tilespmem:v22+s17+$0x0], $0xffff  }
0x283: {  	v42 =	vld.idx.msk [tilespmem:v42+s17+$0x0], $0xffff  }
0x284: {  	v43 =	vmul.f32 v43, v18;
	v17 =	vadd.f32 v26, v17;
	v16 =	vadd.f32 v16, v30;
	v26 =	vld.idx.msk [tilespmem:v28+s17+$0x0], $0xffff  }
0x285: {  	v28 =	vmul.f32 v37, v18;
	v30 =	vmul.f32 v46, v18;
	v63 =	vld.idx.msk [tilespmem:v45+s17+$0x0], $0xffff;
	v31 =	vadd.f32 v31, v52  }
0x286: {  	v36 =	vmul.f32 v36, v18;
	v34 =	vld.idx.msk [tilespmem:v34+s17+$0x0], $0xffff;
	v44 =	vadd.f32 v50, v44;
	v16 =	vadd.f32 v51, v16  }
0x287: {  	v38 =	vld.idx.msk [tilespmem:v38+s17+$0x0], $0xffff;
	v28 =	vadd.f32 v28, v49;
	v17 =	vadd.f32 v29, v17;
	v29 =	vmul.f32 v48, v18  }
0x288: {  	v19 =	vld.idx.msk [tilespmem:v19+s17+$0x0], $0xffff;
	v39 =	vmul.f32 v39, v27;
	v36 =	vadd.f32 v36, v40;
	v50 =	vmul.f32 v42, v27  }
0x289: {  	v23 =	vadd.f32 v29, v23;
	v24 =	vmul.f32 v24, v18;
	v29 =	vld.idx.msk [tilespmem:v35+s17+$0x0], $0xffff;
	v26 =	vmul.f32 v26, v27  }
0x28a: {  	v21 =	vld.idx.msk [tilespmem:v21+s17+$0x0], $0xffff;
	s1 =	sadd.s32 $0x1A900, s31;
	v22 =	vmul.f32 v22, v18;
	v51 =	vmul.f32 v63, v27;
	v52 =	vadd.f32 v50, v44  }
0x28b: {  	v33 =	vld.idx.msk [tilespmem:v33+s17+$0x0], $0xffff;
	s2 =	sadd.s32 $0x1A980, s31;
	v34 =	vmul.f32 v34, v27;
	[dreg:$0xe] =	wrdreg s1;
	s1 =	sadd.s32 s0, s1;
	v26 =	vadd.f32 v26, v28;
	v17 =	vadd.f32 v24, v17  }
0x28c: {  	s15 =	sadd.s32 $0x1AA00, s31;
	s13 =	sadd.s32 s0, s2;
	v24 =	vmul.f32 v41, v18;
	v20 =	vadd.f32 v22, v20;
	v22 =	vadd.f32 v51, v23;
	[tilespmem:s1+$0x0] =	vst v52  }
0x28d: {  	s18 =	sadd.s32 $0x1AA80, s31;
	s16 =	sadd.s32 s0, s15;
	v16 =	vadd.f32 v43, v16;
	v19 =	vmul.f32 v19, v27;
	v17 =	vadd.f32 v34, v17;
	[tilespmem:s13+$0x0] =	vst v26  }
0x28e: {  	s24 =	sadd.s32 $0x1AB00, s31;
	s23 =	sadd.s32 s0, s18;
	v23 =	vadd.f32 v24, v25;
	v20 =	vadd.f32 v39, v20;
	v24 =	vmul.f32 v29, v27;
	[tilespmem:s16+$0x0] =	vst v22  }
0x28f: {  	s30 =	sadd.s32 $0x1AB80, s31;
	s25 =	sadd.s32 s0, s24;
	v18 =	vmul.f32 v21, v18;
	v16 =	vadd.f32 v19, v16;
	v22 =	vmul.f32 v38, v27;
	[tilespmem:s23+$0x0] =	vst v17  }
0x290: {  	s5 =	sadd.s32 $0x1B800, s31;
	[dreg:$0xf] =	wrdreg s2;
	s2 =	sadd.s32 s0, s30;
	v19 =	vmul.f32 v47, v27;
	v17 =	vadd.f32 v30, v32;
	v21 =	vadd.f32 v24, v36;
	[tilespmem:s25+$0x0] =	vst v20  }
0x291: {  	s8 =	sadd.s32 $0x1B880, s31;
	s4 =	sadd.s32 s0, s5;
	v18 =	vadd.f32 v18, v31;
	v20 =	vmul.f32 v33, v27;
	v22 =	vadd.f32 v22, v23;
	[tilespmem:s2+$0x0] =	vst v16  }
0x292: {  	s6 =	sadd.s32 s0, s8;
	[dreg:$0x13] =	wrdreg s24;
	s24 =	sadd.s32 $0x1B900, s31;
	v16 =	vadd.f32 v19, v17;
	[tilespmem:s4+$0x0] =	vst v21  }
0x293: {  	[dreg:$0x12] =	wrdreg s18;
	s18 =	sadd.s32 $0x1B980, s31;
	s7 =	sadd.s32 s0, s24;
	v17 =	vadd.f32 v20, v18;
	[tilespmem:s6+$0x0] =	vst v22  }
0x294: {  	[dreg:$0x11] =	wrdreg s15;
	s10 =	sadd.s32 s0, s18;
	[tilespmem:s7+$0x0] =	vst v16  }
0x295: {  	[dreg:$0x14] =	wrdreg s30;
	s13 =	sadd.s32 $0x3DE0, s28;
	[tilespmem:s10+$0x0] =	vst v17  }
0x296: {  	[tilespmem:s17], [sflag:$0x2] =	stream.indirect.gather [hbm4b:s21+s22], $0x80, s13, s22, $0xb8;
	[tilespmem:$0x1D800] =	vst v63  }
0x297: {  	s15 =	sadd.s32 $0x3E30, s28;
	s16 =	simm.s32 $0x0;
	s4 =	simm.s32 $0x17000  }
0x298: {  	v16 =	vadd.s32 s16, v0;
	[tilespmem:s4], [sflag:$0x2] =	stream.indirect.gather [hbm4b:s21+s22], $0x80, s15, s22, $0xb8;
	[tilespmem:$0x1D800] =	vst v63  }
0x299: {  	v16 =	vand.u32 $0x3F, v16;
	_ =	swait.ge [sflag:s19], $0x2800  }
0x29a: {  	v17 =	vor.u32 v16, v15;
	[sflag:s19] =	ssyncset.done $0x0  }
0x29b: {  	v18 =	vor.u32 v2, v16;
	[sflag:s19] =	ssyncadd.s32 $0xFFFFD800  }
0x29c: {  	v19 =	vor.u32 v6, v16;
	_ =	swait.ge [sflag:s19], $0x2800  }
0x29d: {  	s23 =	simm.s32 $0x1;
	v20 =	vor.u32 v10, v16;
	[sflag:s19] =	ssyncset.done $0x0  }
0x29e: {  	v21 =	vadd.s32 s23, v0;
	v22 =	vor.u32 v11, v16;
	[sflag:s19] =	ssyncadd.s32 $0xFFFFD800  }
0x29f: {  	v21 =	vand.u32 $0x3F, v21;
	v23 =	vor.u32 v13, v16;
	v30 =	vld.idx.msk [tilespmem:v17+s11+$0x0], $0xffff  }
0x2a0: {  	v24 =	vor.u32 v21, v15;
	v18 =	vld.idx.msk [tilespmem:v18+s14+$0x0], $0xffff  }
0x2a1: {  	v25 =	vor.u32 v7, v16;
	v19 =	vld.idx.msk [tilespmem:v19+s14+$0x0], $0xffff  }
0x2a2: {  	v26 =	vor.u32 v12, v16;
	v20 =	vld.idx.msk [tilespmem:v20+s14+$0x0], $0xffff  }
0x2a3: {  	v27 =	vor.u32 v13, v21;
	v22 =	vld.idx.msk [tilespmem:v22+s14+$0x0], $0xffff  }
0x2a4: {  	v17 =	vor.u32 v9, v21;
	v23 =	vld.idx.msk [tilespmem:v23+s14+$0x0], $0xffff  }
0x2a5: {  	v28 =	vor.u32 v14, v21;
	v51 =	vld.idx.msk [tilespmem:v24+s11+$0x0], $0xffff  }
0x2a6: {  	v31 =	vor.u32 v8, v16;
	v25 =	vld.idx.msk [tilespmem:v25+s14+$0x0], $0xffff  }
0x2a7: {  	v24 =	vor.u32 v9, v16;
	v26 =	vld.idx.msk [tilespmem:v26+s14+$0x0], $0xffff  }
0x2a8: {  	v53 =	vor.u32 v10, v21;
	v60 =	vor.u32 v6, v21;
	v55 =	vor.u32 v7, v21;
	v27 =	vld.idx.msk [tilespmem:v27+s14+$0x0], $0xffff  }
0x2a9: {  	v54 =	vor.u32 v8, v21;
	v61 =	vor.u32 v14, v16;
	v29 =	vld.idx.msk [tilespmem:v17+s14+$0x0], $0xffff;
	v18 =	vmul.f32 v18, v30  }
0x2aa: {  	v17 =	vimm.f32 $0.0e+00;
	v16 =	vmul.f32 v20, v30;
	v19 =	vmul.f32 v19, v30;
	v20 =	vld.idx.msk [tilespmem:v28+s14+$0x0], $0xffff  }
0x2ab: {  	v57 =	vor.u32 v12, v21;
	v23 =	vmul.f32 v23, v30;
	v40 =	vadd.f32 v18, v17;
	v18 =	vld.idx.msk [tilespmem:v31+s14+$0x0], $0xffff  }
0x2ac: {  	s25 =	simm.s32 $0x3;
	v56 =	vor.u32 v2, v21;
	v22 =	vmul.f32 v22, v30;
	v47 =	vadd.f32 v19, v17;
	v19 =	vld.idx.msk [tilespmem:v24+s14+$0x0], $0xffff  }
0x2ad: {  	v21 =	vor.u32 v11, v21;
	v28 =	vadd.s32 s25, v0;
	v48 =	vadd.f32 v23, v17;
	v23 =	vld.idx.msk [tilespmem:v55+s14+$0x0], $0xffff  }
0x2ae: {  	v36 =	vadd.f32 v22, v17;
	v22 =	vmul.f32 v26, v30;
	v26 =	vld.idx.msk [tilespmem:v54+s14+$0x0], $0xffff;
	v55 =	vand.u32 $0x3F, v28  }
0x2af: {  	s30 =	simm.s32 $0x2;
	v50 =	vmul.f32 v27, v51;
	v24 =	vmul.f32 v25, v30;
	v54 =	vld.idx.msk [tilespmem:v61+s14+$0x0], $0xffff;
	v61 =	vor.u32 v55, v15  }
0x2b0: {  	v38 =	vld.idx.msk [tilespmem:v57+s14+$0x0], $0xffff;
	v57 =	vor.u32 v9, v55;
	v25 =	vmul.f32 v29, v51;
	v29 =	vadd.s32 s30, v0  }
0x2b1: {  	v34 =	vor.u32 v13, v55;
	v32 =	vor.u32 v14, v55;
	v35 =	vand.u32 $0x3F, v29  }
0x2b2: {  	v45 =	vld.idx.msk [tilespmem:v60+s14+$0x0], $0xffff;
	v37 =	vor.u32 v12, v55;
	v41 =	vadd.f32 v22, v17;
	v58 =	vor.u32 v35, v15  }
0x2b3: {  	v31 =	vld.idx.msk [tilespmem:v56+s14+$0x0], $0xffff;
	v48 =	vadd.f32 v50, v48;
	v29 =	vadd.f32 v24, v17;
	v59 =	vor.u32 v2, v35  }
0x2b4: {  	v53 =	vld.idx.msk [tilespmem:v53+s14+$0x0], $0xffff;
	v62 =	vor.u32 v6, v35;
	v46 =	vor.u32 v7, v35;
	v27 =	vmul.f32 v18, v30  }
0x2b5: {  	v21 =	vld.idx.msk [tilespmem:v21+s14+$0x0], $0xffff;
	v24 =	vor.u32 v8, v35;
	v18 =	vmul.f32 v19, v30;
	v33 =	vor.u32 v10, v35  }
0x2b6: {  	v22 =	vor.u32 v9, v35;
	v43 =	vor.u32 v11, v35;
	v19 =	vmul.f32 v23, v51;
	v42 =	vld.idx.msk [tilespmem:v57+s14+$0x0], $0xffff  }
0x2b7: {  	v52 =	vor.u32 v12, v35;
	v63 =	vor.u32 v13, v35;
	v60 =	vadd.f32 v18, v17;
	v18 =	vld.idx.msk [tilespmem:v58+s11+$0x0], $0xffff  }
0x2b8: {  	v28 =	vmul.f32 v31, v51;
	v31 =	vmul.f32 v20, v51;
	v20 =	vor.u32 v14, v35;
	v56 =	vld.idx.msk [tilespmem:v59+s14+$0x0], $0xffff  }
0x2b9: {  	v35 =	vor.u32 v8, v55;
	v30 =	vmul.f32 v54, v30;
	v23 =	vadd.f32 v19, v29;
	v39 =	vld.idx.msk [tilespmem:v62+s14+$0x0], $0xffff  }
0x2ba: {  	v19 =	vor.u32 v10, v55;
	v29 =	vmul.f32 v26, v51;
	v26 =	vor.u32 v6, v55;
	v33 =	vld.idx.msk [tilespmem:v33+s14+$0x0], $0xffff  }
0x2bb: {  	v62 =	vmul.f32 v38, v51;
	v58 =	vmul.f32 v21, v51;
	v38 =	vld.idx.msk [tilespmem:v43+s14+$0x0], $0xffff;
	v21 =	vadd.f32 v25, v60  }
0x2bc: {  	v44 =	vld.idx.msk [tilespmem:v63+s14+$0x0], $0xffff;
	v43 =	vadd.f32 v28, v40;
	v40 =	vor.u32 v2, v55;
	v63 =	vmul.f32 v45, v51  }
0x2bd: {  	v45 =	vor.u32 v7, v55;
	v25 =	vld.idx.msk [tilespmem:v61+s11+$0x0], $0xffff;
	v51 =	vmul.f32 v53, v51;
	v28 =	vadd.f32 v62, v41  }
0x2be: {  	v46 =	vld.idx.msk [tilespmem:v46+s14+$0x0], $0xffff;
	v41 =	vadd.f32 v58, v36;
	v36 =	vor.u32 v11, v55;
	v49 =	vadd.f32 v63, v47  }
0x2bf: {  	s1 =	simm.s32 $0x4;
	v47 =	vld.idx.msk [tilespmem:v52+s14+$0x0], $0xffff;
	v52 =	vadd.f32 v30, v17;
	v30 =	vimm.f32 $0.0e+00;
	v50 =	vmul.f32 v56, v18  }
.LBB2_67:
0x2c0: {  	p0 =	slt.u32 s1, $0x3E;
	v34 =	vld.idx.msk [tilespmem:v34+s14+$0x0], $0xffff;
	v17 =	vadd.f32 v27, v17;
	v27 =	vadd.f32 v16, v30;
	v16 =	vmul.f32 v33, v18;
	s2 =	smov.u32 s1;
	s1 =	sadd.s32 $0x2, s1  }
0x2c1: {  	v33 =	vmul.f32 v39, v18;
	v39 =	vmul.f32 v44, v18;
	s6 =	sadd.s32 $0x1, s2;
	v32 =	vld.idx.msk [tilespmem:v32+s14+$0x0], $0xffff;
	v52 =	vadd.f32 v31, v52  }
0x2c2: {  	v43 =	vadd.f32 v50, v43;
	v50 =	vmovc v18;
	v31 =	vadd.s32 s6, v0;
	v24 =	vld.idx.msk [tilespmem:v24+s14+$0x0], $0xffff;
	v30 =	vadd.f32 v51, v27  }
0x2c3: {  	v49 =	vadd.f32 v33, v49;
	v17 =	vadd.f32 v29, v17;
	v18 =	vld.idx.msk [tilespmem:v22+s14+$0x0], $0xffff;
	v22 =	vmul.f32 v38, v50  }
0x2c4: {  	v48 =	vadd.f32 v39, v48;
	v42 =	vmul.f32 v42, v25;
	v27 =	vmul.f32 v46, v50;
	v29 =	vld.idx.msk [tilespmem:v45+s14+$0x0], $0xffff  }
0x2c5: {  	v33 =	vadd.s32 s2, v0;
	v51 =	vmovc v25;
	v41 =	vadd.f32 v22, v41;
	v22 =	vmul.f32 v47, v50;
	v35 =	vld.idx.msk [tilespmem:v35+s14+$0x0], $0xffff  }
0x2c6: {  	v25 =	vand.u32 $0x3F, v33;
	v23 =	vadd.f32 v27, v23;
	v47 =	vmul.f32 v34, v51;
	v33 =	vld.idx.msk [tilespmem:v40+s14+$0x0], $0xffff  }
0x2c7: {  	v38 =	vor.u32 v2, v25;
	v34 =	vor.u32 v25, v15;
	v28 =	vadd.f32 v22, v28;
	v37 =	vld.idx.msk [tilespmem:v37+s14+$0x0], $0xffff  }
0x2c8: {  	v39 =	vor.u32 v6, v25;
	v46 =	vor.u32 v7, v25;
	v27 =	vmul.f32 v24, v50;
	v36 =	vld.idx.msk [tilespmem:v36+s14+$0x0], $0xffff  }
0x2c9: {  	v24 =	vor.u32 v8, v25;
	v22 =	vor.u32 v9, v25;
	v18 =	vmul.f32 v18, v50;
	v45 =	vld.idx.msk [tilespmem:v26+s14+$0x0], $0xffff  }
0x2ca: {  	v40 =	vor.u32 v11, v25;
	v26 =	vor.u32 v10, v25;
	v29 =	vmul.f32 v29, v51;
	v53 =	vld.idx.msk [tilespmem:v19+s14+$0x0], $0xffff  }
0x2cb: {  	v54 =	vor.u32 v12, v25;
	v44 =	vor.u32 v13, v25;
	v21 =	vadd.f32 v18, v21;
	v55 =	vld.idx.msk [tilespmem:v20+s14+$0x0], $0xffff  }
0x2cc: {  	v56 =	vand.u32 $0x3F, v31;
	v31 =	vmul.f32 v32, v51;
	v57 =	vmul.f32 v33, v51;
	v18 =	vld.idx.msk [tilespmem:v34+s11+$0x0], $0xffff  }
0x2cd: {  	v59 =	vor.u32 v56, v15;
	v60 =	vor.u32 v9, v56;
	v23 =	vadd.f32 v29, v23;
	v58 =	vld.idx.msk [tilespmem:v38+s14+$0x0], $0xffff  }
0x2ce: {  	v19 =	vor.u32 v10, v56;
	v29 =	vmul.f32 v35, v51;
	v37 =	vmul.f32 v37, v51;
	v39 =	vld.idx.msk [tilespmem:v39+s14+$0x0], $0xffff  }
0x2cf: {  	v34 =	vor.u32 v13, v56;
	v36 =	vmul.f32 v36, v51;
	v33 =	vld.idx.msk [tilespmem:v26+s14+$0x0], $0xffff;
	v26 =	vor.u32 v6, v56  }
0x2d0: {  	v32 =	vor.u32 v14, v56;
	v20 =	vor.u32 v14, v25;
	v21 =	vadd.f32 v42, v21;
	v38 =	vld.idx.msk [tilespmem:v40+s14+$0x0], $0xffff  }
.Ltmp32:
0x2d1: {  	v35 =	vor.u32 v8, v56;
	v43 =	vadd.f32 v57, v43;
	v28 =	vadd.f32 v37, v28;
	v44 =	vld.idx.msk [tilespmem:v44+s14+$0x0], $0xffff;
	(pc) =	sbr.rel @p0 .LBB2_67-.Ltmp32, $4  }
0x2d2: {  	v57 =	vmul.f32 v45, v51;
	v41 =	vadd.f32 v36, v41;
	v40 =	vor.u32 v2, v56;
	v42 =	vld.idx.msk [tilespmem:v60+s14+$0x0], $0xffff  }
0x2d3: {  	v45 =	vor.u32 v7, v56;
	v37 =	vor.u32 v12, v56;
	v55 =	vmul.f32 v55, v50;
	v25 =	vld.idx.msk [tilespmem:v59+s11+$0x0], $0xffff  }
0x2d4: {  	v48 =	vadd.f32 v47, v48;
	v36 =	vor.u32 v11, v56;
	v49 =	vadd.f32 v57, v49;
	v46 =	vld.idx.msk [tilespmem:v46+s14+$0x0], $0xffff  }
0x2d5: {  	v51 =	vmul.f32 v53, v51;
	v50 =	vmul.f32 v58, v18;
	v52 =	vadd.f32 v55, v52;
	v47 =	vld.idx.msk [tilespmem:v54+s14+$0x0], $0xffff  }
0x2d6: {  	_ =	sdelay $0x3  }
0x2d7: {  	v15 =	vld.idx.msk [tilespmem:v24+s14+$0x0], $0xffff  }
0x2d8: {  	v22 =	vld.idx.msk [tilespmem:v22+s14+$0x0], $0xffff  }
0x2d9: {  	v17 =	vadd.f32 v27, v17;
	v27 =	vld.idx.msk [tilespmem:v45+s14+$0x0], $0xffff  }
0x2da: {  	v16 =	vadd.f32 v16, v30;
	v24 =	vmul.f32 v39, v18;
	v40 =	vld.idx.msk [tilespmem:v40+s14+$0x0], $0xffff  }
0x2db: {  	v30 =	vmul.f32 v44, v18;
	v26 =	vld.idx.msk [tilespmem:v26+s14+$0x0], $0xffff;
	v31 =	vadd.f32 v31, v52;
	v52 =	vadd.f32 v50, v43  }
0x2dc: {  	v38 =	vmul.f32 v38, v18;
	v16 =	vadd.f32 v51, v16;
	v24 =	vadd.f32 v24, v49  }
0x2dd: {  	v17 =	vadd.f32 v29, v17;
	v42 =	vmul.f32 v42, v25;
	v29 =	vmul.f32 v46, v18  }
0x2de: {  	v35 =	vld.idx.msk [tilespmem:v35+s14+$0x0], $0xffff;
	v30 =	vadd.f32 v30, v48;
	v38 =	vadd.f32 v38, v41;
	v22 =	vmul.f32 v22, v18  }
0x2df: {  	v20 =	vld.idx.msk [tilespmem:v20+s14+$0x0], $0xffff;
	v53 =	vmul.f32 v47, v18;
	v23 =	vadd.f32 v29, v23;
	v27 =	vmul.f32 v27, v25  }
0x2e0: {  	v19 =	vld.idx.msk [tilespmem:v19+s14+$0x0], $0xffff;
	v26 =	vmul.f32 v26, v25;
	v21 =	vadd.f32 v22, v21;
	v22 =	vmul.f32 v40, v25  }
0x2e1: {  	v36 =	vld.idx.msk [tilespmem:v36+s14+$0x0], $0xffff;
	v15 =	vmul.f32 v15, v18;
	v28 =	vadd.f32 v53, v28;
	v23 =	vadd.f32 v27, v23  }
0x2e2: {  	v29 =	vld.idx.msk [tilespmem:v37+s14+$0x0], $0xffff;
	v27 =	vmul.f32 v33, v18;
	v24 =	vadd.f32 v26, v24;
	v22 =	vadd.f32 v22, v52  }
0x2e3: {  	v54 =	vld.idx.msk [tilespmem:v34+s14+$0x0], $0xffff;
	v55 =	vmul.f32 v35, v25;
	v15 =	vadd.f32 v15, v17;
	v21 =	vadd.f32 v42, v21  }
0x2e4: {  	s6 =	sadd.s32 $0x1BA00, s31;
	v17 =	vld.idx.msk [tilespmem:v32+s14+$0x0], $0xffff;
	v18 =	vmul.f32 v20, v18;
	v16 =	vadd.f32 v27, v16;
	v22 =	vsub.f32 $0.0e+00, v22  }
0x2e5: {  	s7 =	sadd.s32 $0x1BA80, s31;
	s1 =	sadd.s32 s0, s6;
	v19 =	vmul.f32 v19, v25;
	v15 =	vadd.f32 v55, v15;
	v24 =	vsub.f32 $0.0e+00, v24  }
0x2e6: {  	s10 =	sadd.s32 $0x1BB00, s31;
	s16 =	sadd.s32 s0, s7;
	v27 =	vmul.f32 v36, v25;
	v18 =	vadd.f32 v18, v31;
	[tilespmem:s1+$0x0] =	vst v22;
	v22 =	vsub.f32 $0.0e+00, v23  }
0x2e7: {  	s25 =	sadd.s32 $0x1BB80, s31;
	s23 =	sadd.s32 s0, s10;
	v26 =	vmul.f32 v29, v25;
	v16 =	vadd.f32 v19, v16;
	v15 =	vsub.f32 $0.0e+00, v15;
	[tilespmem:s16+$0x0] =	vst v24  }
0x2e8: {  	s2 =	sadd.s32 s0, s25;
	v19 =	vmul.f32 v54, v25;
	v20 =	vadd.f32 v27, v38;
	v21 =	vsub.f32 $0.0e+00, v21;
	s16 =	sadd.s32 $0x1C800, s31;
	[tilespmem:s23+$0x0] =	vst v22  }
0x2e9: {  	s13 =	sadd.s32 $0x1C880, s31;
	v26 =	vadd.f32 v26, v28;
	v17 =	vmul.f32 v17, v25;
	s4 =	sadd.s32 s0, s16;
	[tilespmem:s2+$0x0] =	vst v15;
	v15 =	vsub.f32 $0.0e+00, v16  }
0x2ea: {  	s15 =	sadd.s32 s0, s13;
	v16 =	vadd.f32 v19, v30;
	v19 =	vsub.f32 $0.0e+00, v20;
	s2 =	sadd.s32 $0x1C900, s31;
	[tilespmem:s4+$0x0] =	vst v21  }
0x2eb: {  	s30 =	sadd.s32 $0x1C980, s31;
	v17 =	vadd.f32 v17, v18;
	s23 =	sadd.s32 s0, s2;
	[tilespmem:s15+$0x0] =	vst v15;
	v15 =	vsub.f32 $0.0e+00, v26  }
0x2ec: {  	s1 =	sadd.s32 $0x1CA00, s31;
	s15 =	sadd.s32 s0, s30;
	v16 =	vsub.f32 $0.0e+00, v16;
	[tilespmem:s23+$0x0] =	vst v19  }
0x2ed: {  	s31 =	sadd.s32 $0x1CA80, s31;
	s4 =	sadd.s32 s0, s1;
	[tilespmem:s15+$0x0] =	vst v15;
	v15 =	vsub.f32 $0.0e+00, v17  }
0x2ee: {  	s23 =	sadd.s32 s0, s31;
	[tilespmem:s4+$0x0] =	vst v16  }
0x2ef: {  	s4 =	sadd.s32 $0x3E80, s28;
	[tilespmem:s23+$0x0] =	vst v15  }
0x2f0: {  	[tilespmem:s14], [sflag:$0x1] =	stream.indirect.gather [hbm4b:s21+s22], $0x80, s4, s22, $0xb8;
	[tilespmem:$0x1D800] =	vst v63  }
0x2f1: {  	s15 =	sadd.s32 $0x3ED0, s28;
	s4 =	simm.s32 $0x12000  }
0x2f2: {  	[tilespmem:s4], [sflag:$0x1] =	stream.indirect.gather [hbm4b:s21+s22], $0x80, s15, s22, $0xb8;
	[tilespmem:$0x1D800] =	vst v63  }
0x2f3: {  	s0 =	sshllo.u32 s26, $0x1;
	s23 =	smov.u32 s21;
	s21 =	simm.s32 $0x0  }
0x2f4: {  	s22 =	sshll.u32 s0, $0xA;
	v16 =	vadd.s32 s21, v0  }
0x2f5: {  	_ =	swait.ge [sflag:s20], $0x2800;
	v15 =	vor.u32 s22, v5;
	v16 =	vand.u32 $0x3F, v16  }
0x2f6: {  	[sflag:s20] =	ssyncset.done $0x0;
	v17 =	vor.u32 v16, v15  }
0x2f7: {  	[sflag:s20] =	ssyncadd.s32 $0xFFFFD800;
	v18 =	vor.u32 v2, v16  }
0x2f8: {  	v19 =	vor.u32 v6, v16;
	_ =	swait.ge [sflag:s20], $0x2800  }
0x2f9: {  	s4 =	simm.s32 $0x1;
	v20 =	vor.u32 v10, v16;
	[sflag:s20] =	ssyncset.done $0x0  }
0x2fa: {  	v21 =	vadd.s32 s4, v0;
	v22 =	vor.u32 v11, v16;
	[sflag:s20] =	ssyncadd.s32 $0xFFFFD800  }
0x2fb: {  	v21 =	vand.u32 $0x3F, v21;
	v23 =	vor.u32 v13, v16;
	v30 =	vld.idx.msk [tilespmem:v17+s11+$0x0], $0xffff  }
0x2fc: {  	v24 =	vor.u32 v21, v15;
	v18 =	vld.idx.msk [tilespmem:v18+s17+$0x0], $0xffff  }
0x2fd: {  	v27 =	vor.u32 v13, v21;
	v19 =	vld.idx.msk [tilespmem:v19+s17+$0x0], $0xffff  }
0x2fe: {  	v57 =	vor.u32 v6, v21;
	v20 =	vld.idx.msk [tilespmem:v20+s17+$0x0], $0xffff  }
0x2ff: {  	v25 =	vor.u32 v7, v16;
	v22 =	vld.idx.msk [tilespmem:v22+s17+$0x0], $0xffff  }
0x300: {  	v26 =	vor.u32 v12, v16;
	v23 =	vld.idx.msk [tilespmem:v23+s17+$0x0], $0xffff  }
0x301: {  	v17 =	vor.u32 v9, v21;
	v51 =	vld.idx.msk [tilespmem:v24+s11+$0x0], $0xffff  }
0x302: {  	v28 =	vor.u32 v14, v21;
	v31 =	vor.u32 v8, v16;
	v27 =	vld.idx.msk [tilespmem:v27+s17+$0x0], $0xffff  }
0x303: {  	v56 =	vor.u32 v10, v21;
	v58 =	vor.u32 v14, v16;
	v59 =	vor.u32 v8, v21;
	v33 =	vld.idx.msk [tilespmem:v57+s17+$0x0], $0xffff  }
0x304: {  	v60 =	vor.u32 v7, v21;
	v61 =	vor.u32 v2, v21;
	v24 =	vor.u32 v9, v16;
	v25 =	vld.idx.msk [tilespmem:v25+s17+$0x0], $0xffff  }
0x305: {  	v62 =	vor.u32 v12, v21;
	v26 =	vld.idx.msk [tilespmem:v26+s17+$0x0], $0xffff;
	v21 =	vor.u32 v11, v21;
	v18 =	vmul.f32 v18, v30  }
0x306: {  	s21 =	simm.s32 $0x3;
	v29 =	vld.idx.msk [tilespmem:v17+s17+$0x0], $0xffff;
	v17 =	vimm.f32 $0.0e+00;
	v16 =	vmul.f32 v20, v30;
	v19 =	vmul.f32 v19, v30  }
0x307: {  	v20 =	vld.idx.msk [tilespmem:v28+s17+$0x0], $0xffff;
	v23 =	vmul.f32 v23, v30;
	v28 =	vadd.s32 s21, v0;
	v22 =	vmul.f32 v22, v30  }
0x308: {  	v53 =	vld.idx.msk [tilespmem:v56+s17+$0x0], $0xffff;
	v52 =	vmul.f32 v27, v51;
	v33 =	vmul.f32 v33, v51;
	v56 =	vand.u32 $0x3F, v28  }
0x309: {  	s22 =	simm.s32 $0x2;
	v39 =	vadd.f32 v18, v17;
	v41 =	vadd.f32 v19, v17;
	v19 =	vld.idx.msk [tilespmem:v24+s17+$0x0], $0xffff;
	v24 =	vmul.f32 v25, v30  }
0x30a: {  	v18 =	vld.idx.msk [tilespmem:v31+s17+$0x0], $0xffff;
	v50 =	vadd.f32 v23, v17;
	v25 =	vadd.s32 s22, v0;
	v45 =	vadd.f32 v22, v17  }
0x30b: {  	v38 =	vld.idx.msk [tilespmem:v62+s17+$0x0], $0xffff;
	v22 =	vmul.f32 v26, v30;
	v57 =	vor.u32 v56, v15;
	v35 =	vand.u32 $0x3F, v25  }
0x30c: {  	v26 =	vld.idx.msk [tilespmem:v59+s17+$0x0], $0xffff;
	v59 =	vor.u32 v9, v56;
	v47 =	vor.u32 v13, v56;
	v27 =	vor.u32 v35, v15  }
0x30d: {  	v23 =	vld.idx.msk [tilespmem:v60+s17+$0x0], $0xffff;
	v32 =	vor.u32 v14, v56;
	v34 =	vor.u32 v8, v56;
	v36 =	vor.u32 v2, v35  }
0x30e: {  	v31 =	vld.idx.msk [tilespmem:v61+s17+$0x0], $0xffff;
	v42 =	vadd.f32 v22, v17;
	v37 =	vor.u32 v6, v35;
	v48 =	vor.u32 v7, v35  }
0x30f: {  	v55 =	vld.idx.msk [tilespmem:v58+s17+$0x0], $0xffff;
	v63 =	vor.u32 v10, v35;
	v25 =	vmul.f32 v18, v30;
	v18 =	vmul.f32 v19, v30  }
0x310: {  	v21 =	vld.idx.msk [tilespmem:v21+s17+$0x0], $0xffff;
	v22 =	vor.u32 v9, v35;
	v60 =	vor.u32 v11, v35;
	v54 =	vor.u32 v12, v35  }
0x311: {  	v61 =	vor.u32 v13, v35;
	v49 =	vadd.f32 v33, v41;
	v62 =	vadd.f32 v18, v17;
	v18 =	vld.idx.msk [tilespmem:v27+s11+$0x0], $0xffff  }
0x312: {  	v40 =	vmul.f32 v29, v51;
	v29 =	vadd.f32 v24, v17;
	v19 =	vmul.f32 v23, v51;
	v58 =	vld.idx.msk [tilespmem:v36+s17+$0x0], $0xffff  }
0x313: {  	v33 =	vadd.f32 v52, v50;
	v24 =	vor.u32 v8, v35;
	v28 =	vmul.f32 v31, v51;
	v37 =	vld.idx.msk [tilespmem:v37+s17+$0x0], $0xffff  }
0x314: {  	v31 =	vmul.f32 v20, v51;
	v30 =	vmul.f32 v55, v30;
	v23 =	vadd.f32 v19, v29;
	v43 =	vld.idx.msk [tilespmem:v63+s17+$0x0], $0xffff  }
0x315: {  	v19 =	vor.u32 v10, v56;
	v29 =	vmul.f32 v26, v51;
	v26 =	vmul.f32 v38, v51;
	v36 =	vld.idx.msk [tilespmem:v60+s17+$0x0], $0xffff  }
0x316: {  	v27 =	vor.u32 v6, v56;
	v63 =	vmul.f32 v21, v51;
	v21 =	vor.u32 v14, v35;
	v46 =	vld.idx.msk [tilespmem:v61+s17+$0x0], $0xffff  }
0x317: {  	v44 =	vadd.f32 v28, v39;
	v39 =	vld.idx.msk [tilespmem:v59+s17+$0x0], $0xffff;
	v38 =	vor.u32 v12, v56;
	v35 =	vor.u32 v11, v56  }
0x318: {  	v28 =	vld.idx.msk [tilespmem:v57+s11+$0x0], $0xffff;
	v52 =	vadd.f32 v30, v17;
	v51 =	vmul.f32 v53, v51;
	v30 =	vimm.f32 $0.0e+00  }
0x319: {  	v48 =	vld.idx.msk [tilespmem:v48+s17+$0x0], $0xffff;
	v20 =	vadd.f32 v40, v62;
	v26 =	vadd.f32 v26, v42;
	v42 =	vor.u32 v2, v56  }
0x31a: {  	s15 =	simm.s32 $0x4;
	v41 =	vld.idx.msk [tilespmem:v54+s17+$0x0], $0xffff;
	v40 =	vadd.f32 v63, v45;
	v45 =	vor.u32 v7, v56;
	v50 =	vmul.f32 v58, v18  }
.LBB2_69:
0x31b: {  	p0 =	slt.u32 s15, $0x3E;
	v47 =	vld.idx.msk [tilespmem:v47+s17+$0x0], $0xffff;
	v17 =	vadd.f32 v25, v17;
	v25 =	vadd.f32 v16, v30;
	v16 =	vmul.f32 v43, v18;
	s21 =	smov.u32 s15;
	s15 =	sadd.s32 $0x2, s15  }
0x31c: {  	v37 =	vmul.f32 v37, v18;
	v43 =	vmul.f32 v46, v18;
	s22 =	sadd.s32 $0x1, s21;
	v32 =	vld.idx.msk [tilespmem:v32+s17+$0x0], $0xffff;
	v52 =	vadd.f32 v31, v52  }
0x31d: {  	v44 =	vadd.f32 v50, v44;
	v50 =	vmovc v18;
	v31 =	vadd.s32 s22, v0;
	v24 =	vld.idx.msk [tilespmem:v24+s17+$0x0], $0xffff;
	v30 =	vadd.f32 v51, v25  }
0x31e: {  	v49 =	vadd.f32 v37, v49;
	v17 =	vadd.f32 v29, v17;
	v18 =	vld.idx.msk [tilespmem:v22+s17+$0x0], $0xffff;
	v22 =	vmul.f32 v36, v50  }
0x31f: {  	v33 =	vadd.f32 v43, v33;
	v39 =	vmul.f32 v39, v28;
	v25 =	vmul.f32 v48, v50;
	v29 =	vld.idx.msk [tilespmem:v45+s17+$0x0], $0xffff  }
0x320: {  	v51 =	vmovc v28;
	v36 =	vadd.s32 s21, v0;
	v40 =	vadd.f32 v22, v40;
	v22 =	vmul.f32 v41, v50;
	v34 =	vld.idx.msk [tilespmem:v34+s17+$0x0], $0xffff  }
0x321: {  	v28 =	vand.u32 $0x3F, v36;
	v23 =	vadd.f32 v25, v23;
	v41 =	vmul.f32 v47, v51;
	v36 =	vld.idx.msk [tilespmem:v42+s17+$0x0], $0xffff  }
0x322: {  	v37 =	vor.u32 v28, v15;
	v42 =	vor.u32 v2, v28;
	v26 =	vadd.f32 v22, v26;
	v38 =	vld.idx.msk [tilespmem:v38+s17+$0x0], $0xffff  }
0x323: {  	v43 =	vor.u32 v6, v28;
	v48 =	vor.u32 v7, v28;
	v25 =	vmul.f32 v24, v50;
	v35 =	vld.idx.msk [tilespmem:v35+s17+$0x0], $0xffff  }
0x324: {  	v24 =	vor.u32 v8, v28;
	v22 =	vor.u32 v9, v28;
	v18 =	vmul.f32 v18, v50;
	v45 =	vld.idx.msk [tilespmem:v27+s17+$0x0], $0xffff  }
0x325: {  	v46 =	vor.u32 v11, v28;
	v27 =	vor.u32 v10, v28;
	v29 =	vmul.f32 v29, v51;
	v53 =	vld.idx.msk [tilespmem:v19+s17+$0x0], $0xffff  }
0x326: {  	v54 =	vor.u32 v12, v28;
	v55 =	vor.u32 v13, v28;
	v20 =	vadd.f32 v18, v20;
	v56 =	vld.idx.msk [tilespmem:v21+s17+$0x0], $0xffff  }
0x327: {  	v57 =	vand.u32 $0x3F, v31;
	v31 =	vmul.f32 v32, v51;
	v58 =	vmul.f32 v36, v51;
	v18 =	vld.idx.msk [tilespmem:v37+s11+$0x0], $0xffff  }
0x328: {  	v60 =	vor.u32 v57, v15;
	v61 =	vor.u32 v9, v57;
	v23 =	vadd.f32 v29, v23;
	v59 =	vld.idx.msk [tilespmem:v42+s17+$0x0], $0xffff  }
0x329: {  	v19 =	vor.u32 v10, v57;
	v29 =	vmul.f32 v34, v51;
	v38 =	vmul.f32 v38, v51;
	v37 =	vld.idx.msk [tilespmem:v43+s17+$0x0], $0xffff  }
0x32a: {  	v47 =	vor.u32 v13, v57;
	v35 =	vmul.f32 v35, v51;
	v43 =	vld.idx.msk [tilespmem:v27+s17+$0x0], $0xffff;
	v27 =	vor.u32 v6, v57  }
0x32b: {  	v32 =	vor.u32 v14, v57;
	v21 =	vor.u32 v14, v28;
	v20 =	vadd.f32 v39, v20;
	v36 =	vld.idx.msk [tilespmem:v46+s17+$0x0], $0xffff  }
.Ltmp33:
0x32c: {  	v34 =	vor.u32 v8, v57;
	v44 =	vadd.f32 v58, v44;
	v26 =	vadd.f32 v38, v26;
	v46 =	vld.idx.msk [tilespmem:v55+s17+$0x0], $0xffff;
	(pc) =	sbr.rel @p0 .LBB2_69-.Ltmp33, $4  }
0x32d: {  	v42 =	vor.u32 v2, v57;
	v40 =	vadd.f32 v35, v40;
	v55 =	vmul.f32 v45, v51;
	v39 =	vld.idx.msk [tilespmem:v61+s17+$0x0], $0xffff  }
0x32e: {  	v38 =	vor.u32 v12, v57;
	v56 =	vmul.f32 v56, v50;
	v45 =	vor.u32 v7, v57;
	v28 =	vld.idx.msk [tilespmem:v60+s11+$0x0], $0xffff  }
0x32f: {  	v33 =	vadd.f32 v41, v33;
	v35 =	vor.u32 v11, v57;
	v49 =	vadd.f32 v55, v49;
	v48 =	vld.idx.msk [tilespmem:v48+s17+$0x0], $0xffff  }
0x330: {  	v51 =	vmul.f32 v53, v51;
	v50 =	vmul.f32 v59, v18;
	v52 =	vadd.f32 v56, v52;
	v41 =	vld.idx.msk [tilespmem:v54+s17+$0x0], $0xffff  }
0x331: {  	_ =	sdelay $0x3  }
0x332: {  	v24 =	vld.idx.msk [tilespmem:v24+s17+$0x0], $0xffff  }
0x333: {  	v22 =	vld.idx.msk [tilespmem:v22+s17+$0x0], $0xffff  }
0x334: {  	v42 =	vld.idx.msk [tilespmem:v42+s17+$0x0], $0xffff  }
0x335: {  	v17 =	vadd.f32 v25, v17;
	v25 =	vld.idx.msk [tilespmem:v27+s17+$0x0], $0xffff  }
0x336: {  	v43 =	vmul.f32 v43, v18;
	v16 =	vadd.f32 v16, v30;
	v34 =	vld.idx.msk [tilespmem:v34+s17+$0x0], $0xffff  }
0x337: {  	v27 =	vmul.f32 v37, v18;
	v30 =	vmul.f32 v46, v18;
	v19 =	vld.idx.msk [tilespmem:v19+s17+$0x0], $0xffff;
	v31 =	vadd.f32 v31, v52  }
0x338: {  	v36 =	vmul.f32 v36, v18;
	v52 =	vld.idx.msk [tilespmem:v45+s17+$0x0], $0xffff;
	v44 =	vadd.f32 v50, v44;
	v16 =	vadd.f32 v51, v16  }
0x339: {  	v47 =	vld.idx.msk [tilespmem:v47+s17+$0x0], $0xffff;
	v27 =	vadd.f32 v27, v49;
	v17 =	vadd.f32 v29, v17;
	v29 =	vmul.f32 v48, v18  }
0x33a: {  	v38 =	vld.idx.msk [tilespmem:v38+s17+$0x0], $0xffff;
	v36 =	vadd.f32 v36, v40;
	v16 =	vadd.f32 v43, v16;
	v53 =	vmul.f32 v42, v28  }
0x33b: {  	s0 =	sshll.u32 s0, $0x4;
	v23 =	vadd.f32 v29, v23;
	v24 =	vmul.f32 v24, v18;
	v29 =	vld.idx.msk [tilespmem:v35+s17+$0x0], $0xffff;
	v25 =	vmul.f32 v25, v28  }
0x33c: {  	v21 =	vld.idx.msk [tilespmem:v21+s17+$0x0], $0xffff;
	s4 =	rddreg [dreg:$0xc];
	s0 =	sand.u32 $0x70, s0;
	v22 =	vmul.f32 v22, v18;
	v19 =	vmul.f32 v19, v28;
	v55 =	vadd.f32 v53, v44  }
0x33d: {  	v32 =	vld.idx.msk [tilespmem:v32+s17+$0x0], $0xffff;
	s15 =	sadd.s32 s0, s4;
	v34 =	vmul.f32 v34, v28;
	v54 =	vmul.f32 v52, v28;
	v25 =	vadd.f32 v25, v27  }
0x33e: {  	v17 =	vadd.f32 v24, v17;
	v24 =	vmul.f32 v41, v18;
	v16 =	vadd.f32 v19, v16;
	[tilespmem:s15+$0x0] =	vst v55  }
0x33f: {  	v39 =	vmul.f32 v39, v28;
	v20 =	vadd.f32 v22, v20;
	v22 =	vadd.f32 v54, v23;
	[tilespmem:s15+$0x80] =	vst v25  }
0x340: {  	v17 =	vadd.f32 v34, v17;
	v23 =	vadd.f32 v24, v26;
	[tilespmem:s15+$0x280] =	vst v16;
	v24 =	vmul.f32 v29, v28  }
0x341: {  	v18 =	vmul.f32 v21, v18;
	v20 =	vadd.f32 v39, v20;
	[tilespmem:s15+$0x100] =	vst v22;
	v22 =	vmul.f32 v38, v28  }
0x342: {  	s21 =	sor.u32 s29, s0;
	v19 =	vmul.f32 v47, v28;
	[tilespmem:s15+$0x180] =	vst v17;
	v17 =	vadd.f32 v30, v33;
	v21 =	vadd.f32 v24, v36  }
0x343: {  	s4 =	sor.u32 $0x300, s21;
	v18 =	vadd.f32 v18, v31;
	[tilespmem:s15+$0x200] =	vst v20;
	v20 =	vmul.f32 v32, v28;
	v22 =	vadd.f32 v22, v23  }
0x344: {  	s29 =	rddreg [dreg:$0xd];
	s22 =	sor.u32 $0x380, s21;
	v16 =	vadd.f32 v19, v17;
	[tilespmem:s4+$0x19800] =	vst v21  }
0x345: {  	s15 =	rddreg [dreg:$0x10];
	v17 =	vadd.f32 v20, v18;
	s4 =	sadd.s32 s0, s29;
	[tilespmem:s22+$0x19800] =	vst v22  }
0x346: {  	s21 =	sadd.s32 s0, s15;
	[tilespmem:s4+$0x0] =	vst v16  }
0x347: {  	s29 =	simm.s32 $0x50;
	s22 =	sadd.s32 $0x3F20, s28;
	[tilespmem:s21+$0x0] =	vst v17  }
0x348: {  	[tilespmem:s17], [sflag:$0x2] =	stream.indirect.gather [hbm4b:s23+s29], $0x80, s22, s29, $0xb8;
	[tilespmem:$0x1D800] =	vst v63  }
0x349: {  	s4 =	sadd.s32 $0x3F70, s28;
	s21 =	simm.s32 $0x0;
	s22 =	simm.s32 $0x17000  }
0x34a: {  	v16 =	vadd.s32 s21, v0;
	[tilespmem:s22], [sflag:$0x2] =	stream.indirect.gather [hbm4b:s23+s29], $0x80, s4, s29, $0xb8;
	[tilespmem:$0x1D800] =	vst v63  }
0x34b: {  	v16 =	vand.u32 $0x3F, v16;
	_ =	swait.ge [sflag:s19], $0x2800  }
0x34c: {  	v17 =	vor.u32 v16, v15;
	[sflag:s19] =	ssyncset.done $0x0  }
0x34d: {  	v18 =	vor.u32 v2, v16;
	[sflag:s19] =	ssyncadd.s32 $0xFFFFD800  }
0x34e: {  	v19 =	vor.u32 v6, v16;
	_ =	swait.ge [sflag:s19], $0x2800  }
0x34f: {  	s21 =	simm.s32 $0x1;
	v20 =	vor.u32 v10, v16;
	[sflag:s19] =	ssyncset.done $0x0  }
0x350: {  	v21 =	vadd.s32 s21, v0;
	v22 =	vor.u32 v11, v16;
	[sflag:s19] =	ssyncadd.s32 $0xFFFFD800  }
0x351: {  	v23 =	vor.u32 v13, v16;
	v21 =	vand.u32 $0x3F, v21;
	v30 =	vld.idx.msk [tilespmem:v17+s11+$0x0], $0xffff  }
0x352: {  	v24 =	vor.u32 v21, v15;
	v18 =	vld.idx.msk [tilespmem:v18+s14+$0x0], $0xffff  }
0x353: {  	v25 =	vor.u32 v7, v16;
	v19 =	vld.idx.msk [tilespmem:v19+s14+$0x0], $0xffff  }
0x354: {  	v27 =	vor.u32 v13, v21;
	v20 =	vld.idx.msk [tilespmem:v20+s14+$0x0], $0xffff  }
0x355: {  	v26 =	vor.u32 v12, v16;
	v22 =	vld.idx.msk [tilespmem:v22+s14+$0x0], $0xffff  }
0x356: {  	v56 =	vor.u32 v6, v21;
	v23 =	vld.idx.msk [tilespmem:v23+s14+$0x0], $0xffff  }
0x357: {  	v17 =	vor.u32 v9, v21;
	v51 =	vld.idx.msk [tilespmem:v24+s11+$0x0], $0xffff  }
0x358: {  	v31 =	vor.u32 v8, v16;
	v28 =	vor.u32 v14, v21;
	v25 =	vld.idx.msk [tilespmem:v25+s14+$0x0], $0xffff  }
0x359: {  	v57 =	vor.u32 v14, v16;
	v32 =	vor.u32 v10, v21;
	v58 =	vor.u32 v8, v21;
	v27 =	vld.idx.msk [tilespmem:v27+s14+$0x0], $0xffff  }
0x35a: {  	v59 =	vor.u32 v7, v21;
	v60 =	vor.u32 v2, v21;
	v24 =	vor.u32 v9, v16;
	v26 =	vld.idx.msk [tilespmem:v26+s14+$0x0], $0xffff  }
0x35b: {  	v61 =	vor.u32 v12, v21;
	v21 =	vor.u32 v11, v21;
	v49 =	vld.idx.msk [tilespmem:v56+s14+$0x0], $0xffff;
	v18 =	vmul.f32 v18, v30  }
0x35c: {  	s22 =	simm.s32 $0x3;
	v29 =	vld.idx.msk [tilespmem:v17+s14+$0x0], $0xffff;
	v17 =	vimm.f32 $0.0e+00;
	v16 =	vmul.f32 v20, v30;
	v19 =	vmul.f32 v19, v30  }
0x35d: {  	v20 =	vld.idx.msk [tilespmem:v28+s14+$0x0], $0xffff;
	v23 =	vmul.f32 v23, v30;
	v28 =	vadd.s32 s22, v0;
	v22 =	vmul.f32 v22, v30  }
0x35e: {  	v55 =	vld.idx.msk [tilespmem:v57+s14+$0x0], $0xffff;
	v52 =	vmul.f32 v27, v51;
	v56 =	vand.u32 $0x3F, v28;
	v39 =	vadd.f32 v18, v17  }
0x35f: {  	s29 =	simm.s32 $0x2;
	v42 =	vadd.f32 v19, v17;
	v19 =	vld.idx.msk [tilespmem:v24+s14+$0x0], $0xffff;
	v24 =	vmul.f32 v25, v30;
	v50 =	vadd.f32 v23, v17  }
0x360: {  	v18 =	vld.idx.msk [tilespmem:v31+s14+$0x0], $0xffff;
	v25 =	vadd.s32 s29, v0;
	v45 =	vadd.f32 v22, v17;
	v22 =	vmul.f32 v26, v30  }
0x361: {  	v23 =	vld.idx.msk [tilespmem:v59+s14+$0x0], $0xffff;
	v57 =	vor.u32 v56, v15;
	v59 =	vor.u32 v9, v56;
	v35 =	vand.u32 $0x3F, v25  }
0x362: {  	v38 =	vld.idx.msk [tilespmem:v61+s14+$0x0], $0xffff;
	v47 =	vor.u32 v13, v56;
	v33 =	vor.u32 v14, v56;
	v27 =	vor.u32 v35, v15  }
0x363: {  	v31 =	vld.idx.msk [tilespmem:v60+s14+$0x0], $0xffff;
	v34 =	vor.u32 v8, v56;
	v36 =	vor.u32 v2, v35;
	v41 =	vadd.f32 v22, v17  }
0x364: {  	v53 =	vld.idx.msk [tilespmem:v32+s14+$0x0], $0xffff;
	v37 =	vor.u32 v6, v35;
	v48 =	vor.u32 v7, v35;
	v22 =	vor.u32 v9, v35  }
0x365: {  	v26 =	vld.idx.msk [tilespmem:v58+s14+$0x0], $0xffff;
	v62 =	vor.u32 v10, v35;
	v25 =	vmul.f32 v18, v30;
	v18 =	vmul.f32 v19, v30  }
0x366: {  	v21 =	vld.idx.msk [tilespmem:v21+s14+$0x0], $0xffff;
	v63 =	vor.u32 v11, v35;
	v54 =	vor.u32 v12, v35;
	v60 =	vor.u32 v13, v35  }
0x367: {  	v32 =	vadd.f32 v52, v50;
	v40 =	vmul.f32 v29, v51;
	v61 =	vadd.f32 v18, v17;
	v18 =	vld.idx.msk [tilespmem:v27+s11+$0x0], $0xffff  }
0x368: {  	v29 =	vadd.f32 v24, v17;
	v19 =	vmul.f32 v23, v51;
	v28 =	vmul.f32 v31, v51;
	v58 =	vld.idx.msk [tilespmem:v36+s14+$0x0], $0xffff  }
0x369: {  	v24 =	vor.u32 v8, v35;
	v31 =	vmul.f32 v20, v51;
	v30 =	vmul.f32 v55, v30;
	v37 =	vld.idx.msk [tilespmem:v37+s14+$0x0], $0xffff  }
0x36a: {  	v23 =	vadd.f32 v19, v29;
	v19 =	vor.u32 v10, v56;
	v29 =	vmul.f32 v26, v51;
	v43 =	vld.idx.msk [tilespmem:v62+s14+$0x0], $0xffff  }
0x36b: {  	v26 =	vmul.f32 v38, v51;
	v27 =	vor.u32 v6, v56;
	v62 =	vmul.f32 v21, v51;
	v36 =	vld.idx.msk [tilespmem:v63+s14+$0x0], $0xffff  }
0x36c: {  	v21 =	vor.u32 v14, v35;
	v46 =	vld.idx.msk [tilespmem:v60+s14+$0x0], $0xffff;
	v44 =	vadd.f32 v28, v39;
	v63 =	vmul.f32 v49, v51  }
0x36d: {  	v39 =	vld.idx.msk [tilespmem:v59+s14+$0x0], $0xffff;
	v38 =	vor.u32 v12, v56;
	v35 =	vor.u32 v11, v56;
	v52 =	vadd.f32 v30, v17  }
0x36e: {  	v28 =	vld.idx.msk [tilespmem:v57+s11+$0x0], $0xffff;
	v51 =	vmul.f32 v53, v51;
	v30 =	vimm.f32 $0.0e+00;
	v20 =	vadd.f32 v40, v61  }
0x36f: {  	v48 =	vld.idx.msk [tilespmem:v48+s14+$0x0], $0xffff;
	v26 =	vadd.f32 v26, v41;
	v41 =	vor.u32 v2, v56;
	v40 =	vadd.f32 v62, v45  }
0x370: {  	s15 =	simm.s32 $0x4;
	v45 =	vor.u32 v7, v56;
	v49 =	vadd.f32 v63, v42;
	v42 =	vld.idx.msk [tilespmem:v54+s14+$0x0], $0xffff;
	v50 =	vmul.f32 v58, v18  }
.LBB2_71:
0x371: {  	p0 =	slt.u32 s15, $0x3E;
	v47 =	vld.idx.msk [tilespmem:v47+s14+$0x0], $0xffff;
	v17 =	vadd.f32 v25, v17;
	v25 =	vadd.f32 v16, v30;
	v16 =	vmul.f32 v43, v18;
	s21 =	smov.u32 s15;
	s15 =	sadd.s32 $0x2, s15  }
0x372: {  	v37 =	vmul.f32 v37, v18;
	v43 =	vmul.f32 v46, v18;
	s22 =	sadd.s32 $0x1, s21;
	v33 =	vld.idx.msk [tilespmem:v33+s14+$0x0], $0xffff;
	v52 =	vadd.f32 v31, v52  }
0x373: {  	v44 =	vadd.f32 v50, v44;
	v50 =	vmovc v18;
	v31 =	vadd.s32 s22, v0;
	v24 =	vld.idx.msk [tilespmem:v24+s14+$0x0], $0xffff;
	v30 =	vadd.f32 v51, v25  }
0x374: {  	v49 =	vadd.f32 v37, v49;
	v17 =	vadd.f32 v29, v17;
	v18 =	vld.idx.msk [tilespmem:v22+s14+$0x0], $0xffff;
	v22 =	vmul.f32 v36, v50  }
0x375: {  	v32 =	vadd.f32 v43, v32;
	v39 =	vmul.f32 v39, v28;
	v25 =	vmul.f32 v48, v50;
	v29 =	vld.idx.msk [tilespmem:v45+s14+$0x0], $0xffff  }
0x376: {  	v51 =	vmovc v28;
	v36 =	vadd.s32 s21, v0;
	v40 =	vadd.f32 v22, v40;
	v22 =	vmul.f32 v42, v50;
	v34 =	vld.idx.msk [tilespmem:v34+s14+$0x0], $0xffff  }
0x377: {  	v28 =	vand.u32 $0x3F, v36;
	v23 =	vadd.f32 v25, v23;
	v42 =	vmul.f32 v47, v51;
	v36 =	vld.idx.msk [tilespmem:v41+s14+$0x0], $0xffff  }
0x378: {  	v37 =	vor.u32 v28, v15;
	v41 =	vor.u32 v2, v28;
	v26 =	vadd.f32 v22, v26;
	v38 =	vld.idx.msk [tilespmem:v38+s14+$0x0], $0xffff  }
0x379: {  	v43 =	vor.u32 v6, v28;
	v48 =	vor.u32 v7, v28;
	v25 =	vmul.f32 v24, v50;
	v35 =	vld.idx.msk [tilespmem:v35+s14+$0x0], $0xffff  }
0x37a: {  	v24 =	vor.u32 v8, v28;
	v22 =	vor.u32 v9, v28;
	v18 =	vmul.f32 v18, v50;
	v45 =	vld.idx.msk [tilespmem:v27+s14+$0x0], $0xffff  }
0x37b: {  	v46 =	vor.u32 v11, v28;
	v27 =	vor.u32 v10, v28;
	v29 =	vmul.f32 v29, v51;
	v53 =	vld.idx.msk [tilespmem:v19+s14+$0x0], $0xffff  }
0x37c: {  	v54 =	vor.u32 v12, v28;
	v55 =	vor.u32 v13, v28;
	v20 =	vadd.f32 v18, v20;
	v56 =	vld.idx.msk [tilespmem:v21+s14+$0x0], $0xffff  }
0x37d: {  	v57 =	vand.u32 $0x3F, v31;
	v31 =	vmul.f32 v33, v51;
	v58 =	vmul.f32 v36, v51;
	v18 =	vld.idx.msk [tilespmem:v37+s11+$0x0], $0xffff  }
0x37e: {  	v60 =	vor.u32 v57, v15;
	v61 =	vor.u32 v9, v57;
	v23 =	vadd.f32 v29, v23;
	v59 =	vld.idx.msk [tilespmem:v41+s14+$0x0], $0xffff  }
0x37f: {  	v19 =	vor.u32 v10, v57;
	v29 =	vmul.f32 v34, v51;
	v38 =	vmul.f32 v38, v51;
	v37 =	vld.idx.msk [tilespmem:v43+s14+$0x0], $0xffff  }
0x380: {  	v47 =	vor.u32 v13, v57;
	v35 =	vmul.f32 v35, v51;
	v43 =	vld.idx.msk [tilespmem:v27+s14+$0x0], $0xffff;
	v27 =	vor.u32 v6, v57  }
0x381: {  	v33 =	vor.u32 v14, v57;
	v21 =	vor.u32 v14, v28;
	v20 =	vadd.f32 v39, v20;
	v36 =	vld.idx.msk [tilespmem:v46+s14+$0x0], $0xffff  }
.Ltmp34:
0x382: {  	v34 =	vor.u32 v8, v57;
	v44 =	vadd.f32 v58, v44;
	v26 =	vadd.f32 v38, v26;
	v46 =	vld.idx.msk [tilespmem:v55+s14+$0x0], $0xffff;
	(pc) =	sbr.rel @p0 .LBB2_71-.Ltmp34, $4  }
0x383: {  	v41 =	vor.u32 v2, v57;
	v40 =	vadd.f32 v35, v40;
	v55 =	vmul.f32 v45, v51;
	v39 =	vld.idx.msk [tilespmem:v61+s14+$0x0], $0xffff  }
0x384: {  	v38 =	vor.u32 v12, v57;
	v56 =	vmul.f32 v56, v50;
	v45 =	vor.u32 v7, v57;
	v28 =	vld.idx.msk [tilespmem:v60+s11+$0x0], $0xffff  }
0x385: {  	v32 =	vadd.f32 v42, v32;
	v35 =	vor.u32 v11, v57;
	v49 =	vadd.f32 v55, v49;
	v48 =	vld.idx.msk [tilespmem:v48+s14+$0x0], $0xffff  }
0x386: {  	v51 =	vmul.f32 v53, v51;
	v50 =	vmul.f32 v59, v18;
	v52 =	vadd.f32 v56, v52;
	v42 =	vld.idx.msk [tilespmem:v54+s14+$0x0], $0xffff  }
0x387: {  	_ =	sdelay $0x3  }
0x388: {  	v47 =	vld.idx.msk [tilespmem:v47+s14+$0x0], $0xffff  }
0x389: {  	v24 =	vld.idx.msk [tilespmem:v24+s14+$0x0], $0xffff  }
0x38a: {  	v22 =	vld.idx.msk [tilespmem:v22+s14+$0x0], $0xffff  }
0x38b: {  	v41 =	vld.idx.msk [tilespmem:v41+s14+$0x0], $0xffff  }
0x38c: {  	v43 =	vmul.f32 v43, v18;
	v17 =	vadd.f32 v25, v17;
	v16 =	vadd.f32 v16, v30;
	v25 =	vld.idx.msk [tilespmem:v27+s14+$0x0], $0xffff  }
0x38d: {  	v27 =	vmul.f32 v37, v18;
	v30 =	vmul.f32 v46, v18;
	v63 =	vld.idx.msk [tilespmem:v45+s14+$0x0], $0xffff;
	v31 =	vadd.f32 v31, v52  }
0x38e: {  	v36 =	vmul.f32 v36, v18;
	v34 =	vld.idx.msk [tilespmem:v34+s14+$0x0], $0xffff;
	v44 =	vadd.f32 v50, v44;
	v16 =	vadd.f32 v51, v16  }
0x38f: {  	v38 =	vld.idx.msk [tilespmem:v38+s14+$0x0], $0xffff;
	v27 =	vadd.f32 v27, v49;
	v17 =	vadd.f32 v29, v17;
	v29 =	vmul.f32 v48, v18  }
0x390: {  	v19 =	vld.idx.msk [tilespmem:v19+s14+$0x0], $0xffff;
	v39 =	vmul.f32 v39, v28;
	v36 =	vadd.f32 v36, v40;
	v52 =	vmul.f32 v41, v28  }
0x391: {  	v23 =	vadd.f32 v29, v23;
	v24 =	vmul.f32 v24, v18;
	v29 =	vld.idx.msk [tilespmem:v35+s14+$0x0], $0xffff;
	v25 =	vmul.f32 v25, v28  }
0x392: {  	v21 =	vld.idx.msk [tilespmem:v21+s14+$0x0], $0xffff;
	s4 =	rddreg [dreg:$0xe];
	v22 =	vmul.f32 v22, v18;
	v53 =	vmul.f32 v63, v28;
	v54 =	vadd.f32 v52, v44  }
0x393: {  	v33 =	vld.idx.msk [tilespmem:v33+s14+$0x0], $0xffff;
	s29 =	rddreg [dreg:$0xf];
	s15 =	sadd.s32 s0, s4;
	v34 =	vmul.f32 v34, v28;
	v25 =	vadd.f32 v25, v27;
	v17 =	vadd.f32 v24, v17  }
0x394: {  	s21 =	rddreg [dreg:$0x11];
	s4 =	sadd.s32 s0, s29;
	v24 =	vmul.f32 v42, v18;
	v20 =	vadd.f32 v22, v20;
	v22 =	vadd.f32 v53, v23;
	[tilespmem:s15+$0x0] =	vst v54  }
0x395: {  	s22 =	sadd.s32 s0, s21;
	s29 =	rddreg [dreg:$0x12];
	v16 =	vadd.f32 v43, v16;
	v19 =	vmul.f32 v19, v28;
	v17 =	vadd.f32 v34, v17;
	[tilespmem:s4+$0x0] =	vst v25  }
0x396: {  	s21 =	rddreg [dreg:$0x13];
	v23 =	vadd.f32 v24, v26;
	v20 =	vadd.f32 v39, v20;
	v24 =	vmul.f32 v29, v28;
	s4 =	sadd.s32 s0, s29;
	[tilespmem:s22+$0x0] =	vst v22  }
0x397: {  	v18 =	vmul.f32 v21, v18;
	v16 =	vadd.f32 v19, v16;
	s29 =	rddreg [dreg:$0x14];
	v22 =	vmul.f32 v38, v28;
	s22 =	sadd.s32 s0, s21;
	[tilespmem:s4+$0x0] =	vst v17  }
0x398: {  	v19 =	vmul.f32 v47, v28;
	v17 =	vadd.f32 v30, v32;
	v21 =	vadd.f32 v24, v36;
	s4 =	sadd.s32 s0, s29;
	[tilespmem:s22+$0x0] =	vst v20  }
0x399: {  	s5 =	sadd.s32 s0, s5;
	v18 =	vadd.f32 v18, v31;
	v20 =	vmul.f32 v33, v28;
	v22 =	vadd.f32 v22, v23;
	[tilespmem:s4+$0x0] =	vst v16  }
0x39a: {  	s8 =	sadd.s32 s0, s8;
	v16 =	vadd.f32 v19, v17;
	[tilespmem:s5+$0x0] =	vst v21  }
0x39b: {  	s15 =	sadd.s32 s0, s24;
	v17 =	vadd.f32 v20, v18;
	[tilespmem:s8+$0x0] =	vst v22  }
0x39c: {  	p0 =	seq.s32 s26, $0xF;
	s21 =	sadd.s32 s0, s18;
	[tilespmem:s15+$0x0] =	vst v16  }
0x39d: {  	s4 =	sadd.s32 @!p0 $0x3FC0, s28;
	s5 =	simm.s32 @!p0 $0x50;
	s8 =	simm.s32 @!p0 $0xF800;
	[tilespmem:s21+$0x0] =	vst v17  }
0x39e: {  	[tilespmem:s8], [sflag:$0x1] =	stream.indirect.gather @!p0 [hbm4b:s23+s5], $0x80, s4, s5, $0xb8;
	[tilespmem:$0x1D800] =	vst v63  }
0x39f: {  	s22 =	simm.s32 $0x0;
	s4 =	sadd.s32 @!p0 $0x4010, s28;
	s8 =	simm.s32 @!p0 $0x12000  }
0x3a0: {  	v16 =	vadd.s32 s22, v0;
	[tilespmem:s8], [sflag:$0x1] =	stream.indirect.gather @!p0 [hbm4b:s23+s5], $0x80, s4, s5, $0xb8;
	[tilespmem:$0x1D800] =	vst v63  }
0x3a1: {  	v16 =	vand.u32 $0x3F, v16;
	_ =	swait.ge [sflag:s20], $0x2800  }
0x3a2: {  	v17 =	vor.u32 v16, v15;
	[sflag:s20] =	ssyncset.done $0x0  }
0x3a3: {  	v18 =	vor.u32 v2, v16;
	[sflag:s20] =	ssyncadd.s32 $0xFFFFD800  }
0x3a4: {  	v19 =	vor.u32 v6, v16;
	_ =	swait.ge [sflag:s20], $0x2800  }
0x3a5: {  	s24 =	simm.s32 $0x1;
	v20 =	vor.u32 v10, v16;
	[sflag:s20] =	ssyncset.done $0x0  }
0x3a6: {  	v21 =	vadd.s32 s24, v0;
	v22 =	vor.u32 v11, v16;
	[sflag:s20] =	ssyncadd.s32 $0xFFFFD800  }
0x3a7: {  	v21 =	vand.u32 $0x3F, v21;
	v23 =	vor.u32 v13, v16;
	v30 =	vld.idx.msk [tilespmem:v17+s11+$0x0], $0xffff  }
0x3a8: {  	v24 =	vor.u32 v21, v15;
	v18 =	vld.idx.msk [tilespmem:v18+s17+$0x0], $0xffff  }
0x3a9: {  	v27 =	vor.u32 v13, v21;
	v19 =	vld.idx.msk [tilespmem:v19+s17+$0x0], $0xffff  }
0x3aa: {  	v61 =	vor.u32 v12, v21;
	v20 =	vld.idx.msk [tilespmem:v20+s17+$0x0], $0xffff  }
0x3ab: {  	v25 =	vor.u32 v7, v16;
	v22 =	vld.idx.msk [tilespmem:v22+s17+$0x0], $0xffff  }
0x3ac: {  	v26 =	vor.u32 v12, v16;
	v23 =	vld.idx.msk [tilespmem:v23+s17+$0x0], $0xffff  }
0x3ad: {  	v17 =	vor.u32 v9, v21;
	v51 =	vld.idx.msk [tilespmem:v24+s11+$0x0], $0xffff  }
0x3ae: {  	v28 =	vor.u32 v14, v21;
	v55 =	vor.u32 v10, v21;
	v27 =	vld.idx.msk [tilespmem:v27+s17+$0x0], $0xffff  }
0x3af: {  	v56 =	vor.u32 v6, v21;
	v58 =	vor.u32 v8, v21;
	v59 =	vor.u32 v7, v21;
	v38 =	vld.idx.msk [tilespmem:v61+s17+$0x0], $0xffff  }
0x3b0: {  	v60 =	vor.u32 v2, v21;
	v31 =	vor.u32 v8, v16;
	v24 =	vor.u32 v9, v16;
	v25 =	vld.idx.msk [tilespmem:v25+s17+$0x0], $0xffff  }
0x3b1: {  	v57 =	vor.u32 v14, v16;
	v26 =	vld.idx.msk [tilespmem:v26+s17+$0x0], $0xffff;
	v21 =	vor.u32 v11, v21;
	v18 =	vmul.f32 v18, v30  }
0x3b2: {  	s28 =	simm.s32 $0x3;
	v29 =	vld.idx.msk [tilespmem:v17+s17+$0x0], $0xffff;
	v17 =	vimm.f32 $0.0e+00;
	v16 =	vmul.f32 v20, v30;
	v19 =	vmul.f32 v19, v30  }
0x3b3: {  	v20 =	vld.idx.msk [tilespmem:v28+s17+$0x0], $0xffff;
	v23 =	vmul.f32 v23, v30;
	v28 =	vadd.s32 s28, v0;
	v22 =	vmul.f32 v22, v30  }
0x3b4: {  	v53 =	vld.idx.msk [tilespmem:v55+s17+$0x0], $0xffff;
	v50 =	vmul.f32 v27, v51;
	v55 =	vand.u32 $0x3F, v28;
	v28 =	vmul.f32 v38, v51  }
0x3b5: {  	s29 =	simm.s32 $0x2;
	v40 =	vadd.f32 v18, v17;
	v47 =	vadd.f32 v19, v17;
	v19 =	vld.idx.msk [tilespmem:v24+s17+$0x0], $0xffff;
	v24 =	vmul.f32 v25, v30  }
0x3b6: {  	v18 =	vld.idx.msk [tilespmem:v31+s17+$0x0], $0xffff;
	v48 =	vadd.f32 v23, v17;
	v25 =	vadd.s32 s29, v0;
	v41 =	vadd.f32 v22, v17  }
0x3b7: {  	v45 =	vld.idx.msk [tilespmem:v56+s17+$0x0], $0xffff;
	v22 =	vmul.f32 v26, v30;
	v56 =	vor.u32 v55, v15;
	v35 =	vand.u32 $0x3F, v25  }
0x3b8: {  	v54 =	vld.idx.msk [tilespmem:v57+s17+$0x0], $0xffff;
	v34 =	vor.u32 v13, v55;
	v32 =	vor.u32 v14, v55;
	v27 =	vor.u32 v35, v15  }
0x3b9: {  	v21 =	vld.idx.msk [tilespmem:v21+s17+$0x0], $0xffff;
	v37 =	vor.u32 v12, v55;
	v25 =	vadd.f32 v24, v17;
	v62 =	vor.u32 v2, v35  }
0x3ba: {  	v23 =	vld.idx.msk [tilespmem:v59+s17+$0x0], $0xffff;
	v42 =	vadd.f32 v22, v17;
	v39 =	vor.u32 v6, v35;
	v46 =	vor.u32 v7, v35  }
0x3bb: {  	v31 =	vld.idx.msk [tilespmem:v60+s17+$0x0], $0xffff;
	v33 =	vor.u32 v10, v35;
	v26 =	vmul.f32 v18, v30;
	v18 =	vmul.f32 v19, v30  }
0x3bc: {  	v24 =	vor.u32 v8, v35;
	v63 =	vor.u32 v11, v35;
	v36 =	vmul.f32 v29, v51;
	v29 =	vld.idx.msk [tilespmem:v58+s17+$0x0], $0xffff  }
0x3bd: {  	v22 =	vor.u32 v9, v35;
	v60 =	vor.u32 v13, v35;
	v61 =	vadd.f32 v18, v17;
	v18 =	vld.idx.msk [tilespmem:v27+s11+$0x0], $0xffff  }
0x3be: {  	v52 =	vor.u32 v12, v35;
	v48 =	vadd.f32 v50, v48;
	v58 =	vmul.f32 v21, v51;
	v57 =	vld.idx.msk [tilespmem:v62+s17+$0x0], $0xffff  }
0x3bf: {  	v28 =	vadd.f32 v28, v42;
	v19 =	vmul.f32 v23, v51;
	v30 =	vmul.f32 v54, v30;
	v39 =	vld.idx.msk [tilespmem:v39+s17+$0x0], $0xffff  }
0x3c0: {  	v41 =	vadd.f32 v58, v41;
	v27 =	vmul.f32 v31, v51;
	v31 =	vmul.f32 v20, v51;
	v33 =	vld.idx.msk [tilespmem:v33+s17+$0x0], $0xffff  }
0x3c1: {  	v62 =	vor.u32 v9, v55;
	v23 =	vadd.f32 v19, v25;
	v19 =	vor.u32 v10, v55;
	v38 =	vld.idx.msk [tilespmem:v63+s17+$0x0], $0xffff  }
0x3c2: {  	v25 =	vor.u32 v6, v55;
	v20 =	vor.u32 v14, v35;
	v35 =	vor.u32 v8, v55;
	v44 =	vld.idx.msk [tilespmem:v60+s17+$0x0], $0xffff  }
0x3c3: {  	v63 =	vmul.f32 v45, v51;
	v45 =	vor.u32 v7, v55;
	v46 =	vld.idx.msk [tilespmem:v46+s17+$0x0], $0xffff;
	v29 =	vmul.f32 v29, v51  }
0x3c4: {  	v51 =	vmul.f32 v53, v51;
	v21 =	vadd.f32 v36, v61;
	v43 =	vadd.f32 v27, v40;
	v27 =	vld.idx.msk [tilespmem:v56+s11+$0x0], $0xffff  }
0x3c5: {  	v40 =	vor.u32 v2, v55;
	v36 =	vor.u32 v11, v55;
	v49 =	vadd.f32 v63, v47;
	v47 =	vld.idx.msk [tilespmem:v52+s17+$0x0], $0xffff  }
0x3c6: {  	s21 =	smov.u32 s23;
	s4 =	simm.s32 $0x4;
	v52 =	vadd.f32 v30, v17;
	v30 =	vimm.f32 $0.0e+00;
	v42 =	vld.idx.msk [tilespmem:v62+s17+$0x0], $0xffff;
	v50 =	vmul.f32 v57, v18  }
.LBB2_73:
0x3c7: {  	p0 =	slt.u32 s4, $0x3E;
	v34 =	vld.idx.msk [tilespmem:v34+s17+$0x0], $0xffff;
	v17 =	vadd.f32 v26, v17;
	v26 =	vadd.f32 v16, v30;
	v16 =	vmul.f32 v33, v18;
	s5 =	smov.u32 s4;
	s4 =	sadd.s32 $0x2, s4  }
0x3c8: {  	v33 =	vmul.f32 v39, v18;
	v39 =	vmul.f32 v44, v18;
	s8 =	sadd.s32 $0x1, s5;
	v32 =	vld.idx.msk [tilespmem:v32+s17+$0x0], $0xffff;
	v52 =	vadd.f32 v31, v52  }
0x3c9: {  	v43 =	vadd.f32 v50, v43;
	v50 =	vmovc v18;
	v31 =	vadd.s32 s8, v0;
	v24 =	vld.idx.msk [tilespmem:v24+s17+$0x0], $0xffff;
	v30 =	vadd.f32 v51, v26  }
0x3ca: {  	v49 =	vadd.f32 v33, v49;
	v17 =	vadd.f32 v29, v17;
	v18 =	vld.idx.msk [tilespmem:v22+s17+$0x0], $0xffff;
	v22 =	vmul.f32 v38, v50  }
0x3cb: {  	v48 =	vadd.f32 v39, v48;
	v42 =	vmul.f32 v42, v27;
	v26 =	vmul.f32 v46, v50;
	v29 =	vld.idx.msk [tilespmem:v45+s17+$0x0], $0xffff  }
0x3cc: {  	v33 =	vadd.s32 s5, v0;
	v51 =	vmovc v27;
	v41 =	vadd.f32 v22, v41;
	v22 =	vmul.f32 v47, v50;
	v35 =	vld.idx.msk [tilespmem:v35+s17+$0x0], $0xffff  }
0x3cd: {  	v27 =	vand.u32 $0x3F, v33;
	v23 =	vadd.f32 v26, v23;
	v47 =	vmul.f32 v34, v51;
	v33 =	vld.idx.msk [tilespmem:v40+s17+$0x0], $0xffff  }
0x3ce: {  	v38 =	vor.u32 v2, v27;
	v34 =	vor.u32 v27, v15;
	v28 =	vadd.f32 v22, v28;
	v37 =	vld.idx.msk [tilespmem:v37+s17+$0x0], $0xffff  }
0x3cf: {  	v39 =	vor.u32 v6, v27;
	v46 =	vor.u32 v7, v27;
	v26 =	vmul.f32 v24, v50;
	v36 =	vld.idx.msk [tilespmem:v36+s17+$0x0], $0xffff  }
0x3d0: {  	v24 =	vor.u32 v8, v27;
	v22 =	vor.u32 v9, v27;
	v18 =	vmul.f32 v18, v50;
	v45 =	vld.idx.msk [tilespmem:v25+s17+$0x0], $0xffff  }
0x3d1: {  	v40 =	vor.u32 v11, v27;
	v25 =	vor.u32 v10, v27;
	v29 =	vmul.f32 v29, v51;
	v53 =	vld.idx.msk [tilespmem:v19+s17+$0x0], $0xffff  }
0x3d2: {  	v54 =	vor.u32 v12, v27;
	v44 =	vor.u32 v13, v27;
	v21 =	vadd.f32 v18, v21;
	v55 =	vld.idx.msk [tilespmem:v20+s17+$0x0], $0xffff  }
0x3d3: {  	v56 =	vand.u32 $0x3F, v31;
	v31 =	vmul.f32 v32, v51;
	v57 =	vmul.f32 v33, v51;
	v18 =	vld.idx.msk [tilespmem:v34+s11+$0x0], $0xffff  }
0x3d4: {  	v59 =	vor.u32 v56, v15;
	v60 =	vor.u32 v9, v56;
	v23 =	vadd.f32 v29, v23;
	v58 =	vld.idx.msk [tilespmem:v38+s17+$0x0], $0xffff  }
0x3d5: {  	v19 =	vor.u32 v10, v56;
	v29 =	vmul.f32 v35, v51;
	v37 =	vmul.f32 v37, v51;
	v39 =	vld.idx.msk [tilespmem:v39+s17+$0x0], $0xffff  }
0x3d6: {  	v34 =	vor.u32 v13, v56;
	v36 =	vmul.f32 v36, v51;
	v33 =	vld.idx.msk [tilespmem:v25+s17+$0x0], $0xffff;
	v25 =	vor.u32 v6, v56  }
0x3d7: {  	v32 =	vor.u32 v14, v56;
	v20 =	vor.u32 v14, v27;
	v21 =	vadd.f32 v42, v21;
	v38 =	vld.idx.msk [tilespmem:v40+s17+$0x0], $0xffff  }
.Ltmp35:
0x3d8: {  	v35 =	vor.u32 v8, v56;
	v43 =	vadd.f32 v57, v43;
	v28 =	vadd.f32 v37, v28;
	v44 =	vld.idx.msk [tilespmem:v44+s17+$0x0], $0xffff;
	(pc) =	sbr.rel @p0 .LBB2_73-.Ltmp35, $4  }
0x3d9: {  	v57 =	vmul.f32 v45, v51;
	v41 =	vadd.f32 v36, v41;
	v40 =	vor.u32 v2, v56;
	v42 =	vld.idx.msk [tilespmem:v60+s17+$0x0], $0xffff  }
0x3da: {  	v45 =	vor.u32 v7, v56;
	v37 =	vor.u32 v12, v56;
	v55 =	vmul.f32 v55, v50;
	v27 =	vld.idx.msk [tilespmem:v59+s11+$0x0], $0xffff  }
0x3db: {  	v48 =	vadd.f32 v47, v48;
	v36 =	vor.u32 v11, v56;
	v49 =	vadd.f32 v57, v49;
	v46 =	vld.idx.msk [tilespmem:v46+s17+$0x0], $0xffff  }
0x3dc: {  	v51 =	vmul.f32 v53, v51;
	v50 =	vmul.f32 v58, v18;
	v52 =	vadd.f32 v55, v52;
	v47 =	vld.idx.msk [tilespmem:v54+s17+$0x0], $0xffff  }
0x3dd: {  	_ =	sdelay $0x3  }
0x3de: {  	v15 =	vld.idx.msk [tilespmem:v24+s17+$0x0], $0xffff  }
0x3df: {  	v22 =	vld.idx.msk [tilespmem:v22+s17+$0x0], $0xffff  }
0x3e0: {  	v17 =	vadd.f32 v26, v17;
	v16 =	vadd.f32 v16, v30;
	v61 =	vmul.f32 v39, v18;
	v62 =	vld.idx.msk [tilespmem:v45+s17+$0x0], $0xffff  }
0x3e1: {  	v63 =	vmul.f32 v44, v18;
	v40 =	vld.idx.msk [tilespmem:v40+s17+$0x0], $0xffff;
	v31 =	vadd.f32 v31, v52;
	v45 =	vadd.f32 v50, v43  }
0x3e2: {  	v38 =	vmul.f32 v38, v18;
	v25 =	vld.idx.msk [tilespmem:v25+s17+$0x0], $0xffff;
	v16 =	vadd.f32 v51, v16;
	v24 =	vadd.f32 v61, v49  }
0x3e3: {  	v19 =	vld.idx.msk [tilespmem:v19+s17+$0x0], $0xffff;
	v52 =	vmul.f32 v33, v18;
	v17 =	vadd.f32 v29, v17;
	v30 =	vadd.f32 v63, v48  }
0x3e4: {  	v35 =	vld.idx.msk [tilespmem:v35+s17+$0x0], $0xffff;
	v38 =	vadd.f32 v38, v41;
	v46 =	vmul.f32 v46, v18;
	v49 =	vmul.f32 v47, v18  }
0x3e5: {  	v16 =	vadd.f32 v52, v16;
	v22 =	vmul.f32 v22, v18;
	v26 =	vmul.f32 v62, v27  }
0x3e6: {  	v36 =	vld.idx.msk [tilespmem:v36+s17+$0x0], $0xffff;
	v23 =	vadd.f32 v46, v23;
	v51 =	vmul.f32 v40, v27;
	v15 =	vmul.f32 v15, v18  }
0x3e7: {  	v20 =	vld.idx.msk [tilespmem:v20+s17+$0x0], $0xffff;
	v25 =	vmul.f32 v25, v27;
	v28 =	vadd.f32 v49, v28;
	v21 =	vadd.f32 v22, v21  }
0x3e8: {  	v50 =	vld.idx.msk [tilespmem:v37+s17+$0x0], $0xffff;
	v19 =	vmul.f32 v19, v27;
	v23 =	vadd.f32 v26, v23;
	v22 =	vadd.f32 v51, v45  }
0x3e9: {  	v53 =	vld.idx.msk [tilespmem:v34+s17+$0x0], $0xffff;
	v54 =	vmul.f32 v35, v27;
	v24 =	vadd.f32 v25, v24;
	v15 =	vadd.f32 v15, v17  }
0x3ea: {  	v55 =	vld.idx.msk [tilespmem:v32+s17+$0x0], $0xffff;
	v42 =	vmul.f32 v42, v27;
	v16 =	vadd.f32 v19, v16;
	v22 =	vsub.f32 $0.0e+00, v22  }
0x3eb: {  	s4 =	sadd.s32 s0, s6;
	v57 =	vmul.f32 v36, v27;
	v15 =	vadd.f32 v54, v15;
	v24 =	vsub.f32 $0.0e+00, v24  }
0x3ec: {  	s23 =	sadd.s32 s0, s7;
	v59 =	vmul.f32 v20, v18;
	v21 =	vadd.f32 v42, v21;
	v58 =	vsub.f32 $0.0e+00, v23;
	[tilespmem:s4+$0x0] =	vst v22  }
0x3ed: {  	s24 =	sadd.s32 s0, s10;
	v56 =	vmul.f32 v50, v27;
	v61 =	vadd.f32 v57, v38;
	v15 =	vsub.f32 $0.0e+00, v15;
	[tilespmem:s23+$0x0] =	vst v24  }
0x3ee: {  	s25 =	sadd.s32 s0, s25;
	v60 =	vmul.f32 v53, v27;
	v18 =	vadd.f32 v59, v31;
	v21 =	vsub.f32 $0.0e+00, v21;
	[tilespmem:s24+$0x0] =	vst v58  }
0x3ef: {  	s28 =	sadd.s32 s0, s16;
	s26 =	sadd.s32 $0x1, s26;
	v17 =	vmul.f32 v55, v27;
	v25 =	vadd.f32 v56, v28;
	[tilespmem:s25+$0x0] =	vst v15;
	v15 =	vsub.f32 $0.0e+00, v16  }
0x3f0: {  	s29 =	sadd.s32 s0, s13;
	p0 =	sne.s32 s26, $0x10;
	v62 =	vadd.f32 v60, v30;
	v63 =	vsub.f32 $0.0e+00, v61;
	[tilespmem:s28+$0x0] =	vst v21  }
.Ltmp36:
0x3f1: {  	s2 =	sadd.s32 s0, s2;
	v17 =	vadd.f32 v17, v18;
	[tilespmem:s29+$0x0] =	vst v15;
	v15 =	vsub.f32 $0.0e+00, v25;
	(pc) =	sbr.rel @p0 .LBB2_62-.Ltmp36, $4  }
0x3f2: {  	s30 =	sadd.s32 s0, s30;
	v16 =	vsub.f32 $0.0e+00, v62;
	[tilespmem:s2+$0x0] =	vst v63  }
0x3f3: {  	s1 =	sadd.s32 s0, s1;
	[tilespmem:s30+$0x0] =	vst v15;
	v15 =	vsub.f32 $0.0e+00, v17  }
0x3f4: {  	s31 =	sadd.s32 s0, s31;
	[tilespmem:s1+$0x0] =	vst v16  }
0x3f5: {  	s22 =	simm.s32 $0x50;
	[tilespmem:s31+$0x0] =	vst v15  }
0x3f6: {  	s0 =	rddreg [dreg:$0x9]  }
0x3f7: {  	s1 =	simm.s32 $0x1000;
	s2 =	simm.s32 $0x20000;
	s4 =	simm.s32 $0x19800  }
0x3f8: {  	[hbm4b:s0+s1] =	stream.strided.scatter [tilespmem:s4], [sflag:$0x3], $0x4000, s2, s1, $0x38;
	[tilespmem:$0x1D800] =	vst v63  }
0x3f9: {  	s1 =	simm.s32 $0x3  }
0x3fa: {  	_ =	swait.ge [sflag:s1], $0x4000  }
0x3fb: {  	s30 =	rddreg [dreg:$0xb]  }
0x3fc: {  	s31 =	rddreg [dreg:$0xa];
	s2 =	sadd.s32 $0x1, s30  }
0x3fd: {  	p0 =	sne.s32 s2, s31  }
.Ltmp37:
0x3fe: {  	_ = 	snop;
	(pc) =	sbr.rel @p0 .LBB2_1-.Ltmp37, $3  }
0x3ff: {  	_ =	sdelay $0x1  }
0x400: {  	[sflag:s1] =	ssyncset.done $0x0  }
0x401: {  	[sflag:s1] =	ssyncadd.s32 $0xFFFFC000  }
0x402: {  	_ =	sfence.sel $0x180000  }
0x403: {  	[bflag:$0x0] =	sbarrier.arrive $0xFFFF  }
0x404: {  	_ =	strace $0x90000047  }
0x405: {  	s0 =	stileid.u32;
	[bflag:$0x2] =	sbarrier.arrive $0xFFFF  }
0x406: {  	p0 =	sne.s32 s0, $0x0;
	s0 =	rddreg [dreg:$0x5]  }
0x407: {  	s0 =	sadd.s32 @!p0 $0x100000, s0  }
0x408: {  	[sflag:s0] =	ssyncadd.tile.s32 @!p0 $0x1;
	_ =	shalt  }
.Lfunc_end2:
_tile_overlayer_lowered:
.L_overlay_start_2:
0x409: {  	(tag) =	ssettag $0x2  }
0x40a: {  	s0 =	rddreg [dreg:$0x0];
	s2 =	stileid.u32  }
0x40b: {  	s1 =	rddreg [dreg:$0x1];
	p0 =	sne.s32 s2, $0x0  }
0x40c: {  	s3 =	rddreg [dreg:$0x2];
	[bflag:$0x3] =	sbarrier.arrive $0xFFFF;
	s2 =	simm.s32 @!p0 $0x1C03  }
0x40d: {  	[timem:s3], [sflag:s2] =	dma.local @!p0 [hbm:s0], s1  }
0x40e: {  	s0 =	simm.s32 @!p0 $0x3  }
0x40f: {  	_ =	swait.ge @!p0 [sflag:s0], s1  }
0x410: {  	s1 =	ssub.s32 @!p0 $0x0, s1;
	[sflag:s0] =	ssyncset.done @!p0 $0x0  }
0x411: {  	[sflag:s0] =	ssyncadd.s32 @!p0 s1  }
0x412: {  	[bflag:$0x3] =	sbarrier.arrive $0xFFFF  }
0x413: {  	_ =	shalt  }

</sc_bundles>
